<compile_context>
chip_gen: v7x
topology: tpu7x:2x2x1
jax: 0.10.2.dev20260603
libtpu: 0.0.44.dev20260713+nightly
codegen_flags: <defaults>
</compile_context>

<pallas_src>
import jax
import jax.numpy as jnp
from jax import lax
from jax.experimental import pallas as pl
from jax.experimental.pallas import tpu as pltpu
from jax.experimental.pallas import tpu_sc as plsc

B = 16384
F = 128
NC = 2
NS = 16
L = 16
NW = NC * NS
BPW = B // NW
CH = 16
NCHUNK = BPW // CH
NBUF = 2

SHIFTS = (8, 4, 2, 1)
BITREV = (0, 8, 4, 12, 2, 10, 6, 14, 1, 9, 5, 13, 3, 11, 7, 15)

_DN = lax.GatherDimensionNumbers(
    offset_dims=(), collapsed_slice_dims=(0,), start_index_map=(0,))


def _body(user_hbm, item_hbm, uf_hbm, if_hbm, out_hbm,
          uidx_v, iidx_v, ubufs, vbufs, outv, stage, usems, vsems):
    c = lax.axis_index("c")
    s = lax.axis_index("s")
    wid = s * NC + c
    base = wid * BPW

    pltpu.sync_copy(user_hbm.at[pl.ds(base, BPW)], uidx_v)
    pltpu.sync_copy(item_hbm.at[pl.ds(base, BPW)], iidx_v)

    lane = lax.iota(jnp.int32, L)
    sidx = {sh: (lane ^ sh)[:, None] for sh in SHIFTS}
    keep = {sh: (lane & sh) == 0 for sh in SHIFTS}

    def shuffle(x, sh):
        return lax.gather(x, sidx[sh], _DN, (1,),
                          mode=lax.GatherScatterMode.PROMISE_IN_BOUNDS)

    def merge(x, y, sh):
        return jnp.where(keep[sh], x + shuffle(x, sh), y + shuffle(y, sh))

    def start(co, b):
        pltpu.async_copy(
            uf_hbm.at[uidx_v.at[pl.ds(co * CH, CH)]], ubufs[b], usems[b])
        pltpu.async_copy(
            if_hbm.at[iidx_v.at[pl.ds(co * CH, CH)]], vbufs[b], vsems[b])

    for b in range(NBUF):
        start(b, b)

    def c_body(cc, _):
        for b in range(NBUF):
            co = cc * NBUF + b
            pltpu.make_async_copy(
                uf_hbm.at[uidx_v.at[pl.ds(0, CH)]], ubufs[b], usems[b]).wait()
            pltpu.make_async_copy(
                if_hbm.at[iidx_v.at[pl.ds(0, CH)]], vbufs[b], vsems[b]).wait()
            ubuf, vbuf = ubufs[b], vbufs[b]
            for g in range(CH // L):
                for j in range(L):
                    r = g * L + BITREV[j]
                    v = ubuf[r, pl.ds(0, L)] * vbuf[r, pl.ds(0, L)]
                    for k in range(1, F // L):
                        v = v + ubuf[r, pl.ds(k * L, L)] * vbuf[r, pl.ds(k * L, L)]
                    stage[pl.ds(j * L, L)] = v
                stack = []
                for j in range(L):
                    v = stage[pl.ds(j * L, L)]
                    lvl = 0
                    while stack and stack[-1][0] == lvl:
                        pv = stack.pop()[1]
                        v = merge(pv, v, SHIFTS[lvl])
                        lvl += 1
                    stack.append((lvl, v))
                outv[pl.ds(co * CH + g * L, L)] = stack[0][1]

            @pl.when(co + NBUF < NCHUNK)
            def _():
                start(co + NBUF, b)

        return 0

    lax.fori_loop(0, NCHUNK // NBUF, c_body, 0)

    pltpu.sync_copy(outv, out_hbm.at[pl.ds(base, BPW)])


def kernel(user, item, user_factors, item_factors):
    mesh = plsc.VectorSubcoreMesh(core_axis_name="c", subcore_axis_name="s")
    k = pl.kernel(
        _body,
        out_type=jax.ShapeDtypeStruct((B,), jnp.float32),
        mesh=mesh,
        scratch_types=[
            pltpu.VMEM((BPW,), jnp.int32),
            pltpu.VMEM((BPW,), jnp.int32),
            [pltpu.VMEM((CH, F), jnp.float32) for _ in range(NBUF)],
            [pltpu.VMEM((CH, F), jnp.float32) for _ in range(NBUF)],
            pltpu.VMEM((BPW,), jnp.float32),
            pltpu.VMEM((L * L,), jnp.float32),
            [pltpu.SemaphoreType.DMA for _ in range(NBUF)],
            [pltpu.SemaphoreType.DMA for _ in range(NBUF)],
        ],
    )
    return k(user, item, user_factors, item_factors)

# --- scband reference (transcript-rebuilt; emitter-appended) ---
"""Pipeline reference for scband-matrix-factorization-35768487641345 (READ-ONLY COPY).

The authoritative reference and input builder live on the scoring server;
editing this copy changes nothing except your own understanding.
"""

import jax, jax.numpy as jnp
import numpy as np

N_USERS = 1000000
N_ITEMS = 100000
N_FACTORS = 128
BATCH = 16384


def setup_inputs(seed: int = 0) -> dict:
    key = jax.random.key(seed)
    k1, k2, k3, k4 = jax.random.split(key, 4)
    user = jax.random.randint(k1, (BATCH,), 0, N_USERS, dtype=jnp.int64 if jax.config.jax_enable_x64 else jnp.int32).astype(jnp.int32)
    item = jax.random.randint(k2, (BATCH,), 0, N_ITEMS, dtype=jnp.int64 if jax.config.jax_enable_x64 else jnp.int32).astype(jnp.int32)
    # torch.nn.Embedding default init: N(0, 1)
    user_factors = jax.random.normal(k3, (N_USERS, N_FACTORS), dtype=jnp.float32)
    item_factors = jax.random.normal(k4, (N_ITEMS, N_FACTORS), dtype=jnp.float32)
    return {"user": user, "item": item, "user_factors": user_factors, "item_factors": item_factors}


def reference(user, item, user_factors, item_factors):
    u = jnp.take(user_factors, user, axis=0)   # [B, F] gather
    v = jnp.take(item_factors, item, axis=0)   # [B, F] gather
    return (u * v).sum(axis=1)                  # [B]

if __name__ == "__main__":
    import jax
    _d = setup_inputs()
    print(jax.jit(kernel)(*tuple(_d.values())))

</pallas_src>

<mosaic_0001>
#map = affine_map<(d0, d1) -> (0)>
#map1 = affine_map<(d0, d1) -> (0, 0)>
module attributes {stable_mosaic.version = 14 : i64} {
  func.func @_body(%arg0: i32, %arg1: i32, %arg2: memref<16384xi32, #tpu.memory_space<hbm>>, %arg3: memref<16384xi32, #tpu.memory_space<hbm>>, %arg4: memref<1000000x128xf32, #tpu.memory_space<hbm>>, %arg5: memref<100000x128xf32, #tpu.memory_space<hbm>>, %arg6: memref<16384xf32, #tpu.memory_space<hbm>>, %arg7: memref<512xi32, #tpu.memory_space<vmem>>, %arg8: memref<512xi32, #tpu.memory_space<vmem>>, %arg9: memref<16x128xf32, #tpu.memory_space<vmem>>, %arg10: memref<16x128xf32, #tpu.memory_space<vmem>>, %arg11: memref<16x128xf32, #tpu.memory_space<vmem>>, %arg12: memref<16x128xf32, #tpu.memory_space<vmem>>, %arg13: memref<512xf32, #tpu.memory_space<vmem>>, %arg14: memref<256xf32, #tpu.memory_space<vmem>>, %arg15: memref<!tpu.dma_semaphore, #tpu.memory_space<semaphore_mem>>, %arg16: memref<!tpu.dma_semaphore, #tpu.memory_space<semaphore_mem>>, %arg17: memref<!tpu.dma_semaphore, #tpu.memory_space<semaphore_mem>>, %arg18: memref<!tpu.dma_semaphore, #tpu.memory_space<semaphore_mem>>) attributes {dimension_semantics = [#tpu.dimension_semantics<core_parallel>, #tpu.dimension_semantics<subcore_parallel>], iteration_bounds = array<i64: 2, 16>, scalar_prefetch = 0 : i64, scratch_operands = 12 : i64, tpu.core_type = #tpu.core_type<sc_vector_subcore>, window_params = [{transform_indices = #map}, {transform_indices = #map}, {transform_indices = #map1}, {transform_indices = #map1}, {transform_indices = #map}]} {
    %mul3A = arith.constant 2 : i32
    %mul3A_0 = arith.muli %arg1, %mul3A : i32
    %add3A = arith.addi %mul3A_0, %arg0 : i32
    %mul3A_1 = arith.constant 512 : i32
    %mul3A_2 = arith.muli %add3A, %mul3A_1 : i32
    "tpu.region"() ({
      %run_scoped3A = tpu.sem_alloc : memref<!tpu.dma_semaphore, #tpu.memory_space<semaphore_mem>>
      %dma_start3A_64 = tpu.memref_slice %arg2[%mul3A_2] : memref<16384xi32, #tpu.memory_space<hbm>> -> memref<512xi32, #tpu.memory_space<hbm>>
      %dma_start3A_65 = tpu.memref_slice %arg2[%mul3A_2] : memref<16384xi32, #tpu.memory_space<hbm>> -> memref<512xi32, #tpu.memory_space<hbm>>
      tpu.enqueue_dma source(%dma_start3A_65 : memref<512xi32, #tpu.memory_space<hbm>>) target(%arg7 : memref<512xi32, #tpu.memory_space<vmem>>) target_semaphore(%run_scoped3A : memref<!tpu.dma_semaphore, #tpu.memory_space<semaphore_mem>>)
      %dma_wait3A = tpu.memref_slice %arg2[%mul3A_2] : memref<16384xi32, #tpu.memory_space<hbm>> -> memref<512xi32, #tpu.memory_space<hbm>>
      %dma_wait3A_66 = tpu.memref_slice %arg2[%mul3A_2] : memref<16384xi32, #tpu.memory_space<hbm>> -> memref<512xi32, #tpu.memory_space<hbm>>
      tpu.wait_dma2 semaphore(%run_scoped3A : memref<!tpu.dma_semaphore, #tpu.memory_space<semaphore_mem>>) src(%dma_wait3A_66 : memref<512xi32, #tpu.memory_space<hbm>>) dst(%arg7 : memref<512xi32, #tpu.memory_space<vmem>>)
      tpu.yield
    }) : () -> ()
    "tpu.region"() ({
      %run_scoped3A = tpu.sem_alloc : memref<!tpu.dma_semaphore, #tpu.memory_space<semaphore_mem>>
      %dma_start3A_64 = tpu.memref_slice %arg3[%mul3A_2] : memref<16384xi32, #tpu.memory_space<hbm>> -> memref<512xi32, #tpu.memory_space<hbm>>
      %dma_start3A_65 = tpu.memref_slice %arg3[%mul3A_2] : memref<16384xi32, #tpu.memory_space<hbm>> -> memref<512xi32, #tpu.memory_space<hbm>>
      tpu.enqueue_dma source(%dma_start3A_65 : memref<512xi32, #tpu.memory_space<hbm>>) target(%arg8 : memref<512xi32, #tpu.memory_space<vmem>>) target_semaphore(%run_scoped3A : memref<!tpu.dma_semaphore, #tpu.memory_space<semaphore_mem>>)
      %dma_wait3A = tpu.memref_slice %arg3[%mul3A_2] : memref<16384xi32, #tpu.memory_space<hbm>> -> memref<512xi32, #tpu.memory_space<hbm>>
      %dma_wait3A_66 = tpu.memref_slice %arg3[%mul3A_2] : memref<16384xi32, #tpu.memory_space<hbm>> -> memref<512xi32, #tpu.memory_space<hbm>>
      tpu.wait_dma2 semaphore(%run_scoped3A : memref<!tpu.dma_semaphore, #tpu.memory_space<semaphore_mem>>) src(%dma_wait3A_66 : memref<512xi32, #tpu.memory_space<hbm>>) dst(%arg8 : memref<512xi32, #tpu.memory_space<vmem>>)
      tpu.yield
    }) : () -> ()
    %iota3A = tpu.iota {dimensions = array<i32: 0>} : vector<16xi32>
    %xor3A = arith.constant 8 : i32
    %xor3A_3 = vector.broadcast %xor3A : i32 to vector<16xi32>
    %xor3A_4 = arith.xori %iota3A, %xor3A_3 : vector<16xi32>
    %broadcast_in_dim3A = vector.shape_cast %xor3A_4 : vector<16xi32> to vector<16x1xi32>
    %xor3A_5 = arith.constant 4 : i32
    %xor3A_6 = vector.broadcast %xor3A_5 : i32 to vector<16xi32>
    %xor3A_7 = arith.xori %iota3A, %xor3A_6 : vector<16xi32>
    %broadcast_in_dim3A_8 = vector.shape_cast %xor3A_7 : vector<16xi32> to vector<16x1xi32>
    %xor3A_9 = arith.constant 2 : i32
    %xor3A_10 = vector.broadcast %xor3A_9 : i32 to vector<16xi32>
    %xor3A_11 = arith.xori %iota3A, %xor3A_10 : vector<16xi32>
    %broadcast_in_dim3A_12 = vector.shape_cast %xor3A_11 : vector<16xi32> to vector<16x1xi32>
    %xor3A_13 = arith.constant 1 : i32
    %xor3A_14 = vector.broadcast %xor3A_13 : i32 to vector<16xi32>
    %xor3A_15 = arith.xori %iota3A, %xor3A_14 : vector<16xi32>
    %broadcast_in_dim3A_16 = vector.shape_cast %xor3A_15 : vector<16xi32> to vector<16x1xi32>
    %and3A = arith.constant 8 : i32
    %and3A_17 = vector.broadcast %and3A : i32 to vector<16xi32>
    %and3A_18 = arith.andi %iota3A, %and3A_17 : vector<16xi32>
    %eq3A = arith.constant 0 : i32
    %eq3A_19 = vector.broadcast %eq3A : i32 to vector<16xi32>
    %eq3A_20 = arith.cmpi eq, %and3A_18, %eq3A_19 : vector<16xi32>
    %and3A_21 = arith.constant 4 : i32
    %and3A_22 = vector.broadcast %and3A_21 : i32 to vector<16xi32>
    %and3A_23 = arith.andi %iota3A, %and3A_22 : vector<16xi32>
    %eq3A_24 = arith.constant 0 : i32
    %eq3A_25 = vector.broadcast %eq3A_24 : i32 to vector<16xi32>
    %eq3A_26 = arith.cmpi eq, %and3A_23, %eq3A_25 : vector<16xi32>
    %and3A_27 = arith.constant 2 : i32
    %and3A_28 = vector.broadcast %and3A_27 : i32 to vector<16xi32>
    %and3A_29 = arith.andi %iota3A, %and3A_28 : vector<16xi32>
    %eq3A_30 = arith.constant 0 : i32
    %eq3A_31 = vector.broadcast %eq3A_30 : i32 to vector<16xi32>
    %eq3A_32 = arith.cmpi eq, %and3A_29, %eq3A_31 : vector<16xi32>
    %and3A_33 = arith.constant 1 : i32
    %and3A_34 = vector.broadcast %and3A_33 : i32 to vector<16xi32>
    %and3A_35 = arith.andi %iota3A, %and3A_34 : vector<16xi32>
    %eq3A_36 = arith.constant 0 : i32
    %eq3A_37 = vector.broadcast %eq3A_36 : i32 to vector<16xi32>
    %eq3A_38 = arith.cmpi eq, %and3A_35, %eq3A_37 : vector<16xi32>
    %dma_start3A = arith.constant 0 : i32
    %dma_start3A_39 = tpu.memref_slice %arg7[%dma_start3A] : memref<512xi32, #tpu.memory_space<vmem>> -> memref<16xi32, #tpu.memory_space<vmem>>
    %dma_start3A_40 = arith.constant 0 : i32
    %dma_start3A_41 = arith.constant 0 : i32
    %dma_start3A_42 = tpu.memref_slice %arg4[%dma_start3A_40, %dma_start3A_41] : memref<1000000x128xf32, #tpu.memory_space<hbm>> -> memref<1000000x128xf32, #tpu.memory_space<hbm>>
    tpu.enqueue_indirect_dma source(%dma_start3A_42 : memref<1000000x128xf32, #tpu.memory_space<hbm>>) target(%arg9 : memref<16x128xf32, #tpu.memory_space<vmem>>) offsets(%dma_start3A_39 : memref<16xi32, #tpu.memory_space<vmem>>) semaphore(%arg15 : memref<!tpu.dma_semaphore, #tpu.memory_space<semaphore_mem>>)
    %dma_start3A_43 = arith.constant 0 : i32
    %dma_start3A_44 = tpu.memref_slice %arg8[%dma_start3A_43] : memref<512xi32, #tpu.memory_space<vmem>> -> memref<16xi32, #tpu.memory_space<vmem>>
    %dma_start3A_45 = arith.constant 0 : i32
    %dma_start3A_46 = arith.constant 0 : i32
    %dma_start3A_47 = tpu.memref_slice %arg5[%dma_start3A_45, %dma_start3A_46] : memref<100000x128xf32, #tpu.memory_space<hbm>> -> memref<100000x128xf32, #tpu.memory_space<hbm>>
    tpu.enqueue_indirect_dma source(%dma_start3A_47 : memref<100000x128xf32, #tpu.memory_space<hbm>>) target(%arg11 : memref<16x128xf32, #tpu.memory_space<vmem>>) offsets(%dma_start3A_44 : memref<16xi32, #tpu.memory_space<vmem>>) semaphore(%arg17 : memref<!tpu.dma_semaphore, #tpu.memory_space<semaphore_mem>>)
    %dma_start3A_48 = arith.constant 16 : i32
    %dma_start3A_49 = tpu.memref_slice %arg7[%dma_start3A_48] : memref<512xi32, #tpu.memory_space<vmem>> -> memref<16xi32, #tpu.memory_space<vmem>>
    %dma_start3A_50 = arith.constant 0 : i32
    %dma_start3A_51 = arith.constant 0 : i32
    %dma_start3A_52 = tpu.memref_slice %arg4[%dma_start3A_50, %dma_start3A_51] : memref<1000000x128xf32, #tpu.memory_space<hbm>> -> memref<1000000x128xf32, #tpu.memory_space<hbm>>
    tpu.enqueue_indirect_dma source(%dma_start3A_52 : memref<1000000x128xf32, #tpu.memory_space<hbm>>) target(%arg10 : memref<16x128xf32, #tpu.memory_space<vmem>>) offsets(%dma_start3A_49 : memref<16xi32, #tpu.memory_space<vmem>>) semaphore(%arg16 : memref<!tpu.dma_semaphore, #tpu.memory_space<semaphore_mem>>)
    %dma_start3A_53 = arith.constant 16 : i32
    %dma_start3A_54 = tpu.memref_slice %arg8[%dma_start3A_53] : memref<512xi32, #tpu.memory_space<vmem>> -> memref<16xi32, #tpu.memory_space<vmem>>
    %dma_start3A_55 = arith.constant 0 : i32
    %dma_start3A_56 = arith.constant 0 : i32
    %dma_start3A_57 = tpu.memref_slice %arg5[%dma_start3A_55, %dma_start3A_56] : memref<100000x128xf32, #tpu.memory_space<hbm>> -> memref<100000x128xf32, #tpu.memory_space<hbm>>
    tpu.enqueue_indirect_dma source(%dma_start3A_57 : memref<100000x128xf32, #tpu.memory_space<hbm>>) target(%arg12 : memref<16x128xf32, #tpu.memory_space<vmem>>) offsets(%dma_start3A_54 : memref<16xi32, #tpu.memory_space<vmem>>) semaphore(%arg18 : memref<!tpu.dma_semaphore, #tpu.memory_space<semaphore_mem>>)
    %scan3A = arith.constant 0 : i32
    %scan3A_58 = arith.constant 0 : i32
    %scan3A_59 = arith.constant 16 : i32
    %scan3A_60 = arith.addi %scan3A_58, %scan3A_59 : i32
    %scan3A_61 = arith.constant 1 : i32
    %scan3A_62 = scf.for %scan3A_64 = %scan3A_58 to %scan3A_60 step %scan3A_61 iter_args(%scan3A_65 = %scan3A) -> (i32)  : i32 {
      %mul3A_66 = arith.constant 2 : i32
      %mul3A_67 = arith.muli %scan3A_64, %mul3A_66 : i32
      %add3A_68 = arith.constant 0 : i32
      %add3A_69 = arith.addi %mul3A_67, %add3A_68 : i32
      %dma_wait3A = arith.constant 0 : i32
      %dma_wait3A_70 = tpu.memref_slice %arg7[%dma_wait3A] : memref<512xi32, #tpu.memory_space<vmem>> -> memref<16xi32, #tpu.memory_space<vmem>>
      %dma_wait3A_71 = arith.constant 0 : i32
      %dma_wait3A_72 = arith.constant 0 : i32
      %dma_wait3A_73 = tpu.memref_slice %arg4[%dma_wait3A_71, %dma_wait3A_72] : memref<1000000x128xf32, #tpu.memory_space<hbm>> -> memref<1000000x128xf32, #tpu.memory_space<hbm>>
      tpu.wait_indirect_dma semaphore(%arg15 : memref<!tpu.dma_semaphore, #tpu.memory_space<semaphore_mem>>) src(%dma_wait3A_73 : memref<1000000x128xf32, #tpu.memory_space<hbm>>) dst(%arg9 : memref<16x128xf32, #tpu.memory_space<vmem>>)
      %dma_wait3A_74 = arith.constant 0 : i32
      %dma_wait3A_75 = tpu.memref_slice %arg8[%dma_wait3A_74] : memref<512xi32, #tpu.memory_space<vmem>> -> memref<16xi32, #tpu.memory_space<vmem>>
      %dma_wait3A_76 = arith.constant 0 : i32
      %dma_wait3A_77 = arith.constant 0 : i32
      %dma_wait3A_78 = tpu.memref_slice %arg5[%dma_wait3A_76, %dma_wait3A_77] : memref<100000x128xf32, #tpu.memory_space<hbm>> -> memref<100000x128xf32, #tpu.memory_space<hbm>>
      tpu.wait_indirect_dma semaphore(%arg17 : memref<!tpu.dma_semaphore, #tpu.memory_space<semaphore_mem>>) src(%dma_wait3A_78 : memref<100000x128xf32, #tpu.memory_space<hbm>>) dst(%arg11 : memref<16x128xf32, #tpu.memory_space<vmem>>)
      %get3A = arith.constant 0 : i32
      %get3A_79 = arith.index_cast %get3A : i32 to index
      %get3A_80 = arith.constant 0 : index
      %get3A_81 = tpu.vector_load %arg9[%get3A_79, %get3A_80] {strides = array<i32>} : memref<16x128xf32, #tpu.memory_space<vmem>>, vector<1x16xf32>,
      %get3A_82 = vector.shape_cast %get3A_81 : vector<1x16xf32> to vector<16xf32>
      %get3A_83 = arith.constant 0 : i32
      %get3A_84 = arith.index_cast %get3A_83 : i32 to index
      %get3A_85 = arith.constant 0 : index
      %get3A_86 = tpu.vector_load %arg11[%get3A_84, %get3A_85] {strides = array<i32>} : memref<16x128xf32, #tpu.memory_space<vmem>>, vector<1x16xf32>,
      %get3A_87 = vector.shape_cast %get3A_86 : vector<1x16xf32> to vector<16xf32>
      %mul3A_88 = arith.mulf %get3A_82, %get3A_87 : vector<16xf32>
      %get3A_89 = arith.constant 0 : i32
      %get3A_90 = arith.index_cast %get3A_89 : i32 to index
      %get3A_91 = arith.constant 16 : index
      %get3A_92 = tpu.vector_load %arg9[%get3A_90, %get3A_91] {strides = array<i32>} : memref<16x128xf32, #tpu.memory_space<vmem>>, vector<1x16xf32>,
      %get3A_93 = vector.shape_cast %get3A_92 : vector<1x16xf32> to vector<16xf32>
      %get3A_94 = arith.constant 0 : i32
      %get3A_95 = arith.index_cast %get3A_94 : i32 to index
      %get3A_96 = arith.constant 16 : index
      %get3A_97 = tpu.vector_load %arg11[%get3A_95, %get3A_96] {strides = array<i32>} : memref<16x128xf32, #tpu.memory_space<vmem>>, vector<1x16xf32>,
      %get3A_98 = vector.shape_cast %get3A_97 : vector<1x16xf32> to vector<16xf32>
      %mul3A_99 = arith.mulf %get3A_93, %get3A_98 : vector<16xf32>
      %add3A_100 = arith.addf %mul3A_88, %mul3A_99 : vector<16xf32>
      %get3A_101 = arith.constant 0 : i32
      %get3A_102 = arith.index_cast %get3A_101 : i32 to index
      %get3A_103 = arith.constant 32 : index
      %get3A_104 = tpu.vector_load %arg9[%get3A_102, %get3A_103] {strides = array<i32>} : memref<16x128xf32, #tpu.memory_space<vmem>>, vector<1x16xf32>,
      %get3A_105 = vector.shape_cast %get3A_104 : vector<1x16xf32> to vector<16xf32>
      %get3A_106 = arith.constant 0 : i32
      %get3A_107 = arith.index_cast %get3A_106 : i32 to index
      %get3A_108 = arith.constant 32 : index
      %get3A_109 = tpu.vector_load %arg11[%get3A_107, %get3A_108] {strides = array<i32>} : memref<16x128xf32, #tpu.memory_space<vmem>>, vector<1x16xf32>,
      %get3A_110 = vector.shape_cast %get3A_109 : vector<1x16xf32> to vector<16xf32>
      %mul3A_111 = arith.mulf %get3A_105, %get3A_110 : vector<16xf32>
      %add3A_112 = arith.addf %add3A_100, %mul3A_111 : vector<16xf32>
      %get3A_113 = arith.constant 0 : i32
      %get3A_114 = arith.index_cast %get3A_113 : i32 to index
      %get3A_115 = arith.constant 48 : index
      %get3A_116 = tpu.vector_load %arg9[%get3A_114, %get3A_115] {strides = array<i32>} : memref<16x128xf32, #tpu.memory_space<vmem>>, vector<1x16xf32>,
      %get3A_117 = vector.shape_cast %get3A_116 : vector<1x16xf32> to vector<16xf32>
      %get3A_118 = arith.constant 0 : i32
      %get3A_119 = arith.index_cast %get3A_118 : i32 to index
      %get3A_120 = arith.constant 48 : index
      %get3A_121 = tpu.vector_load %arg11[%get3A_119, %get3A_120] {strides = array<i32>} : memref<16x128xf32, #tpu.memory_space<vmem>>, vector<1x16xf32>,
      %get3A_122 = vector.shape_cast %get3A_121 : vector<1x16xf32> to vector<16xf32>
      %mul3A_123 = arith.mulf %get3A_117, %get3A_122 : vector<16xf32>
      %add3A_124 = arith.addf %add3A_112, %mul3A_123 : vector<16xf32>
      %get3A_125 = arith.constant 0 : i32
      %get3A_126 = arith.index_cast %get3A_125 : i32 to index
      %get3A_127 = arith.constant 64 : index
      %get3A_128 = tpu.vector_load %arg9[%get3A_126, %get3A_127] {strides = array<i32>} : memref<16x128xf32, #tpu.memory_space<vmem>>, vector<1x16xf32>,
      %get3A_129 = vector.shape_cast %get3A_128 : vector<1x16xf32> to vector<16xf32>
      %get3A_130 = arith.constant 0 : i32
      %get3A_131 = arith.index_cast %get3A_130 : i32 to index
      %get3A_132 = arith.constant 64 : index
      %get3A_133 = tpu.vector_load %arg11[%get3A_131, %get3A_132] {strides = array<i32>} : memref<16x128xf32, #tpu.memory_space<vmem>>, vector<1x16xf32>,
      %get3A_134 = vector.shape_cast %get3A_133 : vector<1x16xf32> to vector<16xf32>
      %mul3A_135 = arith.mulf %get3A_129, %get3A_134 : vector<16xf32>
      %add3A_136 = arith.addf %add3A_124, %mul3A_135 : vector<16xf32>
      %get3A_137 = arith.constant 0 : i32
      %get3A_138 = arith.index_cast %get3A_137 : i32 to index
      %get3A_139 = arith.constant 80 : index
      %get3A_140 = tpu.vector_load %arg9[%get3A_138, %get3A_139] {strides = array<i32>} : memref<16x128xf32, #tpu.memory_space<vmem>>, vector<1x16xf32>,
      %get3A_141 = vector.shape_cast %get3A_140 : vector<1x16xf32> to vector<16xf32>
      %get3A_142 = arith.constant 0 : i32
      %get3A_143 = arith.index_cast %get3A_142 : i32 to index
      %get3A_144 = arith.constant 80 : index
      %get3A_145 = tpu.vector_load %arg11[%get3A_143, %get3A_144] {strides = array<i32>} : memref<16x128xf32, #tpu.memory_space<vmem>>, vector<1x16xf32>,
      %get3A_146 = vector.shape_cast %get3A_145 : vector<1x16xf32> to vector<16xf32>
      %mul3A_147 = arith.mulf %get3A_141, %get3A_146 : vector<16xf32>
      %add3A_148 = arith.addf %add3A_136, %mul3A_147 : vector<16xf32>
      %get3A_149 = arith.constant 0 : i32
      %get3A_150 = arith.index_cast %get3A_149 : i32 to index
      %get3A_151 = arith.constant 96 : index
      %get3A_152 = tpu.vector_load %arg9[%get3A_150, %get3A_151] {strides = array<i32>} : memref<16x128xf32, #tpu.memory_space<vmem>>, vector<1x16xf32>,
      %get3A_153 = vector.shape_cast %get3A_152 : vector<1x16xf32> to vector<16xf32>
      %get3A_154 = arith.constant 0 : i32
      %get3A_155 = arith.index_cast %get3A_154 : i32 to index
      %get3A_156 = arith.constant 96 : index
      %get3A_157 = tpu.vector_load %arg11[%get3A_155, %get3A_156] {strides = array<i32>} : memref<16x128xf32, #tpu.memory_space<vmem>>, vector<1x16xf32>,
      %get3A_158 = vector.shape_cast %get3A_157 : vector<1x16xf32> to vector<16xf32>
      %mul3A_159 = arith.mulf %get3A_153, %get3A_158 : vector<16xf32>
      %add3A_160 = arith.addf %add3A_148, %mul3A_159 : vector<16xf32>
      %get3A_161 = arith.constant 0 : i32
      %get3A_162 = arith.index_cast %get3A_161 : i32 to index
      %get3A_163 = arith.constant 112 : index
      %get3A_164 = tpu.vector_load %arg9[%get3A_162, %get3A_163] {strides = array<i32>} : memref<16x128xf32, #tpu.memory_space<vmem>>, vector<1x16xf32>,
      %get3A_165 = vector.shape_cast %get3A_164 : vector<1x16xf32> to vector<16xf32>
      %get3A_166 = arith.constant 0 : i32
      %get3A_167 = arith.index_cast %get3A_166 : i32 to index
      %get3A_168 = arith.constant 112 : index
      %get3A_169 = tpu.vector_load %arg11[%get3A_167, %get3A_168] {strides = array<i32>} : memref<16x128xf32, #tpu.memory_space<vmem>>, vector<1x16xf32>,
      %get3A_170 = vector.shape_cast %get3A_169 : vector<1x16xf32> to vector<16xf32>
      %mul3A_171 = arith.mulf %get3A_165, %get3A_170 : vector<16xf32>
      %add3A_172 = arith.addf %add3A_160, %mul3A_171 : vector<16xf32>
      %swap3A = arith.constant 0 : index
      %swap3A_173 = tpu.vector_load %arg14[%swap3A] {strides = array<i32>} : memref<256xf32, #tpu.memory_space<vmem>>, vector<16xf32>,
      %swap3A_174 = vector.shape_cast %swap3A_173 : vector<16xf32> to vector<16xf32>
      %swap3A_175 = vector.shape_cast %add3A_172 : vector<16xf32> to vector<16xf32>
      tpu.vector_store %arg14[%swap3A], %swap3A_175 {strides = array<i32>} : memref<256xf32, #tpu.memory_space<vmem>>, vector<16xf32>,
      %get3A_176 = arith.constant 8 : i32
      %get3A_177 = arith.index_cast %get3A_176 : i32 to index
      %get3A_178 = arith.constant 0 : index
      %get3A_179 = tpu.vector_load %arg9[%get3A_177, %get3A_178] {strides = array<i32>} : memref<16x128xf32, #tpu.memory_space<vmem>>, vector<1x16xf32>,
      %get3A_180 = vector.shape_cast %get3A_179 : vector<1x16xf32> to vector<16xf32>
      %get3A_181 = arith.constant 8 : i32
      %get3A_182 = arith.index_cast %get3A_181 : i32 to index
      %get3A_183 = arith.constant 0 : index
      %get3A_184 = tpu.vector_load %arg11[%get3A_182, %get3A_183] {strides = array<i32>} : memref<16x128xf32, #tpu.memory_space<vmem>>, vector<1x16xf32>,
      %get3A_185 = vector.shape_cast %get3A_184 : vector<1x16xf32> to vector<16xf32>
      %mul3A_186 = arith.mulf %get3A_180, %get3A_185 : vector<16xf32>
      %get3A_187 = arith.constant 8 : i32
      %get3A_188 = arith.index_cast %get3A_187 : i32 to index
      %get3A_189 = arith.constant 16 : index
      %get3A_190 = tpu.vector_load %arg9[%get3A_188, %get3A_189] {strides = array<i32>} : memref<16x128xf32, #tpu.memory_space<vmem>>, vector<1x16xf32>,
      %get3A_191 = vector.shape_cast %get3A_190 : vector<1x16xf32> to vector<16xf32>
      %get3A_192 = arith.constant 8 : i32
      %get3A_193 = arith.index_cast %get3A_192 : i32 to index
      %get3A_194 = arith.constant 16 : index
      %get3A_195 = tpu.vector_load %arg11[%get3A_193, %get3A_194] {strides = array<i32>} : memref<16x128xf32, #tpu.memory_space<vmem>>, vector<1x16xf32>,
      %get3A_196 = vector.shape_cast %get3A_195 : vector<1x16xf32> to vector<16xf32>
      %mul3A_197 = arith.mulf %get3A_191, %get3A_196 : vector<16xf32>
      %add3A_198 = arith.addf %mul3A_186, %mul3A_197 : vector<16xf32>
      %get3A_199 = arith.constant 8 : i32
      %get3A_200 = arith.index_cast %get3A_199 : i32 to index
      %get3A_201 = arith.constant 32 : index
      %get3A_202 = tpu.vector_load %arg9[%get3A_200, %get3A_201] {strides = array<i32>} : memref<16x128xf32, #tpu.memory_space<vmem>>, vector<1x16xf32>,
      %get3A_203 = vector.shape_cast %get3A_202 : vector<1x16xf32> to vector<16xf32>
      %get3A_204 = arith.constant 8 : i32
      %get3A_205 = arith.index_cast %get3A_204 : i32 to index
      %get3A_206 = arith.constant 32 : index
      %get3A_207 = tpu.vector_load %arg11[%get3A_205, %get3A_206] {strides = array<i32>} : memref<16x128xf32, #tpu.memory_space<vmem>>, vector<1x16xf32>,
      %get3A_208 = vector.shape_cast %get3A_207 : vector<1x16xf32> to vector<16xf32>
      %mul3A_209 = arith.mulf %get3A_203, %get3A_208 : vector<16xf32>
      %add3A_210 = arith.addf %add3A_198, %mul3A_209 : vector<16xf32>
      %get3A_211 = arith.constant 8 : i32
      %get3A_212 = arith.index_cast %get3A_211 : i32 to index
      %get3A_213 = arith.constant 48 : index
      %get3A_214 = tpu.vector_load %arg9[%get3A_212, %get3A_213] {strides = array<i32>} : memref<16x128xf32, #tpu.memory_space<vmem>>, vector<1x16xf32>,
      %get3A_215 = vector.shape_cast %get3A_214 : vector<1x16xf32> to vector<16xf32>
      %get3A_216 = arith.constant 8 : i32
      %get3A_217 = arith.index_cast %get3A_216 : i32 to index
      %get3A_218 = arith.constant 48 : index
      %get3A_219 = tpu.vector_load %arg11[%get3A_217, %get3A_218] {strides = array<i32>} : memref<16x128xf32, #tpu.memory_space<vmem>>, vector<1x16xf32>,
      %get3A_220 = vector.shape_cast %get3A_219 : vector<1x16xf32> to vector<16xf32>
      %mul3A_221 = arith.mulf %get3A_215, %get3A_220 : vector<16xf32>
      %add3A_222 = arith.addf %add3A_210, %mul3A_221 : vector<16xf32>
      %get3A_223 = arith.constant 8 : i32
      %get3A_224 = arith.index_cast %get3A_223 : i32 to index
      %get3A_225 = arith.constant 64 : index
      %get3A_226 = tpu.vector_load %arg9[%get3A_224, %get3A_225] {strides = array<i32>} : memref<16x128xf32, #tpu.memory_space<vmem>>, vector<1x16xf32>,
      %get3A_227 = vector.shape_cast %get3A_226 : vector<1x16xf32> to vector<16xf32>
      %get3A_228 = arith.constant 8 : i32
      %get3A_229 = arith.index_cast %get3A_228 : i32 to index
      %get3A_230 = arith.constant 64 : index
      %get3A_231 = tpu.vector_load %arg11[%get3A_229, %get3A_230] {strides = array<i32>} : memref<16x128xf32, #tpu.memory_space<vmem>>, vector<1x16xf32>,
      %get3A_232 = vector.shape_cast %get3A_231 : vector<1x16xf32> to vector<16xf32>
      %mul3A_233 = arith.mulf %get3A_227, %get3A_232 : vector<16xf32>
      %add3A_234 = arith.addf %add3A_222, %mul3A_233 : vector<16xf32>
      %get3A_235 = arith.constant 8 : i32
      %get3A_236 = arith.index_cast %get3A_235 : i32 to index
      %get3A_237 = arith.constant 80 : index
      %get3A_238 = tpu.vector_load %arg9[%get3A_236, %get3A_237] {strides = array<i32>} : memref<16x128xf32, #tpu.memory_space<vmem>>, vector<1x16xf32>,
      %get3A_239 = vector.shape_cast %get3A_238 : vector<1x16xf32> to vector<16xf32>
      %get3A_240 = arith.constant 8 : i32
      %get3A_241 = arith.index_cast %get3A_240 : i32 to index
      %get3A_242 = arith.constant 80 : index
      %get3A_243 = tpu.vector_load %arg11[%get3A_241, %get3A_242] {strides = array<i32>} : memref<16x128xf32, #tpu.memory_space<vmem>>, vector<1x16xf32>,
      %get3A_244 = vector.shape_cast %get3A_243 : vector<1x16xf32> to vector<16xf32>
      %mul3A_245 = arith.mulf %get3A_239, %get3A_244 : vector<16xf32>
      %add3A_246 = arith.addf %add3A_234, %mul3A_245 : vector<16xf32>
      %get3A_247 = arith.constant 8 : i32
      %get3A_248 = arith.index_cast %get3A_247 : i32 to index
      %get3A_249 = arith.constant 96 : index
      %get3A_250 = tpu.vector_load %arg9[%get3A_248, %get3A_249] {strides = array<i32>} : memref<16x128xf32, #tpu.memory_space<vmem>>, vector<1x16xf32>,
      %get3A_251 = vector.shape_cast %get3A_250 : vector<1x16xf32> to vector<16xf32>
      %get3A_252 = arith.constant 8 : i32
      %get3A_253 = arith.index_cast %get3A_252 : i32 to index
      %get3A_254 = arith.constant 96 : index
      %get3A_255 = tpu.vector_load %arg11[%get3A_253, %get3A_254] {strides = array<i32>} : memref<16x128xf32, #tpu.memory_space<vmem>>, vector<1x16xf32>,
      %get3A_256 = vector.shape_cast %get3A_255 : vector<1x16xf32> to vector<16xf32>
      %mul3A_257 = arith.mulf %get3A_251, %get3A_256 : vector<16xf32>
      %add3A_258 = arith.addf %add3A_246, %mul3A_257 : vector<16xf32>
      %get3A_259 = arith.constant 8 : i32
      %get3A_260 = arith.index_cast %get3A_259 : i32 to index
      %get3A_261 = arith.constant 112 : index
      %get3A_262 = tpu.vector_load %arg9[%get3A_260, %get3A_261] {strides = array<i32>} : memref<16x128xf32, #tpu.memory_space<vmem>>, vector<1x16xf32>,
      %get3A_263 = vector.shape_cast %get3A_262 : vector<1x16xf32> to vector<16xf32>
      %get3A_264 = arith.constant 8 : i32
      %get3A_265 = arith.index_cast %get3A_264 : i32 to index
      %get3A_266 = arith.constant 112 : index
      %get3A_267 = tpu.vector_load %arg11[%get3A_265, %get3A_266] {strides = array<i32>} : memref<16x128xf32, #tpu.memory_space<vmem>>, vector<1x16xf32>,
      %get3A_268 = vector.shape_cast %get3A_267 : vector<1x16xf32> to vector<16xf32>
      %mul3A_269 = arith.mulf %get3A_263, %get3A_268 : vector<16xf32>
      %add3A_270 = arith.addf %add3A_258, %mul3A_269 : vector<16xf32>
      %swap3A_271 = arith.constant 16 : index
      %swap3A_272 = tpu.vector_load %arg14[%swap3A_271] {strides = array<i32>} : memref<256xf32, #tpu.memory_space<vmem>>, vector<16xf32>,
      %swap3A_273 = vector.shape_cast %swap3A_272 : vector<16xf32> to vector<16xf32>
      %swap3A_274 = vector.shape_cast %add3A_270 : vector<16xf32> to vector<16xf32>
      tpu.vector_store %arg14[%swap3A_271], %swap3A_274 {strides = array<i32>} : memref<256xf32, #tpu.memory_space<vmem>>, vector<16xf32>,
      %get3A_275 = arith.constant 4 : i32
      %get3A_276 = arith.index_cast %get3A_275 : i32 to index
      %get3A_277 = arith.constant 0 : index
      %get3A_278 = tpu.vector_load %arg9[%get3A_276, %get3A_277] {strides = array<i32>} : memref<16x128xf32, #tpu.memory_space<vmem>>, vector<1x16xf32>,
      %get3A_279 = vector.shape_cast %get3A_278 : vector<1x16xf32> to vector<16xf32>
      %get3A_280 = arith.constant 4 : i32
      %get3A_281 = arith.index_cast %get3A_280 : i32 to index
      %get3A_282 = arith.constant 0 : index
      %get3A_283 = tpu.vector_load %arg11[%get3A_281, %get3A_282] {strides = array<i32>} : memref<16x128xf32, #tpu.memory_space<vmem>>, vector<1x16xf32>,
      %get3A_284 = vector.shape_cast %get3A_283 : vector<1x16xf32> to vector<16xf32>
      %mul3A_285 = arith.mulf %get3A_279, %get3A_284 : vector<16xf32>
      %get3A_286 = arith.constant 4 : i32
      %get3A_287 = arith.index_cast %get3A_286 : i32 to index
      %get3A_288 = arith.constant 16 : index
      %get3A_289 = tpu.vector_load %arg9[%get3A_287, %get3A_288] {strides = array<i32>} : memref<16x128xf32, #tpu.memory_space<vmem>>, vector<1x16xf32>,
      %get3A_290 = vector.shape_cast %get3A_289 : vector<1x16xf32> to vector<16xf32>
      %get3A_291 = arith.constant 4 : i32
      %get3A_292 = arith.index_cast %get3A_291 : i32 to index
      %get3A_293 = arith.constant 16 : index
      %get3A_294 = tpu.vector_load %arg11[%get3A_292, %get3A_293] {strides = array<i32>} : memref<16x128xf32, #tpu.memory_space<vmem>>, vector<1x16xf32>,
      %get3A_295 = vector.shape_cast %get3A_294 : vector<1x16xf32> to vector<16xf32>
      %mul3A_296 = arith.mulf %get3A_290, %get3A_295 : vector<16xf32>
      %add3A_297 = arith.addf %mul3A_285, %mul3A_296 : vector<16xf32>
      %get3A_298 = arith.constant 4 : i32
      %get3A_299 = arith.index_cast %get3A_298 : i32 to index
      %get3A_300 = arith.constant 32 : index
      %get3A_301 = tpu.vector_load %arg9[%get3A_299, %get3A_300] {strides = array<i32>} : memref<16x128xf32, #tpu.memory_space<vmem>>, vector<1x16xf32>,
      %get3A_302 = vector.shape_cast %get3A_301 : vector<1x16xf32> to vector<16xf32>
      %get3A_303 = arith.constant 4 : i32
      %get3A_304 = arith.index_cast %get3A_303 : i32 to index
      %get3A_305 = arith.constant 32 : index
      %get3A_306 = tpu.vector_load %arg11[%get3A_304, %get3A_305] {strides = array<i32>} : memref<16x128xf32, #tpu.memory_space<vmem>>, vector<1x16xf32>,
      %get3A_307 = vector.shape_cast %get3A_306 : vector<1x16xf32> to vector<16xf32>
      %mul3A_308 = arith.mulf %get3A_302, %get3A_307 : vector<16xf32>
      %add3A_309 = arith.addf %add3A_297, %mul3A_308 : vector<16xf32>
      %get3A_310 = arith.constant 4 : i32
      %get3A_311 = arith.index_cast %get3A_310 : i32 to index
      %get3A_312 = arith.constant 48 : index
      %get3A_313 = tpu.vector_load %arg9[%get3A_311, %get3A_312] {strides = array<i32>} : memref<16x128xf32, #tpu.memory_space<vmem>>, vector<1x16xf32>,
      %get3A_314 = vector.shape_cast %get3A_313 : vector<1x16xf32> to vector<16xf32>
      %get3A_315 = arith.constant 4 : i32
      %get3A_316 = arith.index_cast %get3A_315 : i32 to index
      %get3A_317 = arith.constant 48 : index
      %get3A_318 = tpu.vector_load %arg11[%get3A_316, %get3A_317] {strides = array<i32>} : memref<16x128xf32, #tpu.memory_space<vmem>>, vector<1x16xf32>,
      %get3A_319 = vector.shape_cast %get3A_318 : vector<1x16xf32> to vector<16xf32>
      %mul3A_320 = arith.mulf %get3A_314, %get3A_319 : vector<16xf32>
      %add3A_321 = arith.addf %add3A_309, %mul3A_320 : vector<16xf32>
      %get3A_322 = arith.constant 4 : i32
      %get3A_323 = arith.index_cast %get3A_322 : i32 to index
      %get3A_324 = arith.constant 64 : index
      %get3A_325 = tpu.vector_load %arg9[%get3A_323, %get3A_324] {strides = array<i32>} : memref<16x128xf32, #tpu.memory_space<vmem>>, vector<1x16xf32>,
      %get3A_326 = vector.shape_cast %get3A_325 : vector<1x16xf32> to vector<16xf32>
      %get3A_327 = arith.constant 4 : i32
      %get3A_328 = arith.index_cast %get3A_327 : i32 to index
      %get3A_329 = arith.constant 64 : index
      %get3A_330 = tpu.vector_load %arg11[%get3A_328, %get3A_329] {strides = array<i32>} : memref<16x128xf32, #tpu.memory_space<vmem>>, vector<1x16xf32>,
      %get3A_331 = vector.shape_cast %get3A_330 : vector<1x16xf32> to vector<16xf32>
      %mul3A_332 = arith.mulf %get3A_326, %get3A_331 : vector<16xf32>
      %add3A_333 = arith.addf %add3A_321, %mul3A_332 : vector<16xf32>
      %get3A_334 = arith.constant 4 : i32
      %get3A_335 = arith.index_cast %get3A_334 : i32 to index
      %get3A_336 = arith.constant 80 : index
      %get3A_337 = tpu.vector_load %arg9[%get3A_335, %get3A_336] {strides = array<i32>} : memref<16x128xf32, #tpu.memory_space<vmem>>, vector<1x16xf32>,
      %get3A_338 = vector.shape_cast %get3A_337 : vector<1x16xf32> to vector<16xf32>
      %get3A_339 = arith.constant 4 : i32
      %get3A_340 = arith.index_cast %get3A_339 : i32 to index
      %get3A_341 = arith.constant 80 : index
      %get3A_342 = tpu.vector_load %arg11[%get3A_340, %get3A_341] {strides = array<i32>} : memref<16x128xf32, #tpu.memory_space<vmem>>, vector<1x16xf32>,
      %get3A_343 = vector.shape_cast %get3A_342 : vector<1x16xf32> to vector<16xf32>
      %mul3A_344 = arith.mulf %get3A_338, %get3A_343 : vector<16xf32>
      %add3A_345 = arith.addf %add3A_333, %mul3A_344 : vector<16xf32>
      %get3A_346 = arith.constant 4 : i32
      %get3A_347 = arith.index_cast %get3A_346 : i32 to index
      %get3A_348 = arith.constant 96 : index
      %get3A_349 = tpu.vector_load %arg9[%get3A_347, %get3A_348] {strides = array<i32>} : memref<16x128xf32, #tpu.memory_space<vmem>>, vector<1x16xf32>,
      %get3A_350 = vector.shape_cast %get3A_349 : vector<1x16xf32> to vector<16xf32>
      %get3A_351 = arith.constant 4 : i32
      %get3A_352 = arith.index_cast %get3A_351 : i32 to index
      %get3A_353 = arith.constant 96 : index
      %get3A_354 = tpu.vector_load %arg11[%get3A_352, %get3A_353] {strides = array<i32>} : memref<16x128xf32, #tpu.memory_space<vmem>>, vector<1x16xf32>,
      %get3A_355 = vector.shape_cast %get3A_354 : vector<1x16xf32> to vector<16xf32>
      %mul3A_356 = arith.mulf %get3A_350, %get3A_355 : vector<16xf32>
      %add3A_357 = arith.addf %add3A_345, %mul3A_356 : vector<16xf32>
      %get3A_358 = arith.constant 4 : i32
      %get3A_359 = arith.index_cast %get3A_358 : i32 to index
      %get3A_360 = arith.constant 112 : index
      %get3A_361 = tpu.vector_load %arg9[%get3A_359, %get3A_360] {strides = array<i32>} : memref<16x128xf32, #tpu.memory_space<vmem>>, vector<1x16xf32>,
      %get3A_362 = vector.shape_cast %get3A_361 : vector<1x16xf32> to vector<16xf32>
      %get3A_363 = arith.constant 4 : i32
      %get3A_364 = arith.index_cast %get3A_363 : i32 to index
      %get3A_365 = arith.constant 112 : index
      %get3A_366 = tpu.vector_load %arg11[%get3A_364, %get3A_365] {strides = array<i32>} : memref<16x128xf32, #tpu.memory_space<vmem>>, vector<1x16xf32>,
      %get3A_367 = vector.shape_cast %get3A_366 : vector<1x16xf32> to vector<16xf32>
      %mul3A_368 = arith.mulf %get3A_362, %get3A_367 : vector<16xf32>
      %add3A_369 = arith.addf %add3A_357, %mul3A_368 : vector<16xf32>
      %swap3A_370 = arith.constant 32 : index
      %swap3A_371 = tpu.vector_load %arg14[%swap3A_370] {strides = array<i32>} : memref<256xf32, #tpu.memory_space<vmem>>, vector<16xf32>,
      %swap3A_372 = vector.shape_cast %swap3A_371 : vector<16xf32> to vector<16xf32>
      %swap3A_373 = vector.shape_cast %add3A_369 : vector<16xf32> to vector<16xf32>
      tpu.vector_store %arg14[%swap3A_370], %swap3A_373 {strides = array<i32>} : memref<256xf32, #tpu.memory_space<vmem>>, vector<16xf32>,
      %get3A_374 = arith.constant 12 : i32
      %get3A_375 = arith.index_cast %get3A_374 : i32 to index
      %get3A_376 = arith.constant 0 : index
      %get3A_377 = tpu.vector_load %arg9[%get3A_375, %get3A_376] {strides = array<i32>} : memref<16x128xf32, #tpu.memory_space<vmem>>, vector<1x16xf32>,
      %get3A_378 = vector.shape_cast %get3A_377 : vector<1x16xf32> to vector<16xf32>
      %get3A_379 = arith.constant 12 : i32
      %get3A_380 = arith.index_cast %get3A_379 : i32 to index
      %get3A_381 = arith.constant 0 : index
      %get3A_382 = tpu.vector_load %arg11[%get3A_380, %get3A_381] {strides = array<i32>} : memref<16x128xf32, #tpu.memory_space<vmem>>, vector<1x16xf32>,
      %get3A_383 = vector.shape_cast %get3A_382 : vector<1x16xf32> to vector<16xf32>
      %mul3A_384 = arith.mulf %get3A_378, %get3A_383 : vector<16xf32>
      %get3A_385 = arith.constant 12 : i32
      %get3A_386 = arith.index_cast %get3A_385 : i32 to index
      %get3A_387 = arith.constant 16 : index
      %get3A_388 = tpu.vector_load %arg9[%get3A_386, %get3A_387] {strides = array<i32>} : memref<16x128xf32, #tpu.memory_space<vmem>>, vector<1x16xf32>,
      %get3A_389 = vector.shape_cast %get3A_388 : vector<1x16xf32> to vector<16xf32>
      %get3A_390 = arith.constant 12 : i32
      %get3A_391 = arith.index_cast %get3A_390 : i32 to index
      %get3A_392 = arith.constant 16 : index
      %get3A_393 = tpu.vector_load %arg11[%get3A_391, %get3A_392] {strides = array<i32>} : memref<16x128xf32, #tpu.memory_space<vmem>>, vector<1x16xf32>,
      %get3A_394 = vector.shape_cast %get3A_393 : vector<1x16xf32> to vector<16xf32>
      %mul3A_395 = arith.mulf %get3A_389, %get3A_394 : vector<16xf32>
      %add3A_396 = arith.addf %mul3A_384, %mul3A_395 : vector<16xf32>
      %get3A_397 = arith.constant 12 : i32
      %get3A_398 = arith.index_cast %get3A_397 : i32 to index
      %get3A_399 = arith.constant 32 : index
      %get3A_400 = tpu.vector_load %arg9[%get3A_398, %get3A_399] {strides = array<i32>} : memref<16x128xf32, #tpu.memory_space<vmem>>, vector<1x16xf32>,
      %get3A_401 = vector.shape_cast %get3A_400 : vector<1x16xf32> to vector<16xf32>
      %get3A_402 = arith.constant 12 : i32
      %get3A_403 = arith.index_cast %get3A_402 : i32 to index
      %get3A_404 = arith.constant 32 : index
      %get3A_405 = tpu.vector_load %arg11[%get3A_403, %get3A_404] {strides = array<i32>} : memref<16x128xf32, #tpu.memory_space<vmem>>, vector<1x16xf32>,
      %get3A_406 = vector.shape_cast %get3A_405 : vector<1x16xf32> to vector<16xf32>
      %mul3A_407 = arith.mulf %get3A_401, %get3A_406 : vector<16xf32>
      %add3A_408 = arith.addf %add3A_396, %mul3A_407 : vector<16xf32>
      %get3A_409 = arith.constant 12 : i32
      %get3A_410 = arith.index_cast %get3A_409 : i32 to index
      %get3A_411 = arith.constant 48 : index
      %get3A_412 = tpu.vector_load %arg9[%get3A_410, %get3A_411] {strides = array<i32>} : memref<16x128xf32, #tpu.memory_space<vmem>>, vector<1x16xf32>,
      %get3A_413 = vector.shape_cast %get3A_412 : vector<1x16xf32> to vector<16xf32>
      %get3A_414 = arith.constant 12 : i32
      %get3A_415 = arith.index_cast %get3A_414 : i32 to index
      %get3A_416 = arith.constant 48 : index
      %get3A_417 = tpu.vector_load %arg11[%get3A_415, %get3A_416] {strides = array<i32>} : memref<16x128xf32, #tpu.memory_space<vmem>>, vector<1x16xf32>,
      %get3A_418 = vector.shape_cast %get3A_417 : vector<1x16xf32> to vector<16xf32>
      %mul3A_419 = arith.mulf %get3A_413, %get3A_418 : vector<16xf32>
      %add3A_420 = arith.addf %add3A_408, %mul3A_419 : vector<16xf32>
      %get3A_421 = arith.constant 12 : i32
      %get3A_422 = arith.index_cast %get3A_421 : i32 to index
      %get3A_423 = arith.constant 64 : index
      %get3A_424 = tpu.vector_load %arg9[%get3A_422, %get3A_423] {strides = array<i32>} : memref<16x128xf32, #tpu.memory_space<vmem>>, vector<1x16xf32>,
      %get3A_425 = vector.shape_cast %get3A_424 : vector<1x16xf32> to vector<16xf32>
      %get3A_426 = arith.constant 12 : i32
      %get3A_427 = arith.index_cast %get3A_426 : i32 to index
      %get3A_428 = arith.constant 64 : index
      %get3A_429 = tpu.vector_load %arg11[%get3A_427, %get3A_428] {strides = array<i32>} : memref<16x128xf32, #tpu.memory_space<vmem>>, vector<1x16xf32>,
      %get3A_430 = vector.shape_cast %get3A_429 : vector<1x16xf32> to vector<16xf32>
      %mul3A_431 = arith.mulf %get3A_425, %get3A_430 : vector<16xf32>
      %add3A_432 = arith.addf %add3A_420, %mul3A_431 : vector<16xf32>
      %get3A_433 = arith.constant 12 : i32
      %get3A_434 = arith.index_cast %get3A_433 : i32 to index
      %get3A_435 = arith.constant 80 : index
      %get3A_436 = tpu.vector_load %arg9[%get3A_434, %get3A_435] {strides = array<i32>} : memref<16x128xf32, #tpu.memory_space<vmem>>, vector<1x16xf32>,
      %get3A_437 = vector.shape_cast %get3A_436 : vector<1x16xf32> to vector<16xf32>
      %get3A_438 = arith.constant 12 : i32
      %get3A_439 = arith.index_cast %get3A_438 : i32 to index
      %get3A_440 = arith.constant 80 : index
      %get3A_441 = tpu.vector_load %arg11[%get3A_439, %get3A_440] {strides = array<i32>} : memref<16x128xf32, #tpu.memory_space<vmem>>, vector<1x16xf32>,
      %get3A_442 = vector.shape_cast %get3A_441 : vector<1x16xf32> to vector<16xf32>
      %mul3A_443 = arith.mulf %get3A_437, %get3A_442 : vector<16xf32>
      %add3A_444 = arith.addf %add3A_432, %mul3A_443 : vector<16xf32>
      %get3A_445 = arith.constant 12 : i32
      %get3A_446 = arith.index_cast %get3A_445 : i32 to index
      %get3A_447 = arith.constant 96 : index
      %get3A_448 = tpu.vector_load %arg9[%get3A_446, %get3A_447] {strides = array<i32>} : memref<16x128xf32, #tpu.memory_space<vmem>>, vector<1x16xf32>,
      %get3A_449 = vector.shape_cast %get3A_448 : vector<1x16xf32> to vector<16xf32>
      %get3A_450 = arith.constant 12 : i32
      %get3A_451 = arith.index_cast %get3A_450 : i32 to index
      %get3A_452 = arith.constant 96 : index
      %get3A_453 = tpu.vector_load %arg11[%get3A_451, %get3A_452] {strides = array<i32>} : memref<16x128xf32, #tpu.memory_space<vmem>>, vector<1x16xf32>,
      %get3A_454 = vector.shape_cast %get3A_453 : vector<1x16xf32> to vector<16xf32>
      %mul3A_455 = arith.mulf %get3A_449, %get3A_454 : vector<16xf32>
      %add3A_456 = arith.addf %add3A_444, %mul3A_455 : vector<16xf32>
      %get3A_457 = arith.constant 12 : i32
      %get3A_458 = arith.index_cast %get3A_457 : i32 to index
      %get3A_459 = arith.constant 112 : index
      %get3A_460 = tpu.vector_load %arg9[%get3A_458, %get3A_459] {strides = array<i32>} : memref<16x128xf32, #tpu.memory_space<vmem>>, vector<1x16xf32>,
      %get3A_461 = vector.shape_cast %get3A_460 : vector<1x16xf32> to vector<16xf32>
      %get3A_462 = arith.constant 12 : i32
      %get3A_463 = arith.index_cast %get3A_462 : i32 to index
      %get3A_464 = arith.constant 112 : index
      %get3A_465 = tpu.vector_load %arg11[%get3A_463, %get3A_464] {strides = array<i32>} : memref<16x128xf32, #tpu.memory_space<vmem>>, vector<1x16xf32>,
      %get3A_466 = vector.shape_cast %get3A_465 : vector<1x16xf32> to vector<16xf32>
      %mul3A_467 = arith.mulf %get3A_461, %get3A_466 : vector<16xf32>
      %add3A_468 = arith.addf %add3A_456, %mul3A_467 : vector<16xf32>
      %swap3A_469 = arith.constant 48 : index
      %swap3A_470 = tpu.vector_load %arg14[%swap3A_469] {strides = array<i32>} : memref<256xf32, #tpu.memory_space<vmem>>, vector<16xf32>,
      %swap3A_471 = vector.shape_cast %swap3A_470 : vector<16xf32> to vector<16xf32>
      %swap3A_472 = vector.shape_cast %add3A_468 : vector<16xf32> to vector<16xf32>
      tpu.vector_store %arg14[%swap3A_469], %swap3A_472 {strides = array<i32>} : memref<256xf32, #tpu.memory_space<vmem>>, vector<16xf32>,
      %get3A_473 = arith.constant 2 : i32
      %get3A_474 = arith.index_cast %get3A_473 : i32 to index
      %get3A_475 = arith.constant 0 : index
      %get3A_476 = tpu.vector_load %arg9[%get3A_474, %get3A_475] {strides = array<i32>} : memref<16x128xf32, #tpu.memory_space<vmem>>, vector<1x16xf32>,
      %get3A_477 = vector.shape_cast %get3A_476 : vector<1x16xf32> to vector<16xf32>
      %get3A_478 = arith.constant 2 : i32
      %get3A_479 = arith.index_cast %get3A_478 : i32 to index
      %get3A_480 = arith.constant 0 : index
      %get3A_481 = tpu.vector_load %arg11[%get3A_479, %get3A_480] {strides = array<i32>} : memref<16x128xf32, #tpu.memory_space<vmem>>, vector<1x16xf32>,
      %get3A_482 = vector.shape_cast %get3A_481 : vector<1x16xf32> to vector<16xf32>
      %mul3A_483 = arith.mulf %get3A_477, %get3A_482 : vector<16xf32>
      %get3A_484 = arith.constant 2 : i32
      %get3A_485 = arith.index_cast %get3A_484 : i32 to index
      %get3A_486 = arith.constant 16 : index
      %get3A_487 = tpu.vector_load %arg9[%get3A_485, %get3A_486] {strides = array<i32>} : memref<16x128xf32, #tpu.memory_space<vmem>>, vector<1x16xf32>,
      %get3A_488 = vector.shape_cast %get3A_487 : vector<1x16xf32> to vector<16xf32>
      %get3A_489 = arith.constant 2 : i32
      %get3A_490 = arith.index_cast %get3A_489 : i32 to index
      %get3A_491 = arith.constant 16 : index
      %get3A_492 = tpu.vector_load %arg11[%get3A_490, %get3A_491] {strides = array<i32>} : memref<16x128xf32, #tpu.memory_space<vmem>>, vector<1x16xf32>,
      %get3A_493 = vector.shape_cast %get3A_492 : vector<1x16xf32> to vector<16xf32>
      %mul3A_494 = arith.mulf %get3A_488, %get3A_493 : vector<16xf32>
      %add3A_495 = arith.addf %mul3A_483, %mul3A_494 : vector<16xf32>
      %get3A_496 = arith.constant 2 : i32
      %get3A_497 = arith.index_cast %get3A_496 : i32 to index
      %get3A_498 = arith.constant 32 : index
      %get3A_499 = tpu.vector_load %arg9[%get3A_497, %get3A_498] {strides = array<i32>} : memref<16x128xf32, #tpu.memory_space<vmem>>, vector<1x16xf32>,
      %get3A_500 = vector.shape_cast %get3A_499 : vector<1x16xf32> to vector<16xf32>
      %get3A_501 = arith.constant 2 : i32
      %get3A_502 = arith.index_cast %get3A_501 : i32 to index
      %get3A_503 = arith.constant 32 : index
      %get3A_504 = tpu.vector_load %arg11[%get3A_502, %get3A_503] {strides = array<i32>} : memref<16x128xf32, #tpu.memory_space<vmem>>, vector<1x16xf32>,
      %get3A_505 = vector.shape_cast %get3A_504 : vector<1x16xf32> to vector<16xf32>
      %mul3A_506 = arith.mulf %get3A_500, %get3A_505 : vector<16xf32>
      %add3A_507 = arith.addf %add3A_495, %mul3A_506 : vector<16xf32>
      %get3A_508 = arith.constant 2 : i32
      %get3A_509 = arith.index_cast %get3A_508 : i32 to index
      %get3A_510 = arith.constant 48 : index
      %get3A_511 = tpu.vector_load %arg9[%get3A_509, %get3A_510] {strides = array<i32>} : memref<16x128xf32, #tpu.memory_space<vmem>>, vector<1x16xf32>,
      %get3A_512 = vector.shape_cast %get3A_511 : vector<1x16xf32> to vector<16xf32>
      %get3A_513 = arith.constant 2 : i32
      %get3A_514 = arith.index_cast %get3A_513 : i32 to index
      %get3A_515 = arith.constant 48 : index
      %get3A_516 = tpu.vector_load %arg11[%get3A_514, %get3A_515] {strides = array<i32>} : memref<16x128xf32, #tpu.memory_space<vmem>>, vector<1x16xf32>,
      %get3A_517 = vector.shape_cast %get3A_516 : vector<1x16xf32> to vector<16xf32>
      %mul3A_518 = arith.mulf %get3A_512, %get3A_517 : vector<16xf32>
      %add3A_519 = arith.addf %add3A_507, %mul3A_518 : vector<16xf32>
      %get3A_520 = arith.constant 2 : i32
      %get3A_521 = arith.index_cast %get3A_520 : i32 to index
      %get3A_522 = arith.constant 64 : index
      %get3A_523 = tpu.vector_load %arg9[%get3A_521, %get3A_522] {strides = array<i32>} : memref<16x128xf32, #tpu.memory_space<vmem>>, vector<1x16xf32>,
      %get3A_524 = vector.shape_cast %get3A_523 : vector<1x16xf32> to vector<16xf32>
      %get3A_525 = arith.constant 2 : i32
      %get3A_526 = arith.index_cast %get3A_525 : i32 to index
      %get3A_527 = arith.constant 64 : index
      %get3A_528 = tpu.vector_load %arg11[%get3A_526, %get3A_527] {strides = array<i32>} : memref<16x128xf32, #tpu.memory_space<vmem>>, vector<1x16xf32>,
      %get3A_529 = vector.shape_cast %get3A_528 : vector<1x16xf32> to vector<16xf32>
      %mul3A_530 = arith.mulf %get3A_524, %get3A_529 : vector<16xf32>
      %add3A_531 = arith.addf %add3A_519, %mul3A_530 : vector<16xf32>
      %get3A_532 = arith.constant 2 : i32
      %get3A_533 = arith.index_cast %get3A_532 : i32 to index
      %get3A_534 = arith.constant 80 : index
      %get3A_535 = tpu.vector_load %arg9[%get3A_533, %get3A_534] {strides = array<i32>} : memref<16x128xf32, #tpu.memory_space<vmem>>, vector<1x16xf32>,
      %get3A_536 = vector.shape_cast %get3A_535 : vector<1x16xf32> to vector<16xf32>
      %get3A_537 = arith.constant 2 : i32
      %get3A_538 = arith.index_cast %get3A_537 : i32 to index
      %get3A_539 = arith.constant 80 : index
      %get3A_540 = tpu.vector_load %arg11[%get3A_538, %get3A_539] {strides = array<i32>} : memref<16x128xf32, #tpu.memory_space<vmem>>, vector<1x16xf32>,
      %get3A_541 = vector.shape_cast %get3A_540 : vector<1x16xf32> to vector<16xf32>
      %mul3A_542 = arith.mulf %get3A_536, %get3A_541 : vector<16xf32>
      %add3A_543 = arith.addf %add3A_531, %mul3A_542 : vector<16xf32>
      %get3A_544 = arith.constant 2 : i32
      %get3A_545 = arith.index_cast %get3A_544 : i32 to index
      %get3A_546 = arith.constant 96 : index
      %get3A_547 = tpu.vector_load %arg9[%get3A_545, %get3A_546] {strides = array<i32>} : memref<16x128xf32, #tpu.memory_space<vmem>>, vector<1x16xf32>,
      %get3A_548 = vector.shape_cast %get3A_547 : vector<1x16xf32> to vector<16xf32>
      %get3A_549 = arith.constant 2 : i32
      %get3A_550 = arith.index_cast %get3A_549 : i32 to index
      %get3A_551 = arith.constant 96 : index
      %get3A_552 = tpu.vector_load %arg11[%get3A_550, %get3A_551] {strides = array<i32>} : memref<16x128xf32, #tpu.memory_space<vmem>>, vector<1x16xf32>,
      %get3A_553 = vector.shape_cast %get3A_552 : vector<1x16xf32> to vector<16xf32>
      %mul3A_554 = arith.mulf %get3A_548, %get3A_553 : vector<16xf32>
      %add3A_555 = arith.addf %add3A_543, %mul3A_554 : vector<16xf32>
      %get3A_556 = arith.constant 2 : i32
      %get3A_557 = arith.index_cast %get3A_556 : i32 to index
      %get3A_558 = arith.constant 112 : index
      %get3A_559 = tpu.vector_load %arg9[%get3A_557, %get3A_558] {strides = array<i32>} : memref<16x128xf32, #tpu.memory_space<vmem>>, vector<1x16xf32>,
      %get3A_560 = vector.shape_cast %get3A_559 : vector<1x16xf32> to vector<16xf32>
      %get3A_561 = arith.constant 2 : i32
      %get3A_562 = arith.index_cast %get3A_561 : i32 to index
      %get3A_563 = arith.constant 112 : index
      %get3A_564 = tpu.vector_load %arg11[%get3A_562, %get3A_563] {strides = array<i32>} : memref<16x128xf32, #tpu.memory_space<vmem>>, vector<1x16xf32>,
      %get3A_565 = vector.shape_cast %get3A_564 : vector<1x16xf32> to vector<16xf32>
      %mul3A_566 = arith.mulf %get3A_560, %get3A_565 : vector<16xf32>
      %add3A_567 = arith.addf %add3A_555, %mul3A_566 : vector<16xf32>
      %swap3A_568 = arith.constant 64 : index
      %swap3A_569 = tpu.vector_load %arg14[%swap3A_568] {strides = array<i32>} : memref<256xf32, #tpu.memory_space<vmem>>, vector<16xf32>,
      %swap3A_570 = vector.shape_cast %swap3A_569 : vector<16xf32> to vector<16xf32>
      %swap3A_571 = vector.shape_cast %add3A_567 : vector<16xf32> to vector<16xf32>
      tpu.vector_store %arg14[%swap3A_568], %swap3A_571 {strides = array<i32>} : memref<256xf32, #tpu.memory_space<vmem>>, vector<16xf32>,
      %get3A_572 = arith.constant 10 : i32
      %get3A_573 = arith.index_cast %get3A_572 : i32 to index
      %get3A_574 = arith.constant 0 : index
      %get3A_575 = tpu.vector_load %arg9[%get3A_573, %get3A_574] {strides = array<i32>} : memref<16x128xf32, #tpu.memory_space<vmem>>, vector<1x16xf32>,
      %get3A_576 = vector.shape_cast %get3A_575 : vector<1x16xf32> to vector<16xf32>
      %get3A_577 = arith.constant 10 : i32
      %get3A_578 = arith.index_cast %get3A_577 : i32 to index
      %get3A_579 = arith.constant 0 : index
      %get3A_580 = tpu.vector_load %arg11[%get3A_578, %get3A_579] {strides = array<i32>} : memref<16x128xf32, #tpu.memory_space<vmem>>, vector<1x16xf32>,
      %get3A_581 = vector.shape_cast %get3A_580 : vector<1x16xf32> to vector<16xf32>
      %mul3A_582 = arith.mulf %get3A_576, %get3A_581 : vector<16xf32>
      %get3A_583 = arith.constant 10 : i32
      %get3A_584 = arith.index_cast %get3A_583 : i32 to index
      %get3A_585 = arith.constant 16 : index
      %get3A_586 = tpu.vector_load %arg9[%get3A_584, %get3A_585] {strides = array<i32>} : memref<16x128xf32, #tpu.memory_space<vmem>>, vector<1x16xf32>,
      %get3A_587 = vector.shape_cast %get3A_586 : vector<1x16xf32> to vector<16xf32>
      %get3A_588 = arith.constant 10 : i32
      %get3A_589 = arith.index_cast %get3A_588 : i32 to index
      %get3A_590 = arith.constant 16 : index
      %get3A_591 = tpu.vector_load %arg11[%get3A_589, %get3A_590] {strides = array<i32>} : memref<16x128xf32, #tpu.memory_space<vmem>>, vector<1x16xf32>,
      %get3A_592 = vector.shape_cast %get3A_591 : vector<1x16xf32> to vector<16xf32>
      %mul3A_593 = arith.mulf %get3A_587, %get3A_592 : vector<16xf32>
      %add3A_594 = arith.addf %mul3A_582, %mul3A_593 : vector<16xf32>
      %get3A_595 = arith.constant 10 : i32
      %get3A_596 = arith.index_cast %get3A_595 : i32 to index
      %get3A_597 = arith.constant 32 : index
      %get3A_598 = tpu.vector_load %arg9[%get3A_596, %get3A_597] {strides = array<i32>} : memref<16x128xf32, #tpu.memory_space<vmem>>, vector<1x16xf32>,
      %get3A_599 = vector.shape_cast %get3A_598 : vector<1x16xf32> to vector<16xf32>
      %get3A_600 = arith.constant 10 : i32
      %get3A_601 = arith.index_cast %get3A_600 : i32 to index
      %get3A_602 = arith.constant 32 : index
      %get3A_603 = tpu.vector_load %arg11[%get3A_601, %get3A_602] {strides = array<i32>} : memref<16x128xf32, #tpu.memory_space<vmem>>, vector<1x16xf32>,
      %get3A_604 = vector.shape_cast %get3A_603 : vector<1x16xf32> to vector<16xf32>
      %mul3A_605 = arith.mulf %get3A_599, %get3A_604 : vector<16xf32>
      %add3A_606 = arith.addf %add3A_594, %mul3A_605 : vector<16xf32>
      %get3A_607 = arith.constant 10 : i32
      %get3A_608 = arith.index_cast %get3A_607 : i32 to index
      %get3A_609 = arith.constant 48 : index
      %get3A_610 = tpu.vector_load %arg9[%get3A_608, %get3A_609] {strides = array<i32>} : memref<16x128xf32, #tpu.memory_space<vmem>>, vector<1x16xf32>,
      %get3A_611 = vector.shape_cast %get3A_610 : vector<1x16xf32> to vector<16xf32>
      %get3A_612 = arith.constant 10 : i32
      %get3A_613 = arith.index_cast %get3A_612 : i32 to index
      %get3A_614 = arith.constant 48 : index
      %get3A_615 = tpu.vector_load %arg11[%get3A_613, %get3A_614] {strides = array<i32>} : memref<16x128xf32, #tpu.memory_space<vmem>>, vector<1x16xf32>,
      %get3A_616 = vector.shape_cast %get3A_615 : vector<1x16xf32> to vector<16xf32>
      %mul3A_617 = arith.mulf %get3A_611, %get3A_616 : vector<16xf32>
      %add3A_618 = arith.addf %add3A_606, %mul3A_617 : vector<16xf32>
      %get3A_619 = arith.constant 10 : i32
      %get3A_620 = arith.index_cast %get3A_619 : i32 to index
      %get3A_621 = arith.constant 64 : index
      %get3A_622 = tpu.vector_load %arg9[%get3A_620, %get3A_621] {strides = array<i32>} : memref<16x128xf32, #tpu.memory_space<vmem>>, vector<1x16xf32>,
      %get3A_623 = vector.shape_cast %get3A_622 : vector<1x16xf32> to vector<16xf32>
      %get3A_624 = arith.constant 10 : i32
      %get3A_625 = arith.index_cast %get3A_624 : i32 to index
      %get3A_626 = arith.constant 64 : index
      %get3A_627 = tpu.vector_load %arg11[%get3A_625, %get3A_626] {strides = array<i32>} : memref<16x128xf32, #tpu.memory_space<vmem>>, vector<1x16xf32>,
      %get3A_628 = vector.shape_cast %get3A_627 : vector<1x16xf32> to vector<16xf32>
      %mul3A_629 = arith.mulf %get3A_623, %get3A_628 : vector<16xf32>
      %add3A_630 = arith.addf %add3A_618, %mul3A_629 : vector<16xf32>
      %get3A_631 = arith.constant 10 : i32
      %get3A_632 = arith.index_cast %get3A_631 : i32 to index
      %get3A_633 = arith.constant 80 : index
      %get3A_634 = tpu.vector_load %arg9[%get3A_632, %get3A_633] {strides = array<i32>} : memref<16x128xf32, #tpu.memory_space<vmem>>, vector<1x16xf32>,
      %get3A_635 = vector.shape_cast %get3A_634 : vector<1x16xf32> to vector<16xf32>
      %get3A_636 = arith.constant 10 : i32
      %get3A_637 = arith.index_cast %get3A_636 : i32 to index
      %get3A_638 = arith.constant 80 : index
      %get3A_639 = tpu.vector_load %arg11[%get3A_637, %get3A_638] {strides = array<i32>} : memref<16x128xf32, #tpu.memory_space<vmem>>, vector<1x16xf32>,
      %get3A_640 = vector.shape_cast %get3A_639 : vector<1x16xf32> to vector<16xf32>
      %mul3A_641 = arith.mulf %get3A_635, %get3A_640 : vector<16xf32>
      %add3A_642 = arith.addf %add3A_630, %mul3A_641 : vector<16xf32>
      %get3A_643 = arith.constant 10 : i32
      %get3A_644 = arith.index_cast %get3A_643 : i32 to index
      %get3A_645 = arith.constant 96 : index
      %get3A_646 = tpu.vector_load %arg9[%get3A_644, %get3A_645] {strides = array<i32>} : memref<16x128xf32, #tpu.memory_space<vmem>>, vector<1x16xf32>,
      %get3A_647 = vector.shape_cast %get3A_646 : vector<1x16xf32> to vector<16xf32>
      %get3A_648 = arith.constant 10 : i32
      %get3A_649 = arith.index_cast %get3A_648 : i32 to index
      %get3A_650 = arith.constant 96 : index
      %get3A_651 = tpu.vector_load %arg11[%get3A_649, %get3A_650] {strides = array<i32>} : memref<16x128xf32, #tpu.memory_space<vmem>>, vector<1x16xf32>,
      %get3A_652 = vector.shape_cast %get3A_651 : vector<1x16xf32> to vector<16xf32>
      %mul3A_653 = arith.mulf %get3A_647, %get3A_652 : vector<16xf32>
      %add3A_654 = arith.addf %add3A_642, %mul3A_653 : vector<16xf32>
      %get3A_655 = arith.constant 10 : i32
      %get3A_656 = arith.index_cast %get3A_655 : i32 to index
      %get3A_657 = arith.constant 112 : index
      %get3A_658 = tpu.vector_load %arg9[%get3A_656, %get3A_657] {strides = array<i32>} : memref<16x128xf32, #tpu.memory_space<vmem>>, vector<1x16xf32>,
      %get3A_659 = vector.shape_cast %get3A_658 : vector<1x16xf32> to vector<16xf32>
      %get3A_660 = arith.constant 10 : i32
      %get3A_661 = arith.index_cast %get3A_660 : i32 to index
      %get3A_662 = arith.constant 112 : index
      %get3A_663 = tpu.vector_load %arg11[%get3A_661, %get3A_662] {strides = array<i32>} : memref<16x128xf32, #tpu.memory_space<vmem>>, vector<1x16xf32>,
      %get3A_664 = vector.shape_cast %get3A_663 : vector<1x16xf32> to vector<16xf32>
      %mul3A_665 = arith.mulf %get3A_659, %get3A_664 : vector<16xf32>
      %add3A_666 = arith.addf %add3A_654, %mul3A_665 : vector<16xf32>
      %swap3A_667 = arith.constant 80 : index
      %swap3A_668 = tpu.vector_load %arg14[%swap3A_667] {strides = array<i32>} : memref<256xf32, #tpu.memory_space<vmem>>, vector<16xf32>,
      %swap3A_669 = vector.shape_cast %swap3A_668 : vector<16xf32> to vector<16xf32>
      %swap3A_670 = vector.shape_cast %add3A_666 : vector<16xf32> to vector<16xf32>
      tpu.vector_store %arg14[%swap3A_667], %swap3A_670 {strides = array<i32>} : memref<256xf32, #tpu.memory_space<vmem>>, vector<16xf32>,
      %get3A_671 = arith.constant 6 : i32
      %get3A_672 = arith.index_cast %get3A_671 : i32 to index
      %get3A_673 = arith.constant 0 : index
      %get3A_674 = tpu.vector_load %arg9[%get3A_672, %get3A_673] {strides = array<i32>} : memref<16x128xf32, #tpu.memory_space<vmem>>, vector<1x16xf32>,
      %get3A_675 = vector.shape_cast %get3A_674 : vector<1x16xf32> to vector<16xf32>
      %get3A_676 = arith.constant 6 : i32
      %get3A_677 = arith.index_cast %get3A_676 : i32 to index
      %get3A_678 = arith.constant 0 : index
      %get3A_679 = tpu.vector_load %arg11[%get3A_677, %get3A_678] {strides = array<i32>} : memref<16x128xf32, #tpu.memory_space<vmem>>, vector<1x16xf32>,
      %get3A_680 = vector.shape_cast %get3A_679 : vector<1x16xf32> to vector<16xf32>
      %mul3A_681 = arith.mulf %get3A_675, %get3A_680 : vector<16xf32>
      %get3A_682 = arith.constant 6 : i32
      %get3A_683 = arith.index_cast %get3A_682 : i32 to index
      %get3A_684 = arith.constant 16 : index
      %get3A_685 = tpu.vector_load %arg9[%get3A_683, %get3A_684] {strides = array<i32>} : memref<16x128xf32, #tpu.memory_space<vmem>>, vector<1x16xf32>,
      %get3A_686 = vector.shape_cast %get3A_685 : vector<1x16xf32> to vector<16xf32>
      %get3A_687 = arith.constant 6 : i32
      %get3A_688 = arith.index_cast %get3A_687 : i32 to index
      %get3A_689 = arith.constant 16 : index
      %get3A_690 = tpu.vector_load %arg11[%get3A_688, %get3A_689] {strides = array<i32>} : memref<16x128xf32, #tpu.memory_space<vmem>>, vector<1x16xf32>,
      %get3A_691 = vector.shape_cast %get3A_690 : vector<1x16xf32> to vector<16xf32>
      %mul3A_692 = arith.mulf %get3A_686, %get3A_691 : vector<16xf32>
      %add3A_693 = arith.addf %mul3A_681, %mul3A_692 : vector<16xf32>
      %get3A_694 = arith.constant 6 : i32
      %get3A_695 = arith.index_cast %get3A_694 : i32 to index
      %get3A_696 = arith.constant 32 : index
      %get3A_697 = tpu.vector_load %arg9[%get3A_695, %get3A_696] {strides = array<i32>} : memref<16x128xf32, #tpu.memory_space<vmem>>, vector<1x16xf32>,
      %get3A_698 = vector.shape_cast %get3A_697 : vector<1x16xf32> to vector<16xf32>
      %get3A_699 = arith.constant 6 : i32
      %get3A_700 = arith.index_cast %get3A_699 : i32 to index
      %get3A_701 = arith.constant 32 : index
      %get3A_702 = tpu.vector_load %arg11[%get3A_700, %get3A_701] {strides = array<i32>} : memref<16x128xf32, #tpu.memory_space<vmem>>, vector<1x16xf32>,
      %get3A_703 = vector.shape_cast %get3A_702 : vector<1x16xf32> to vector<16xf32>
      %mul3A_704 = arith.mulf %get3A_698, %get3A_703 : vector<16xf32>
      %add3A_705 = arith.addf %add3A_693, %mul3A_704 : vector<16xf32>
      %get3A_706 = arith.constant 6 : i32
      %get3A_707 = arith.index_cast %get3A_706 : i32 to index
      %get3A_708 = arith.constant 48 : index
      %get3A_709 = tpu.vector_load %arg9[%get3A_707, %get3A_708] {strides = array<i32>} : memref<16x128xf32, #tpu.memory_space<vmem>>, vector<1x16xf32>,
      %get3A_710 = vector.shape_cast %get3A_709 : vector<1x16xf32> to vector<16xf32>
      %get3A_711 = arith.constant 6 : i32
      %get3A_712 = arith.index_cast %get3A_711 : i32 to index
      %get3A_713 = arith.constant 48 : index
      %get3A_714 = tpu.vector_load %arg11[%get3A_712, %get3A_713] {strides = array<i32>} : memref<16x128xf32, #tpu.memory_space<vmem>>, vector<1x16xf32>,
      %get3A_715 = vector.shape_cast %get3A_714 : vector<1x16xf32> to vector<16xf32>
      %mul3A_716 = arith.mulf %get3A_710, %get3A_715 : vector<16xf32>
      %add3A_717 = arith.addf %add3A_705, %mul3A_716 : vector<16xf32>
      %get3A_718 = arith.constant 6 : i32
      %get3A_719 = arith.index_cast %get3A_718 : i32 to index
      %get3A_720 = arith.constant 64 : index
      %get3A_721 = tpu.vector_load %arg9[%get3A_719, %get3A_720] {strides = array<i32>} : memref<16x128xf32, #tpu.memory_space<vmem>>, vector<1x16xf32>,
      %get3A_722 = vector.shape_cast %get3A_721 : vector<1x16xf32> to vector<16xf32>
      %get3A_723 = arith.constant 6 : i32
      %get3A_724 = arith.index_cast %get3A_723 : i32 to index
      %get3A_725 = arith.constant 64 : index
      %get3A_726 = tpu.vector_load %arg11[%get3A_724, %get3A_725] {strides = array<i32>} : memref<16x128xf32, #tpu.memory_space<vmem>>, vector<1x16xf32>,
      %get3A_727 = vector.shape_cast %get3A_726 : vector<1x16xf32> to vector<16xf32>
      %mul3A_728 = arith.mulf %get3A_722, %get3A_727 : vector<16xf32>
      %add3A_729 = arith.addf %add3A_717, %mul3A_728 : vector<16xf32>
      %get3A_730 = arith.constant 6 : i32
      %get3A_731 = arith.index_cast %get3A_730 : i32 to index
      %get3A_732 = arith.constant 80 : index
      %get3A_733 = tpu.vector_load %arg9[%get3A_731, %get3A_732] {strides = array<i32>} : memref<16x128xf32, #tpu.memory_space<vmem>>, vector<1x16xf32>,
      %get3A_734 = vector.shape_cast %get3A_733 : vector<1x16xf32> to vector<16xf32>
      %get3A_735 = arith.constant 6 : i32
      %get3A_736 = arith.index_cast %get3A_735 : i32 to index
      %get3A_737 = arith.constant 80 : index
      %get3A_738 = tpu.vector_load %arg11[%get3A_736, %get3A_737] {strides = array<i32>} : memref<16x128xf32, #tpu.memory_space<vmem>>, vector<1x16xf32>,
      %get3A_739 = vector.shape_cast %get3A_738 : vector<1x16xf32> to vector<16xf32>
      %mul3A_740 = arith.mulf %get3A_734, %get3A_739 : vector<16xf32>
      %add3A_741 = arith.addf %add3A_729, %mul3A_740 : vector<16xf32>
      %get3A_742 = arith.constant 6 : i32
      %get3A_743 = arith.index_cast %get3A_742 : i32 to index
      %get3A_744 = arith.constant 96 : index
      %get3A_745 = tpu.vector_load %arg9[%get3A_743, %get3A_744] {strides = array<i32>} : memref<16x128xf32, #tpu.memory_space<vmem>>, vector<1x16xf32>,
      %get3A_746 = vector.shape_cast %get3A_745 : vector<1x16xf32> to vector<16xf32>
      %get3A_747 = arith.constant 6 : i32
      %get3A_748 = arith.index_cast %get3A_747 : i32 to index
      %get3A_749 = arith.constant 96 : index
      %get3A_750 = tpu.vector_load %arg11[%get3A_748, %get3A_749] {strides = array<i32>} : memref<16x128xf32, #tpu.memory_space<vmem>>, vector<1x16xf32>,
      %get3A_751 = vector.shape_cast %get3A_750 : vector<1x16xf32> to vector<16xf32>
      %mul3A_752 = arith.mulf %get3A_746, %get3A_751 : vector<16xf32>
      %add3A_753 = arith.addf %add3A_741, %mul3A_752 : vector<16xf32>
      %get3A_754 = arith.constant 6 : i32
      %get3A_755 = arith.index_cast %get3A_754 : i32 to index
      %get3A_756 = arith.constant 112 : index
      %get3A_757 = tpu.vector_load %arg9[%get3A_755, %get3A_756] {strides = array<i32>} : memref<16x128xf32, #tpu.memory_space<vmem>>, vector<1x16xf32>,
      %get3A_758 = vector.shape_cast %get3A_757 : vector<1x16xf32> to vector<16xf32>
      %get3A_759 = arith.constant 6 : i32
      %get3A_760 = arith.index_cast %get3A_759 : i32 to index
      %get3A_761 = arith.constant 112 : index
      %get3A_762 = tpu.vector_load %arg11[%get3A_760, %get3A_761] {strides = array<i32>} : memref<16x128xf32, #tpu.memory_space<vmem>>, vector<1x16xf32>,
      %get3A_763 = vector.shape_cast %get3A_762 : vector<1x16xf32> to vector<16xf32>
      %mul3A_764 = arith.mulf %get3A_758, %get3A_763 : vector<16xf32>
      %add3A_765 = arith.addf %add3A_753, %mul3A_764 : vector<16xf32>
      %swap3A_766 = arith.constant 96 : index
      %swap3A_767 = tpu.vector_load %arg14[%swap3A_766] {strides = array<i32>} : memref<256xf32, #tpu.memory_space<vmem>>, vector<16xf32>,
      %swap3A_768 = vector.shape_cast %swap3A_767 : vector<16xf32> to vector<16xf32>
      %swap3A_769 = vector.shape_cast %add3A_765 : vector<16xf32> to vector<16xf32>
      tpu.vector_store %arg14[%swap3A_766], %swap3A_769 {strides = array<i32>} : memref<256xf32, #tpu.memory_space<vmem>>, vector<16xf32>,
      %get3A_770 = arith.constant 14 : i32
      %get3A_771 = arith.index_cast %get3A_770 : i32 to index
      %get3A_772 = arith.constant 0 : index
      %get3A_773 = tpu.vector_load %arg9[%get3A_771, %get3A_772] {strides = array<i32>} : memref<16x128xf32, #tpu.memory_space<vmem>>, vector<1x16xf32>,
      %get3A_774 = vector.shape_cast %get3A_773 : vector<1x16xf32> to vector<16xf32>
      %get3A_775 = arith.constant 14 : i32
      %get3A_776 = arith.index_cast %get3A_775 : i32 to index
      %get3A_777 = arith.constant 0 : index
      %get3A_778 = tpu.vector_load %arg11[%get3A_776, %get3A_777] {strides = array<i32>} : memref<16x128xf32, #tpu.memory_space<vmem>>, vector<1x16xf32>,
      %get3A_779 = vector.shape_cast %get3A_778 : vector<1x16xf32> to vector<16xf32>
      %mul3A_780 = arith.mulf %get3A_774, %get3A_779 : vector<16xf32>
      %get3A_781 = arith.constant 14 : i32
      %get3A_782 = arith.index_cast %get3A_781 : i32 to index
      %get3A_783 = arith.constant 16 : index
      %get3A_784 = tpu.vector_load %arg9[%get3A_782, %get3A_783] {strides = array<i32>} : memref<16x128xf32, #tpu.memory_space<vmem>>, vector<1x16xf32>,
      %get3A_785 = vector.shape_cast %get3A_784 : vector<1x16xf32> to vector<16xf32>
      %get3A_786 = arith.constant 14 : i32
      %get3A_787 = arith.index_cast %get3A_786 : i32 to index
      %get3A_788 = arith.constant 16 : index
      %get3A_789 = tpu.vector_load %arg11[%get3A_787, %get3A_788] {strides = array<i32>} : memref<16x128xf32, #tpu.memory_space<vmem>>, vector<1x16xf32>,
      %get3A_790 = vector.shape_cast %get3A_789 : vector<1x16xf32> to vector<16xf32>
      %mul3A_791 = arith.mulf %get3A_785, %get3A_790 : vector<16xf32>
      %add3A_792 = arith.addf %mul3A_780, %mul3A_791 : vector<16xf32>
      %get3A_793 = arith.constant 14 : i32
      %get3A_794 = arith.index_cast %get3A_793 : i32 to index
      %get3A_795 = arith.constant 32 : index
      %get3A_796 = tpu.vector_load %arg9[%get3A_794, %get3A_795] {strides = array<i32>} : memref<16x128xf32, #tpu.memory_space<vmem>>, vector<1x16xf32>,
      %get3A_797 = vector.shape_cast %get3A_796 : vector<1x16xf32> to vector<16xf32>
      %get3A_798 = arith.constant 14 : i32
      %get3A_799 = arith.index_cast %get3A_798 : i32 to index
      %get3A_800 = arith.constant 32 : index
      %get3A_801 = tpu.vector_load %arg11[%get3A_799, %get3A_800] {strides = array<i32>} : memref<16x128xf32, #tpu.memory_space<vmem>>, vector<1x16xf32>,
      %get3A_802 = vector.shape_cast %get3A_801 : vector<1x16xf32> to vector<16xf32>
      %mul3A_803 = arith.mulf %get3A_797, %get3A_802 : vector<16xf32>
      %add3A_804 = arith.addf %add3A_792, %mul3A_803 : vector<16xf32>
      %get3A_805 = arith.constant 14 : i32
      %get3A_806 = arith.index_cast %get3A_805 : i32 to index
      %get3A_807 = arith.constant 48 : index
      %get3A_808 = tpu.vector_load %arg9[%get3A_806, %get3A_807] {strides = array<i32>} : memref<16x128xf32, #tpu.memory_space<vmem>>, vector<1x16xf32>,
      %get3A_809 = vector.shape_cast %get3A_808 : vector<1x16xf32> to vector<16xf32>
      %get3A_810 = arith.constant 14 : i32
      %get3A_811 = arith.index_cast %get3A_810 : i32 to index
      %get3A_812 = arith.constant 48 : index
      %get3A_813 = tpu.vector_load %arg11[%get3A_811, %get3A_812] {strides = array<i32>} : memref<16x128xf32, #tpu.memory_space<vmem>>, vector<1x16xf32>,
      %get3A_814 = vector.shape_cast %get3A_813 : vector<1x16xf32> to vector<16xf32>
      %mul3A_815 = arith.mulf %get3A_809, %get3A_814 : vector<16xf32>
      %add3A_816 = arith.addf %add3A_804, %mul3A_815 : vector<16xf32>
      %get3A_817 = arith.constant 14 : i32
      %get3A_818 = arith.index_cast %get3A_817 : i32 to index
      %get3A_819 = arith.constant 64 : index
      %get3A_820 = tpu.vector_load %arg9[%get3A_818, %get3A_819] {strides = array<i32>} : memref<16x128xf32, #tpu.memory_space<vmem>>, vector<1x16xf32>,
      %get3A_821 = vector.shape_cast %get3A_820 : vector<1x16xf32> to vector<16xf32>
      %get3A_822 = arith.constant 14 : i32
      %get3A_823 = arith.index_cast %get3A_822 : i32 to index
      %get3A_824 = arith.constant 64 : index
      %get3A_825 = tpu.vector_load %arg11[%get3A_823, %get3A_824] {strides = array<i32>} : memref<16x128xf32, #tpu.memory_space<vmem>>, vector<1x16xf32>,
      %get3A_826 = vector.shape_cast %get3A_825 : vector<1x16xf32> to vector<16xf32>
      %mul3A_827 = arith.mulf %get3A_821, %get3A_826 : vector<16xf32>
      %add3A_828 = arith.addf %add3A_816, %mul3A_827 : vector<16xf32>
      %get3A_829 = arith.constant 14 : i32
      %get3A_830 = arith.index_cast %get3A_829 : i32 to index
      %get3A_831 = arith.constant 80 : index
      %get3A_832 = tpu.vector_load %arg9[%get3A_830, %get3A_831] {strides = array<i32>} : memref<16x128xf32, #tpu.memory_space<vmem>>, vector<1x16xf32>,
      %get3A_833 = vector.shape_cast %get3A_832 : vector<1x16xf32> to vector<16xf32>
      %get3A_834 = arith.constant 14 : i32
      %get3A_835 = arith.index_cast %get3A_834 : i32 to index
      %get3A_836 = arith.constant 80 : index
      %get3A_837 = tpu.vector_load %arg11[%get3A_835, %get3A_836] {strides = array<i32>} : memref<16x128xf32, #tpu.memory_space<vmem>>, vector<1x16xf32>,
      %get3A_838 = vector.shape_cast %get3A_837 : vector<1x16xf32> to vector<16xf32>
      %mul3A_839 = arith.mulf %get3A_833, %get3A_838 : vector<16xf32>
      %add3A_840 = arith.addf %add3A_828, %mul3A_839 : vector<16xf32>
      %get3A_841 = arith.constant 14 : i32
      %get3A_842 = arith.index_cast %get3A_841 : i32 to index
      %get3A_843 = arith.constant 96 : index
      %get3A_844 = tpu.vector_load %arg9[%get3A_842, %get3A_843] {strides = array<i32>} : memref<16x128xf32, #tpu.memory_space<vmem>>, vector<1x16xf32>,
      %get3A_845 = vector.shape_cast %get3A_844 : vector<1x16xf32> to vector<16xf32>
      %get3A_846 = arith.constant 14 : i32
      %get3A_847 = arith.index_cast %get3A_846 : i32 to index
      %get3A_848 = arith.constant 96 : index
      %get3A_849 = tpu.vector_load %arg11[%get3A_847, %get3A_848] {strides = array<i32>} : memref<16x128xf32, #tpu.memory_space<vmem>>, vector<1x16xf32>,
      %get3A_850 = vector.shape_cast %get3A_849 : vector<1x16xf32> to vector<16xf32>
      %mul3A_851 = arith.mulf %get3A_845, %get3A_850 : vector<16xf32>
      %add3A_852 = arith.addf %add3A_840, %mul3A_851 : vector<16xf32>
      %get3A_853 = arith.constant 14 : i32
      %get3A_854 = arith.index_cast %get3A_853 : i32 to index
      %get3A_855 = arith.constant 112 : index
      %get3A_856 = tpu.vector_load %arg9[%get3A_854, %get3A_855] {strides = array<i32>} : memref<16x128xf32, #tpu.memory_space<vmem>>, vector<1x16xf32>,
      %get3A_857 = vector.shape_cast %get3A_856 : vector<1x16xf32> to vector<16xf32>
      %get3A_858 = arith.constant 14 : i32
      %get3A_859 = arith.index_cast %get3A_858 : i32 to index
      %get3A_860 = arith.constant 112 : index
      %get3A_861 = tpu.vector_load %arg11[%get3A_859, %get3A_860] {strides = array<i32>} : memref<16x128xf32, #tpu.memory_space<vmem>>, vector<1x16xf32>,
      %get3A_862 = vector.shape_cast %get3A_861 : vector<1x16xf32> to vector<16xf32>
      %mul3A_863 = arith.mulf %get3A_857, %get3A_862 : vector<16xf32>
      %add3A_864 = arith.addf %add3A_852, %mul3A_863 : vector<16xf32>
      %swap3A_865 = arith.constant 112 : index
      %swap3A_866 = tpu.vector_load %arg14[%swap3A_865] {strides = array<i32>} : memref<256xf32, #tpu.memory_space<vmem>>, vector<16xf32>,
      %swap3A_867 = vector.shape_cast %swap3A_866 : vector<16xf32> to vector<16xf32>
      %swap3A_868 = vector.shape_cast %add3A_864 : vector<16xf32> to vector<16xf32>
      tpu.vector_store %arg14[%swap3A_865], %swap3A_868 {strides = array<i32>} : memref<256xf32, #tpu.memory_space<vmem>>, vector<16xf32>,
      %get3A_869 = arith.constant 1 : i32
      %get3A_870 = arith.index_cast %get3A_869 : i32 to index
      %get3A_871 = arith.constant 0 : index
      %get3A_872 = tpu.vector_load %arg9[%get3A_870, %get3A_871] {strides = array<i32>} : memref<16x128xf32, #tpu.memory_space<vmem>>, vector<1x16xf32>,
      %get3A_873 = vector.shape_cast %get3A_872 : vector<1x16xf32> to vector<16xf32>
      %get3A_874 = arith.constant 1 : i32
      %get3A_875 = arith.index_cast %get3A_874 : i32 to index
      %get3A_876 = arith.constant 0 : index
      %get3A_877 = tpu.vector_load %arg11[%get3A_875, %get3A_876] {strides = array<i32>} : memref<16x128xf32, #tpu.memory_space<vmem>>, vector<1x16xf32>,
      %get3A_878 = vector.shape_cast %get3A_877 : vector<1x16xf32> to vector<16xf32>
      %mul3A_879 = arith.mulf %get3A_873, %get3A_878 : vector<16xf32>
      %get3A_880 = arith.constant 1 : i32
      %get3A_881 = arith.index_cast %get3A_880 : i32 to index
      %get3A_882 = arith.constant 16 : index
      %get3A_883 = tpu.vector_load %arg9[%get3A_881, %get3A_882] {strides = array<i32>} : memref<16x128xf32, #tpu.memory_space<vmem>>, vector<1x16xf32>,
      %get3A_884 = vector.shape_cast %get3A_883 : vector<1x16xf32> to vector<16xf32>
      %get3A_885 = arith.constant 1 : i32
      %get3A_886 = arith.index_cast %get3A_885 : i32 to index
      %get3A_887 = arith.constant 16 : index
      %get3A_888 = tpu.vector_load %arg11[%get3A_886, %get3A_887] {strides = array<i32>} : memref<16x128xf32, #tpu.memory_space<vmem>>, vector<1x16xf32>,
      %get3A_889 = vector.shape_cast %get3A_888 : vector<1x16xf32> to vector<16xf32>
      %mul3A_890 = arith.mulf %get3A_884, %get3A_889 : vector<16xf32>
      %add3A_891 = arith.addf %mul3A_879, %mul3A_890 : vector<16xf32>
      %get3A_892 = arith.constant 1 : i32
      %get3A_893 = arith.index_cast %get3A_892 : i32 to index
      %get3A_894 = arith.constant 32 : index
      %get3A_895 = tpu.vector_load %arg9[%get3A_893, %get3A_894] {strides = array<i32>} : memref<16x128xf32, #tpu.memory_space<vmem>>, vector<1x16xf32>,
      %get3A_896 = vector.shape_cast %get3A_895 : vector<1x16xf32> to vector<16xf32>
      %get3A_897 = arith.constant 1 : i32
      %get3A_898 = arith.index_cast %get3A_897 : i32 to index
      %get3A_899 = arith.constant 32 : index
      %get3A_900 = tpu.vector_load %arg11[%get3A_898, %get3A_899] {strides = array<i32>} : memref<16x128xf32, #tpu.memory_space<vmem>>, vector<1x16xf32>,
      %get3A_901 = vector.shape_cast %get3A_900 : vector<1x16xf32> to vector<16xf32>
      %mul3A_902 = arith.mulf %get3A_896, %get3A_901 : vector<16xf32>
      %add3A_903 = arith.addf %add3A_891, %mul3A_902 : vector<16xf32>
      %get3A_904 = arith.constant 1 : i32
      %get3A_905 = arith.index_cast %get3A_904 : i32 to index
      %get3A_906 = arith.constant 48 : index
      %get3A_907 = tpu.vector_load %arg9[%get3A_905, %get3A_906] {strides = array<i32>} : memref<16x128xf32, #tpu.memory_space<vmem>>, vector<1x16xf32>,
      %get3A_908 = vector.shape_cast %get3A_907 : vector<1x16xf32> to vector<16xf32>
      %get3A_909 = arith.constant 1 : i32
      %get3A_910 = arith.index_cast %get3A_909 : i32 to index
      %get3A_911 = arith.constant 48 : index
      %get3A_912 = tpu.vector_load %arg11[%get3A_910, %get3A_911] {strides = array<i32>} : memref<16x128xf32, #tpu.memory_space<vmem>>, vector<1x16xf32>,
      %get3A_913 = vector.shape_cast %get3A_912 : vector<1x16xf32> to vector<16xf32>
      %mul3A_914 = arith.mulf %get3A_908, %get3A_913 : vector<16xf32>
      %add3A_915 = arith.addf %add3A_903, %mul3A_914 : vector<16xf32>
      %get3A_916 = arith.constant 1 : i32
      %get3A_917 = arith.index_cast %get3A_916 : i32 to index
      %get3A_918 = arith.constant 64 : index
      %get3A_919 = tpu.vector_load %arg9[%get3A_917, %get3A_918] {strides = array<i32>} : memref<16x128xf32, #tpu.memory_space<vmem>>, vector<1x16xf32>,
      %get3A_920 = vector.shape_cast %get3A_919 : vector<1x16xf32> to vector<16xf32>
      %get3A_921 = arith.constant 1 : i32
      %get3A_922 = arith.index_cast %get3A_921 : i32 to index
      %get3A_923 = arith.constant 64 : index
      %get3A_924 = tpu.vector_load %arg11[%get3A_922, %get3A_923] {strides = array<i32>} : memref<16x128xf32, #tpu.memory_space<vmem>>, vector<1x16xf32>,
      %get3A_925 = vector.shape_cast %get3A_924 : vector<1x16xf32> to vector<16xf32>
      %mul3A_926 = arith.mulf %get3A_920, %get3A_925 : vector<16xf32>
      %add3A_927 = arith.addf %add3A_915, %mul3A_926 : vector<16xf32>
      %get3A_928 = arith.constant 1 : i32
      %get3A_929 = arith.index_cast %get3A_928 : i32 to index
      %get3A_930 = arith.constant 80 : index
      %get3A_931 = tpu.vector_load %arg9[%get3A_929, %get3A_930] {strides = array<i32>} : memref<16x128xf32, #tpu.memory_space<vmem>>, vector<1x16xf32>,
      %get3A_932 = vector.shape_cast %get3A_931 : vector<1x16xf32> to vector<16xf32>
      %get3A_933 = arith.constant 1 : i32
      %get3A_934 = arith.index_cast %get3A_933 : i32 to index
      %get3A_935 = arith.constant 80 : index
      %get3A_936 = tpu.vector_load %arg11[%get3A_934, %get3A_935] {strides = array<i32>} : memref<16x128xf32, #tpu.memory_space<vmem>>, vector<1x16xf32>,
      %get3A_937 = vector.shape_cast %get3A_936 : vector<1x16xf32> to vector<16xf32>
      %mul3A_938 = arith.mulf %get3A_932, %get3A_937 : vector<16xf32>
      %add3A_939 = arith.addf %add3A_927, %mul3A_938 : vector<16xf32>
      %get3A_940 = arith.constant 1 : i32
      %get3A_941 = arith.index_cast %get3A_940 : i32 to index
      %get3A_942 = arith.constant 96 : index
      %get3A_943 = tpu.vector_load %arg9[%get3A_941, %get3A_942] {strides = array<i32>} : memref<16x128xf32, #tpu.memory_space<vmem>>, vector<1x16xf32>,
      %get3A_944 = vector.shape_cast %get3A_943 : vector<1x16xf32> to vector<16xf32>
      %get3A_945 = arith.constant 1 : i32
      %get3A_946 = arith.index_cast %get3A_945 : i32 to index
      %get3A_947 = arith.constant 96 : index
      %get3A_948 = tpu.vector_load %arg11[%get3A_946, %get3A_947] {strides = array<i32>} : memref<16x128xf32, #tpu.memory_space<vmem>>, vector<1x16xf32>,
      %get3A_949 = vector.shape_cast %get3A_948 : vector<1x16xf32> to vector<16xf32>
      %mul3A_950 = arith.mulf %get3A_944, %get3A_949 : vector<16xf32>
      %add3A_951 = arith.addf %add3A_939, %mul3A_950 : vector<16xf32>
      %get3A_952 = arith.constant 1 : i32
      %get3A_953 = arith.index_cast %get3A_952 : i32 to index
      %get3A_954 = arith.constant 112 : index
      %get3A_955 = tpu.vector_load %arg9[%get3A_953, %get3A_954] {strides = array<i32>} : memref<16x128xf32, #tpu.memory_space<vmem>>, vector<1x16xf32>,
      %get3A_956 = vector.shape_cast %get3A_955 : vector<1x16xf32> to vector<16xf32>
      %get3A_957 = arith.constant 1 : i32
      %get3A_958 = arith.index_cast %get3A_957 : i32 to index
      %get3A_959 = arith.constant 112 : index
      %get3A_960 = tpu.vector_load %arg11[%get3A_958, %get3A_959] {strides = array<i32>} : memref<16x128xf32, #tpu.memory_space<vmem>>, vector<1x16xf32>,
      %get3A_961 = vector.shape_cast %get3A_960 : vector<1x16xf32> to vector<16xf32>
      %mul3A_962 = arith.mulf %get3A_956, %get3A_961 : vector<16xf32>
      %add3A_963 = arith.addf %add3A_951, %mul3A_962 : vector<16xf32>
      %swap3A_964 = arith.constant 128 : index
      %swap3A_965 = tpu.vector_load %arg14[%swap3A_964] {strides = array<i32>} : memref<256xf32, #tpu.memory_space<vmem>>, vector<16xf32>,
      %swap3A_966 = vector.shape_cast %swap3A_965 : vector<16xf32> to vector<16xf32>
      %swap3A_967 = vector.shape_cast %add3A_963 : vector<16xf32> to vector<16xf32>
      tpu.vector_store %arg14[%swap3A_964], %swap3A_967 {strides = array<i32>} : memref<256xf32, #tpu.memory_space<vmem>>, vector<16xf32>,
      %get3A_968 = arith.constant 9 : i32
      %get3A_969 = arith.index_cast %get3A_968 : i32 to index
      %get3A_970 = arith.constant 0 : index
      %get3A_971 = tpu.vector_load %arg9[%get3A_969, %get3A_970] {strides = array<i32>} : memref<16x128xf32, #tpu.memory_space<vmem>>, vector<1x16xf32>,
      %get3A_972 = vector.shape_cast %get3A_971 : vector<1x16xf32> to vector<16xf32>
      %get3A_973 = arith.constant 9 : i32
      %get3A_974 = arith.index_cast %get3A_973 : i32 to index
      %get3A_975 = arith.constant 0 : index
      %get3A_976 = tpu.vector_load %arg11[%get3A_974, %get3A_975] {strides = array<i32>} : memref<16x128xf32, #tpu.memory_space<vmem>>, vector<1x16xf32>,
      %get3A_977 = vector.shape_cast %get3A_976 : vector<1x16xf32> to vector<16xf32>
      %mul3A_978 = arith.mulf %get3A_972, %get3A_977 : vector<16xf32>
      %get3A_979 = arith.constant 9 : i32
      %get3A_980 = arith.index_cast %get3A_979 : i32 to index
      %get3A_981 = arith.constant 16 : index
      %get3A_982 = tpu.vector_load %arg9[%get3A_980, %get3A_981] {strides = array<i32>} : memref<16x128xf32, #tpu.memory_space<vmem>>, vector<1x16xf32>,
      %get3A_983 = vector.shape_cast %get3A_982 : vector<1x16xf32> to vector<16xf32>
      %get3A_984 = arith.constant 9 : i32
      %get3A_985 = arith.index_cast %get3A_984 : i32 to index
      %get3A_986 = arith.constant 16 : index
      %get3A_987 = tpu.vector_load %arg11[%get3A_985, %get3A_986] {strides = array<i32>} : memref<16x128xf32, #tpu.memory_space<vmem>>, vector<1x16xf32>,
      %get3A_988 = vector.shape_cast %get3A_987 : vector<1x16xf32> to vector<16xf32>
      %mul3A_989 = arith.mulf %get3A_983, %get3A_988 : vector<16xf32>
      %add3A_990 = arith.addf %mul3A_978, %mul3A_989 : vector<16xf32>
      %get3A_991 = arith.constant 9 : i32
      %get3A_992 = arith.index_cast %get3A_991 : i32 to index
      %get3A_993 = arith.constant 32 : index
      %get3A_994 = tpu.vector_load %arg9[%get3A_992, %get3A_993] {strides = array<i32>} : memref<16x128xf32, #tpu.memory_space<vmem>>, vector<1x16xf32>,
      %get3A_995 = vector.shape_cast %get3A_994 : vector<1x16xf32> to vector<16xf32>
      %get3A_996 = arith.constant 9 : i32
      %get3A_997 = arith.index_cast %get3A_996 : i32 to index
      %get3A_998 = arith.constant 32 : index
      %get3A_999 = tpu.vector_load %arg11[%get3A_997, %get3A_998] {strides = array<i32>} : memref<16x128xf32, #tpu.memory_space<vmem>>, vector<1x16xf32>,
      %get3A_1000 = vector.shape_cast %get3A_999 : vector<1x16xf32> to vector<16xf32>
      %mul3A_1001 = arith.mulf %get3A_995, %get3A_1000 : vector<16xf32>
      %add3A_1002 = arith.addf %add3A_990, %mul3A_1001 : vector<16xf32>
      %get3A_1003 = arith.constant 9 : i32
      %get3A_1004 = arith.index_cast %get3A_1003 : i32 to index
      %get3A_1005 = arith.constant 48 : index
      %get3A_1006 = tpu.vector_load %arg9[%get3A_1004, %get3A_1005] {strides = array<i32>} : memref<16x128xf32, #tpu.memory_space<vmem>>, vector<1x16xf32>,
      %get3A_1007 = vector.shape_cast %get3A_1006 : vector<1x16xf32> to vector<16xf32>
      %get3A_1008 = arith.constant 9 : i32
      %get3A_1009 = arith.index_cast %get3A_1008 : i32 to index
      %get3A_1010 = arith.constant 48 : index
      %get3A_1011 = tpu.vector_load %arg11[%get3A_1009, %get3A_1010] {strides = array<i32>} : memref<16x128xf32, #tpu.memory_space<vmem>>, vector<1x16xf32>,
      %get3A_1012 = vector.shape_cast %get3A_1011 : vector<1x16xf32> to vector<16xf32>
      %mul3A_1013 = arith.mulf %get3A_1007, %get3A_1012 : vector<16xf32>
      %add3A_1014 = arith.addf %add3A_1002, %mul3A_1013 : vector<16xf32>
      %get3A_1015 = arith.constant 9 : i32
      %get3A_1016 = arith.index_cast %get3A_1015 : i32 to index
      %get3A_1017 = arith.constant 64 : index
      %get3A_1018 = tpu.vector_load %arg9[%get3A_1016, %get3A_1017] {strides = array<i32>} : memref<16x128xf32, #tpu.memory_space<vmem>>, vector<1x16xf32>,
      %get3A_1019 = vector.shape_cast %get3A_1018 : vector<1x16xf32> to vector<16xf32>
      %get3A_1020 = arith.constant 9 : i32
      %get3A_1021 = arith.index_cast %get3A_1020 : i32 to index
      %get3A_1022 = arith.constant 64 : index
      %get3A_1023 = tpu.vector_load %arg11[%get3A_1021, %get3A_1022] {strides = array<i32>} : memref<16x128xf32, #tpu.memory_space<vmem>>, vector<1x16xf32>,
      %get3A_1024 = vector.shape_cast %get3A_1023 : vector<1x16xf32> to vector<16xf32>
      %mul3A_1025 = arith.mulf %get3A_1019, %get3A_1024 : vector<16xf32>
      %add3A_1026 = arith.addf %add3A_1014, %mul3A_1025 : vector<16xf32>
      %get3A_1027 = arith.constant 9 : i32
      %get3A_1028 = arith.index_cast %get3A_1027 : i32 to index
      %get3A_1029 = arith.constant 80 : index
      %get3A_1030 = tpu.vector_load %arg9[%get3A_1028, %get3A_1029] {strides = array<i32>} : memref<16x128xf32, #tpu.memory_space<vmem>>, vector<1x16xf32>,
      %get3A_1031 = vector.shape_cast %get3A_1030 : vector<1x16xf32> to vector<16xf32>
      %get3A_1032 = arith.constant 9 : i32
      %get3A_1033 = arith.index_cast %get3A_1032 : i32 to index
      %get3A_1034 = arith.constant 80 : index
      %get3A_1035 = tpu.vector_load %arg11[%get3A_1033, %get3A_1034] {strides = array<i32>} : memref<16x128xf32, #tpu.memory_space<vmem>>, vector<1x16xf32>,
      %get3A_1036 = vector.shape_cast %get3A_1035 : vector<1x16xf32> to vector<16xf32>
      %mul3A_1037 = arith.mulf %get3A_1031, %get3A_1036 : vector<16xf32>
      %add3A_1038 = arith.addf %add3A_1026, %mul3A_1037 : vector<16xf32>
      %get3A_1039 = arith.constant 9 : i32
      %get3A_1040 = arith.index_cast %get3A_1039 : i32 to index
      %get3A_1041 = arith.constant 96 : index
      %get3A_1042 = tpu.vector_load %arg9[%get3A_1040, %get3A_1041] {strides = array<i32>} : memref<16x128xf32, #tpu.memory_space<vmem>>, vector<1x16xf32>,
      %get3A_1043 = vector.shape_cast %get3A_1042 : vector<1x16xf32> to vector<16xf32>
      %get3A_1044 = arith.constant 9 : i32
      %get3A_1045 = arith.index_cast %get3A_1044 : i32 to index
      %get3A_1046 = arith.constant 96 : index
      %get3A_1047 = tpu.vector_load %arg11[%get3A_1045, %get3A_1046] {strides = array<i32>} : memref<16x128xf32, #tpu.memory_space<vmem>>, vector<1x16xf32>,
      %get3A_1048 = vector.shape_cast %get3A_1047 : vector<1x16xf32> to vector<16xf32>
      %mul3A_1049 = arith.mulf %get3A_1043, %get3A_1048 : vector<16xf32>
      %add3A_1050 = arith.addf %add3A_1038, %mul3A_1049 : vector<16xf32>
      %get3A_1051 = arith.constant 9 : i32
      %get3A_1052 = arith.index_cast %get3A_1051 : i32 to index
      %get3A_1053 = arith.constant 112 : index
      %get3A_1054 = tpu.vector_load %arg9[%get3A_1052, %get3A_1053] {strides = array<i32>} : memref<16x128xf32, #tpu.memory_space<vmem>>, vector<1x16xf32>,
      %get3A_1055 = vector.shape_cast %get3A_1054 : vector<1x16xf32> to vector<16xf32>
      %get3A_1056 = arith.constant 9 : i32
      %get3A_1057 = arith.index_cast %get3A_1056 : i32 to index
      %get3A_1058 = arith.constant 112 : index
      %get3A_1059 = tpu.vector_load %arg11[%get3A_1057, %get3A_1058] {strides = array<i32>} : memref<16x128xf32, #tpu.memory_space<vmem>>, vector<1x16xf32>,
      %get3A_1060 = vector.shape_cast %get3A_1059 : vector<1x16xf32> to vector<16xf32>
      %mul3A_1061 = arith.mulf %get3A_1055, %get3A_1060 : vector<16xf32>
      %add3A_1062 = arith.addf %add3A_1050, %mul3A_1061 : vector<16xf32>
      %swap3A_1063 = arith.constant 144 : index
      %swap3A_1064 = tpu.vector_load %arg14[%swap3A_1063] {strides = array<i32>} : memref<256xf32, #tpu.memory_space<vmem>>, vector<16xf32>,
      %swap3A_1065 = vector.shape_cast %swap3A_1064 : vector<16xf32> to vector<16xf32>
      %swap3A_1066 = vector.shape_cast %add3A_1062 : vector<16xf32> to vector<16xf32>
      tpu.vector_store %arg14[%swap3A_1063], %swap3A_1066 {strides = array<i32>} : memref<256xf32, #tpu.memory_space<vmem>>, vector<16xf32>,
      %get3A_1067 = arith.constant 5 : i32
      %get3A_1068 = arith.index_cast %get3A_1067 : i32 to index
      %get3A_1069 = arith.constant 0 : index
      %get3A_1070 = tpu.vector_load %arg9[%get3A_1068, %get3A_1069] {strides = array<i32>} : memref<16x128xf32, #tpu.memory_space<vmem>>, vector<1x16xf32>,
      %get3A_1071 = vector.shape_cast %get3A_1070 : vector<1x16xf32> to vector<16xf32>
      %get3A_1072 = arith.constant 5 : i32
      %get3A_1073 = arith.index_cast %get3A_1072 : i32 to index
      %get3A_1074 = arith.constant 0 : index
      %get3A_1075 = tpu.vector_load %arg11[%get3A_1073, %get3A_1074] {strides = array<i32>} : memref<16x128xf32, #tpu.memory_space<vmem>>, vector<1x16xf32>,
      %get3A_1076 = vector.shape_cast %get3A_1075 : vector<1x16xf32> to vector<16xf32>
      %mul3A_1077 = arith.mulf %get3A_1071, %get3A_1076 : vector<16xf32>
      %get3A_1078 = arith.constant 5 : i32
      %get3A_1079 = arith.index_cast %get3A_1078 : i32 to index
      %get3A_1080 = arith.constant 16 : index
      %get3A_1081 = tpu.vector_load %arg9[%get3A_1079, %get3A_1080] {strides = array<i32>} : memref<16x128xf32, #tpu.memory_space<vmem>>, vector<1x16xf32>,
      %get3A_1082 = vector.shape_cast %get3A_1081 : vector<1x16xf32> to vector<16xf32>
      %get3A_1083 = arith.constant 5 : i32
      %get3A_1084 = arith.index_cast %get3A_1083 : i32 to index
      %get3A_1085 = arith.constant 16 : index
      %get3A_1086 = tpu.vector_load %arg11[%get3A_1084, %get3A_1085] {strides = array<i32>} : memref<16x128xf32, #tpu.memory_space<vmem>>, vector<1x16xf32>,
      %get3A_1087 = vector.shape_cast %get3A_1086 : vector<1x16xf32> to vector<16xf32>
      %mul3A_1088 = arith.mulf %get3A_1082, %get3A_1087 : vector<16xf32>
      %add3A_1089 = arith.addf %mul3A_1077, %mul3A_1088 : vector<16xf32>
      %get3A_1090 = arith.constant 5 : i32
      %get3A_1091 = arith.index_cast %get3A_1090 : i32 to index
      %get3A_1092 = arith.constant 32 : index
      %get3A_1093 = tpu.vector_load %arg9[%get3A_1091, %get3A_1092] {strides = array<i32>} : memref<16x128xf32, #tpu.memory_space<vmem>>, vector<1x16xf32>,
      %get3A_1094 = vector.shape_cast %get3A_1093 : vector<1x16xf32> to vector<16xf32>
      %get3A_1095 = arith.constant 5 : i32
      %get3A_1096 = arith.index_cast %get3A_1095 : i32 to index
      %get3A_1097 = arith.constant 32 : index
      %get3A_1098 = tpu.vector_load %arg11[%get3A_1096, %get3A_1097] {strides = array<i32>} : memref<16x128xf32, #tpu.memory_space<vmem>>, vector<1x16xf32>,
      %get3A_1099 = vector.shape_cast %get3A_1098 : vector<1x16xf32> to vector<16xf32>
      %mul3A_1100 = arith.mulf %get3A_1094, %get3A_1099 : vector<16xf32>
      %add3A_1101 = arith.addf %add3A_1089, %mul3A_1100 : vector<16xf32>
      %get3A_1102 = arith.constant 5 : i32
      %get3A_1103 = arith.index_cast %get3A_1102 : i32 to index
      %get3A_1104 = arith.constant 48 : index
      %get3A_1105 = tpu.vector_load %arg9[%get3A_1103, %get3A_1104] {strides = array<i32>} : memref<16x128xf32, #tpu.memory_space<vmem>>, vector<1x16xf32>,
      %get3A_1106 = vector.shape_cast %get3A_1105 : vector<1x16xf32> to vector<16xf32>
      %get3A_1107 = arith.constant 5 : i32
      %get3A_1108 = arith.index_cast %get3A_1107 : i32 to index
      %get3A_1109 = arith.constant 48 : index
      %get3A_1110 = tpu.vector_load %arg11[%get3A_1108, %get3A_1109] {strides = array<i32>} : memref<16x128xf32, #tpu.memory_space<vmem>>, vector<1x16xf32>,
      %get3A_1111 = vector.shape_cast %get3A_1110 : vector<1x16xf32> to vector<16xf32>
      %mul3A_1112 = arith.mulf %get3A_1106, %get3A_1111 : vector<16xf32>
      %add3A_1113 = arith.addf %add3A_1101, %mul3A_1112 : vector<16xf32>
      %get3A_1114 = arith.constant 5 : i32
      %get3A_1115 = arith.index_cast %get3A_1114 : i32 to index
      %get3A_1116 = arith.constant 64 : index
      %get3A_1117 = tpu.vector_load %arg9[%get3A_1115, %get3A_1116] {strides = array<i32>} : memref<16x128xf32, #tpu.memory_space<vmem>>, vector<1x16xf32>,
      %get3A_1118 = vector.shape_cast %get3A_1117 : vector<1x16xf32> to vector<16xf32>
      %get3A_1119 = arith.constant 5 : i32
      %get3A_1120 = arith.index_cast %get3A_1119 : i32 to index
      %get3A_1121 = arith.constant 64 : index
      %get3A_1122 = tpu.vector_load %arg11[%get3A_1120, %get3A_1121] {strides = array<i32>} : memref<16x128xf32, #tpu.memory_space<vmem>>, vector<1x16xf32>,
      %get3A_1123 = vector.shape_cast %get3A_1122 : vector<1x16xf32> to vector<16xf32>
      %mul3A_1124 = arith.mulf %get3A_1118, %get3A_1123 : vector<16xf32>
      %add3A_1125 = arith.addf %add3A_1113, %mul3A_1124 : vector<16xf32>
      %get3A_1126 = arith.constant 5 : i32
      %get3A_1127 = arith.index_cast %get3A_1126 : i32 to index
      %get3A_1128 = arith.constant 80 : index
      %get3A_1129 = tpu.vector_load %arg9[%get3A_1127, %get3A_1128] {strides = array<i32>} : memref<16x128xf32, #tpu.memory_space<vmem>>, vector<1x16xf32>,
      %get3A_1130 = vector.shape_cast %get3A_1129 : vector<1x16xf32> to vector<16xf32>
      %get3A_1131 = arith.constant 5 : i32
      %get3A_1132 = arith.index_cast %get3A_1131 : i32 to index
      %get3A_1133 = arith.constant 80 : index
      %get3A_1134 = tpu.vector_load %arg11[%get3A_1132, %get3A_1133] {strides = array<i32>} : memref<16x128xf32, #tpu.memory_space<vmem>>, vector<1x16xf32>,
      %get3A_1135 = vector.shape_cast %get3A_1134 : vector<1x16xf32> to vector<16xf32>
      %mul3A_1136 = arith.mulf %get3A_1130, %get3A_1135 : vector<16xf32>
      %add3A_1137 = arith.addf %add3A_1125, %mul3A_1136 : vector<16xf32>
      %get3A_1138 = arith.constant 5 : i32
      %get3A_1139 = arith.index_cast %get3A_1138 : i32 to index
      %get3A_1140 = arith.constant 96 : index
      %get3A_1141 = tpu.vector_load %arg9[%get3A_1139, %get3A_1140] {strides = array<i32>} : memref<16x128xf32, #tpu.memory_space<vmem>>, vector<1x16xf32>,
      %get3A_1142 = vector.shape_cast %get3A_1141 : vector<1x16xf32> to vector<16xf32>
      %get3A_1143 = arith.constant 5 : i32
      %get3A_1144 = arith.index_cast %get3A_1143 : i32 to index
      %get3A_1145 = arith.constant 96 : index
      %get3A_1146 = tpu.vector_load %arg11[%get3A_1144, %get3A_1145] {strides = array<i32>} : memref<16x128xf32, #tpu.memory_space<vmem>>, vector<1x16xf32>,
      %get3A_1147 = vector.shape_cast %get3A_1146 : vector<1x16xf32> to vector<16xf32>
      %mul3A_1148 = arith.mulf %get3A_1142, %get3A_1147 : vector<16xf32>
      %add3A_1149 = arith.addf %add3A_1137, %mul3A_1148 : vector<16xf32>
      %get3A_1150 = arith.constant 5 : i32
      %get3A_1151 = arith.index_cast %get3A_1150 : i32 to index
      %get3A_1152 = arith.constant 112 : index
      %get3A_1153 = tpu.vector_load %arg9[%get3A_1151, %get3A_1152] {strides = array<i32>} : memref<16x128xf32, #tpu.memory_space<vmem>>, vector<1x16xf32>,
      %get3A_1154 = vector.shape_cast %get3A_1153 : vector<1x16xf32> to vector<16xf32>
      %get3A_1155 = arith.constant 5 : i32
      %get3A_1156 = arith.index_cast %get3A_1155 : i32 to index
      %get3A_1157 = arith.constant 112 : index
      %get3A_1158 = tpu.vector_load %arg11[%get3A_1156, %get3A_1157] {strides = array<i32>} : memref<16x128xf32, #tpu.memory_space<vmem>>, vector<1x16xf32>,
      %get3A_1159 = vector.shape_cast %get3A_1158 : vector<1x16xf32> to vector<16xf32>
      %mul3A_1160 = arith.mulf %get3A_1154, %get3A_1159 : vector<16xf32>
      %add3A_1161 = arith.addf %add3A_1149, %mul3A_1160 : vector<16xf32>
      %swap3A_1162 = arith.constant 160 : index
      %swap3A_1163 = tpu.vector_load %arg14[%swap3A_1162] {strides = array<i32>} : memref<256xf32, #tpu.memory_space<vmem>>, vector<16xf32>,
      %swap3A_1164 = vector.shape_cast %swap3A_1163 : vector<16xf32> to vector<16xf32>
      %swap3A_1165 = vector.shape_cast %add3A_1161 : vector<16xf32> to vector<16xf32>
      tpu.vector_store %arg14[%swap3A_1162], %swap3A_1165 {strides = array<i32>} : memref<256xf32, #tpu.memory_space<vmem>>, vector<16xf32>,
      %get3A_1166 = arith.constant 13 : i32
      %get3A_1167 = arith.index_cast %get3A_1166 : i32 to index
      %get3A_1168 = arith.constant 0 : index
      %get3A_1169 = tpu.vector_load %arg9[%get3A_1167, %get3A_1168] {strides = array<i32>} : memref<16x128xf32, #tpu.memory_space<vmem>>, vector<1x16xf32>,
      %get3A_1170 = vector.shape_cast %get3A_1169 : vector<1x16xf32> to vector<16xf32>
      %get3A_1171 = arith.constant 13 : i32
      %get3A_1172 = arith.index_cast %get3A_1171 : i32 to index
      %get3A_1173 = arith.constant 0 : index
      %get3A_1174 = tpu.vector_load %arg11[%get3A_1172, %get3A_1173] {strides = array<i32>} : memref<16x128xf32, #tpu.memory_space<vmem>>, vector<1x16xf32>,
      %get3A_1175 = vector.shape_cast %get3A_1174 : vector<1x16xf32> to vector<16xf32>
      %mul3A_1176 = arith.mulf %get3A_1170, %get3A_1175 : vector<16xf32>
      %get3A_1177 = arith.constant 13 : i32
      %get3A_1178 = arith.index_cast %get3A_1177 : i32 to index
      %get3A_1179 = arith.constant 16 : index
      %get3A_1180 = tpu.vector_load %arg9[%get3A_1178, %get3A_1179] {strides = array<i32>} : memref<16x128xf32, #tpu.memory_space<vmem>>, vector<1x16xf32>,
      %get3A_1181 = vector.shape_cast %get3A_1180 : vector<1x16xf32> to vector<16xf32>
      %get3A_1182 = arith.constant 13 : i32
      %get3A_1183 = arith.index_cast %get3A_1182 : i32 to index
      %get3A_1184 = arith.constant 16 : index
      %get3A_1185 = tpu.vector_load %arg11[%get3A_1183, %get3A_1184] {strides = array<i32>} : memref<16x128xf32, #tpu.memory_space<vmem>>, vector<1x16xf32>,
      %get3A_1186 = vector.shape_cast %get3A_1185 : vector<1x16xf32> to vector<16xf32>
      %mul3A_1187 = arith.mulf %get3A_1181, %get3A_1186 : vector<16xf32>
      %add3A_1188 = arith.addf %mul3A_1176, %mul3A_1187 : vector<16xf32>
      %get3A_1189 = arith.constant 13 : i32
      %get3A_1190 = arith.index_cast %get3A_1189 : i32 to index
      %get3A_1191 = arith.constant 32 : index
      %get3A_1192 = tpu.vector_load %arg9[%get3A_1190, %get3A_1191] {strides = array<i32>} : memref<16x128xf32, #tpu.memory_space<vmem>>, vector<1x16xf32>,
      %get3A_1193 = vector.shape_cast %get3A_1192 : vector<1x16xf32> to vector<16xf32>
      %get3A_1194 = arith.constant 13 : i32
      %get3A_1195 = arith.index_cast %get3A_1194 : i32 to index
      %get3A_1196 = arith.constant 32 : index
      %get3A_1197 = tpu.vector_load %arg11[%get3A_1195, %get3A_1196] {strides = array<i32>} : memref<16x128xf32, #tpu.memory_space<vmem>>, vector<1x16xf32>,
      %get3A_1198 = vector.shape_cast %get3A_1197 : vector<1x16xf32> to vector<16xf32>
      %mul3A_1199 = arith.mulf %get3A_1193, %get3A_1198 : vector<16xf32>
      %add3A_1200 = arith.addf %add3A_1188, %mul3A_1199 : vector<16xf32>
      %get3A_1201 = arith.constant 13 : i32
      %get3A_1202 = arith.index_cast %get3A_1201 : i32 to index
      %get3A_1203 = arith.constant 48 : index
      %get3A_1204 = tpu.vector_load %arg9[%get3A_1202, %get3A_1203] {strides = array<i32>} : memref<16x128xf32, #tpu.memory_space<vmem>>, vector<1x16xf32>,
      %get3A_1205 = vector.shape_cast %get3A_1204 : vector<1x16xf32> to vector<16xf32>
      %get3A_1206 = arith.constant 13 : i32
      %get3A_1207 = arith.index_cast %get3A_1206 : i32 to index
      %get3A_1208 = arith.constant 48 : index
      %get3A_1209 = tpu.vector_load %arg11[%get3A_1207, %get3A_1208] {strides = array<i32>} : memref<16x128xf32, #tpu.memory_space<vmem>>, vector<1x16xf32>,
      %get3A_1210 = vector.shape_cast %get3A_1209 : vector<1x16xf32> to vector<16xf32>
      %mul3A_1211 = arith.mulf %get3A_1205, %get3A_1210 : vector<16xf32>
      %add3A_1212 = arith.addf %add3A_1200, %mul3A_1211 : vector<16xf32>
      %get3A_1213 = arith.constant 13 : i32
      %get3A_1214 = arith.index_cast %get3A_1213 : i32 to index
      %get3A_1215 = arith.constant 64 : index
      %get3A_1216 = tpu.vector_load %arg9[%get3A_1214, %get3A_1215] {strides = array<i32>} : memref<16x128xf32, #tpu.memory_space<vmem>>, vector<1x16xf32>,
      %get3A_1217 = vector.shape_cast %get3A_1216 : vector<1x16xf32> to vector<16xf32>
      %get3A_1218 = arith.constant 13 : i32
      %get3A_1219 = arith.index_cast %get3A_1218 : i32 to index
      %get3A_1220 = arith.constant 64 : index
      %get3A_1221 = tpu.vector_load %arg11[%get3A_1219, %get3A_1220] {strides = array<i32>} : memref<16x128xf32, #tpu.memory_space<vmem>>, vector<1x16xf32>,
      %get3A_1222 = vector.shape_cast %get3A_1221 : vector<1x16xf32> to vector<16xf32>
      %mul3A_1223 = arith.mulf %get3A_1217, %get3A_1222 : vector<16xf32>
      %add3A_1224 = arith.addf %add3A_1212, %mul3A_1223 : vector<16xf32>
      %get3A_1225 = arith.constant 13 : i32
      %get3A_1226 = arith.index_cast %get3A_1225 : i32 to index
      %get3A_1227 = arith.constant 80 : index
      %get3A_1228 = tpu.vector_load %arg9[%get3A_1226, %get3A_1227] {strides = array<i32>} : memref<16x128xf32, #tpu.memory_space<vmem>>, vector<1x16xf32>,
      %get3A_1229 = vector.shape_cast %get3A_1228 : vector<1x16xf32> to vector<16xf32>
      %get3A_1230 = arith.constant 13 : i32
      %get3A_1231 = arith.index_cast %get3A_1230 : i32 to index
      %get3A_1232 = arith.constant 80 : index
      %get3A_1233 = tpu.vector_load %arg11[%get3A_1231, %get3A_1232] {strides = array<i32>} : memref<16x128xf32, #tpu.memory_space<vmem>>, vector<1x16xf32>,
      %get3A_1234 = vector.shape_cast %get3A_1233 : vector<1x16xf32> to vector<16xf32>
      %mul3A_1235 = arith.mulf %get3A_1229, %get3A_1234 : vector<16xf32>
      %add3A_1236 = arith.addf %add3A_1224, %mul3A_1235 : vector<16xf32>
      %get3A_1237 = arith.constant 13 : i32
      %get3A_1238 = arith.index_cast %get3A_1237 : i32 to index
      %get3A_1239 = arith.constant 96 : index
      %get3A_1240 = tpu.vector_load %arg9[%get3A_1238, %get3A_1239] {strides = array<i32>} : memref<16x128xf32, #tpu.memory_space<vmem>>, vector<1x16xf32>,
      %get3A_1241 = vector.shape_cast %get3A_1240 : vector<1x16xf32> to vector<16xf32>
      %get3A_1242 = arith.constant 13 : i32
      %get3A_1243 = arith.index_cast %get3A_1242 : i32 to index
      %get3A_1244 = arith.constant 96 : index
      %get3A_1245 = tpu.vector_load %arg11[%get3A_1243, %get3A_1244] {strides = array<i32>} : memref<16x128xf32, #tpu.memory_space<vmem>>, vector<1x16xf32>,
      %get3A_1246 = vector.shape_cast %get3A_1245 : vector<1x16xf32> to vector<16xf32>
      %mul3A_1247 = arith.mulf %get3A_1241, %get3A_1246 : vector<16xf32>
      %add3A_1248 = arith.addf %add3A_1236, %mul3A_1247 : vector<16xf32>
      %get3A_1249 = arith.constant 13 : i32
      %get3A_1250 = arith.index_cast %get3A_1249 : i32 to index
      %get3A_1251 = arith.constant 112 : index
      %get3A_1252 = tpu.vector_load %arg9[%get3A_1250, %get3A_1251] {strides = array<i32>} : memref<16x128xf32, #tpu.memory_space<vmem>>, vector<1x16xf32>,
      %get3A_1253 = vector.shape_cast %get3A_1252 : vector<1x16xf32> to vector<16xf32>
      %get3A_1254 = arith.constant 13 : i32
      %get3A_1255 = arith.index_cast %get3A_1254 : i32 to index
      %get3A_1256 = arith.constant 112 : index
      %get3A_1257 = tpu.vector_load %arg11[%get3A_1255, %get3A_1256] {strides = array<i32>} : memref<16x128xf32, #tpu.memory_space<vmem>>, vector<1x16xf32>,
      %get3A_1258 = vector.shape_cast %get3A_1257 : vector<1x16xf32> to vector<16xf32>
      %mul3A_1259 = arith.mulf %get3A_1253, %get3A_1258 : vector<16xf32>
      %add3A_1260 = arith.addf %add3A_1248, %mul3A_1259 : vector<16xf32>
      %swap3A_1261 = arith.constant 176 : index
      %swap3A_1262 = tpu.vector_load %arg14[%swap3A_1261] {strides = array<i32>} : memref<256xf32, #tpu.memory_space<vmem>>, vector<16xf32>,
      %swap3A_1263 = vector.shape_cast %swap3A_1262 : vector<16xf32> to vector<16xf32>
      %swap3A_1264 = vector.shape_cast %add3A_1260 : vector<16xf32> to vector<16xf32>
      tpu.vector_store %arg14[%swap3A_1261], %swap3A_1264 {strides = array<i32>} : memref<256xf32, #tpu.memory_space<vmem>>, vector<16xf32>,
      %get3A_1265 = arith.constant 3 : i32
      %get3A_1266 = arith.index_cast %get3A_1265 : i32 to index
      %get3A_1267 = arith.constant 0 : index
      %get3A_1268 = tpu.vector_load %arg9[%get3A_1266, %get3A_1267] {strides = array<i32>} : memref<16x128xf32, #tpu.memory_space<vmem>>, vector<1x16xf32>,
      %get3A_1269 = vector.shape_cast %get3A_1268 : vector<1x16xf32> to vector<16xf32>
      %get3A_1270 = arith.constant 3 : i32
      %get3A_1271 = arith.index_cast %get3A_1270 : i32 to index
      %get3A_1272 = arith.constant 0 : index
      %get3A_1273 = tpu.vector_load %arg11[%get3A_1271, %get3A_1272] {strides = array<i32>} : memref<16x128xf32, #tpu.memory_space<vmem>>, vector<1x16xf32>,
      %get3A_1274 = vector.shape_cast %get3A_1273 : vector<1x16xf32> to vector<16xf32>
      %mul3A_1275 = arith.mulf %get3A_1269, %get3A_1274 : vector<16xf32>
      %get3A_1276 = arith.constant 3 : i32
      %get3A_1277 = arith.index_cast %get3A_1276 : i32 to index
      %get3A_1278 = arith.constant 16 : index
      %get3A_1279 = tpu.vector_load %arg9[%get3A_1277, %get3A_1278] {strides = array<i32>} : memref<16x128xf32, #tpu.memory_space<vmem>>, vector<1x16xf32>,
      %get3A_1280 = vector.shape_cast %get3A_1279 : vector<1x16xf32> to vector<16xf32>
      %get3A_1281 = arith.constant 3 : i32
      %get3A_1282 = arith.index_cast %get3A_1281 : i32 to index
      %get3A_1283 = arith.constant 16 : index
      %get3A_1284 = tpu.vector_load %arg11[%get3A_1282, %get3A_1283] {strides = array<i32>} : memref<16x128xf32, #tpu.memory_space<vmem>>, vector<1x16xf32>,
      %get3A_1285 = vector.shape_cast %get3A_1284 : vector<1x16xf32> to vector<16xf32>
      %mul3A_1286 = arith.mulf %get3A_1280, %get3A_1285 : vector<16xf32>
      %add3A_1287 = arith.addf %mul3A_1275, %mul3A_1286 : vector<16xf32>
      %get3A_1288 = arith.constant 3 : i32
      %get3A_1289 = arith.index_cast %get3A_1288 : i32 to index
      %get3A_1290 = arith.constant 32 : index
      %get3A_1291 = tpu.vector_load %arg9[%get3A_1289, %get3A_1290] {strides = array<i32>} : memref<16x128xf32, #tpu.memory_space<vmem>>, vector<1x16xf32>,
      %get3A_1292 = vector.shape_cast %get3A_1291 : vector<1x16xf32> to vector<16xf32>
      %get3A_1293 = arith.constant 3 : i32
      %get3A_1294 = arith.index_cast %get3A_1293 : i32 to index
      %get3A_1295 = arith.constant 32 : index
      %get3A_1296 = tpu.vector_load %arg11[%get3A_1294, %get3A_1295] {strides = array<i32>} : memref<16x128xf32, #tpu.memory_space<vmem>>, vector<1x16xf32>,
      %get3A_1297 = vector.shape_cast %get3A_1296 : vector<1x16xf32> to vector<16xf32>
      %mul3A_1298 = arith.mulf %get3A_1292, %get3A_1297 : vector<16xf32>
      %add3A_1299 = arith.addf %add3A_1287, %mul3A_1298 : vector<16xf32>
      %get3A_1300 = arith.constant 3 : i32
      %get3A_1301 = arith.index_cast %get3A_1300 : i32 to index
      %get3A_1302 = arith.constant 48 : index
      %get3A_1303 = tpu.vector_load %arg9[%get3A_1301, %get3A_1302] {strides = array<i32>} : memref<16x128xf32, #tpu.memory_space<vmem>>, vector<1x16xf32>,
      %get3A_1304 = vector.shape_cast %get3A_1303 : vector<1x16xf32> to vector<16xf32>
      %get3A_1305 = arith.constant 3 : i32
      %get3A_1306 = arith.index_cast %get3A_1305 : i32 to index
      %get3A_1307 = arith.constant 48 : index
      %get3A_1308 = tpu.vector_load %arg11[%get3A_1306, %get3A_1307] {strides = array<i32>} : memref<16x128xf32, #tpu.memory_space<vmem>>, vector<1x16xf32>,
      %get3A_1309 = vector.shape_cast %get3A_1308 : vector<1x16xf32> to vector<16xf32>
      %mul3A_1310 = arith.mulf %get3A_1304, %get3A_1309 : vector<16xf32>
      %add3A_1311 = arith.addf %add3A_1299, %mul3A_1310 : vector<16xf32>
      %get3A_1312 = arith.constant 3 : i32
      %get3A_1313 = arith.index_cast %get3A_1312 : i32 to index
      %get3A_1314 = arith.constant 64 : index
      %get3A_1315 = tpu.vector_load %arg9[%get3A_1313, %get3A_1314] {strides = array<i32>} : memref<16x128xf32, #tpu.memory_space<vmem>>, vector<1x16xf32>,
      %get3A_1316 = vector.shape_cast %get3A_1315 : vector<1x16xf32> to vector<16xf32>
      %get3A_1317 = arith.constant 3 : i32
      %get3A_1318 = arith.index_cast %get3A_1317 : i32 to index
      %get3A_1319 = arith.constant 64 : index
      %get3A_1320 = tpu.vector_load %arg11[%get3A_1318, %get3A_1319] {strides = array<i32>} : memref<16x128xf32, #tpu.memory_space<vmem>>, vector<1x16xf32>,
      %get3A_1321 = vector.shape_cast %get3A_1320 : vector<1x16xf32> to vector<16xf32>
      %mul3A_1322 = arith.mulf %get3A_1316, %get3A_1321 : vector<16xf32>
      %add3A_1323 = arith.addf %add3A_1311, %mul3A_1322 : vector<16xf32>
      %get3A_1324 = arith.constant 3 : i32
      %get3A_1325 = arith.index_cast %get3A_1324 : i32 to index
      %get3A_1326 = arith.constant 80 : index
      %get3A_1327 = tpu.vector_load %arg9[%get3A_1325, %get3A_1326] {strides = array<i32>} : memref<16x128xf32, #tpu.memory_space<vmem>>, vector<1x16xf32>,
      %get3A_1328 = vector.shape_cast %get3A_1327 : vector<1x16xf32> to vector<16xf32>
      %get3A_1329 = arith.constant 3 : i32
      %get3A_1330 = arith.index_cast %get3A_1329 : i32 to index
      %get3A_1331 = arith.constant 80 : index
      %get3A_1332 = tpu.vector_load %arg11[%get3A_1330, %get3A_1331] {strides = array<i32>} : memref<16x128xf32, #tpu.memory_space<vmem>>, vector<1x16xf32>,
      %get3A_1333 = vector.shape_cast %get3A_1332 : vector<1x16xf32> to vector<16xf32>
      %mul3A_1334 = arith.mulf %get3A_1328, %get3A_1333 : vector<16xf32>
      %add3A_1335 = arith.addf %add3A_1323, %mul3A_1334 : vector<16xf32>
      %get3A_1336 = arith.constant 3 : i32
      %get3A_1337 = arith.index_cast %get3A_1336 : i32 to index
      %get3A_1338 = arith.constant 96 : index
      %get3A_1339 = tpu.vector_load %arg9[%get3A_1337, %get3A_1338] {strides = array<i32>} : memref<16x128xf32, #tpu.memory_space<vmem>>, vector<1x16xf32>,
      %get3A_1340 = vector.shape_cast %get3A_1339 : vector<1x16xf32> to vector<16xf32>
      %get3A_1341 = arith.constant 3 : i32
      %get3A_1342 = arith.index_cast %get3A_1341 : i32 to index
      %get3A_1343 = arith.constant 96 : index
      %get3A_1344 = tpu.vector_load %arg11[%get3A_1342, %get3A_1343] {strides = array<i32>} : memref<16x128xf32, #tpu.memory_space<vmem>>, vector<1x16xf32>,
      %get3A_1345 = vector.shape_cast %get3A_1344 : vector<1x16xf32> to vector<16xf32>
      %mul3A_1346 = arith.mulf %get3A_1340, %get3A_1345 : vector<16xf32>
      %add3A_1347 = arith.addf %add3A_1335, %mul3A_1346 : vector<16xf32>
      %get3A_1348 = arith.constant 3 : i32
      %get3A_1349 = arith.index_cast %get3A_1348 : i32 to index
      %get3A_1350 = arith.constant 112 : index
      %get3A_1351 = tpu.vector_load %arg9[%get3A_1349, %get3A_1350] {strides = array<i32>} : memref<16x128xf32, #tpu.memory_space<vmem>>, vector<1x16xf32>,
      %get3A_1352 = vector.shape_cast %get3A_1351 : vector<1x16xf32> to vector<16xf32>
      %get3A_1353 = arith.constant 3 : i32
      %get3A_1354 = arith.index_cast %get3A_1353 : i32 to index
      %get3A_1355 = arith.constant 112 : index
      %get3A_1356 = tpu.vector_load %arg11[%get3A_1354, %get3A_1355] {strides = array<i32>} : memref<16x128xf32, #tpu.memory_space<vmem>>, vector<1x16xf32>,
      %get3A_1357 = vector.shape_cast %get3A_1356 : vector<1x16xf32> to vector<16xf32>
      %mul3A_1358 = arith.mulf %get3A_1352, %get3A_1357 : vector<16xf32>
      %add3A_1359 = arith.addf %add3A_1347, %mul3A_1358 : vector<16xf32>
      %swap3A_1360 = arith.constant 192 : index
      %swap3A_1361 = tpu.vector_load %arg14[%swap3A_1360] {strides = array<i32>} : memref<256xf32, #tpu.memory_space<vmem>>, vector<16xf32>,
      %swap3A_1362 = vector.shape_cast %swap3A_1361 : vector<16xf32> to vector<16xf32>
      %swap3A_1363 = vector.shape_cast %add3A_1359 : vector<16xf32> to vector<16xf32>
      tpu.vector_store %arg14[%swap3A_1360], %swap3A_1363 {strides = array<i32>} : memref<256xf32, #tpu.memory_space<vmem>>, vector<16xf32>,
      %get3A_1364 = arith.constant 11 : i32
      %get3A_1365 = arith.index_cast %get3A_1364 : i32 to index
      %get3A_1366 = arith.constant 0 : index
      %get3A_1367 = tpu.vector_load %arg9[%get3A_1365, %get3A_1366] {strides = array<i32>} : memref<16x128xf32, #tpu.memory_space<vmem>>, vector<1x16xf32>,
      %get3A_1368 = vector.shape_cast %get3A_1367 : vector<1x16xf32> to vector<16xf32>
      %get3A_1369 = arith.constant 11 : i32
      %get3A_1370 = arith.index_cast %get3A_1369 : i32 to index
      %get3A_1371 = arith.constant 0 : index
      %get3A_1372 = tpu.vector_load %arg11[%get3A_1370, %get3A_1371] {strides = array<i32>} : memref<16x128xf32, #tpu.memory_space<vmem>>, vector<1x16xf32>,
      %get3A_1373 = vector.shape_cast %get3A_1372 : vector<1x16xf32> to vector<16xf32>
      %mul3A_1374 = arith.mulf %get3A_1368, %get3A_1373 : vector<16xf32>
      %get3A_1375 = arith.constant 11 : i32
      %get3A_1376 = arith.index_cast %get3A_1375 : i32 to index
      %get3A_1377 = arith.constant 16 : index
      %get3A_1378 = tpu.vector_load %arg9[%get3A_1376, %get3A_1377] {strides = array<i32>} : memref<16x128xf32, #tpu.memory_space<vmem>>, vector<1x16xf32>,
      %get3A_1379 = vector.shape_cast %get3A_1378 : vector<1x16xf32> to vector<16xf32>
      %get3A_1380 = arith.constant 11 : i32
      %get3A_1381 = arith.index_cast %get3A_1380 : i32 to index
      %get3A_1382 = arith.constant 16 : index
      %get3A_1383 = tpu.vector_load %arg11[%get3A_1381, %get3A_1382] {strides = array<i32>} : memref<16x128xf32, #tpu.memory_space<vmem>>, vector<1x16xf32>,
      %get3A_1384 = vector.shape_cast %get3A_1383 : vector<1x16xf32> to vector<16xf32>
      %mul3A_1385 = arith.mulf %get3A_1379, %get3A_1384 : vector<16xf32>
      %add3A_1386 = arith.addf %mul3A_1374, %mul3A_1385 : vector<16xf32>
      %get3A_1387 = arith.constant 11 : i32
      %get3A_1388 = arith.index_cast %get3A_1387 : i32 to index
      %get3A_1389 = arith.constant 32 : index
      %get3A_1390 = tpu.vector_load %arg9[%get3A_1388, %get3A_1389] {strides = array<i32>} : memref<16x128xf32, #tpu.memory_space<vmem>>, vector<1x16xf32>,
      %get3A_1391 = vector.shape_cast %get3A_1390 : vector<1x16xf32> to vector<16xf32>
      %get3A_1392 = arith.constant 11 : i32
      %get3A_1393 = arith.index_cast %get3A_1392 : i32 to index
      %get3A_1394 = arith.constant 32 : index
      %get3A_1395 = tpu.vector_load %arg11[%get3A_1393, %get3A_1394] {strides = array<i32>} : memref<16x128xf32, #tpu.memory_space<vmem>>, vector<1x16xf32>,
      %get3A_1396 = vector.shape_cast %get3A_1395 : vector<1x16xf32> to vector<16xf32>
      %mul3A_1397 = arith.mulf %get3A_1391, %get3A_1396 : vector<16xf32>
      %add3A_1398 = arith.addf %add3A_1386, %mul3A_1397 : vector<16xf32>
      %get3A_1399 = arith.constant 11 : i32
      %get3A_1400 = arith.index_cast %get3A_1399 : i32 to index
      %get3A_1401 = arith.constant 48 : index
      %get3A_1402 = tpu.vector_load %arg9[%get3A_1400, %get3A_1401] {strides = array<i32>} : memref<16x128xf32, #tpu.memory_space<vmem>>, vector<1x16xf32>,
      %get3A_1403 = vector.shape_cast %get3A_1402 : vector<1x16xf32> to vector<16xf32>
      %get3A_1404 = arith.constant 11 : i32
      %get3A_1405 = arith.index_cast %get3A_1404 : i32 to index
      %get3A_1406 = arith.constant 48 : index
      %get3A_1407 = tpu.vector_load %arg11[%get3A_1405, %get3A_1406] {strides = array<i32>} : memref<16x128xf32, #tpu.memory_space<vmem>>, vector<1x16xf32>,
      %get3A_1408 = vector.shape_cast %get3A_1407 : vector<1x16xf32> to vector<16xf32>
      %mul3A_1409 = arith.mulf %get3A_1403, %get3A_1408 : vector<16xf32>
      %add3A_1410 = arith.addf %add3A_1398, %mul3A_1409 : vector<16xf32>
      %get3A_1411 = arith.constant 11 : i32
      %get3A_1412 = arith.index_cast %get3A_1411 : i32 to index
      %get3A_1413 = arith.constant 64 : index
      %get3A_1414 = tpu.vector_load %arg9[%get3A_1412, %get3A_1413] {strides = array<i32>} : memref<16x128xf32, #tpu.memory_space<vmem>>, vector<1x16xf32>,
      %get3A_1415 = vector.shape_cast %get3A_1414 : vector<1x16xf32> to vector<16xf32>
      %get3A_1416 = arith.constant 11 : i32
      %get3A_1417 = arith.index_cast %get3A_1416 : i32 to index
      %get3A_1418 = arith.constant 64 : index
      %get3A_1419 = tpu.vector_load %arg11[%get3A_1417, %get3A_1418] {strides = array<i32>} : memref<16x128xf32, #tpu.memory_space<vmem>>, vector<1x16xf32>,
      %get3A_1420 = vector.shape_cast %get3A_1419 : vector<1x16xf32> to vector<16xf32>
      %mul3A_1421 = arith.mulf %get3A_1415, %get3A_1420 : vector<16xf32>
      %add3A_1422 = arith.addf %add3A_1410, %mul3A_1421 : vector<16xf32>
      %get3A_1423 = arith.constant 11 : i32
      %get3A_1424 = arith.index_cast %get3A_1423 : i32 to index
      %get3A_1425 = arith.constant 80 : index
      %get3A_1426 = tpu.vector_load %arg9[%get3A_1424, %get3A_1425] {strides = array<i32>} : memref<16x128xf32, #tpu.memory_space<vmem>>, vector<1x16xf32>,
      %get3A_1427 = vector.shape_cast %get3A_1426 : vector<1x16xf32> to vector<16xf32>
      %get3A_1428 = arith.constant 11 : i32
      %get3A_1429 = arith.index_cast %get3A_1428 : i32 to index
      %get3A_1430 = arith.constant 80 : index
      %get3A_1431 = tpu.vector_load %arg11[%get3A_1429, %get3A_1430] {strides = array<i32>} : memref<16x128xf32, #tpu.memory_space<vmem>>, vector<1x16xf32>,
      %get3A_1432 = vector.shape_cast %get3A_1431 : vector<1x16xf32> to vector<16xf32>
      %mul3A_1433 = arith.mulf %get3A_1427, %get3A_1432 : vector<16xf32>
      %add3A_1434 = arith.addf %add3A_1422, %mul3A_1433 : vector<16xf32>
      %get3A_1435 = arith.constant 11 : i32
      %get3A_1436 = arith.index_cast %get3A_1435 : i32 to index
      %get3A_1437 = arith.constant 96 : index
      %get3A_1438 = tpu.vector_load %arg9[%get3A_1436, %get3A_1437] {strides = array<i32>} : memref<16x128xf32, #tpu.memory_space<vmem>>, vector<1x16xf32>,
      %get3A_1439 = vector.shape_cast %get3A_1438 : vector<1x16xf32> to vector<16xf32>
      %get3A_1440 = arith.constant 11 : i32
      %get3A_1441 = arith.index_cast %get3A_1440 : i32 to index
      %get3A_1442 = arith.constant 96 : index
      %get3A_1443 = tpu.vector_load %arg11[%get3A_1441, %get3A_1442] {strides = array<i32>} : memref<16x128xf32, #tpu.memory_space<vmem>>, vector<1x16xf32>,
      %get3A_1444 = vector.shape_cast %get3A_1443 : vector<1x16xf32> to vector<16xf32>
      %mul3A_1445 = arith.mulf %get3A_1439, %get3A_1444 : vector<16xf32>
      %add3A_1446 = arith.addf %add3A_1434, %mul3A_1445 : vector<16xf32>
      %get3A_1447 = arith.constant 11 : i32
      %get3A_1448 = arith.index_cast %get3A_1447 : i32 to index
      %get3A_1449 = arith.constant 112 : index
      %get3A_1450 = tpu.vector_load %arg9[%get3A_1448, %get3A_1449] {strides = array<i32>} : memref<16x128xf32, #tpu.memory_space<vmem>>, vector<1x16xf32>,
      %get3A_1451 = vector.shape_cast %get3A_1450 : vector<1x16xf32> to vector<16xf32>
      %get3A_1452 = arith.constant 11 : i32
      %get3A_1453 = arith.index_cast %get3A_1452 : i32 to index
      %get3A_1454 = arith.constant 112 : index
      %get3A_1455 = tpu.vector_load %arg11[%get3A_1453, %get3A_1454] {strides = array<i32>} : memref<16x128xf32, #tpu.memory_space<vmem>>, vector<1x16xf32>,
      %get3A_1456 = vector.shape_cast %get3A_1455 : vector<1x16xf32> to vector<16xf32>
      %mul3A_1457 = arith.mulf %get3A_1451, %get3A_1456 : vector<16xf32>
      %add3A_1458 = arith.addf %add3A_1446, %mul3A_1457 : vector<16xf32>
      %swap3A_1459 = arith.constant 208 : index
      %swap3A_1460 = tpu.vector_load %arg14[%swap3A_1459] {strides = array<i32>} : memref<256xf32, #tpu.memory_space<vmem>>, vector<16xf32>,
      %swap3A_1461 = vector.shape_cast %swap3A_1460 : vector<16xf32> to vector<16xf32>
      %swap3A_1462 = vector.shape_cast %add3A_1458 : vector<16xf32> to vector<16xf32>
      tpu.vector_store %arg14[%swap3A_1459], %swap3A_1462 {strides = array<i32>} : memref<256xf32, #tpu.memory_space<vmem>>, vector<16xf32>,
      %get3A_1463 = arith.constant 7 : i32
      %get3A_1464 = arith.index_cast %get3A_1463 : i32 to index
      %get3A_1465 = arith.constant 0 : index
      %get3A_1466 = tpu.vector_load %arg9[%get3A_1464, %get3A_1465] {strides = array<i32>} : memref<16x128xf32, #tpu.memory_space<vmem>>, vector<1x16xf32>,
      %get3A_1467 = vector.shape_cast %get3A_1466 : vector<1x16xf32> to vector<16xf32>
      %get3A_1468 = arith.constant 7 : i32
      %get3A_1469 = arith.index_cast %get3A_1468 : i32 to index
      %get3A_1470 = arith.constant 0 : index
      %get3A_1471 = tpu.vector_load %arg11[%get3A_1469, %get3A_1470] {strides = array<i32>} : memref<16x128xf32, #tpu.memory_space<vmem>>, vector<1x16xf32>,
      %get3A_1472 = vector.shape_cast %get3A_1471 : vector<1x16xf32> to vector<16xf32>
      %mul3A_1473 = arith.mulf %get3A_1467, %get3A_1472 : vector<16xf32>
      %get3A_1474 = arith.constant 7 : i32
      %get3A_1475 = arith.index_cast %get3A_1474 : i32 to index
      %get3A_1476 = arith.constant 16 : index
      %get3A_1477 = tpu.vector_load %arg9[%get3A_1475, %get3A_1476] {strides = array<i32>} : memref<16x128xf32, #tpu.memory_space<vmem>>, vector<1x16xf32>,
      %get3A_1478 = vector.shape_cast %get3A_1477 : vector<1x16xf32> to vector<16xf32>
      %get3A_1479 = arith.constant 7 : i32
      %get3A_1480 = arith.index_cast %get3A_1479 : i32 to index
      %get3A_1481 = arith.constant 16 : index
      %get3A_1482 = tpu.vector_load %arg11[%get3A_1480, %get3A_1481] {strides = array<i32>} : memref<16x128xf32, #tpu.memory_space<vmem>>, vector<1x16xf32>,
      %get3A_1483 = vector.shape_cast %get3A_1482 : vector<1x16xf32> to vector<16xf32>
      %mul3A_1484 = arith.mulf %get3A_1478, %get3A_1483 : vector<16xf32>
      %add3A_1485 = arith.addf %mul3A_1473, %mul3A_1484 : vector<16xf32>
      %get3A_1486 = arith.constant 7 : i32
      %get3A_1487 = arith.index_cast %get3A_1486 : i32 to index
      %get3A_1488 = arith.constant 32 : index
      %get3A_1489 = tpu.vector_load %arg9[%get3A_1487, %get3A_1488] {strides = array<i32>} : memref<16x128xf32, #tpu.memory_space<vmem>>, vector<1x16xf32>,
      %get3A_1490 = vector.shape_cast %get3A_1489 : vector<1x16xf32> to vector<16xf32>
      %get3A_1491 = arith.constant 7 : i32
      %get3A_1492 = arith.index_cast %get3A_1491 : i32 to index
      %get3A_1493 = arith.constant 32 : index
      %get3A_1494 = tpu.vector_load %arg11[%get3A_1492, %get3A_1493] {strides = array<i32>} : memref<16x128xf32, #tpu.memory_space<vmem>>, vector<1x16xf32>,
      %get3A_1495 = vector.shape_cast %get3A_1494 : vector<1x16xf32> to vector<16xf32>
      %mul3A_1496 = arith.mulf %get3A_1490, %get3A_1495 : vector<16xf32>
      %add3A_1497 = arith.addf %add3A_1485, %mul3A_1496 : vector<16xf32>
      %get3A_1498 = arith.constant 7 : i32
      %get3A_1499 = arith.index_cast %get3A_1498 : i32 to index
      %get3A_1500 = arith.constant 48 : index
      %get3A_1501 = tpu.vector_load %arg9[%get3A_1499, %get3A_1500] {strides = array<i32>} : memref<16x128xf32, #tpu.memory_space<vmem>>, vector<1x16xf32>,
      %get3A_1502 = vector.shape_cast %get3A_1501 : vector<1x16xf32> to vector<16xf32>
      %get3A_1503 = arith.constant 7 : i32
      %get3A_1504 = arith.index_cast %get3A_1503 : i32 to index
      %get3A_1505 = arith.constant 48 : index
      %get3A_1506 = tpu.vector_load %arg11[%get3A_1504, %get3A_1505] {strides = array<i32>} : memref<16x128xf32, #tpu.memory_space<vmem>>, vector<1x16xf32>,
      %get3A_1507 = vector.shape_cast %get3A_1506 : vector<1x16xf32> to vector<16xf32>
      %mul3A_1508 = arith.mulf %get3A_1502, %get3A_1507 : vector<16xf32>
      %add3A_1509 = arith.addf %add3A_1497, %mul3A_1508 : vector<16xf32>
      %get3A_1510 = arith.constant 7 : i32
      %get3A_1511 = arith.index_cast %get3A_1510 : i32 to index
      %get3A_1512 = arith.constant 64 : index
      %get3A_1513 = tpu.vector_load %arg9[%get3A_1511, %get3A_1512] {strides = array<i32>} : memref<16x128xf32, #tpu.memory_space<vmem>>, vector<1x16xf32>,
      %get3A_1514 = vector.shape_cast %get3A_1513 : vector<1x16xf32> to vector<16xf32>
      %get3A_1515 = arith.constant 7 : i32
      %get3A_1516 = arith.index_cast %get3A_1515 : i32 to index
      %get3A_1517 = arith.constant 64 : index
      %get3A_1518 = tpu.vector_load %arg11[%get3A_1516, %get3A_1517] {strides = array<i32>} : memref<16x128xf32, #tpu.memory_space<vmem>>, vector<1x16xf32>,
      %get3A_1519 = vector.shape_cast %get3A_1518 : vector<1x16xf32> to vector<16xf32>
      %mul3A_1520 = arith.mulf %get3A_1514, %get3A_1519 : vector<16xf32>
      %add3A_1521 = arith.addf %add3A_1509, %mul3A_1520 : vector<16xf32>
      %get3A_1522 = arith.constant 7 : i32
      %get3A_1523 = arith.index_cast %get3A_1522 : i32 to index
      %get3A_1524 = arith.constant 80 : index
      %get3A_1525 = tpu.vector_load %arg9[%get3A_1523, %get3A_1524] {strides = array<i32>} : memref<16x128xf32, #tpu.memory_space<vmem>>, vector<1x16xf32>,
      %get3A_1526 = vector.shape_cast %get3A_1525 : vector<1x16xf32> to vector<16xf32>
      %get3A_1527 = arith.constant 7 : i32
      %get3A_1528 = arith.index_cast %get3A_1527 : i32 to index
      %get3A_1529 = arith.constant 80 : index
      %get3A_1530 = tpu.vector_load %arg11[%get3A_1528, %get3A_1529] {strides = array<i32>} : memref<16x128xf32, #tpu.memory_space<vmem>>, vector<1x16xf32>,
      %get3A_1531 = vector.shape_cast %get3A_1530 : vector<1x16xf32> to vector<16xf32>
      %mul3A_1532 = arith.mulf %get3A_1526, %get3A_1531 : vector<16xf32>
      %add3A_1533 = arith.addf %add3A_1521, %mul3A_1532 : vector<16xf32>
      %get3A_1534 = arith.constant 7 : i32
      %get3A_1535 = arith.index_cast %get3A_1534 : i32 to index
      %get3A_1536 = arith.constant 96 : index
      %get3A_1537 = tpu.vector_load %arg9[%get3A_1535, %get3A_1536] {strides = array<i32>} : memref<16x128xf32, #tpu.memory_space<vmem>>, vector<1x16xf32>,
      %get3A_1538 = vector.shape_cast %get3A_1537 : vector<1x16xf32> to vector<16xf32>
      %get3A_1539 = arith.constant 7 : i32
      %get3A_1540 = arith.index_cast %get3A_1539 : i32 to index
      %get3A_1541 = arith.constant 96 : index
      %get3A_1542 = tpu.vector_load %arg11[%get3A_1540, %get3A_1541] {strides = array<i32>} : memref<16x128xf32, #tpu.memory_space<vmem>>, vector<1x16xf32>,
      %get3A_1543 = vector.shape_cast %get3A_1542 : vector<1x16xf32> to vector<16xf32>
      %mul3A_1544 = arith.mulf %get3A_1538, %get3A_1543 : vector<16xf32>
      %add3A_1545 = arith.addf %add3A_1533, %mul3A_1544 : vector<16xf32>
      %get3A_1546 = arith.constant 7 : i32
      %get3A_1547 = arith.index_cast %get3A_1546 : i32 to index
      %get3A_1548 = arith.constant 112 : index
      %get3A_1549 = tpu.vector_load %arg9[%get3A_1547, %get3A_1548] {strides = array<i32>} : memref<16x128xf32, #tpu.memory_space<vmem>>, vector<1x16xf32>,
      %get3A_1550 = vector.shape_cast %get3A_1549 : vector<1x16xf32> to vector<16xf32>
      %get3A_1551 = arith.constant 7 : i32
      %get3A_1552 = arith.index_cast %get3A_1551 : i32 to index
      %get3A_1553 = arith.constant 112 : index
      %get3A_1554 = tpu.vector_load %arg11[%get3A_1552, %get3A_1553] {strides = array<i32>} : memref<16x128xf32, #tpu.memory_space<vmem>>, vector<1x16xf32>,
      %get3A_1555 = vector.shape_cast %get3A_1554 : vector<1x16xf32> to vector<16xf32>
      %mul3A_1556 = arith.mulf %get3A_1550, %get3A_1555 : vector<16xf32>
      %add3A_1557 = arith.addf %add3A_1545, %mul3A_1556 : vector<16xf32>
      %swap3A_1558 = arith.constant 224 : index
      %swap3A_1559 = tpu.vector_load %arg14[%swap3A_1558] {strides = array<i32>} : memref<256xf32, #tpu.memory_space<vmem>>, vector<16xf32>,
      %swap3A_1560 = vector.shape_cast %swap3A_1559 : vector<16xf32> to vector<16xf32>
      %swap3A_1561 = vector.shape_cast %add3A_1557 : vector<16xf32> to vector<16xf32>
      tpu.vector_store %arg14[%swap3A_1558], %swap3A_1561 {strides = array<i32>} : memref<256xf32, #tpu.memory_space<vmem>>, vector<16xf32>,
      %get3A_1562 = arith.constant 15 : i32
      %get3A_1563 = arith.index_cast %get3A_1562 : i32 to index
      %get3A_1564 = arith.constant 0 : index
      %get3A_1565 = tpu.vector_load %arg9[%get3A_1563, %get3A_1564] {strides = array<i32>} : memref<16x128xf32, #tpu.memory_space<vmem>>, vector<1x16xf32>,
      %get3A_1566 = vector.shape_cast %get3A_1565 : vector<1x16xf32> to vector<16xf32>
      %get3A_1567 = arith.constant 15 : i32
      %get3A_1568 = arith.index_cast %get3A_1567 : i32 to index
      %get3A_1569 = arith.constant 0 : index
      %get3A_1570 = tpu.vector_load %arg11[%get3A_1568, %get3A_1569] {strides = array<i32>} : memref<16x128xf32, #tpu.memory_space<vmem>>, vector<1x16xf32>,
      %get3A_1571 = vector.shape_cast %get3A_1570 : vector<1x16xf32> to vector<16xf32>
      %mul3A_1572 = arith.mulf %get3A_1566, %get3A_1571 : vector<16xf32>
      %get3A_1573 = arith.constant 15 : i32
      %get3A_1574 = arith.index_cast %get3A_1573 : i32 to index
      %get3A_1575 = arith.constant 16 : index
      %get3A_1576 = tpu.vector_load %arg9[%get3A_1574, %get3A_1575] {strides = array<i32>} : memref<16x128xf32, #tpu.memory_space<vmem>>, vector<1x16xf32>,
      %get3A_1577 = vector.shape_cast %get3A_1576 : vector<1x16xf32> to vector<16xf32>
      %get3A_1578 = arith.constant 15 : i32
      %get3A_1579 = arith.index_cast %get3A_1578 : i32 to index
      %get3A_1580 = arith.constant 16 : index
      %get3A_1581 = tpu.vector_load %arg11[%get3A_1579, %get3A_1580] {strides = array<i32>} : memref<16x128xf32, #tpu.memory_space<vmem>>, vector<1x16xf32>,
      %get3A_1582 = vector.shape_cast %get3A_1581 : vector<1x16xf32> to vector<16xf32>
      %mul3A_1583 = arith.mulf %get3A_1577, %get3A_1582 : vector<16xf32>
      %add3A_1584 = arith.addf %mul3A_1572, %mul3A_1583 : vector<16xf32>
      %get3A_1585 = arith.constant 15 : i32
      %get3A_1586 = arith.index_cast %get3A_1585 : i32 to index
      %get3A_1587 = arith.constant 32 : index
      %get3A_1588 = tpu.vector_load %arg9[%get3A_1586, %get3A_1587] {strides = array<i32>} : memref<16x128xf32, #tpu.memory_space<vmem>>, vector<1x16xf32>,
      %get3A_1589 = vector.shape_cast %get3A_1588 : vector<1x16xf32> to vector<16xf32>
      %get3A_1590 = arith.constant 15 : i32
      %get3A_1591 = arith.index_cast %get3A_1590 : i32 to index
      %get3A_1592 = arith.constant 32 : index
      %get3A_1593 = tpu.vector_load %arg11[%get3A_1591, %get3A_1592] {strides = array<i32>} : memref<16x128xf32, #tpu.memory_space<vmem>>, vector<1x16xf32>,
      %get3A_1594 = vector.shape_cast %get3A_1593 : vector<1x16xf32> to vector<16xf32>
      %mul3A_1595 = arith.mulf %get3A_1589, %get3A_1594 : vector<16xf32>
      %add3A_1596 = arith.addf %add3A_1584, %mul3A_1595 : vector<16xf32>
      %get3A_1597 = arith.constant 15 : i32
      %get3A_1598 = arith.index_cast %get3A_1597 : i32 to index
      %get3A_1599 = arith.constant 48 : index
      %get3A_1600 = tpu.vector_load %arg9[%get3A_1598, %get3A_1599] {strides = array<i32>} : memref<16x128xf32, #tpu.memory_space<vmem>>, vector<1x16xf32>,
      %get3A_1601 = vector.shape_cast %get3A_1600 : vector<1x16xf32> to vector<16xf32>
      %get3A_1602 = arith.constant 15 : i32
      %get3A_1603 = arith.index_cast %get3A_1602 : i32 to index
      %get3A_1604 = arith.constant 48 : index
      %get3A_1605 = tpu.vector_load %arg11[%get3A_1603, %get3A_1604] {strides = array<i32>} : memref<16x128xf32, #tpu.memory_space<vmem>>, vector<1x16xf32>,
      %get3A_1606 = vector.shape_cast %get3A_1605 : vector<1x16xf32> to vector<16xf32>
      %mul3A_1607 = arith.mulf %get3A_1601, %get3A_1606 : vector<16xf32>
      %add3A_1608 = arith.addf %add3A_1596, %mul3A_1607 : vector<16xf32>
      %get3A_1609 = arith.constant 15 : i32
      %get3A_1610 = arith.index_cast %get3A_1609 : i32 to index
      %get3A_1611 = arith.constant 64 : index
      %get3A_1612 = tpu.vector_load %arg9[%get3A_1610, %get3A_1611] {strides = array<i32>} : memref<16x128xf32, #tpu.memory_space<vmem>>, vector<1x16xf32>,
      %get3A_1613 = vector.shape_cast %get3A_1612 : vector<1x16xf32> to vector<16xf32>
      %get3A_1614 = arith.constant 15 : i32
      %get3A_1615 = arith.index_cast %get3A_1614 : i32 to index
      %get3A_1616 = arith.constant 64 : index
      %get3A_1617 = tpu.vector_load %arg11[%get3A_1615, %get3A_1616] {strides = array<i32>} : memref<16x128xf32, #tpu.memory_space<vmem>>, vector<1x16xf32>,
      %get3A_1618 = vector.shape_cast %get3A_1617 : vector<1x16xf32> to vector<16xf32>
      %mul3A_1619 = arith.mulf %get3A_1613, %get3A_1618 : vector<16xf32>
      %add3A_1620 = arith.addf %add3A_1608, %mul3A_1619 : vector<16xf32>
      %get3A_1621 = arith.constant 15 : i32
      %get3A_1622 = arith.index_cast %get3A_1621 : i32 to index
      %get3A_1623 = arith.constant 80 : index
      %get3A_1624 = tpu.vector_load %arg9[%get3A_1622, %get3A_1623] {strides = array<i32>} : memref<16x128xf32, #tpu.memory_space<vmem>>, vector<1x16xf32>,
      %get3A_1625 = vector.shape_cast %get3A_1624 : vector<1x16xf32> to vector<16xf32>
      %get3A_1626 = arith.constant 15 : i32
      %get3A_1627 = arith.index_cast %get3A_1626 : i32 to index
      %get3A_1628 = arith.constant 80 : index
      %get3A_1629 = tpu.vector_load %arg11[%get3A_1627, %get3A_1628] {strides = array<i32>} : memref<16x128xf32, #tpu.memory_space<vmem>>, vector<1x16xf32>,
      %get3A_1630 = vector.shape_cast %get3A_1629 : vector<1x16xf32> to vector<16xf32>
      %mul3A_1631 = arith.mulf %get3A_1625, %get3A_1630 : vector<16xf32>
      %add3A_1632 = arith.addf %add3A_1620, %mul3A_1631 : vector<16xf32>
      %get3A_1633 = arith.constant 15 : i32
      %get3A_1634 = arith.index_cast %get3A_1633 : i32 to index
      %get3A_1635 = arith.constant 96 : index
      %get3A_1636 = tpu.vector_load %arg9[%get3A_1634, %get3A_1635] {strides = array<i32>} : memref<16x128xf32, #tpu.memory_space<vmem>>, vector<1x16xf32>,
      %get3A_1637 = vector.shape_cast %get3A_1636 : vector<1x16xf32> to vector<16xf32>
      %get3A_1638 = arith.constant 15 : i32
      %get3A_1639 = arith.index_cast %get3A_1638 : i32 to index
      %get3A_1640 = arith.constant 96 : index
      %get3A_1641 = tpu.vector_load %arg11[%get3A_1639, %get3A_1640] {strides = array<i32>} : memref<16x128xf32, #tpu.memory_space<vmem>>, vector<1x16xf32>,
      %get3A_1642 = vector.shape_cast %get3A_1641 : vector<1x16xf32> to vector<16xf32>
      %mul3A_1643 = arith.mulf %get3A_1637, %get3A_1642 : vector<16xf32>
      %add3A_1644 = arith.addf %add3A_1632, %mul3A_1643 : vector<16xf32>
      %get3A_1645 = arith.constant 15 : i32
      %get3A_1646 = arith.index_cast %get3A_1645 : i32 to index
      %get3A_1647 = arith.constant 112 : index
      %get3A_1648 = tpu.vector_load %arg9[%get3A_1646, %get3A_1647] {strides = array<i32>} : memref<16x128xf32, #tpu.memory_space<vmem>>, vector<1x16xf32>,
      %get3A_1649 = vector.shape_cast %get3A_1648 : vector<1x16xf32> to vector<16xf32>
      %get3A_1650 = arith.constant 15 : i32
      %get3A_1651 = arith.index_cast %get3A_1650 : i32 to index
      %get3A_1652 = arith.constant 112 : index
      %get3A_1653 = tpu.vector_load %arg11[%get3A_1651, %get3A_1652] {strides = array<i32>} : memref<16x128xf32, #tpu.memory_space<vmem>>, vector<1x16xf32>,
      %get3A_1654 = vector.shape_cast %get3A_1653 : vector<1x16xf32> to vector<16xf32>
      %mul3A_1655 = arith.mulf %get3A_1649, %get3A_1654 : vector<16xf32>
      %add3A_1656 = arith.addf %add3A_1644, %mul3A_1655 : vector<16xf32>
      %swap3A_1657 = arith.constant 240 : index
      %swap3A_1658 = tpu.vector_load %arg14[%swap3A_1657] {strides = array<i32>} : memref<256xf32, #tpu.memory_space<vmem>>, vector<16xf32>,
      %swap3A_1659 = vector.shape_cast %swap3A_1658 : vector<16xf32> to vector<16xf32>
      %swap3A_1660 = vector.shape_cast %add3A_1656 : vector<16xf32> to vector<16xf32>
      tpu.vector_store %arg14[%swap3A_1657], %swap3A_1660 {strides = array<i32>} : memref<256xf32, #tpu.memory_space<vmem>>, vector<16xf32>,
      %get3A_1661 = arith.constant 0 : index
      %get3A_1662 = tpu.vector_load %arg14[%get3A_1661] {strides = array<i32>} : memref<256xf32, #tpu.memory_space<vmem>>, vector<16xf32>,
      %get3A_1663 = vector.shape_cast %get3A_1662 : vector<16xf32> to vector<16xf32>
      %get3A_1664 = arith.constant 16 : index
      %get3A_1665 = tpu.vector_load %arg14[%get3A_1664] {strides = array<i32>} : memref<256xf32, #tpu.memory_space<vmem>>, vector<16xf32>,
      %get3A_1666 = vector.shape_cast %get3A_1665 : vector<16xf32> to vector<16xf32>
      %gather3A = vector.shape_cast %broadcast_in_dim3A : vector<16x1xi32> to vector<16xi32>
      %gather3A_1667 = tpu.dynamic_gather %get3A_1663[%gather3A] in [0] : vector<16xf32>, vector<16xi32> -> vector<16xf32>
      %add3A_1668 = arith.addf %get3A_1663, %gather3A_1667 : vector<16xf32>
      %gather3A_1669 = vector.shape_cast %broadcast_in_dim3A : vector<16x1xi32> to vector<16xi32>
      %gather3A_1670 = tpu.dynamic_gather %get3A_1666[%gather3A_1669] in [0] : vector<16xf32>, vector<16xi32> -> vector<16xf32>
      %add3A_1671 = arith.addf %get3A_1666, %gather3A_1670 : vector<16xf32>
      %select_n3A = arith.select %eq3A_20, %add3A_1668, %add3A_1671 : vector<16xi1>, vector<16xf32>
      %get3A_1672 = arith.constant 32 : index
      %get3A_1673 = tpu.vector_load %arg14[%get3A_1672] {strides = array<i32>} : memref<256xf32, #tpu.memory_space<vmem>>, vector<16xf32>,
      %get3A_1674 = vector.shape_cast %get3A_1673 : vector<16xf32> to vector<16xf32>
      %get3A_1675 = arith.constant 48 : index
      %get3A_1676 = tpu.vector_load %arg14[%get3A_1675] {strides = array<i32>} : memref<256xf32, #tpu.memory_space<vmem>>, vector<16xf32>,
      %get3A_1677 = vector.shape_cast %get3A_1676 : vector<16xf32> to vector<16xf32>
      %gather3A_1678 = vector.shape_cast %broadcast_in_dim3A : vector<16x1xi32> to vector<16xi32>
      %gather3A_1679 = tpu.dynamic_gather %get3A_1674[%gather3A_1678] in [0] : vector<16xf32>, vector<16xi32> -> vector<16xf32>
      %add3A_1680 = arith.addf %get3A_1674, %gather3A_1679 : vector<16xf32>
      %gather3A_1681 = vector.shape_cast %broadcast_in_dim3A : vector<16x1xi32> to vector<16xi32>
      %gather3A_1682 = tpu.dynamic_gather %get3A_1677[%gather3A_1681] in [0] : vector<16xf32>, vector<16xi32> -> vector<16xf32>
      %add3A_1683 = arith.addf %get3A_1677, %gather3A_1682 : vector<16xf32>
      %select_n3A_1684 = arith.select %eq3A_20, %add3A_1680, %add3A_1683 : vector<16xi1>, vector<16xf32>
      %gather3A_1685 = vector.shape_cast %broadcast_in_dim3A_8 : vector<16x1xi32> to vector<16xi32>
      %gather3A_1686 = tpu.dynamic_gather %select_n3A[%gather3A_1685] in [0] : vector<16xf32>, vector<16xi32> -> vector<16xf32>
      %add3A_1687 = arith.addf %select_n3A, %gather3A_1686 : vector<16xf32>
      %gather3A_1688 = vector.shape_cast %broadcast_in_dim3A_8 : vector<16x1xi32> to vector<16xi32>
      %gather3A_1689 = tpu.dynamic_gather %select_n3A_1684[%gather3A_1688] in [0] : vector<16xf32>, vector<16xi32> -> vector<16xf32>
      %add3A_1690 = arith.addf %select_n3A_1684, %gather3A_1689 : vector<16xf32>
      %select_n3A_1691 = arith.select %eq3A_26, %add3A_1687, %add3A_1690 : vector<16xi1>, vector<16xf32>
      %get3A_1692 = arith.constant 64 : index
      %get3A_1693 = tpu.vector_load %arg14[%get3A_1692] {strides = array<i32>} : memref<256xf32, #tpu.memory_space<vmem>>, vector<16xf32>,
      %get3A_1694 = vector.shape_cast %get3A_1693 : vector<16xf32> to vector<16xf32>
      %get3A_1695 = arith.constant 80 : index
      %get3A_1696 = tpu.vector_load %arg14[%get3A_1695] {strides = array<i32>} : memref<256xf32, #tpu.memory_space<vmem>>, vector<16xf32>,
      %get3A_1697 = vector.shape_cast %get3A_1696 : vector<16xf32> to vector<16xf32>
      %gather3A_1698 = vector.shape_cast %broadcast_in_dim3A : vector<16x1xi32> to vector<16xi32>
      %gather3A_1699 = tpu.dynamic_gather %get3A_1694[%gather3A_1698] in [0] : vector<16xf32>, vector<16xi32> -> vector<16xf32>
      %add3A_1700 = arith.addf %get3A_1694, %gather3A_1699 : vector<16xf32>
      %gather3A_1701 = vector.shape_cast %broadcast_in_dim3A : vector<16x1xi32> to vector<16xi32>
      %gather3A_1702 = tpu.dynamic_gather %get3A_1697[%gather3A_1701] in [0] : vector<16xf32>, vector<16xi32> -> vector<16xf32>
      %add3A_1703 = arith.addf %get3A_1697, %gather3A_1702 : vector<16xf32>
      %select_n3A_1704 = arith.select %eq3A_20, %add3A_1700, %add3A_1703 : vector<16xi1>, vector<16xf32>
      %get3A_1705 = arith.constant 96 : index
      %get3A_1706 = tpu.vector_load %arg14[%get3A_1705] {strides = array<i32>} : memref<256xf32, #tpu.memory_space<vmem>>, vector<16xf32>,
      %get3A_1707 = vector.shape_cast %get3A_1706 : vector<16xf32> to vector<16xf32>
      %get3A_1708 = arith.constant 112 : index
      %get3A_1709 = tpu.vector_load %arg14[%get3A_1708] {strides = array<i32>} : memref<256xf32, #tpu.memory_space<vmem>>, vector<16xf32>,
      %get3A_1710 = vector.shape_cast %get3A_1709 : vector<16xf32> to vector<16xf32>
      %gather3A_1711 = vector.shape_cast %broadcast_in_dim3A : vector<16x1xi32> to vector<16xi32>
      %gather3A_1712 = tpu.dynamic_gather %get3A_1707[%gather3A_1711] in [0] : vector<16xf32>, vector<16xi32> -> vector<16xf32>
      %add3A_1713 = arith.addf %get3A_1707, %gather3A_1712 : vector<16xf32>
      %gather3A_1714 = vector.shape_cast %broadcast_in_dim3A : vector<16x1xi32> to vector<16xi32>
      %gather3A_1715 = tpu.dynamic_gather %get3A_1710[%gather3A_1714] in [0] : vector<16xf32>, vector<16xi32> -> vector<16xf32>
      %add3A_1716 = arith.addf %get3A_1710, %gather3A_1715 : vector<16xf32>
      %select_n3A_1717 = arith.select %eq3A_20, %add3A_1713, %add3A_1716 : vector<16xi1>, vector<16xf32>
      %gather3A_1718 = vector.shape_cast %broadcast_in_dim3A_8 : vector<16x1xi32> to vector<16xi32>
      %gather3A_1719 = tpu.dynamic_gather %select_n3A_1704[%gather3A_1718] in [0] : vector<16xf32>, vector<16xi32> -> vector<16xf32>
      %add3A_1720 = arith.addf %select_n3A_1704, %gather3A_1719 : vector<16xf32>
      %gather3A_1721 = vector.shape_cast %broadcast_in_dim3A_8 : vector<16x1xi32> to vector<16xi32>
      %gather3A_1722 = tpu.dynamic_gather %select_n3A_1717[%gather3A_1721] in [0] : vector<16xf32>, vector<16xi32> -> vector<16xf32>
      %add3A_1723 = arith.addf %select_n3A_1717, %gather3A_1722 : vector<16xf32>
      %select_n3A_1724 = arith.select %eq3A_26, %add3A_1720, %add3A_1723 : vector<16xi1>, vector<16xf32>
      %gather3A_1725 = vector.shape_cast %broadcast_in_dim3A_12 : vector<16x1xi32> to vector<16xi32>
      %gather3A_1726 = tpu.dynamic_gather %select_n3A_1691[%gather3A_1725] in [0] : vector<16xf32>, vector<16xi32> -> vector<16xf32>
      %add3A_1727 = arith.addf %select_n3A_1691, %gather3A_1726 : vector<16xf32>
      %gather3A_1728 = vector.shape_cast %broadcast_in_dim3A_12 : vector<16x1xi32> to vector<16xi32>
      %gather3A_1729 = tpu.dynamic_gather %select_n3A_1724[%gather3A_1728] in [0] : vector<16xf32>, vector<16xi32> -> vector<16xf32>
      %add3A_1730 = arith.addf %select_n3A_1724, %gather3A_1729 : vector<16xf32>
      %select_n3A_1731 = arith.select %eq3A_32, %add3A_1727, %add3A_1730 : vector<16xi1>, vector<16xf32>
      %get3A_1732 = arith.constant 128 : index
      %get3A_1733 = tpu.vector_load %arg14[%get3A_1732] {strides = array<i32>} : memref<256xf32, #tpu.memory_space<vmem>>, vector<16xf32>,
      %get3A_1734 = vector.shape_cast %get3A_1733 : vector<16xf32> to vector<16xf32>
      %get3A_1735 = arith.constant 144 : index
      %get3A_1736 = tpu.vector_load %arg14[%get3A_1735] {strides = array<i32>} : memref<256xf32, #tpu.memory_space<vmem>>, vector<16xf32>,
      %get3A_1737 = vector.shape_cast %get3A_1736 : vector<16xf32> to vector<16xf32>
      %gather3A_1738 = vector.shape_cast %broadcast_in_dim3A : vector<16x1xi32> to vector<16xi32>
      %gather3A_1739 = tpu.dynamic_gather %get3A_1734[%gather3A_1738] in [0] : vector<16xf32>, vector<16xi32> -> vector<16xf32>
      %add3A_1740 = arith.addf %get3A_1734, %gather3A_1739 : vector<16xf32>
      %gather3A_1741 = vector.shape_cast %broadcast_in_dim3A : vector<16x1xi32> to vector<16xi32>
      %gather3A_1742 = tpu.dynamic_gather %get3A_1737[%gather3A_1741] in [0] : vector<16xf32>, vector<16xi32> -> vector<16xf32>
      %add3A_1743 = arith.addf %get3A_1737, %gather3A_1742 : vector<16xf32>
      %select_n3A_1744 = arith.select %eq3A_20, %add3A_1740, %add3A_1743 : vector<16xi1>, vector<16xf32>
      %get3A_1745 = arith.constant 160 : index
      %get3A_1746 = tpu.vector_load %arg14[%get3A_1745] {strides = array<i32>} : memref<256xf32, #tpu.memory_space<vmem>>, vector<16xf32>,
      %get3A_1747 = vector.shape_cast %get3A_1746 : vector<16xf32> to vector<16xf32>
      %get3A_1748 = arith.constant 176 : index
      %get3A_1749 = tpu.vector_load %arg14[%get3A_1748] {strides = array<i32>} : memref<256xf32, #tpu.memory_space<vmem>>, vector<16xf32>,
      %get3A_1750 = vector.shape_cast %get3A_1749 : vector<16xf32> to vector<16xf32>
      %gather3A_1751 = vector.shape_cast %broadcast_in_dim3A : vector<16x1xi32> to vector<16xi32>
      %gather3A_1752 = tpu.dynamic_gather %get3A_1747[%gather3A_1751] in [0] : vector<16xf32>, vector<16xi32> -> vector<16xf32>
      %add3A_1753 = arith.addf %get3A_1747, %gather3A_1752 : vector<16xf32>
      %gather3A_1754 = vector.shape_cast %broadcast_in_dim3A : vector<16x1xi32> to vector<16xi32>
      %gather3A_1755 = tpu.dynamic_gather %get3A_1750[%gather3A_1754] in [0] : vector<16xf32>, vector<16xi32> -> vector<16xf32>
      %add3A_1756 = arith.addf %get3A_1750, %gather3A_1755 : vector<16xf32>
      %select_n3A_1757 = arith.select %eq3A_20, %add3A_1753, %add3A_1756 : vector<16xi1>, vector<16xf32>
      %gather3A_1758 = vector.shape_cast %broadcast_in_dim3A_8 : vector<16x1xi32> to vector<16xi32>
      %gather3A_1759 = tpu.dynamic_gather %select_n3A_1744[%gather3A_1758] in [0] : vector<16xf32>, vector<16xi32> -> vector<16xf32>
      %add3A_1760 = arith.addf %select_n3A_1744, %gather3A_1759 : vector<16xf32>
      %gather3A_1761 = vector.shape_cast %broadcast_in_dim3A_8 : vector<16x1xi32> to vector<16xi32>
      %gather3A_1762 = tpu.dynamic_gather %select_n3A_1757[%gather3A_1761] in [0] : vector<16xf32>, vector<16xi32> -> vector<16xf32>
      %add3A_1763 = arith.addf %select_n3A_1757, %gather3A_1762 : vector<16xf32>
      %select_n3A_1764 = arith.select %eq3A_26, %add3A_1760, %add3A_1763 : vector<16xi1>, vector<16xf32>
      %get3A_1765 = arith.constant 192 : index
      %get3A_1766 = tpu.vector_load %arg14[%get3A_1765] {strides = array<i32>} : memref<256xf32, #tpu.memory_space<vmem>>, vector<16xf32>,
      %get3A_1767 = vector.shape_cast %get3A_1766 : vector<16xf32> to vector<16xf32>
      %get3A_1768 = arith.constant 208 : index
      %get3A_1769 = tpu.vector_load %arg14[%get3A_1768] {strides = array<i32>} : memref<256xf32, #tpu.memory_space<vmem>>, vector<16xf32>,
      %get3A_1770 = vector.shape_cast %get3A_1769 : vector<16xf32> to vector<16xf32>
      %gather3A_1771 = vector.shape_cast %broadcast_in_dim3A : vector<16x1xi32> to vector<16xi32>
      %gather3A_1772 = tpu.dynamic_gather %get3A_1767[%gather3A_1771] in [0] : vector<16xf32>, vector<16xi32> -> vector<16xf32>
      %add3A_1773 = arith.addf %get3A_1767, %gather3A_1772 : vector<16xf32>
      %gather3A_1774 = vector.shape_cast %broadcast_in_dim3A : vector<16x1xi32> to vector<16xi32>
      %gather3A_1775 = tpu.dynamic_gather %get3A_1770[%gather3A_1774] in [0] : vector<16xf32>, vector<16xi32> -> vector<16xf32>
      %add3A_1776 = arith.addf %get3A_1770, %gather3A_1775 : vector<16xf32>
      %select_n3A_1777 = arith.select %eq3A_20, %add3A_1773, %add3A_1776 : vector<16xi1>, vector<16xf32>
      %get3A_1778 = arith.constant 224 : index
      %get3A_1779 = tpu.vector_load %arg14[%get3A_1778] {strides = array<i32>} : memref<256xf32, #tpu.memory_space<vmem>>, vector<16xf32>,
      %get3A_1780 = vector.shape_cast %get3A_1779 : vector<16xf32> to vector<16xf32>
      %get3A_1781 = arith.constant 240 : index
      %get3A_1782 = tpu.vector_load %arg14[%get3A_1781] {strides = array<i32>} : memref<256xf32, #tpu.memory_space<vmem>>, vector<16xf32>,
      %get3A_1783 = vector.shape_cast %get3A_1782 : vector<16xf32> to vector<16xf32>
      %gather3A_1784 = vector.shape_cast %broadcast_in_dim3A : vector<16x1xi32> to vector<16xi32>
      %gather3A_1785 = tpu.dynamic_gather %get3A_1780[%gather3A_1784] in [0] : vector<16xf32>, vector<16xi32> -> vector<16xf32>
      %add3A_1786 = arith.addf %get3A_1780, %gather3A_1785 : vector<16xf32>
      %gather3A_1787 = vector.shape_cast %broadcast_in_dim3A : vector<16x1xi32> to vector<16xi32>
      %gather3A_1788 = tpu.dynamic_gather %get3A_1783[%gather3A_1787] in [0] : vector<16xf32>, vector<16xi32> -> vector<16xf32>
      %add3A_1789 = arith.addf %get3A_1783, %gather3A_1788 : vector<16xf32>
      %select_n3A_1790 = arith.select %eq3A_20, %add3A_1786, %add3A_1789 : vector<16xi1>, vector<16xf32>
      %gather3A_1791 = vector.shape_cast %broadcast_in_dim3A_8 : vector<16x1xi32> to vector<16xi32>
      %gather3A_1792 = tpu.dynamic_gather %select_n3A_1777[%gather3A_1791] in [0] : vector<16xf32>, vector<16xi32> -> vector<16xf32>
      %add3A_1793 = arith.addf %select_n3A_1777, %gather3A_1792 : vector<16xf32>
      %gather3A_1794 = vector.shape_cast %broadcast_in_dim3A_8 : vector<16x1xi32> to vector<16xi32>
      %gather3A_1795 = tpu.dynamic_gather %select_n3A_1790[%gather3A_1794] in [0] : vector<16xf32>, vector<16xi32> -> vector<16xf32>
      %add3A_1796 = arith.addf %select_n3A_1790, %gather3A_1795 : vector<16xf32>
      %select_n3A_1797 = arith.select %eq3A_26, %add3A_1793, %add3A_1796 : vector<16xi1>, vector<16xf32>
      %gather3A_1798 = vector.shape_cast %broadcast_in_dim3A_12 : vector<16x1xi32> to vector<16xi32>
      %gather3A_1799 = tpu.dynamic_gather %select_n3A_1764[%gather3A_1798] in [0] : vector<16xf32>, vector<16xi32> -> vector<16xf32>
      %add3A_1800 = arith.addf %select_n3A_1764, %gather3A_1799 : vector<16xf32>
      %gather3A_1801 = vector.shape_cast %broadcast_in_dim3A_12 : vector<16x1xi32> to vector<16xi32>
      %gather3A_1802 = tpu.dynamic_gather %select_n3A_1797[%gather3A_1801] in [0] : vector<16xf32>, vector<16xi32> -> vector<16xf32>
      %add3A_1803 = arith.addf %select_n3A_1797, %gather3A_1802 : vector<16xf32>
      %select_n3A_1804 = arith.select %eq3A_32, %add3A_1800, %add3A_1803 : vector<16xi1>, vector<16xf32>
      %gather3A_1805 = vector.shape_cast %broadcast_in_dim3A_16 : vector<16x1xi32> to vector<16xi32>
      %gather3A_1806 = tpu.dynamic_gather %select_n3A_1731[%gather3A_1805] in [0] : vector<16xf32>, vector<16xi32> -> vector<16xf32>
      %add3A_1807 = arith.addf %select_n3A_1731, %gather3A_1806 : vector<16xf32>
      %gather3A_1808 = vector.shape_cast %broadcast_in_dim3A_16 : vector<16x1xi32> to vector<16xi32>
      %gather3A_1809 = tpu.dynamic_gather %select_n3A_1804[%gather3A_1808] in [0] : vector<16xf32>, vector<16xi32> -> vector<16xf32>
      %add3A_1810 = arith.addf %select_n3A_1804, %gather3A_1809 : vector<16xf32>
      %select_n3A_1811 = arith.select %eq3A_38, %add3A_1807, %add3A_1810 : vector<16xi1>, vector<16xf32>
      %mul3A_1812 = arith.constant 16 : i32
      %mul3A_1813 = arith.muli %add3A_69, %mul3A_1812 : i32
      %add3A_1814 = arith.constant 0 : i32
      %add3A_1815 = arith.addi %mul3A_1813, %add3A_1814 : i32
      %swap3A_1816 = arith.index_cast %add3A_1815 : i32 to index
      %swap3A_1817 = tpu.vector_load %arg13[%swap3A_1816] {strides = array<i32>} : memref<512xf32, #tpu.memory_space<vmem>>, vector<16xf32>,
      %swap3A_1818 = vector.shape_cast %swap3A_1817 : vector<16xf32> to vector<16xf32>
      %swap3A_1819 = vector.shape_cast %select_n3A_1811 : vector<16xf32> to vector<16xf32>
      tpu.vector_store %arg13[%swap3A_1816], %swap3A_1819 {strides = array<i32>} : memref<512xf32, #tpu.memory_space<vmem>>, vector<16xf32>,
      %add3A_1820 = arith.constant 2 : i32
      %add3A_1821 = arith.addi %add3A_69, %add3A_1820 : i32
      %lt3A = arith.constant 32 : i32
      %lt3A_1822 = arith.cmpi slt, %add3A_1821, %lt3A : i32
      %convert_element_type3A = arith.extui %lt3A_1822 : i1 to i32
      %cond3A = arith.constant 0 : i32
      %cond3A_1823 = arith.cmpi ne, %convert_element_type3A, %cond3A : i32
      scf.if %cond3A_1823 {
        %add3A_3591 = arith.constant 2 : i32
        %add3A_3592 = arith.addi %add3A_69, %add3A_3591 : i32
        %mul3A_3593 = arith.constant 16 : i32
        %mul3A_3594 = arith.muli %add3A_3592, %mul3A_3593 : i32
        %dma_start3A_3595 = tpu.memref_slice %arg7[%mul3A_3594] : memref<512xi32, #tpu.memory_space<vmem>> -> memref<16xi32, #tpu.memory_space<vmem>>
        %dma_start3A_3596 = arith.constant 0 : i32
        %dma_start3A_3597 = arith.constant 0 : i32
        %dma_start3A_3598 = tpu.memref_slice %arg4[%dma_start3A_3596, %dma_start3A_3597] : memref<1000000x128xf32, #tpu.memory_space<hbm>> -> memref<1000000x128xf32, #tpu.memory_space<hbm>>
        tpu.enqueue_indirect_dma source(%dma_start3A_3598 : memref<1000000x128xf32, #tpu.memory_space<hbm>>) target(%arg9 : memref<16x128xf32, #tpu.memory_space<vmem>>) offsets(%dma_start3A_3595 : memref<16xi32, #tpu.memory_space<vmem>>) semaphore(%arg15 : memref<!tpu.dma_semaphore, #tpu.memory_space<semaphore_mem>>)
        %mul3A_3599 = arith.constant 16 : i32
        %mul3A_3600 = arith.muli %add3A_3592, %mul3A_3599 : i32
        %dma_start3A_3601 = tpu.memref_slice %arg8[%mul3A_3600] : memref<512xi32, #tpu.memory_space<vmem>> -> memref<16xi32, #tpu.memory_space<vmem>>
        %dma_start3A_3602 = arith.constant 0 : i32
        %dma_start3A_3603 = arith.constant 0 : i32
        %dma_start3A_3604 = tpu.memref_slice %arg5[%dma_start3A_3602, %dma_start3A_3603] : memref<100000x128xf32, #tpu.memory_space<hbm>> -> memref<100000x128xf32, #tpu.memory_space<hbm>>
        tpu.enqueue_indirect_dma source(%dma_start3A_3604 : memref<100000x128xf32, #tpu.memory_space<hbm>>) target(%arg11 : memref<16x128xf32, #tpu.memory_space<vmem>>) offsets(%dma_start3A_3601 : memref<16xi32, #tpu.memory_space<vmem>>) semaphore(%arg17 : memref<!tpu.dma_semaphore, #tpu.memory_space<semaphore_mem>>)
      } else {
      }
      %mul3A_1824 = arith.constant 2 : i32
      %mul3A_1825 = arith.muli %scan3A_64, %mul3A_1824 : i32
      %add3A_1826 = arith.constant 1 : i32
      %add3A_1827 = arith.addi %mul3A_1825, %add3A_1826 : i32
      %dma_wait3A_1828 = arith.constant 0 : i32
      %dma_wait3A_1829 = tpu.memref_slice %arg7[%dma_wait3A_1828] : memref<512xi32, #tpu.memory_space<vmem>> -> memref<16xi32, #tpu.memory_space<vmem>>
      %dma_wait3A_1830 = arith.constant 0 : i32
      %dma_wait3A_1831 = arith.constant 0 : i32
      %dma_wait3A_1832 = tpu.memref_slice %arg4[%dma_wait3A_1830, %dma_wait3A_1831] : memref<1000000x128xf32, #tpu.memory_space<hbm>> -> memref<1000000x128xf32, #tpu.memory_space<hbm>>
      tpu.wait_indirect_dma semaphore(%arg16 : memref<!tpu.dma_semaphore, #tpu.memory_space<semaphore_mem>>) src(%dma_wait3A_1832 : memref<1000000x128xf32, #tpu.memory_space<hbm>>) dst(%arg10 : memref<16x128xf32, #tpu.memory_space<vmem>>)
      %dma_wait3A_1833 = arith.constant 0 : i32
      %dma_wait3A_1834 = tpu.memref_slice %arg8[%dma_wait3A_1833] : memref<512xi32, #tpu.memory_space<vmem>> -> memref<16xi32, #tpu.memory_space<vmem>>
      %dma_wait3A_1835 = arith.constant 0 : i32
      %dma_wait3A_1836 = arith.constant 0 : i32
      %dma_wait3A_1837 = tpu.memref_slice %arg5[%dma_wait3A_1835, %dma_wait3A_1836] : memref<100000x128xf32, #tpu.memory_space<hbm>> -> memref<100000x128xf32, #tpu.memory_space<hbm>>
      tpu.wait_indirect_dma semaphore(%arg18 : memref<!tpu.dma_semaphore, #tpu.memory_space<semaphore_mem>>) src(%dma_wait3A_1837 : memref<100000x128xf32, #tpu.memory_space<hbm>>) dst(%arg12 : memref<16x128xf32, #tpu.memory_space<vmem>>)
      %get3A_1838 = arith.constant 0 : i32
      %get3A_1839 = arith.index_cast %get3A_1838 : i32 to index
      %get3A_1840 = arith.constant 0 : index
      %get3A_1841 = tpu.vector_load %arg10[%get3A_1839, %get3A_1840] {strides = array<i32>} : memref<16x128xf32, #tpu.memory_space<vmem>>, vector<1x16xf32>,
      %get3A_1842 = vector.shape_cast %get3A_1841 : vector<1x16xf32> to vector<16xf32>
      %get3A_1843 = arith.constant 0 : i32
      %get3A_1844 = arith.index_cast %get3A_1843 : i32 to index
      %get3A_1845 = arith.constant 0 : index
      %get3A_1846 = tpu.vector_load %arg12[%get3A_1844, %get3A_1845] {strides = array<i32>} : memref<16x128xf32, #tpu.memory_space<vmem>>, vector<1x16xf32>,
      %get3A_1847 = vector.shape_cast %get3A_1846 : vector<1x16xf32> to vector<16xf32>
      %mul3A_1848 = arith.mulf %get3A_1842, %get3A_1847 : vector<16xf32>
      %get3A_1849 = arith.constant 0 : i32
      %get3A_1850 = arith.index_cast %get3A_1849 : i32 to index
      %get3A_1851 = arith.constant 16 : index
      %get3A_1852 = tpu.vector_load %arg10[%get3A_1850, %get3A_1851] {strides = array<i32>} : memref<16x128xf32, #tpu.memory_space<vmem>>, vector<1x16xf32>,
      %get3A_1853 = vector.shape_cast %get3A_1852 : vector<1x16xf32> to vector<16xf32>
      %get3A_1854 = arith.constant 0 : i32
      %get3A_1855 = arith.index_cast %get3A_1854 : i32 to index
      %get3A_1856 = arith.constant 16 : index
      %get3A_1857 = tpu.vector_load %arg12[%get3A_1855, %get3A_1856] {strides = array<i32>} : memref<16x128xf32, #tpu.memory_space<vmem>>, vector<1x16xf32>,
      %get3A_1858 = vector.shape_cast %get3A_1857 : vector<1x16xf32> to vector<16xf32>
      %mul3A_1859 = arith.mulf %get3A_1853, %get3A_1858 : vector<16xf32>
      %add3A_1860 = arith.addf %mul3A_1848, %mul3A_1859 : vector<16xf32>
      %get3A_1861 = arith.constant 0 : i32
      %get3A_1862 = arith.index_cast %get3A_1861 : i32 to index
      %get3A_1863 = arith.constant 32 : index
      %get3A_1864 = tpu.vector_load %arg10[%get3A_1862, %get3A_1863] {strides = array<i32>} : memref<16x128xf32, #tpu.memory_space<vmem>>, vector<1x16xf32>,
      %get3A_1865 = vector.shape_cast %get3A_1864 : vector<1x16xf32> to vector<16xf32>
      %get3A_1866 = arith.constant 0 : i32
      %get3A_1867 = arith.index_cast %get3A_1866 : i32 to index
      %get3A_1868 = arith.constant 32 : index
      %get3A_1869 = tpu.vector_load %arg12[%get3A_1867, %get3A_1868] {strides = array<i32>} : memref<16x128xf32, #tpu.memory_space<vmem>>, vector<1x16xf32>,
      %get3A_1870 = vector.shape_cast %get3A_1869 : vector<1x16xf32> to vector<16xf32>
      %mul3A_1871 = arith.mulf %get3A_1865, %get3A_1870 : vector<16xf32>
      %add3A_1872 = arith.addf %add3A_1860, %mul3A_1871 : vector<16xf32>
      %get3A_1873 = arith.constant 0 : i32
      %get3A_1874 = arith.index_cast %get3A_1873 : i32 to index
      %get3A_1875 = arith.constant 48 : index
      %get3A_1876 = tpu.vector_load %arg10[%get3A_1874, %get3A_1875] {strides = array<i32>} : memref<16x128xf32, #tpu.memory_space<vmem>>, vector<1x16xf32>,
      %get3A_1877 = vector.shape_cast %get3A_1876 : vector<1x16xf32> to vector<16xf32>
      %get3A_1878 = arith.constant 0 : i32
      %get3A_1879 = arith.index_cast %get3A_1878 : i32 to index
      %get3A_1880 = arith.constant 48 : index
      %get3A_1881 = tpu.vector_load %arg12[%get3A_1879, %get3A_1880] {strides = array<i32>} : memref<16x128xf32, #tpu.memory_space<vmem>>, vector<1x16xf32>,
      %get3A_1882 = vector.shape_cast %get3A_1881 : vector<1x16xf32> to vector<16xf32>
      %mul3A_1883 = arith.mulf %get3A_1877, %get3A_1882 : vector<16xf32>
      %add3A_1884 = arith.addf %add3A_1872, %mul3A_1883 : vector<16xf32>
      %get3A_1885 = arith.constant 0 : i32
      %get3A_1886 = arith.index_cast %get3A_1885 : i32 to index
      %get3A_1887 = arith.constant 64 : index
      %get3A_1888 = tpu.vector_load %arg10[%get3A_1886, %get3A_1887] {strides = array<i32>} : memref<16x128xf32, #tpu.memory_space<vmem>>, vector<1x16xf32>,
      %get3A_1889 = vector.shape_cast %get3A_1888 : vector<1x16xf32> to vector<16xf32>
      %get3A_1890 = arith.constant 0 : i32
      %get3A_1891 = arith.index_cast %get3A_1890 : i32 to index
      %get3A_1892 = arith.constant 64 : index
      %get3A_1893 = tpu.vector_load %arg12[%get3A_1891, %get3A_1892] {strides = array<i32>} : memref<16x128xf32, #tpu.memory_space<vmem>>, vector<1x16xf32>,
      %get3A_1894 = vector.shape_cast %get3A_1893 : vector<1x16xf32> to vector<16xf32>
      %mul3A_1895 = arith.mulf %get3A_1889, %get3A_1894 : vector<16xf32>
      %add3A_1896 = arith.addf %add3A_1884, %mul3A_1895 : vector<16xf32>
      %get3A_1897 = arith.constant 0 : i32
      %get3A_1898 = arith.index_cast %get3A_1897 : i32 to index
      %get3A_1899 = arith.constant 80 : index
      %get3A_1900 = tpu.vector_load %arg10[%get3A_1898, %get3A_1899] {strides = array<i32>} : memref<16x128xf32, #tpu.memory_space<vmem>>, vector<1x16xf32>,
      %get3A_1901 = vector.shape_cast %get3A_1900 : vector<1x16xf32> to vector<16xf32>
      %get3A_1902 = arith.constant 0 : i32
      %get3A_1903 = arith.index_cast %get3A_1902 : i32 to index
      %get3A_1904 = arith.constant 80 : index
      %get3A_1905 = tpu.vector_load %arg12[%get3A_1903, %get3A_1904] {strides = array<i32>} : memref<16x128xf32, #tpu.memory_space<vmem>>, vector<1x16xf32>,
      %get3A_1906 = vector.shape_cast %get3A_1905 : vector<1x16xf32> to vector<16xf32>
      %mul3A_1907 = arith.mulf %get3A_1901, %get3A_1906 : vector<16xf32>
      %add3A_1908 = arith.addf %add3A_1896, %mul3A_1907 : vector<16xf32>
      %get3A_1909 = arith.constant 0 : i32
      %get3A_1910 = arith.index_cast %get3A_1909 : i32 to index
      %get3A_1911 = arith.constant 96 : index
      %get3A_1912 = tpu.vector_load %arg10[%get3A_1910, %get3A_1911] {strides = array<i32>} : memref<16x128xf32, #tpu.memory_space<vmem>>, vector<1x16xf32>,
      %get3A_1913 = vector.shape_cast %get3A_1912 : vector<1x16xf32> to vector<16xf32>
      %get3A_1914 = arith.constant 0 : i32
      %get3A_1915 = arith.index_cast %get3A_1914 : i32 to index
      %get3A_1916 = arith.constant 96 : index
      %get3A_1917 = tpu.vector_load %arg12[%get3A_1915, %get3A_1916] {strides = array<i32>} : memref<16x128xf32, #tpu.memory_space<vmem>>, vector<1x16xf32>,
      %get3A_1918 = vector.shape_cast %get3A_1917 : vector<1x16xf32> to vector<16xf32>
      %mul3A_1919 = arith.mulf %get3A_1913, %get3A_1918 : vector<16xf32>
      %add3A_1920 = arith.addf %add3A_1908, %mul3A_1919 : vector<16xf32>
      %get3A_1921 = arith.constant 0 : i32
      %get3A_1922 = arith.index_cast %get3A_1921 : i32 to index
      %get3A_1923 = arith.constant 112 : index
      %get3A_1924 = tpu.vector_load %arg10[%get3A_1922, %get3A_1923] {strides = array<i32>} : memref<16x128xf32, #tpu.memory_space<vmem>>, vector<1x16xf32>,
      %get3A_1925 = vector.shape_cast %get3A_1924 : vector<1x16xf32> to vector<16xf32>
      %get3A_1926 = arith.constant 0 : i32
      %get3A_1927 = arith.index_cast %get3A_1926 : i32 to index
      %get3A_1928 = arith.constant 112 : index
      %get3A_1929 = tpu.vector_load %arg12[%get3A_1927, %get3A_1928] {strides = array<i32>} : memref<16x128xf32, #tpu.memory_space<vmem>>, vector<1x16xf32>,
      %get3A_1930 = vector.shape_cast %get3A_1929 : vector<1x16xf32> to vector<16xf32>
      %mul3A_1931 = arith.mulf %get3A_1925, %get3A_1930 : vector<16xf32>
      %add3A_1932 = arith.addf %add3A_1920, %mul3A_1931 : vector<16xf32>
      %swap3A_1933 = arith.constant 0 : index
      %swap3A_1934 = tpu.vector_load %arg14[%swap3A_1933] {strides = array<i32>} : memref<256xf32, #tpu.memory_space<vmem>>, vector<16xf32>,
      %swap3A_1935 = vector.shape_cast %swap3A_1934 : vector<16xf32> to vector<16xf32>
      %swap3A_1936 = vector.shape_cast %add3A_1932 : vector<16xf32> to vector<16xf32>
      tpu.vector_store %arg14[%swap3A_1933], %swap3A_1936 {strides = array<i32>} : memref<256xf32, #tpu.memory_space<vmem>>, vector<16xf32>,
      %get3A_1937 = arith.constant 8 : i32
      %get3A_1938 = arith.index_cast %get3A_1937 : i32 to index
      %get3A_1939 = arith.constant 0 : index
      %get3A_1940 = tpu.vector_load %arg10[%get3A_1938, %get3A_1939] {strides = array<i32>} : memref<16x128xf32, #tpu.memory_space<vmem>>, vector<1x16xf32>,
      %get3A_1941 = vector.shape_cast %get3A_1940 : vector<1x16xf32> to vector<16xf32>
      %get3A_1942 = arith.constant 8 : i32
      %get3A_1943 = arith.index_cast %get3A_1942 : i32 to index
      %get3A_1944 = arith.constant 0 : index
      %get3A_1945 = tpu.vector_load %arg12[%get3A_1943, %get3A_1944] {strides = array<i32>} : memref<16x128xf32, #tpu.memory_space<vmem>>, vector<1x16xf32>,
      %get3A_1946 = vector.shape_cast %get3A_1945 : vector<1x16xf32> to vector<16xf32>
      %mul3A_1947 = arith.mulf %get3A_1941, %get3A_1946 : vector<16xf32>
      %get3A_1948 = arith.constant 8 : i32
      %get3A_1949 = arith.index_cast %get3A_1948 : i32 to index
      %get3A_1950 = arith.constant 16 : index
      %get3A_1951 = tpu.vector_load %arg10[%get3A_1949, %get3A_1950] {strides = array<i32>} : memref<16x128xf32, #tpu.memory_space<vmem>>, vector<1x16xf32>,
      %get3A_1952 = vector.shape_cast %get3A_1951 : vector<1x16xf32> to vector<16xf32>
      %get3A_1953 = arith.constant 8 : i32
      %get3A_1954 = arith.index_cast %get3A_1953 : i32 to index
      %get3A_1955 = arith.constant 16 : index
      %get3A_1956 = tpu.vector_load %arg12[%get3A_1954, %get3A_1955] {strides = array<i32>} : memref<16x128xf32, #tpu.memory_space<vmem>>, vector<1x16xf32>,
      %get3A_1957 = vector.shape_cast %get3A_1956 : vector<1x16xf32> to vector<16xf32>
      %mul3A_1958 = arith.mulf %get3A_1952, %get3A_1957 : vector<16xf32>
      %add3A_1959 = arith.addf %mul3A_1947, %mul3A_1958 : vector<16xf32>
      %get3A_1960 = arith.constant 8 : i32
      %get3A_1961 = arith.index_cast %get3A_1960 : i32 to index
      %get3A_1962 = arith.constant 32 : index
      %get3A_1963 = tpu.vector_load %arg10[%get3A_1961, %get3A_1962] {strides = array<i32>} : memref<16x128xf32, #tpu.memory_space<vmem>>, vector<1x16xf32>,
      %get3A_1964 = vector.shape_cast %get3A_1963 : vector<1x16xf32> to vector<16xf32>
      %get3A_1965 = arith.constant 8 : i32
      %get3A_1966 = arith.index_cast %get3A_1965 : i32 to index
      %get3A_1967 = arith.constant 32 : index
      %get3A_1968 = tpu.vector_load %arg12[%get3A_1966, %get3A_1967] {strides = array<i32>} : memref<16x128xf32, #tpu.memory_space<vmem>>, vector<1x16xf32>,
      %get3A_1969 = vector.shape_cast %get3A_1968 : vector<1x16xf32> to vector<16xf32>
      %mul3A_1970 = arith.mulf %get3A_1964, %get3A_1969 : vector<16xf32>
      %add3A_1971 = arith.addf %add3A_1959, %mul3A_1970 : vector<16xf32>
      %get3A_1972 = arith.constant 8 : i32
      %get3A_1973 = arith.index_cast %get3A_1972 : i32 to index
      %get3A_1974 = arith.constant 48 : index
      %get3A_1975 = tpu.vector_load %arg10[%get3A_1973, %get3A_1974] {strides = array<i32>} : memref<16x128xf32, #tpu.memory_space<vmem>>, vector<1x16xf32>,
      %get3A_1976 = vector.shape_cast %get3A_1975 : vector<1x16xf32> to vector<16xf32>
      %get3A_1977 = arith.constant 8 : i32
      %get3A_1978 = arith.index_cast %get3A_1977 : i32 to index
      %get3A_1979 = arith.constant 48 : index
      %get3A_1980 = tpu.vector_load %arg12[%get3A_1978, %get3A_1979] {strides = array<i32>} : memref<16x128xf32, #tpu.memory_space<vmem>>, vector<1x16xf32>,
      %get3A_1981 = vector.shape_cast %get3A_1980 : vector<1x16xf32> to vector<16xf32>
      %mul3A_1982 = arith.mulf %get3A_1976, %get3A_1981 : vector<16xf32>
      %add3A_1983 = arith.addf %add3A_1971, %mul3A_1982 : vector<16xf32>
      %get3A_1984 = arith.constant 8 : i32
      %get3A_1985 = arith.index_cast %get3A_1984 : i32 to index
      %get3A_1986 = arith.constant 64 : index
      %get3A_1987 = tpu.vector_load %arg10[%get3A_1985, %get3A_1986] {strides = array<i32>} : memref<16x128xf32, #tpu.memory_space<vmem>>, vector<1x16xf32>,
      %get3A_1988 = vector.shape_cast %get3A_1987 : vector<1x16xf32> to vector<16xf32>
      %get3A_1989 = arith.constant 8 : i32
      %get3A_1990 = arith.index_cast %get3A_1989 : i32 to index
      %get3A_1991 = arith.constant 64 : index
      %get3A_1992 = tpu.vector_load %arg12[%get3A_1990, %get3A_1991] {strides = array<i32>} : memref<16x128xf32, #tpu.memory_space<vmem>>, vector<1x16xf32>,
      %get3A_1993 = vector.shape_cast %get3A_1992 : vector<1x16xf32> to vector<16xf32>
      %mul3A_1994 = arith.mulf %get3A_1988, %get3A_1993 : vector<16xf32>
      %add3A_1995 = arith.addf %add3A_1983, %mul3A_1994 : vector<16xf32>
      %get3A_1996 = arith.constant 8 : i32
      %get3A_1997 = arith.index_cast %get3A_1996 : i32 to index
      %get3A_1998 = arith.constant 80 : index
      %get3A_1999 = tpu.vector_load %arg10[%get3A_1997, %get3A_1998] {strides = array<i32>} : memref<16x128xf32, #tpu.memory_space<vmem>>, vector<1x16xf32>,
      %get3A_2000 = vector.shape_cast %get3A_1999 : vector<1x16xf32> to vector<16xf32>
      %get3A_2001 = arith.constant 8 : i32
      %get3A_2002 = arith.index_cast %get3A_2001 : i32 to index
      %get3A_2003 = arith.constant 80 : index
      %get3A_2004 = tpu.vector_load %arg12[%get3A_2002, %get3A_2003] {strides = array<i32>} : memref<16x128xf32, #tpu.memory_space<vmem>>, vector<1x16xf32>,
      %get3A_2005 = vector.shape_cast %get3A_2004 : vector<1x16xf32> to vector<16xf32>
      %mul3A_2006 = arith.mulf %get3A_2000, %get3A_2005 : vector<16xf32>
      %add3A_2007 = arith.addf %add3A_1995, %mul3A_2006 : vector<16xf32>
      %get3A_2008 = arith.constant 8 : i32
      %get3A_2009 = arith.index_cast %get3A_2008 : i32 to index
      %get3A_2010 = arith.constant 96 : index
      %get3A_2011 = tpu.vector_load %arg10[%get3A_2009, %get3A_2010] {strides = array<i32>} : memref<16x128xf32, #tpu.memory_space<vmem>>, vector<1x16xf32>,
      %get3A_2012 = vector.shape_cast %get3A_2011 : vector<1x16xf32> to vector<16xf32>
      %get3A_2013 = arith.constant 8 : i32
      %get3A_2014 = arith.index_cast %get3A_2013 : i32 to index
      %get3A_2015 = arith.constant 96 : index
      %get3A_2016 = tpu.vector_load %arg12[%get3A_2014, %get3A_2015] {strides = array<i32>} : memref<16x128xf32, #tpu.memory_space<vmem>>, vector<1x16xf32>,
      %get3A_2017 = vector.shape_cast %get3A_2016 : vector<1x16xf32> to vector<16xf32>
      %mul3A_2018 = arith.mulf %get3A_2012, %get3A_2017 : vector<16xf32>
      %add3A_2019 = arith.addf %add3A_2007, %mul3A_2018 : vector<16xf32>
      %get3A_2020 = arith.constant 8 : i32
      %get3A_2021 = arith.index_cast %get3A_2020 : i32 to index
      %get3A_2022 = arith.constant 112 : index
      %get3A_2023 = tpu.vector_load %arg10[%get3A_2021, %get3A_2022] {strides = array<i32>} : memref<16x128xf32, #tpu.memory_space<vmem>>, vector<1x16xf32>,
      %get3A_2024 = vector.shape_cast %get3A_2023 : vector<1x16xf32> to vector<16xf32>
      %get3A_2025 = arith.constant 8 : i32
      %get3A_2026 = arith.index_cast %get3A_2025 : i32 to index
      %get3A_2027 = arith.constant 112 : index
      %get3A_2028 = tpu.vector_load %arg12[%get3A_2026, %get3A_2027] {strides = array<i32>} : memref<16x128xf32, #tpu.memory_space<vmem>>, vector<1x16xf32>,
      %get3A_2029 = vector.shape_cast %get3A_2028 : vector<1x16xf32> to vector<16xf32>
      %mul3A_2030 = arith.mulf %get3A_2024, %get3A_2029 : vector<16xf32>
      %add3A_2031 = arith.addf %add3A_2019, %mul3A_2030 : vector<16xf32>
      %swap3A_2032 = arith.constant 16 : index
      %swap3A_2033 = tpu.vector_load %arg14[%swap3A_2032] {strides = array<i32>} : memref<256xf32, #tpu.memory_space<vmem>>, vector<16xf32>,
      %swap3A_2034 = vector.shape_cast %swap3A_2033 : vector<16xf32> to vector<16xf32>
      %swap3A_2035 = vector.shape_cast %add3A_2031 : vector<16xf32> to vector<16xf32>
      tpu.vector_store %arg14[%swap3A_2032], %swap3A_2035 {strides = array<i32>} : memref<256xf32, #tpu.memory_space<vmem>>, vector<16xf32>,
      %get3A_2036 = arith.constant 4 : i32
      %get3A_2037 = arith.index_cast %get3A_2036 : i32 to index
      %get3A_2038 = arith.constant 0 : index
      %get3A_2039 = tpu.vector_load %arg10[%get3A_2037, %get3A_2038] {strides = array<i32>} : memref<16x128xf32, #tpu.memory_space<vmem>>, vector<1x16xf32>,
      %get3A_2040 = vector.shape_cast %get3A_2039 : vector<1x16xf32> to vector<16xf32>
      %get3A_2041 = arith.constant 4 : i32
      %get3A_2042 = arith.index_cast %get3A_2041 : i32 to index
      %get3A_2043 = arith.constant 0 : index
      %get3A_2044 = tpu.vector_load %arg12[%get3A_2042, %get3A_2043] {strides = array<i32>} : memref<16x128xf32, #tpu.memory_space<vmem>>, vector<1x16xf32>,
      %get3A_2045 = vector.shape_cast %get3A_2044 : vector<1x16xf32> to vector<16xf32>
      %mul3A_2046 = arith.mulf %get3A_2040, %get3A_2045 : vector<16xf32>
      %get3A_2047 = arith.constant 4 : i32
      %get3A_2048 = arith.index_cast %get3A_2047 : i32 to index
      %get3A_2049 = arith.constant 16 : index
      %get3A_2050 = tpu.vector_load %arg10[%get3A_2048, %get3A_2049] {strides = array<i32>} : memref<16x128xf32, #tpu.memory_space<vmem>>, vector<1x16xf32>,
      %get3A_2051 = vector.shape_cast %get3A_2050 : vector<1x16xf32> to vector<16xf32>
      %get3A_2052 = arith.constant 4 : i32
      %get3A_2053 = arith.index_cast %get3A_2052 : i32 to index
      %get3A_2054 = arith.constant 16 : index
      %get3A_2055 = tpu.vector_load %arg12[%get3A_2053, %get3A_2054] {strides = array<i32>} : memref<16x128xf32, #tpu.memory_space<vmem>>, vector<1x16xf32>,
      %get3A_2056 = vector.shape_cast %get3A_2055 : vector<1x16xf32> to vector<16xf32>
      %mul3A_2057 = arith.mulf %get3A_2051, %get3A_2056 : vector<16xf32>
      %add3A_2058 = arith.addf %mul3A_2046, %mul3A_2057 : vector<16xf32>
      %get3A_2059 = arith.constant 4 : i32
      %get3A_2060 = arith.index_cast %get3A_2059 : i32 to index
      %get3A_2061 = arith.constant 32 : index
      %get3A_2062 = tpu.vector_load %arg10[%get3A_2060, %get3A_2061] {strides = array<i32>} : memref<16x128xf32, #tpu.memory_space<vmem>>, vector<1x16xf32>,
      %get3A_2063 = vector.shape_cast %get3A_2062 : vector<1x16xf32> to vector<16xf32>
      %get3A_2064 = arith.constant 4 : i32
      %get3A_2065 = arith.index_cast %get3A_2064 : i32 to index
      %get3A_2066 = arith.constant 32 : index
      %get3A_2067 = tpu.vector_load %arg12[%get3A_2065, %get3A_2066] {strides = array<i32>} : memref<16x128xf32, #tpu.memory_space<vmem>>, vector<1x16xf32>,
      %get3A_2068 = vector.shape_cast %get3A_2067 : vector<1x16xf32> to vector<16xf32>
      %mul3A_2069 = arith.mulf %get3A_2063, %get3A_2068 : vector<16xf32>
      %add3A_2070 = arith.addf %add3A_2058, %mul3A_2069 : vector<16xf32>
      %get3A_2071 = arith.constant 4 : i32
      %get3A_2072 = arith.index_cast %get3A_2071 : i32 to index
      %get3A_2073 = arith.constant 48 : index
      %get3A_2074 = tpu.vector_load %arg10[%get3A_2072, %get3A_2073] {strides = array<i32>} : memref<16x128xf32, #tpu.memory_space<vmem>>, vector<1x16xf32>,
      %get3A_2075 = vector.shape_cast %get3A_2074 : vector<1x16xf32> to vector<16xf32>
      %get3A_2076 = arith.constant 4 : i32
      %get3A_2077 = arith.index_cast %get3A_2076 : i32 to index
      %get3A_2078 = arith.constant 48 : index
      %get3A_2079 = tpu.vector_load %arg12[%get3A_2077, %get3A_2078] {strides = array<i32>} : memref<16x128xf32, #tpu.memory_space<vmem>>, vector<1x16xf32>,
      %get3A_2080 = vector.shape_cast %get3A_2079 : vector<1x16xf32> to vector<16xf32>
      %mul3A_2081 = arith.mulf %get3A_2075, %get3A_2080 : vector<16xf32>
      %add3A_2082 = arith.addf %add3A_2070, %mul3A_2081 : vector<16xf32>
      %get3A_2083 = arith.constant 4 : i32
      %get3A_2084 = arith.index_cast %get3A_2083 : i32 to index
      %get3A_2085 = arith.constant 64 : index
      %get3A_2086 = tpu.vector_load %arg10[%get3A_2084, %get3A_2085] {strides = array<i32>} : memref<16x128xf32, #tpu.memory_space<vmem>>, vector<1x16xf32>,
      %get3A_2087 = vector.shape_cast %get3A_2086 : vector<1x16xf32> to vector<16xf32>
      %get3A_2088 = arith.constant 4 : i32
      %get3A_2089 = arith.index_cast %get3A_2088 : i32 to index
      %get3A_2090 = arith.constant 64 : index
      %get3A_2091 = tpu.vector_load %arg12[%get3A_2089, %get3A_2090] {strides = array<i32>} : memref<16x128xf32, #tpu.memory_space<vmem>>, vector<1x16xf32>,
      %get3A_2092 = vector.shape_cast %get3A_2091 : vector<1x16xf32> to vector<16xf32>
      %mul3A_2093 = arith.mulf %get3A_2087, %get3A_2092 : vector<16xf32>
      %add3A_2094 = arith.addf %add3A_2082, %mul3A_2093 : vector<16xf32>
      %get3A_2095 = arith.constant 4 : i32
      %get3A_2096 = arith.index_cast %get3A_2095 : i32 to index
      %get3A_2097 = arith.constant 80 : index
      %get3A_2098 = tpu.vector_load %arg10[%get3A_2096, %get3A_2097] {strides = array<i32>} : memref<16x128xf32, #tpu.memory_space<vmem>>, vector<1x16xf32>,
      %get3A_2099 = vector.shape_cast %get3A_2098 : vector<1x16xf32> to vector<16xf32>
      %get3A_2100 = arith.constant 4 : i32
      %get3A_2101 = arith.index_cast %get3A_2100 : i32 to index
      %get3A_2102 = arith.constant 80 : index
      %get3A_2103 = tpu.vector_load %arg12[%get3A_2101, %get3A_2102] {strides = array<i32>} : memref<16x128xf32, #tpu.memory_space<vmem>>, vector<1x16xf32>,
      %get3A_2104 = vector.shape_cast %get3A_2103 : vector<1x16xf32> to vector<16xf32>
      %mul3A_2105 = arith.mulf %get3A_2099, %get3A_2104 : vector<16xf32>
      %add3A_2106 = arith.addf %add3A_2094, %mul3A_2105 : vector<16xf32>
      %get3A_2107 = arith.constant 4 : i32
      %get3A_2108 = arith.index_cast %get3A_2107 : i32 to index
      %get3A_2109 = arith.constant 96 : index
      %get3A_2110 = tpu.vector_load %arg10[%get3A_2108, %get3A_2109] {strides = array<i32>} : memref<16x128xf32, #tpu.memory_space<vmem>>, vector<1x16xf32>,
      %get3A_2111 = vector.shape_cast %get3A_2110 : vector<1x16xf32> to vector<16xf32>
      %get3A_2112 = arith.constant 4 : i32
      %get3A_2113 = arith.index_cast %get3A_2112 : i32 to index
      %get3A_2114 = arith.constant 96 : index
      %get3A_2115 = tpu.vector_load %arg12[%get3A_2113, %get3A_2114] {strides = array<i32>} : memref<16x128xf32, #tpu.memory_space<vmem>>, vector<1x16xf32>,
      %get3A_2116 = vector.shape_cast %get3A_2115 : vector<1x16xf32> to vector<16xf32>
      %mul3A_2117 = arith.mulf %get3A_2111, %get3A_2116 : vector<16xf32>
      %add3A_2118 = arith.addf %add3A_2106, %mul3A_2117 : vector<16xf32>
      %get3A_2119 = arith.constant 4 : i32
      %get3A_2120 = arith.index_cast %get3A_2119 : i32 to index
      %get3A_2121 = arith.constant 112 : index
      %get3A_2122 = tpu.vector_load %arg10[%get3A_2120, %get3A_2121] {strides = array<i32>} : memref<16x128xf32, #tpu.memory_space<vmem>>, vector<1x16xf32>,
      %get3A_2123 = vector.shape_cast %get3A_2122 : vector<1x16xf32> to vector<16xf32>
      %get3A_2124 = arith.constant 4 : i32
      %get3A_2125 = arith.index_cast %get3A_2124 : i32 to index
      %get3A_2126 = arith.constant 112 : index
      %get3A_2127 = tpu.vector_load %arg12[%get3A_2125, %get3A_2126] {strides = array<i32>} : memref<16x128xf32, #tpu.memory_space<vmem>>, vector<1x16xf32>,
      %get3A_2128 = vector.shape_cast %get3A_2127 : vector<1x16xf32> to vector<16xf32>
      %mul3A_2129 = arith.mulf %get3A_2123, %get3A_2128 : vector<16xf32>
      %add3A_2130 = arith.addf %add3A_2118, %mul3A_2129 : vector<16xf32>
      %swap3A_2131 = arith.constant 32 : index
      %swap3A_2132 = tpu.vector_load %arg14[%swap3A_2131] {strides = array<i32>} : memref<256xf32, #tpu.memory_space<vmem>>, vector<16xf32>,
      %swap3A_2133 = vector.shape_cast %swap3A_2132 : vector<16xf32> to vector<16xf32>
      %swap3A_2134 = vector.shape_cast %add3A_2130 : vector<16xf32> to vector<16xf32>
      tpu.vector_store %arg14[%swap3A_2131], %swap3A_2134 {strides = array<i32>} : memref<256xf32, #tpu.memory_space<vmem>>, vector<16xf32>,
      %get3A_2135 = arith.constant 12 : i32
      %get3A_2136 = arith.index_cast %get3A_2135 : i32 to index
      %get3A_2137 = arith.constant 0 : index
      %get3A_2138 = tpu.vector_load %arg10[%get3A_2136, %get3A_2137] {strides = array<i32>} : memref<16x128xf32, #tpu.memory_space<vmem>>, vector<1x16xf32>,
      %get3A_2139 = vector.shape_cast %get3A_2138 : vector<1x16xf32> to vector<16xf32>
      %get3A_2140 = arith.constant 12 : i32
      %get3A_2141 = arith.index_cast %get3A_2140 : i32 to index
      %get3A_2142 = arith.constant 0 : index
      %get3A_2143 = tpu.vector_load %arg12[%get3A_2141, %get3A_2142] {strides = array<i32>} : memref<16x128xf32, #tpu.memory_space<vmem>>, vector<1x16xf32>,
      %get3A_2144 = vector.shape_cast %get3A_2143 : vector<1x16xf32> to vector<16xf32>
      %mul3A_2145 = arith.mulf %get3A_2139, %get3A_2144 : vector<16xf32>
      %get3A_2146 = arith.constant 12 : i32
      %get3A_2147 = arith.index_cast %get3A_2146 : i32 to index
      %get3A_2148 = arith.constant 16 : index
      %get3A_2149 = tpu.vector_load %arg10[%get3A_2147, %get3A_2148] {strides = array<i32>} : memref<16x128xf32, #tpu.memory_space<vmem>>, vector<1x16xf32>,
      %get3A_2150 = vector.shape_cast %get3A_2149 : vector<1x16xf32> to vector<16xf32>
      %get3A_2151 = arith.constant 12 : i32
      %get3A_2152 = arith.index_cast %get3A_2151 : i32 to index
      %get3A_2153 = arith.constant 16 : index
      %get3A_2154 = tpu.vector_load %arg12[%get3A_2152, %get3A_2153] {strides = array<i32>} : memref<16x128xf32, #tpu.memory_space<vmem>>, vector<1x16xf32>,
      %get3A_2155 = vector.shape_cast %get3A_2154 : vector<1x16xf32> to vector<16xf32>
      %mul3A_2156 = arith.mulf %get3A_2150, %get3A_2155 : vector<16xf32>
      %add3A_2157 = arith.addf %mul3A_2145, %mul3A_2156 : vector<16xf32>
      %get3A_2158 = arith.constant 12 : i32
      %get3A_2159 = arith.index_cast %get3A_2158 : i32 to index
      %get3A_2160 = arith.constant 32 : index
      %get3A_2161 = tpu.vector_load %arg10[%get3A_2159, %get3A_2160] {strides = array<i32>} : memref<16x128xf32, #tpu.memory_space<vmem>>, vector<1x16xf32>,
      %get3A_2162 = vector.shape_cast %get3A_2161 : vector<1x16xf32> to vector<16xf32>
      %get3A_2163 = arith.constant 12 : i32
      %get3A_2164 = arith.index_cast %get3A_2163 : i32 to index
      %get3A_2165 = arith.constant 32 : index
      %get3A_2166 = tpu.vector_load %arg12[%get3A_2164, %get3A_2165] {strides = array<i32>} : memref<16x128xf32, #tpu.memory_space<vmem>>, vector<1x16xf32>,
      %get3A_2167 = vector.shape_cast %get3A_2166 : vector<1x16xf32> to vector<16xf32>
      %mul3A_2168 = arith.mulf %get3A_2162, %get3A_2167 : vector<16xf32>
      %add3A_2169 = arith.addf %add3A_2157, %mul3A_2168 : vector<16xf32>
      %get3A_2170 = arith.constant 12 : i32
      %get3A_2171 = arith.index_cast %get3A_2170 : i32 to index
      %get3A_2172 = arith.constant 48 : index
      %get3A_2173 = tpu.vector_load %arg10[%get3A_2171, %get3A_2172] {strides = array<i32>} : memref<16x128xf32, #tpu.memory_space<vmem>>, vector<1x16xf32>,
      %get3A_2174 = vector.shape_cast %get3A_2173 : vector<1x16xf32> to vector<16xf32>
      %get3A_2175 = arith.constant 12 : i32
      %get3A_2176 = arith.index_cast %get3A_2175 : i32 to index
      %get3A_2177 = arith.constant 48 : index
      %get3A_2178 = tpu.vector_load %arg12[%get3A_2176, %get3A_2177] {strides = array<i32>} : memref<16x128xf32, #tpu.memory_space<vmem>>, vector<1x16xf32>,
      %get3A_2179 = vector.shape_cast %get3A_2178 : vector<1x16xf32> to vector<16xf32>
      %mul3A_2180 = arith.mulf %get3A_2174, %get3A_2179 : vector<16xf32>
      %add3A_2181 = arith.addf %add3A_2169, %mul3A_2180 : vector<16xf32>
      %get3A_2182 = arith.constant 12 : i32
      %get3A_2183 = arith.index_cast %get3A_2182 : i32 to index
      %get3A_2184 = arith.constant 64 : index
      %get3A_2185 = tpu.vector_load %arg10[%get3A_2183, %get3A_2184] {strides = array<i32>} : memref<16x128xf32, #tpu.memory_space<vmem>>, vector<1x16xf32>,
      %get3A_2186 = vector.shape_cast %get3A_2185 : vector<1x16xf32> to vector<16xf32>
      %get3A_2187 = arith.constant 12 : i32
      %get3A_2188 = arith.index_cast %get3A_2187 : i32 to index
      %get3A_2189 = arith.constant 64 : index
      %get3A_2190 = tpu.vector_load %arg12[%get3A_2188, %get3A_2189] {strides = array<i32>} : memref<16x128xf32, #tpu.memory_space<vmem>>, vector<1x16xf32>,
      %get3A_2191 = vector.shape_cast %get3A_2190 : vector<1x16xf32> to vector<16xf32>
      %mul3A_2192 = arith.mulf %get3A_2186, %get3A_2191 : vector<16xf32>
      %add3A_2193 = arith.addf %add3A_2181, %mul3A_2192 : vector<16xf32>
      %get3A_2194 = arith.constant 12 : i32
      %get3A_2195 = arith.index_cast %get3A_2194 : i32 to index
      %get3A_2196 = arith.constant 80 : index
      %get3A_2197 = tpu.vector_load %arg10[%get3A_2195, %get3A_2196] {strides = array<i32>} : memref<16x128xf32, #tpu.memory_space<vmem>>, vector<1x16xf32>,
      %get3A_2198 = vector.shape_cast %get3A_2197 : vector<1x16xf32> to vector<16xf32>
      %get3A_2199 = arith.constant 12 : i32
      %get3A_2200 = arith.index_cast %get3A_2199 : i32 to index
      %get3A_2201 = arith.constant 80 : index
      %get3A_2202 = tpu.vector_load %arg12[%get3A_2200, %get3A_2201] {strides = array<i32>} : memref<16x128xf32, #tpu.memory_space<vmem>>, vector<1x16xf32>,
      %get3A_2203 = vector.shape_cast %get3A_2202 : vector<1x16xf32> to vector<16xf32>
      %mul3A_2204 = arith.mulf %get3A_2198, %get3A_2203 : vector<16xf32>
      %add3A_2205 = arith.addf %add3A_2193, %mul3A_2204 : vector<16xf32>
      %get3A_2206 = arith.constant 12 : i32
      %get3A_2207 = arith.index_cast %get3A_2206 : i32 to index
      %get3A_2208 = arith.constant 96 : index
      %get3A_2209 = tpu.vector_load %arg10[%get3A_2207, %get3A_2208] {strides = array<i32>} : memref<16x128xf32, #tpu.memory_space<vmem>>, vector<1x16xf32>,
      %get3A_2210 = vector.shape_cast %get3A_2209 : vector<1x16xf32> to vector<16xf32>
      %get3A_2211 = arith.constant 12 : i32
      %get3A_2212 = arith.index_cast %get3A_2211 : i32 to index
      %get3A_2213 = arith.constant 96 : index
      %get3A_2214 = tpu.vector_load %arg12[%get3A_2212, %get3A_2213] {strides = array<i32>} : memref<16x128xf32, #tpu.memory_space<vmem>>, vector<1x16xf32>,
      %get3A_2215 = vector.shape_cast %get3A_2214 : vector<1x16xf32> to vector<16xf32>
      %mul3A_2216 = arith.mulf %get3A_2210, %get3A_2215 : vector<16xf32>
      %add3A_2217 = arith.addf %add3A_2205, %mul3A_2216 : vector<16xf32>
      %get3A_2218 = arith.constant 12 : i32
      %get3A_2219 = arith.index_cast %get3A_2218 : i32 to index
      %get3A_2220 = arith.constant 112 : index
      %get3A_2221 = tpu.vector_load %arg10[%get3A_2219, %get3A_2220] {strides = array<i32>} : memref<16x128xf32, #tpu.memory_space<vmem>>, vector<1x16xf32>,
      %get3A_2222 = vector.shape_cast %get3A_2221 : vector<1x16xf32> to vector<16xf32>
      %get3A_2223 = arith.constant 12 : i32
      %get3A_2224 = arith.index_cast %get3A_2223 : i32 to index
      %get3A_2225 = arith.constant 112 : index
      %get3A_2226 = tpu.vector_load %arg12[%get3A_2224, %get3A_2225] {strides = array<i32>} : memref<16x128xf32, #tpu.memory_space<vmem>>, vector<1x16xf32>,
      %get3A_2227 = vector.shape_cast %get3A_2226 : vector<1x16xf32> to vector<16xf32>
      %mul3A_2228 = arith.mulf %get3A_2222, %get3A_2227 : vector<16xf32>
      %add3A_2229 = arith.addf %add3A_2217, %mul3A_2228 : vector<16xf32>
      %swap3A_2230 = arith.constant 48 : index
      %swap3A_2231 = tpu.vector_load %arg14[%swap3A_2230] {strides = array<i32>} : memref<256xf32, #tpu.memory_space<vmem>>, vector<16xf32>,
      %swap3A_2232 = vector.shape_cast %swap3A_2231 : vector<16xf32> to vector<16xf32>
      %swap3A_2233 = vector.shape_cast %add3A_2229 : vector<16xf32> to vector<16xf32>
      tpu.vector_store %arg14[%swap3A_2230], %swap3A_2233 {strides = array<i32>} : memref<256xf32, #tpu.memory_space<vmem>>, vector<16xf32>,
      %get3A_2234 = arith.constant 2 : i32
      %get3A_2235 = arith.index_cast %get3A_2234 : i32 to index
      %get3A_2236 = arith.constant 0 : index
      %get3A_2237 = tpu.vector_load %arg10[%get3A_2235, %get3A_2236] {strides = array<i32>} : memref<16x128xf32, #tpu.memory_space<vmem>>, vector<1x16xf32>,
      %get3A_2238 = vector.shape_cast %get3A_2237 : vector<1x16xf32> to vector<16xf32>
      %get3A_2239 = arith.constant 2 : i32
      %get3A_2240 = arith.index_cast %get3A_2239 : i32 to index
      %get3A_2241 = arith.constant 0 : index
      %get3A_2242 = tpu.vector_load %arg12[%get3A_2240, %get3A_2241] {strides = array<i32>} : memref<16x128xf32, #tpu.memory_space<vmem>>, vector<1x16xf32>,
      %get3A_2243 = vector.shape_cast %get3A_2242 : vector<1x16xf32> to vector<16xf32>
      %mul3A_2244 = arith.mulf %get3A_2238, %get3A_2243 : vector<16xf32>
      %get3A_2245 = arith.constant 2 : i32
      %get3A_2246 = arith.index_cast %get3A_2245 : i32 to index
      %get3A_2247 = arith.constant 16 : index
      %get3A_2248 = tpu.vector_load %arg10[%get3A_2246, %get3A_2247] {strides = array<i32>} : memref<16x128xf32, #tpu.memory_space<vmem>>, vector<1x16xf32>,
      %get3A_2249 = vector.shape_cast %get3A_2248 : vector<1x16xf32> to vector<16xf32>
      %get3A_2250 = arith.constant 2 : i32
      %get3A_2251 = arith.index_cast %get3A_2250 : i32 to index
      %get3A_2252 = arith.constant 16 : index
      %get3A_2253 = tpu.vector_load %arg12[%get3A_2251, %get3A_2252] {strides = array<i32>} : memref<16x128xf32, #tpu.memory_space<vmem>>, vector<1x16xf32>,
      %get3A_2254 = vector.shape_cast %get3A_2253 : vector<1x16xf32> to vector<16xf32>
      %mul3A_2255 = arith.mulf %get3A_2249, %get3A_2254 : vector<16xf32>
      %add3A_2256 = arith.addf %mul3A_2244, %mul3A_2255 : vector<16xf32>
      %get3A_2257 = arith.constant 2 : i32
      %get3A_2258 = arith.index_cast %get3A_2257 : i32 to index
      %get3A_2259 = arith.constant 32 : index
      %get3A_2260 = tpu.vector_load %arg10[%get3A_2258, %get3A_2259] {strides = array<i32>} : memref<16x128xf32, #tpu.memory_space<vmem>>, vector<1x16xf32>,
      %get3A_2261 = vector.shape_cast %get3A_2260 : vector<1x16xf32> to vector<16xf32>
      %get3A_2262 = arith.constant 2 : i32
      %get3A_2263 = arith.index_cast %get3A_2262 : i32 to index
      %get3A_2264 = arith.constant 32 : index
      %get3A_2265 = tpu.vector_load %arg12[%get3A_2263, %get3A_2264] {strides = array<i32>} : memref<16x128xf32, #tpu.memory_space<vmem>>, vector<1x16xf32>,
      %get3A_2266 = vector.shape_cast %get3A_2265 : vector<1x16xf32> to vector<16xf32>
      %mul3A_2267 = arith.mulf %get3A_2261, %get3A_2266 : vector<16xf32>
      %add3A_2268 = arith.addf %add3A_2256, %mul3A_2267 : vector<16xf32>
      %get3A_2269 = arith.constant 2 : i32
      %get3A_2270 = arith.index_cast %get3A_2269 : i32 to index
      %get3A_2271 = arith.constant 48 : index
      %get3A_2272 = tpu.vector_load %arg10[%get3A_2270, %get3A_2271] {strides = array<i32>} : memref<16x128xf32, #tpu.memory_space<vmem>>, vector<1x16xf32>,
      %get3A_2273 = vector.shape_cast %get3A_2272 : vector<1x16xf32> to vector<16xf32>
      %get3A_2274 = arith.constant 2 : i32
      %get3A_2275 = arith.index_cast %get3A_2274 : i32 to index
      %get3A_2276 = arith.constant 48 : index
      %get3A_2277 = tpu.vector_load %arg12[%get3A_2275, %get3A_2276] {strides = array<i32>} : memref<16x128xf32, #tpu.memory_space<vmem>>, vector<1x16xf32>,
      %get3A_2278 = vector.shape_cast %get3A_2277 : vector<1x16xf32> to vector<16xf32>
      %mul3A_2279 = arith.mulf %get3A_2273, %get3A_2278 : vector<16xf32>
      %add3A_2280 = arith.addf %add3A_2268, %mul3A_2279 : vector<16xf32>
      %get3A_2281 = arith.constant 2 : i32
      %get3A_2282 = arith.index_cast %get3A_2281 : i32 to index
      %get3A_2283 = arith.constant 64 : index
      %get3A_2284 = tpu.vector_load %arg10[%get3A_2282, %get3A_2283] {strides = array<i32>} : memref<16x128xf32, #tpu.memory_space<vmem>>, vector<1x16xf32>,
      %get3A_2285 = vector.shape_cast %get3A_2284 : vector<1x16xf32> to vector<16xf32>
      %get3A_2286 = arith.constant 2 : i32
      %get3A_2287 = arith.index_cast %get3A_2286 : i32 to index
      %get3A_2288 = arith.constant 64 : index
      %get3A_2289 = tpu.vector_load %arg12[%get3A_2287, %get3A_2288] {strides = array<i32>} : memref<16x128xf32, #tpu.memory_space<vmem>>, vector<1x16xf32>,
      %get3A_2290 = vector.shape_cast %get3A_2289 : vector<1x16xf32> to vector<16xf32>
      %mul3A_2291 = arith.mulf %get3A_2285, %get3A_2290 : vector<16xf32>
      %add3A_2292 = arith.addf %add3A_2280, %mul3A_2291 : vector<16xf32>
      %get3A_2293 = arith.constant 2 : i32
      %get3A_2294 = arith.index_cast %get3A_2293 : i32 to index
      %get3A_2295 = arith.constant 80 : index
      %get3A_2296 = tpu.vector_load %arg10[%get3A_2294, %get3A_2295] {strides = array<i32>} : memref<16x128xf32, #tpu.memory_space<vmem>>, vector<1x16xf32>,
      %get3A_2297 = vector.shape_cast %get3A_2296 : vector<1x16xf32> to vector<16xf32>
      %get3A_2298 = arith.constant 2 : i32
      %get3A_2299 = arith.index_cast %get3A_2298 : i32 to index
      %get3A_2300 = arith.constant 80 : index
      %get3A_2301 = tpu.vector_load %arg12[%get3A_2299, %get3A_2300] {strides = array<i32>} : memref<16x128xf32, #tpu.memory_space<vmem>>, vector<1x16xf32>,
      %get3A_2302 = vector.shape_cast %get3A_2301 : vector<1x16xf32> to vector<16xf32>
      %mul3A_2303 = arith.mulf %get3A_2297, %get3A_2302 : vector<16xf32>
      %add3A_2304 = arith.addf %add3A_2292, %mul3A_2303 : vector<16xf32>
      %get3A_2305 = arith.constant 2 : i32
      %get3A_2306 = arith.index_cast %get3A_2305 : i32 to index
      %get3A_2307 = arith.constant 96 : index
      %get3A_2308 = tpu.vector_load %arg10[%get3A_2306, %get3A_2307] {strides = array<i32>} : memref<16x128xf32, #tpu.memory_space<vmem>>, vector<1x16xf32>,
      %get3A_2309 = vector.shape_cast %get3A_2308 : vector<1x16xf32> to vector<16xf32>
      %get3A_2310 = arith.constant 2 : i32
      %get3A_2311 = arith.index_cast %get3A_2310 : i32 to index
      %get3A_2312 = arith.constant 96 : index
      %get3A_2313 = tpu.vector_load %arg12[%get3A_2311, %get3A_2312] {strides = array<i32>} : memref<16x128xf32, #tpu.memory_space<vmem>>, vector<1x16xf32>,
      %get3A_2314 = vector.shape_cast %get3A_2313 : vector<1x16xf32> to vector<16xf32>
      %mul3A_2315 = arith.mulf %get3A_2309, %get3A_2314 : vector<16xf32>
      %add3A_2316 = arith.addf %add3A_2304, %mul3A_2315 : vector<16xf32>
      %get3A_2317 = arith.constant 2 : i32
      %get3A_2318 = arith.index_cast %get3A_2317 : i32 to index
      %get3A_2319 = arith.constant 112 : index
      %get3A_2320 = tpu.vector_load %arg10[%get3A_2318, %get3A_2319] {strides = array<i32>} : memref<16x128xf32, #tpu.memory_space<vmem>>, vector<1x16xf32>,
      %get3A_2321 = vector.shape_cast %get3A_2320 : vector<1x16xf32> to vector<16xf32>
      %get3A_2322 = arith.constant 2 : i32
      %get3A_2323 = arith.index_cast %get3A_2322 : i32 to index
      %get3A_2324 = arith.constant 112 : index
      %get3A_2325 = tpu.vector_load %arg12[%get3A_2323, %get3A_2324] {strides = array<i32>} : memref<16x128xf32, #tpu.memory_space<vmem>>, vector<1x16xf32>,
      %get3A_2326 = vector.shape_cast %get3A_2325 : vector<1x16xf32> to vector<16xf32>
      %mul3A_2327 = arith.mulf %get3A_2321, %get3A_2326 : vector<16xf32>
      %add3A_2328 = arith.addf %add3A_2316, %mul3A_2327 : vector<16xf32>
      %swap3A_2329 = arith.constant 64 : index
      %swap3A_2330 = tpu.vector_load %arg14[%swap3A_2329] {strides = array<i32>} : memref<256xf32, #tpu.memory_space<vmem>>, vector<16xf32>,
      %swap3A_2331 = vector.shape_cast %swap3A_2330 : vector<16xf32> to vector<16xf32>
      %swap3A_2332 = vector.shape_cast %add3A_2328 : vector<16xf32> to vector<16xf32>
      tpu.vector_store %arg14[%swap3A_2329], %swap3A_2332 {strides = array<i32>} : memref<256xf32, #tpu.memory_space<vmem>>, vector<16xf32>,
      %get3A_2333 = arith.constant 10 : i32
      %get3A_2334 = arith.index_cast %get3A_2333 : i32 to index
      %get3A_2335 = arith.constant 0 : index
      %get3A_2336 = tpu.vector_load %arg10[%get3A_2334, %get3A_2335] {strides = array<i32>} : memref<16x128xf32, #tpu.memory_space<vmem>>, vector<1x16xf32>,
      %get3A_2337 = vector.shape_cast %get3A_2336 : vector<1x16xf32> to vector<16xf32>
      %get3A_2338 = arith.constant 10 : i32
      %get3A_2339 = arith.index_cast %get3A_2338 : i32 to index
      %get3A_2340 = arith.constant 0 : index
      %get3A_2341 = tpu.vector_load %arg12[%get3A_2339, %get3A_2340] {strides = array<i32>} : memref<16x128xf32, #tpu.memory_space<vmem>>, vector<1x16xf32>,
      %get3A_2342 = vector.shape_cast %get3A_2341 : vector<1x16xf32> to vector<16xf32>
      %mul3A_2343 = arith.mulf %get3A_2337, %get3A_2342 : vector<16xf32>
      %get3A_2344 = arith.constant 10 : i32
      %get3A_2345 = arith.index_cast %get3A_2344 : i32 to index
      %get3A_2346 = arith.constant 16 : index
      %get3A_2347 = tpu.vector_load %arg10[%get3A_2345, %get3A_2346] {strides = array<i32>} : memref<16x128xf32, #tpu.memory_space<vmem>>, vector<1x16xf32>,
      %get3A_2348 = vector.shape_cast %get3A_2347 : vector<1x16xf32> to vector<16xf32>
      %get3A_2349 = arith.constant 10 : i32
      %get3A_2350 = arith.index_cast %get3A_2349 : i32 to index
      %get3A_2351 = arith.constant 16 : index
      %get3A_2352 = tpu.vector_load %arg12[%get3A_2350, %get3A_2351] {strides = array<i32>} : memref<16x128xf32, #tpu.memory_space<vmem>>, vector<1x16xf32>,
      %get3A_2353 = vector.shape_cast %get3A_2352 : vector<1x16xf32> to vector<16xf32>
      %mul3A_2354 = arith.mulf %get3A_2348, %get3A_2353 : vector<16xf32>
      %add3A_2355 = arith.addf %mul3A_2343, %mul3A_2354 : vector<16xf32>
      %get3A_2356 = arith.constant 10 : i32
      %get3A_2357 = arith.index_cast %get3A_2356 : i32 to index
      %get3A_2358 = arith.constant 32 : index
      %get3A_2359 = tpu.vector_load %arg10[%get3A_2357, %get3A_2358] {strides = array<i32>} : memref<16x128xf32, #tpu.memory_space<vmem>>, vector<1x16xf32>,
      %get3A_2360 = vector.shape_cast %get3A_2359 : vector<1x16xf32> to vector<16xf32>
      %get3A_2361 = arith.constant 10 : i32
      %get3A_2362 = arith.index_cast %get3A_2361 : i32 to index
      %get3A_2363 = arith.constant 32 : index
      %get3A_2364 = tpu.vector_load %arg12[%get3A_2362, %get3A_2363] {strides = array<i32>} : memref<16x128xf32, #tpu.memory_space<vmem>>, vector<1x16xf32>,
      %get3A_2365 = vector.shape_cast %get3A_2364 : vector<1x16xf32> to vector<16xf32>
      %mul3A_2366 = arith.mulf %get3A_2360, %get3A_2365 : vector<16xf32>
      %add3A_2367 = arith.addf %add3A_2355, %mul3A_2366 : vector<16xf32>
      %get3A_2368 = arith.constant 10 : i32
      %get3A_2369 = arith.index_cast %get3A_2368 : i32 to index
      %get3A_2370 = arith.constant 48 : index
      %get3A_2371 = tpu.vector_load %arg10[%get3A_2369, %get3A_2370] {strides = array<i32>} : memref<16x128xf32, #tpu.memory_space<vmem>>, vector<1x16xf32>,
      %get3A_2372 = vector.shape_cast %get3A_2371 : vector<1x16xf32> to vector<16xf32>
      %get3A_2373 = arith.constant 10 : i32
      %get3A_2374 = arith.index_cast %get3A_2373 : i32 to index
      %get3A_2375 = arith.constant 48 : index
      %get3A_2376 = tpu.vector_load %arg12[%get3A_2374, %get3A_2375] {strides = array<i32>} : memref<16x128xf32, #tpu.memory_space<vmem>>, vector<1x16xf32>,
      %get3A_2377 = vector.shape_cast %get3A_2376 : vector<1x16xf32> to vector<16xf32>
      %mul3A_2378 = arith.mulf %get3A_2372, %get3A_2377 : vector<16xf32>
      %add3A_2379 = arith.addf %add3A_2367, %mul3A_2378 : vector<16xf32>
      %get3A_2380 = arith.constant 10 : i32
      %get3A_2381 = arith.index_cast %get3A_2380 : i32 to index
      %get3A_2382 = arith.constant 64 : index
      %get3A_2383 = tpu.vector_load %arg10[%get3A_2381, %get3A_2382] {strides = array<i32>} : memref<16x128xf32, #tpu.memory_space<vmem>>, vector<1x16xf32>,
      %get3A_2384 = vector.shape_cast %get3A_2383 : vector<1x16xf32> to vector<16xf32>
      %get3A_2385 = arith.constant 10 : i32
      %get3A_2386 = arith.index_cast %get3A_2385 : i32 to index
      %get3A_2387 = arith.constant 64 : index
      %get3A_2388 = tpu.vector_load %arg12[%get3A_2386, %get3A_2387] {strides = array<i32>} : memref<16x128xf32, #tpu.memory_space<vmem>>, vector<1x16xf32>,
      %get3A_2389 = vector.shape_cast %get3A_2388 : vector<1x16xf32> to vector<16xf32>
      %mul3A_2390 = arith.mulf %get3A_2384, %get3A_2389 : vector<16xf32>
      %add3A_2391 = arith.addf %add3A_2379, %mul3A_2390 : vector<16xf32>
      %get3A_2392 = arith.constant 10 : i32
      %get3A_2393 = arith.index_cast %get3A_2392 : i32 to index
      %get3A_2394 = arith.constant 80 : index
      %get3A_2395 = tpu.vector_load %arg10[%get3A_2393, %get3A_2394] {strides = array<i32>} : memref<16x128xf32, #tpu.memory_space<vmem>>, vector<1x16xf32>,
      %get3A_2396 = vector.shape_cast %get3A_2395 : vector<1x16xf32> to vector<16xf32>
      %get3A_2397 = arith.constant 10 : i32
      %get3A_2398 = arith.index_cast %get3A_2397 : i32 to index
      %get3A_2399 = arith.constant 80 : index
      %get3A_2400 = tpu.vector_load %arg12[%get3A_2398, %get3A_2399] {strides = array<i32>} : memref<16x128xf32, #tpu.memory_space<vmem>>, vector<1x16xf32>,
      %get3A_2401 = vector.shape_cast %get3A_2400 : vector<1x16xf32> to vector<16xf32>
      %mul3A_2402 = arith.mulf %get3A_2396, %get3A_2401 : vector<16xf32>
      %add3A_2403 = arith.addf %add3A_2391, %mul3A_2402 : vector<16xf32>
      %get3A_2404 = arith.constant 10 : i32
      %get3A_2405 = arith.index_cast %get3A_2404 : i32 to index
      %get3A_2406 = arith.constant 96 : index
      %get3A_2407 = tpu.vector_load %arg10[%get3A_2405, %get3A_2406] {strides = array<i32>} : memref<16x128xf32, #tpu.memory_space<vmem>>, vector<1x16xf32>,
      %get3A_2408 = vector.shape_cast %get3A_2407 : vector<1x16xf32> to vector<16xf32>
      %get3A_2409 = arith.constant 10 : i32
      %get3A_2410 = arith.index_cast %get3A_2409 : i32 to index
      %get3A_2411 = arith.constant 96 : index
      %get3A_2412 = tpu.vector_load %arg12[%get3A_2410, %get3A_2411] {strides = array<i32>} : memref<16x128xf32, #tpu.memory_space<vmem>>, vector<1x16xf32>,
      %get3A_2413 = vector.shape_cast %get3A_2412 : vector<1x16xf32> to vector<16xf32>
      %mul3A_2414 = arith.mulf %get3A_2408, %get3A_2413 : vector<16xf32>
      %add3A_2415 = arith.addf %add3A_2403, %mul3A_2414 : vector<16xf32>
      %get3A_2416 = arith.constant 10 : i32
      %get3A_2417 = arith.index_cast %get3A_2416 : i32 to index
      %get3A_2418 = arith.constant 112 : index
      %get3A_2419 = tpu.vector_load %arg10[%get3A_2417, %get3A_2418] {strides = array<i32>} : memref<16x128xf32, #tpu.memory_space<vmem>>, vector<1x16xf32>,
      %get3A_2420 = vector.shape_cast %get3A_2419 : vector<1x16xf32> to vector<16xf32>
      %get3A_2421 = arith.constant 10 : i32
      %get3A_2422 = arith.index_cast %get3A_2421 : i32 to index
      %get3A_2423 = arith.constant 112 : index
      %get3A_2424 = tpu.vector_load %arg12[%get3A_2422, %get3A_2423] {strides = array<i32>} : memref<16x128xf32, #tpu.memory_space<vmem>>, vector<1x16xf32>,
      %get3A_2425 = vector.shape_cast %get3A_2424 : vector<1x16xf32> to vector<16xf32>
      %mul3A_2426 = arith.mulf %get3A_2420, %get3A_2425 : vector<16xf32>
      %add3A_2427 = arith.addf %add3A_2415, %mul3A_2426 : vector<16xf32>
      %swap3A_2428 = arith.constant 80 : index
      %swap3A_2429 = tpu.vector_load %arg14[%swap3A_2428] {strides = array<i32>} : memref<256xf32, #tpu.memory_space<vmem>>, vector<16xf32>,
      %swap3A_2430 = vector.shape_cast %swap3A_2429 : vector<16xf32> to vector<16xf32>
      %swap3A_2431 = vector.shape_cast %add3A_2427 : vector<16xf32> to vector<16xf32>
      tpu.vector_store %arg14[%swap3A_2428], %swap3A_2431 {strides = array<i32>} : memref<256xf32, #tpu.memory_space<vmem>>, vector<16xf32>,
      %get3A_2432 = arith.constant 6 : i32
      %get3A_2433 = arith.index_cast %get3A_2432 : i32 to index
      %get3A_2434 = arith.constant 0 : index
      %get3A_2435 = tpu.vector_load %arg10[%get3A_2433, %get3A_2434] {strides = array<i32>} : memref<16x128xf32, #tpu.memory_space<vmem>>, vector<1x16xf32>,
      %get3A_2436 = vector.shape_cast %get3A_2435 : vector<1x16xf32> to vector<16xf32>
      %get3A_2437 = arith.constant 6 : i32
      %get3A_2438 = arith.index_cast %get3A_2437 : i32 to index
      %get3A_2439 = arith.constant 0 : index
      %get3A_2440 = tpu.vector_load %arg12[%get3A_2438, %get3A_2439] {strides = array<i32>} : memref<16x128xf32, #tpu.memory_space<vmem>>, vector<1x16xf32>,
      %get3A_2441 = vector.shape_cast %get3A_2440 : vector<1x16xf32> to vector<16xf32>
      %mul3A_2442 = arith.mulf %get3A_2436, %get3A_2441 : vector<16xf32>
      %get3A_2443 = arith.constant 6 : i32
      %get3A_2444 = arith.index_cast %get3A_2443 : i32 to index
      %get3A_2445 = arith.constant 16 : index
      %get3A_2446 = tpu.vector_load %arg10[%get3A_2444, %get3A_2445] {strides = array<i32>} : memref<16x128xf32, #tpu.memory_space<vmem>>, vector<1x16xf32>,
      %get3A_2447 = vector.shape_cast %get3A_2446 : vector<1x16xf32> to vector<16xf32>
      %get3A_2448 = arith.constant 6 : i32
      %get3A_2449 = arith.index_cast %get3A_2448 : i32 to index
      %get3A_2450 = arith.constant 16 : index
      %get3A_2451 = tpu.vector_load %arg12[%get3A_2449, %get3A_2450] {strides = array<i32>} : memref<16x128xf32, #tpu.memory_space<vmem>>, vector<1x16xf32>,
      %get3A_2452 = vector.shape_cast %get3A_2451 : vector<1x16xf32> to vector<16xf32>
      %mul3A_2453 = arith.mulf %get3A_2447, %get3A_2452 : vector<16xf32>
      %add3A_2454 = arith.addf %mul3A_2442, %mul3A_2453 : vector<16xf32>
      %get3A_2455 = arith.constant 6 : i32
      %get3A_2456 = arith.index_cast %get3A_2455 : i32 to index
      %get3A_2457 = arith.constant 32 : index
      %get3A_2458 = tpu.vector_load %arg10[%get3A_2456, %get3A_2457] {strides = array<i32>} : memref<16x128xf32, #tpu.memory_space<vmem>>, vector<1x16xf32>,
      %get3A_2459 = vector.shape_cast %get3A_2458 : vector<1x16xf32> to vector<16xf32>
      %get3A_2460 = arith.constant 6 : i32
      %get3A_2461 = arith.index_cast %get3A_2460 : i32 to index
      %get3A_2462 = arith.constant 32 : index
      %get3A_2463 = tpu.vector_load %arg12[%get3A_2461, %get3A_2462] {strides = array<i32>} : memref<16x128xf32, #tpu.memory_space<vmem>>, vector<1x16xf32>,
      %get3A_2464 = vector.shape_cast %get3A_2463 : vector<1x16xf32> to vector<16xf32>
      %mul3A_2465 = arith.mulf %get3A_2459, %get3A_2464 : vector<16xf32>
      %add3A_2466 = arith.addf %add3A_2454, %mul3A_2465 : vector<16xf32>
      %get3A_2467 = arith.constant 6 : i32
      %get3A_2468 = arith.index_cast %get3A_2467 : i32 to index
      %get3A_2469 = arith.constant 48 : index
      %get3A_2470 = tpu.vector_load %arg10[%get3A_2468, %get3A_2469] {strides = array<i32>} : memref<16x128xf32, #tpu.memory_space<vmem>>, vector<1x16xf32>,
      %get3A_2471 = vector.shape_cast %get3A_2470 : vector<1x16xf32> to vector<16xf32>
      %get3A_2472 = arith.constant 6 : i32
      %get3A_2473 = arith.index_cast %get3A_2472 : i32 to index
      %get3A_2474 = arith.constant 48 : index
      %get3A_2475 = tpu.vector_load %arg12[%get3A_2473, %get3A_2474] {strides = array<i32>} : memref<16x128xf32, #tpu.memory_space<vmem>>, vector<1x16xf32>,
      %get3A_2476 = vector.shape_cast %get3A_2475 : vector<1x16xf32> to vector<16xf32>
      %mul3A_2477 = arith.mulf %get3A_2471, %get3A_2476 : vector<16xf32>
      %add3A_2478 = arith.addf %add3A_2466, %mul3A_2477 : vector<16xf32>
      %get3A_2479 = arith.constant 6 : i32
      %get3A_2480 = arith.index_cast %get3A_2479 : i32 to index
      %get3A_2481 = arith.constant 64 : index
      %get3A_2482 = tpu.vector_load %arg10[%get3A_2480, %get3A_2481] {strides = array<i32>} : memref<16x128xf32, #tpu.memory_space<vmem>>, vector<1x16xf32>,
      %get3A_2483 = vector.shape_cast %get3A_2482 : vector<1x16xf32> to vector<16xf32>
      %get3A_2484 = arith.constant 6 : i32
      %get3A_2485 = arith.index_cast %get3A_2484 : i32 to index
      %get3A_2486 = arith.constant 64 : index
      %get3A_2487 = tpu.vector_load %arg12[%get3A_2485, %get3A_2486] {strides = array<i32>} : memref<16x128xf32, #tpu.memory_space<vmem>>, vector<1x16xf32>,
      %get3A_2488 = vector.shape_cast %get3A_2487 : vector<1x16xf32> to vector<16xf32>
      %mul3A_2489 = arith.mulf %get3A_2483, %get3A_2488 : vector<16xf32>
      %add3A_2490 = arith.addf %add3A_2478, %mul3A_2489 : vector<16xf32>
      %get3A_2491 = arith.constant 6 : i32
      %get3A_2492 = arith.index_cast %get3A_2491 : i32 to index
      %get3A_2493 = arith.constant 80 : index
      %get3A_2494 = tpu.vector_load %arg10[%get3A_2492, %get3A_2493] {strides = array<i32>} : memref<16x128xf32, #tpu.memory_space<vmem>>, vector<1x16xf32>,
      %get3A_2495 = vector.shape_cast %get3A_2494 : vector<1x16xf32> to vector<16xf32>
      %get3A_2496 = arith.constant 6 : i32
      %get3A_2497 = arith.index_cast %get3A_2496 : i32 to index
      %get3A_2498 = arith.constant 80 : index
      %get3A_2499 = tpu.vector_load %arg12[%get3A_2497, %get3A_2498] {strides = array<i32>} : memref<16x128xf32, #tpu.memory_space<vmem>>, vector<1x16xf32>,
      %get3A_2500 = vector.shape_cast %get3A_2499 : vector<1x16xf32> to vector<16xf32>
      %mul3A_2501 = arith.mulf %get3A_2495, %get3A_2500 : vector<16xf32>
      %add3A_2502 = arith.addf %add3A_2490, %mul3A_2501 : vector<16xf32>
      %get3A_2503 = arith.constant 6 : i32
      %get3A_2504 = arith.index_cast %get3A_2503 : i32 to index
      %get3A_2505 = arith.constant 96 : index
      %get3A_2506 = tpu.vector_load %arg10[%get3A_2504, %get3A_2505] {strides = array<i32>} : memref<16x128xf32, #tpu.memory_space<vmem>>, vector<1x16xf32>,
      %get3A_2507 = vector.shape_cast %get3A_2506 : vector<1x16xf32> to vector<16xf32>
      %get3A_2508 = arith.constant 6 : i32
      %get3A_2509 = arith.index_cast %get3A_2508 : i32 to index
      %get3A_2510 = arith.constant 96 : index
      %get3A_2511 = tpu.vector_load %arg12[%get3A_2509, %get3A_2510] {strides = array<i32>} : memref<16x128xf32, #tpu.memory_space<vmem>>, vector<1x16xf32>,
      %get3A_2512 = vector.shape_cast %get3A_2511 : vector<1x16xf32> to vector<16xf32>
      %mul3A_2513 = arith.mulf %get3A_2507, %get3A_2512 : vector<16xf32>
      %add3A_2514 = arith.addf %add3A_2502, %mul3A_2513 : vector<16xf32>
      %get3A_2515 = arith.constant 6 : i32
      %get3A_2516 = arith.index_cast %get3A_2515 : i32 to index
      %get3A_2517 = arith.constant 112 : index
      %get3A_2518 = tpu.vector_load %arg10[%get3A_2516, %get3A_2517] {strides = array<i32>} : memref<16x128xf32, #tpu.memory_space<vmem>>, vector<1x16xf32>,
      %get3A_2519 = vector.shape_cast %get3A_2518 : vector<1x16xf32> to vector<16xf32>
      %get3A_2520 = arith.constant 6 : i32
      %get3A_2521 = arith.index_cast %get3A_2520 : i32 to index
      %get3A_2522 = arith.constant 112 : index
      %get3A_2523 = tpu.vector_load %arg12[%get3A_2521, %get3A_2522] {strides = array<i32>} : memref<16x128xf32, #tpu.memory_space<vmem>>, vector<1x16xf32>,
      %get3A_2524 = vector.shape_cast %get3A_2523 : vector<1x16xf32> to vector<16xf32>
      %mul3A_2525 = arith.mulf %get3A_2519, %get3A_2524 : vector<16xf32>
      %add3A_2526 = arith.addf %add3A_2514, %mul3A_2525 : vector<16xf32>
      %swap3A_2527 = arith.constant 96 : index
      %swap3A_2528 = tpu.vector_load %arg14[%swap3A_2527] {strides = array<i32>} : memref<256xf32, #tpu.memory_space<vmem>>, vector<16xf32>,
      %swap3A_2529 = vector.shape_cast %swap3A_2528 : vector<16xf32> to vector<16xf32>
      %swap3A_2530 = vector.shape_cast %add3A_2526 : vector<16xf32> to vector<16xf32>
      tpu.vector_store %arg14[%swap3A_2527], %swap3A_2530 {strides = array<i32>} : memref<256xf32, #tpu.memory_space<vmem>>, vector<16xf32>,
      %get3A_2531 = arith.constant 14 : i32
      %get3A_2532 = arith.index_cast %get3A_2531 : i32 to index
      %get3A_2533 = arith.constant 0 : index
      %get3A_2534 = tpu.vector_load %arg10[%get3A_2532, %get3A_2533] {strides = array<i32>} : memref<16x128xf32, #tpu.memory_space<vmem>>, vector<1x16xf32>,
      %get3A_2535 = vector.shape_cast %get3A_2534 : vector<1x16xf32> to vector<16xf32>
      %get3A_2536 = arith.constant 14 : i32
      %get3A_2537 = arith.index_cast %get3A_2536 : i32 to index
      %get3A_2538 = arith.constant 0 : index
      %get3A_2539 = tpu.vector_load %arg12[%get3A_2537, %get3A_2538] {strides = array<i32>} : memref<16x128xf32, #tpu.memory_space<vmem>>, vector<1x16xf32>,
      %get3A_2540 = vector.shape_cast %get3A_2539 : vector<1x16xf32> to vector<16xf32>
      %mul3A_2541 = arith.mulf %get3A_2535, %get3A_2540 : vector<16xf32>
      %get3A_2542 = arith.constant 14 : i32
      %get3A_2543 = arith.index_cast %get3A_2542 : i32 to index
      %get3A_2544 = arith.constant 16 : index
      %get3A_2545 = tpu.vector_load %arg10[%get3A_2543, %get3A_2544] {strides = array<i32>} : memref<16x128xf32, #tpu.memory_space<vmem>>, vector<1x16xf32>,
      %get3A_2546 = vector.shape_cast %get3A_2545 : vector<1x16xf32> to vector<16xf32>
      %get3A_2547 = arith.constant 14 : i32
      %get3A_2548 = arith.index_cast %get3A_2547 : i32 to index
      %get3A_2549 = arith.constant 16 : index
      %get3A_2550 = tpu.vector_load %arg12[%get3A_2548, %get3A_2549] {strides = array<i32>} : memref<16x128xf32, #tpu.memory_space<vmem>>, vector<1x16xf32>,
      %get3A_2551 = vector.shape_cast %get3A_2550 : vector<1x16xf32> to vector<16xf32>
      %mul3A_2552 = arith.mulf %get3A_2546, %get3A_2551 : vector<16xf32>
      %add3A_2553 = arith.addf %mul3A_2541, %mul3A_2552 : vector<16xf32>
      %get3A_2554 = arith.constant 14 : i32
      %get3A_2555 = arith.index_cast %get3A_2554 : i32 to index
      %get3A_2556 = arith.constant 32 : index
      %get3A_2557 = tpu.vector_load %arg10[%get3A_2555, %get3A_2556] {strides = array<i32>} : memref<16x128xf32, #tpu.memory_space<vmem>>, vector<1x16xf32>,
      %get3A_2558 = vector.shape_cast %get3A_2557 : vector<1x16xf32> to vector<16xf32>
      %get3A_2559 = arith.constant 14 : i32
      %get3A_2560 = arith.index_cast %get3A_2559 : i32 to index
      %get3A_2561 = arith.constant 32 : index
      %get3A_2562 = tpu.vector_load %arg12[%get3A_2560, %get3A_2561] {strides = array<i32>} : memref<16x128xf32, #tpu.memory_space<vmem>>, vector<1x16xf32>,
      %get3A_2563 = vector.shape_cast %get3A_2562 : vector<1x16xf32> to vector<16xf32>
      %mul3A_2564 = arith.mulf %get3A_2558, %get3A_2563 : vector<16xf32>
      %add3A_2565 = arith.addf %add3A_2553, %mul3A_2564 : vector<16xf32>
      %get3A_2566 = arith.constant 14 : i32
      %get3A_2567 = arith.index_cast %get3A_2566 : i32 to index
      %get3A_2568 = arith.constant 48 : index
      %get3A_2569 = tpu.vector_load %arg10[%get3A_2567, %get3A_2568] {strides = array<i32>} : memref<16x128xf32, #tpu.memory_space<vmem>>, vector<1x16xf32>,
      %get3A_2570 = vector.shape_cast %get3A_2569 : vector<1x16xf32> to vector<16xf32>
      %get3A_2571 = arith.constant 14 : i32
      %get3A_2572 = arith.index_cast %get3A_2571 : i32 to index
      %get3A_2573 = arith.constant 48 : index
      %get3A_2574 = tpu.vector_load %arg12[%get3A_2572, %get3A_2573] {strides = array<i32>} : memref<16x128xf32, #tpu.memory_space<vmem>>, vector<1x16xf32>,
      %get3A_2575 = vector.shape_cast %get3A_2574 : vector<1x16xf32> to vector<16xf32>
      %mul3A_2576 = arith.mulf %get3A_2570, %get3A_2575 : vector<16xf32>
      %add3A_2577 = arith.addf %add3A_2565, %mul3A_2576 : vector<16xf32>
      %get3A_2578 = arith.constant 14 : i32
      %get3A_2579 = arith.index_cast %get3A_2578 : i32 to index
      %get3A_2580 = arith.constant 64 : index
      %get3A_2581 = tpu.vector_load %arg10[%get3A_2579, %get3A_2580] {strides = array<i32>} : memref<16x128xf32, #tpu.memory_space<vmem>>, vector<1x16xf32>,
      %get3A_2582 = vector.shape_cast %get3A_2581 : vector<1x16xf32> to vector<16xf32>
      %get3A_2583 = arith.constant 14 : i32
      %get3A_2584 = arith.index_cast %get3A_2583 : i32 to index
      %get3A_2585 = arith.constant 64 : index
      %get3A_2586 = tpu.vector_load %arg12[%get3A_2584, %get3A_2585] {strides = array<i32>} : memref<16x128xf32, #tpu.memory_space<vmem>>, vector<1x16xf32>,
      %get3A_2587 = vector.shape_cast %get3A_2586 : vector<1x16xf32> to vector<16xf32>
      %mul3A_2588 = arith.mulf %get3A_2582, %get3A_2587 : vector<16xf32>
      %add3A_2589 = arith.addf %add3A_2577, %mul3A_2588 : vector<16xf32>
      %get3A_2590 = arith.constant 14 : i32
      %get3A_2591 = arith.index_cast %get3A_2590 : i32 to index
      %get3A_2592 = arith.constant 80 : index
      %get3A_2593 = tpu.vector_load %arg10[%get3A_2591, %get3A_2592] {strides = array<i32>} : memref<16x128xf32, #tpu.memory_space<vmem>>, vector<1x16xf32>,
      %get3A_2594 = vector.shape_cast %get3A_2593 : vector<1x16xf32> to vector<16xf32>
      %get3A_2595 = arith.constant 14 : i32
      %get3A_2596 = arith.index_cast %get3A_2595 : i32 to index
      %get3A_2597 = arith.constant 80 : index
      %get3A_2598 = tpu.vector_load %arg12[%get3A_2596, %get3A_2597] {strides = array<i32>} : memref<16x128xf32, #tpu.memory_space<vmem>>, vector<1x16xf32>,
      %get3A_2599 = vector.shape_cast %get3A_2598 : vector<1x16xf32> to vector<16xf32>
      %mul3A_2600 = arith.mulf %get3A_2594, %get3A_2599 : vector<16xf32>
      %add3A_2601 = arith.addf %add3A_2589, %mul3A_2600 : vector<16xf32>
      %get3A_2602 = arith.constant 14 : i32
      %get3A_2603 = arith.index_cast %get3A_2602 : i32 to index
      %get3A_2604 = arith.constant 96 : index
      %get3A_2605 = tpu.vector_load %arg10[%get3A_2603, %get3A_2604] {strides = array<i32>} : memref<16x128xf32, #tpu.memory_space<vmem>>, vector<1x16xf32>,
      %get3A_2606 = vector.shape_cast %get3A_2605 : vector<1x16xf32> to vector<16xf32>
      %get3A_2607 = arith.constant 14 : i32
      %get3A_2608 = arith.index_cast %get3A_2607 : i32 to index
      %get3A_2609 = arith.constant 96 : index
      %get3A_2610 = tpu.vector_load %arg12[%get3A_2608, %get3A_2609] {strides = array<i32>} : memref<16x128xf32, #tpu.memory_space<vmem>>, vector<1x16xf32>,
      %get3A_2611 = vector.shape_cast %get3A_2610 : vector<1x16xf32> to vector<16xf32>
      %mul3A_2612 = arith.mulf %get3A_2606, %get3A_2611 : vector<16xf32>
      %add3A_2613 = arith.addf %add3A_2601, %mul3A_2612 : vector<16xf32>
      %get3A_2614 = arith.constant 14 : i32
      %get3A_2615 = arith.index_cast %get3A_2614 : i32 to index
      %get3A_2616 = arith.constant 112 : index
      %get3A_2617 = tpu.vector_load %arg10[%get3A_2615, %get3A_2616] {strides = array<i32>} : memref<16x128xf32, #tpu.memory_space<vmem>>, vector<1x16xf32>,
      %get3A_2618 = vector.shape_cast %get3A_2617 : vector<1x16xf32> to vector<16xf32>
      %get3A_2619 = arith.constant 14 : i32
      %get3A_2620 = arith.index_cast %get3A_2619 : i32 to index
      %get3A_2621 = arith.constant 112 : index
      %get3A_2622 = tpu.vector_load %arg12[%get3A_2620, %get3A_2621] {strides = array<i32>} : memref<16x128xf32, #tpu.memory_space<vmem>>, vector<1x16xf32>,
      %get3A_2623 = vector.shape_cast %get3A_2622 : vector<1x16xf32> to vector<16xf32>
      %mul3A_2624 = arith.mulf %get3A_2618, %get3A_2623 : vector<16xf32>
      %add3A_2625 = arith.addf %add3A_2613, %mul3A_2624 : vector<16xf32>
      %swap3A_2626 = arith.constant 112 : index
      %swap3A_2627 = tpu.vector_load %arg14[%swap3A_2626] {strides = array<i32>} : memref<256xf32, #tpu.memory_space<vmem>>, vector<16xf32>,
      %swap3A_2628 = vector.shape_cast %swap3A_2627 : vector<16xf32> to vector<16xf32>
      %swap3A_2629 = vector.shape_cast %add3A_2625 : vector<16xf32> to vector<16xf32>
      tpu.vector_store %arg14[%swap3A_2626], %swap3A_2629 {strides = array<i32>} : memref<256xf32, #tpu.memory_space<vmem>>, vector<16xf32>,
      %get3A_2630 = arith.constant 1 : i32
      %get3A_2631 = arith.index_cast %get3A_2630 : i32 to index
      %get3A_2632 = arith.constant 0 : index
      %get3A_2633 = tpu.vector_load %arg10[%get3A_2631, %get3A_2632] {strides = array<i32>} : memref<16x128xf32, #tpu.memory_space<vmem>>, vector<1x16xf32>,
      %get3A_2634 = vector.shape_cast %get3A_2633 : vector<1x16xf32> to vector<16xf32>
      %get3A_2635 = arith.constant 1 : i32
      %get3A_2636 = arith.index_cast %get3A_2635 : i32 to index
      %get3A_2637 = arith.constant 0 : index
      %get3A_2638 = tpu.vector_load %arg12[%get3A_2636, %get3A_2637] {strides = array<i32>} : memref<16x128xf32, #tpu.memory_space<vmem>>, vector<1x16xf32>,
      %get3A_2639 = vector.shape_cast %get3A_2638 : vector<1x16xf32> to vector<16xf32>
      %mul3A_2640 = arith.mulf %get3A_2634, %get3A_2639 : vector<16xf32>
      %get3A_2641 = arith.constant 1 : i32
      %get3A_2642 = arith.index_cast %get3A_2641 : i32 to index
      %get3A_2643 = arith.constant 16 : index
      %get3A_2644 = tpu.vector_load %arg10[%get3A_2642, %get3A_2643] {strides = array<i32>} : memref<16x128xf32, #tpu.memory_space<vmem>>, vector<1x16xf32>,
      %get3A_2645 = vector.shape_cast %get3A_2644 : vector<1x16xf32> to vector<16xf32>
      %get3A_2646 = arith.constant 1 : i32
      %get3A_2647 = arith.index_cast %get3A_2646 : i32 to index
      %get3A_2648 = arith.constant 16 : index
      %get3A_2649 = tpu.vector_load %arg12[%get3A_2647, %get3A_2648] {strides = array<i32>} : memref<16x128xf32, #tpu.memory_space<vmem>>, vector<1x16xf32>,
      %get3A_2650 = vector.shape_cast %get3A_2649 : vector<1x16xf32> to vector<16xf32>
      %mul3A_2651 = arith.mulf %get3A_2645, %get3A_2650 : vector<16xf32>
      %add3A_2652 = arith.addf %mul3A_2640, %mul3A_2651 : vector<16xf32>
      %get3A_2653 = arith.constant 1 : i32
      %get3A_2654 = arith.index_cast %get3A_2653 : i32 to index
      %get3A_2655 = arith.constant 32 : index
      %get3A_2656 = tpu.vector_load %arg10[%get3A_2654, %get3A_2655] {strides = array<i32>} : memref<16x128xf32, #tpu.memory_space<vmem>>, vector<1x16xf32>,
      %get3A_2657 = vector.shape_cast %get3A_2656 : vector<1x16xf32> to vector<16xf32>
      %get3A_2658 = arith.constant 1 : i32
      %get3A_2659 = arith.index_cast %get3A_2658 : i32 to index
      %get3A_2660 = arith.constant 32 : index
      %get3A_2661 = tpu.vector_load %arg12[%get3A_2659, %get3A_2660] {strides = array<i32>} : memref<16x128xf32, #tpu.memory_space<vmem>>, vector<1x16xf32>,
      %get3A_2662 = vector.shape_cast %get3A_2661 : vector<1x16xf32> to vector<16xf32>
      %mul3A_2663 = arith.mulf %get3A_2657, %get3A_2662 : vector<16xf32>
      %add3A_2664 = arith.addf %add3A_2652, %mul3A_2663 : vector<16xf32>
      %get3A_2665 = arith.constant 1 : i32
      %get3A_2666 = arith.index_cast %get3A_2665 : i32 to index
      %get3A_2667 = arith.constant 48 : index
      %get3A_2668 = tpu.vector_load %arg10[%get3A_2666, %get3A_2667] {strides = array<i32>} : memref<16x128xf32, #tpu.memory_space<vmem>>, vector<1x16xf32>,
      %get3A_2669 = vector.shape_cast %get3A_2668 : vector<1x16xf32> to vector<16xf32>
      %get3A_2670 = arith.constant 1 : i32
      %get3A_2671 = arith.index_cast %get3A_2670 : i32 to index
      %get3A_2672 = arith.constant 48 : index
      %get3A_2673 = tpu.vector_load %arg12[%get3A_2671, %get3A_2672] {strides = array<i32>} : memref<16x128xf32, #tpu.memory_space<vmem>>, vector<1x16xf32>,
      %get3A_2674 = vector.shape_cast %get3A_2673 : vector<1x16xf32> to vector<16xf32>
      %mul3A_2675 = arith.mulf %get3A_2669, %get3A_2674 : vector<16xf32>
      %add3A_2676 = arith.addf %add3A_2664, %mul3A_2675 : vector<16xf32>
      %get3A_2677 = arith.constant 1 : i32
      %get3A_2678 = arith.index_cast %get3A_2677 : i32 to index
      %get3A_2679 = arith.constant 64 : index
      %get3A_2680 = tpu.vector_load %arg10[%get3A_2678, %get3A_2679] {strides = array<i32>} : memref<16x128xf32, #tpu.memory_space<vmem>>, vector<1x16xf32>,
      %get3A_2681 = vector.shape_cast %get3A_2680 : vector<1x16xf32> to vector<16xf32>
      %get3A_2682 = arith.constant 1 : i32
      %get3A_2683 = arith.index_cast %get3A_2682 : i32 to index
      %get3A_2684 = arith.constant 64 : index
      %get3A_2685 = tpu.vector_load %arg12[%get3A_2683, %get3A_2684] {strides = array<i32>} : memref<16x128xf32, #tpu.memory_space<vmem>>, vector<1x16xf32>,
      %get3A_2686 = vector.shape_cast %get3A_2685 : vector<1x16xf32> to vector<16xf32>
      %mul3A_2687 = arith.mulf %get3A_2681, %get3A_2686 : vector<16xf32>
      %add3A_2688 = arith.addf %add3A_2676, %mul3A_2687 : vector<16xf32>
      %get3A_2689 = arith.constant 1 : i32
      %get3A_2690 = arith.index_cast %get3A_2689 : i32 to index
      %get3A_2691 = arith.constant 80 : index
      %get3A_2692 = tpu.vector_load %arg10[%get3A_2690, %get3A_2691] {strides = array<i32>} : memref<16x128xf32, #tpu.memory_space<vmem>>, vector<1x16xf32>,
      %get3A_2693 = vector.shape_cast %get3A_2692 : vector<1x16xf32> to vector<16xf32>
      %get3A_2694 = arith.constant 1 : i32
      %get3A_2695 = arith.index_cast %get3A_2694 : i32 to index
      %get3A_2696 = arith.constant 80 : index
      %get3A_2697 = tpu.vector_load %arg12[%get3A_2695, %get3A_2696] {strides = array<i32>} : memref<16x128xf32, #tpu.memory_space<vmem>>, vector<1x16xf32>,
      %get3A_2698 = vector.shape_cast %get3A_2697 : vector<1x16xf32> to vector<16xf32>
      %mul3A_2699 = arith.mulf %get3A_2693, %get3A_2698 : vector<16xf32>
      %add3A_2700 = arith.addf %add3A_2688, %mul3A_2699 : vector<16xf32>
      %get3A_2701 = arith.constant 1 : i32
      %get3A_2702 = arith.index_cast %get3A_2701 : i32 to index
      %get3A_2703 = arith.constant 96 : index
      %get3A_2704 = tpu.vector_load %arg10[%get3A_2702, %get3A_2703] {strides = array<i32>} : memref<16x128xf32, #tpu.memory_space<vmem>>, vector<1x16xf32>,
      %get3A_2705 = vector.shape_cast %get3A_2704 : vector<1x16xf32> to vector<16xf32>
      %get3A_2706 = arith.constant 1 : i32
      %get3A_2707 = arith.index_cast %get3A_2706 : i32 to index
      %get3A_2708 = arith.constant 96 : index
      %get3A_2709 = tpu.vector_load %arg12[%get3A_2707, %get3A_2708] {strides = array<i32>} : memref<16x128xf32, #tpu.memory_space<vmem>>, vector<1x16xf32>,
      %get3A_2710 = vector.shape_cast %get3A_2709 : vector<1x16xf32> to vector<16xf32>
      %mul3A_2711 = arith.mulf %get3A_2705, %get3A_2710 : vector<16xf32>
      %add3A_2712 = arith.addf %add3A_2700, %mul3A_2711 : vector<16xf32>
      %get3A_2713 = arith.constant 1 : i32
      %get3A_2714 = arith.index_cast %get3A_2713 : i32 to index
      %get3A_2715 = arith.constant 112 : index
      %get3A_2716 = tpu.vector_load %arg10[%get3A_2714, %get3A_2715] {strides = array<i32>} : memref<16x128xf32, #tpu.memory_space<vmem>>, vector<1x16xf32>,
      %get3A_2717 = vector.shape_cast %get3A_2716 : vector<1x16xf32> to vector<16xf32>
      %get3A_2718 = arith.constant 1 : i32
      %get3A_2719 = arith.index_cast %get3A_2718 : i32 to index
      %get3A_2720 = arith.constant 112 : index
      %get3A_2721 = tpu.vector_load %arg12[%get3A_2719, %get3A_2720] {strides = array<i32>} : memref<16x128xf32, #tpu.memory_space<vmem>>, vector<1x16xf32>,
      %get3A_2722 = vector.shape_cast %get3A_2721 : vector<1x16xf32> to vector<16xf32>
      %mul3A_2723 = arith.mulf %get3A_2717, %get3A_2722 : vector<16xf32>
      %add3A_2724 = arith.addf %add3A_2712, %mul3A_2723 : vector<16xf32>
      %swap3A_2725 = arith.constant 128 : index
      %swap3A_2726 = tpu.vector_load %arg14[%swap3A_2725] {strides = array<i32>} : memref<256xf32, #tpu.memory_space<vmem>>, vector<16xf32>,
      %swap3A_2727 = vector.shape_cast %swap3A_2726 : vector<16xf32> to vector<16xf32>
      %swap3A_2728 = vector.shape_cast %add3A_2724 : vector<16xf32> to vector<16xf32>
      tpu.vector_store %arg14[%swap3A_2725], %swap3A_2728 {strides = array<i32>} : memref<256xf32, #tpu.memory_space<vmem>>, vector<16xf32>,
      %get3A_2729 = arith.constant 9 : i32
      %get3A_2730 = arith.index_cast %get3A_2729 : i32 to index
      %get3A_2731 = arith.constant 0 : index
      %get3A_2732 = tpu.vector_load %arg10[%get3A_2730, %get3A_2731] {strides = array<i32>} : memref<16x128xf32, #tpu.memory_space<vmem>>, vector<1x16xf32>,
      %get3A_2733 = vector.shape_cast %get3A_2732 : vector<1x16xf32> to vector<16xf32>
      %get3A_2734 = arith.constant 9 : i32
      %get3A_2735 = arith.index_cast %get3A_2734 : i32 to index
      %get3A_2736 = arith.constant 0 : index
      %get3A_2737 = tpu.vector_load %arg12[%get3A_2735, %get3A_2736] {strides = array<i32>} : memref<16x128xf32, #tpu.memory_space<vmem>>, vector<1x16xf32>,
      %get3A_2738 = vector.shape_cast %get3A_2737 : vector<1x16xf32> to vector<16xf32>
      %mul3A_2739 = arith.mulf %get3A_2733, %get3A_2738 : vector<16xf32>
      %get3A_2740 = arith.constant 9 : i32
      %get3A_2741 = arith.index_cast %get3A_2740 : i32 to index
      %get3A_2742 = arith.constant 16 : index
      %get3A_2743 = tpu.vector_load %arg10[%get3A_2741, %get3A_2742] {strides = array<i32>} : memref<16x128xf32, #tpu.memory_space<vmem>>, vector<1x16xf32>,
      %get3A_2744 = vector.shape_cast %get3A_2743 : vector<1x16xf32> to vector<16xf32>
      %get3A_2745 = arith.constant 9 : i32
      %get3A_2746 = arith.index_cast %get3A_2745 : i32 to index
      %get3A_2747 = arith.constant 16 : index
      %get3A_2748 = tpu.vector_load %arg12[%get3A_2746, %get3A_2747] {strides = array<i32>} : memref<16x128xf32, #tpu.memory_space<vmem>>, vector<1x16xf32>,
      %get3A_2749 = vector.shape_cast %get3A_2748 : vector<1x16xf32> to vector<16xf32>
      %mul3A_2750 = arith.mulf %get3A_2744, %get3A_2749 : vector<16xf32>
      %add3A_2751 = arith.addf %mul3A_2739, %mul3A_2750 : vector<16xf32>
      %get3A_2752 = arith.constant 9 : i32
      %get3A_2753 = arith.index_cast %get3A_2752 : i32 to index
      %get3A_2754 = arith.constant 32 : index
      %get3A_2755 = tpu.vector_load %arg10[%get3A_2753, %get3A_2754] {strides = array<i32>} : memref<16x128xf32, #tpu.memory_space<vmem>>, vector<1x16xf32>,
      %get3A_2756 = vector.shape_cast %get3A_2755 : vector<1x16xf32> to vector<16xf32>
      %get3A_2757 = arith.constant 9 : i32
      %get3A_2758 = arith.index_cast %get3A_2757 : i32 to index
      %get3A_2759 = arith.constant 32 : index
      %get3A_2760 = tpu.vector_load %arg12[%get3A_2758, %get3A_2759] {strides = array<i32>} : memref<16x128xf32, #tpu.memory_space<vmem>>, vector<1x16xf32>,
      %get3A_2761 = vector.shape_cast %get3A_2760 : vector<1x16xf32> to vector<16xf32>
      %mul3A_2762 = arith.mulf %get3A_2756, %get3A_2761 : vector<16xf32>
      %add3A_2763 = arith.addf %add3A_2751, %mul3A_2762 : vector<16xf32>
      %get3A_2764 = arith.constant 9 : i32
      %get3A_2765 = arith.index_cast %get3A_2764 : i32 to index
      %get3A_2766 = arith.constant 48 : index
      %get3A_2767 = tpu.vector_load %arg10[%get3A_2765, %get3A_2766] {strides = array<i32>} : memref<16x128xf32, #tpu.memory_space<vmem>>, vector<1x16xf32>,
      %get3A_2768 = vector.shape_cast %get3A_2767 : vector<1x16xf32> to vector<16xf32>
      %get3A_2769 = arith.constant 9 : i32
      %get3A_2770 = arith.index_cast %get3A_2769 : i32 to index
      %get3A_2771 = arith.constant 48 : index
      %get3A_2772 = tpu.vector_load %arg12[%get3A_2770, %get3A_2771] {strides = array<i32>} : memref<16x128xf32, #tpu.memory_space<vmem>>, vector<1x16xf32>,
      %get3A_2773 = vector.shape_cast %get3A_2772 : vector<1x16xf32> to vector<16xf32>
      %mul3A_2774 = arith.mulf %get3A_2768, %get3A_2773 : vector<16xf32>
      %add3A_2775 = arith.addf %add3A_2763, %mul3A_2774 : vector<16xf32>
      %get3A_2776 = arith.constant 9 : i32
      %get3A_2777 = arith.index_cast %get3A_2776 : i32 to index
      %get3A_2778 = arith.constant 64 : index
      %get3A_2779 = tpu.vector_load %arg10[%get3A_2777, %get3A_2778] {strides = array<i32>} : memref<16x128xf32, #tpu.memory_space<vmem>>, vector<1x16xf32>,
      %get3A_2780 = vector.shape_cast %get3A_2779 : vector<1x16xf32> to vector<16xf32>
      %get3A_2781 = arith.constant 9 : i32
      %get3A_2782 = arith.index_cast %get3A_2781 : i32 to index
      %get3A_2783 = arith.constant 64 : index
      %get3A_2784 = tpu.vector_load %arg12[%get3A_2782, %get3A_2783] {strides = array<i32>} : memref<16x128xf32, #tpu.memory_space<vmem>>, vector<1x16xf32>,
      %get3A_2785 = vector.shape_cast %get3A_2784 : vector<1x16xf32> to vector<16xf32>
      %mul3A_2786 = arith.mulf %get3A_2780, %get3A_2785 : vector<16xf32>
      %add3A_2787 = arith.addf %add3A_2775, %mul3A_2786 : vector<16xf32>
      %get3A_2788 = arith.constant 9 : i32
      %get3A_2789 = arith.index_cast %get3A_2788 : i32 to index
      %get3A_2790 = arith.constant 80 : index
      %get3A_2791 = tpu.vector_load %arg10[%get3A_2789, %get3A_2790] {strides = array<i32>} : memref<16x128xf32, #tpu.memory_space<vmem>>, vector<1x16xf32>,
      %get3A_2792 = vector.shape_cast %get3A_2791 : vector<1x16xf32> to vector<16xf32>
      %get3A_2793 = arith.constant 9 : i32
      %get3A_2794 = arith.index_cast %get3A_2793 : i32 to index
      %get3A_2795 = arith.constant 80 : index
      %get3A_2796 = tpu.vector_load %arg12[%get3A_2794, %get3A_2795] {strides = array<i32>} : memref<16x128xf32, #tpu.memory_space<vmem>>, vector<1x16xf32>,
      %get3A_2797 = vector.shape_cast %get3A_2796 : vector<1x16xf32> to vector<16xf32>
      %mul3A_2798 = arith.mulf %get3A_2792, %get3A_2797 : vector<16xf32>
      %add3A_2799 = arith.addf %add3A_2787, %mul3A_2798 : vector<16xf32>
      %get3A_2800 = arith.constant 9 : i32
      %get3A_2801 = arith.index_cast %get3A_2800 : i32 to index
      %get3A_2802 = arith.constant 96 : index
      %get3A_2803 = tpu.vector_load %arg10[%get3A_2801, %get3A_2802] {strides = array<i32>} : memref<16x128xf32, #tpu.memory_space<vmem>>, vector<1x16xf32>,
      %get3A_2804 = vector.shape_cast %get3A_2803 : vector<1x16xf32> to vector<16xf32>
      %get3A_2805 = arith.constant 9 : i32
      %get3A_2806 = arith.index_cast %get3A_2805 : i32 to index
      %get3A_2807 = arith.constant 96 : index
      %get3A_2808 = tpu.vector_load %arg12[%get3A_2806, %get3A_2807] {strides = array<i32>} : memref<16x128xf32, #tpu.memory_space<vmem>>, vector<1x16xf32>,
      %get3A_2809 = vector.shape_cast %get3A_2808 : vector<1x16xf32> to vector<16xf32>
      %mul3A_2810 = arith.mulf %get3A_2804, %get3A_2809 : vector<16xf32>
      %add3A_2811 = arith.addf %add3A_2799, %mul3A_2810 : vector<16xf32>
      %get3A_2812 = arith.constant 9 : i32
      %get3A_2813 = arith.index_cast %get3A_2812 : i32 to index
      %get3A_2814 = arith.constant 112 : index
      %get3A_2815 = tpu.vector_load %arg10[%get3A_2813, %get3A_2814] {strides = array<i32>} : memref<16x128xf32, #tpu.memory_space<vmem>>, vector<1x16xf32>,
      %get3A_2816 = vector.shape_cast %get3A_2815 : vector<1x16xf32> to vector<16xf32>
      %get3A_2817 = arith.constant 9 : i32
      %get3A_2818 = arith.index_cast %get3A_2817 : i32 to index
      %get3A_2819 = arith.constant 112 : index
      %get3A_2820 = tpu.vector_load %arg12[%get3A_2818, %get3A_2819] {strides = array<i32>} : memref<16x128xf32, #tpu.memory_space<vmem>>, vector<1x16xf32>,
      %get3A_2821 = vector.shape_cast %get3A_2820 : vector<1x16xf32> to vector<16xf32>
      %mul3A_2822 = arith.mulf %get3A_2816, %get3A_2821 : vector<16xf32>
      %add3A_2823 = arith.addf %add3A_2811, %mul3A_2822 : vector<16xf32>
      %swap3A_2824 = arith.constant 144 : index
      %swap3A_2825 = tpu.vector_load %arg14[%swap3A_2824] {strides = array<i32>} : memref<256xf32, #tpu.memory_space<vmem>>, vector<16xf32>,
      %swap3A_2826 = vector.shape_cast %swap3A_2825 : vector<16xf32> to vector<16xf32>
      %swap3A_2827 = vector.shape_cast %add3A_2823 : vector<16xf32> to vector<16xf32>
      tpu.vector_store %arg14[%swap3A_2824], %swap3A_2827 {strides = array<i32>} : memref<256xf32, #tpu.memory_space<vmem>>, vector<16xf32>,
      %get3A_2828 = arith.constant 5 : i32
      %get3A_2829 = arith.index_cast %get3A_2828 : i32 to index
      %get3A_2830 = arith.constant 0 : index
      %get3A_2831 = tpu.vector_load %arg10[%get3A_2829, %get3A_2830] {strides = array<i32>} : memref<16x128xf32, #tpu.memory_space<vmem>>, vector<1x16xf32>,
      %get3A_2832 = vector.shape_cast %get3A_2831 : vector<1x16xf32> to vector<16xf32>
      %get3A_2833 = arith.constant 5 : i32
      %get3A_2834 = arith.index_cast %get3A_2833 : i32 to index
      %get3A_2835 = arith.constant 0 : index
      %get3A_2836 = tpu.vector_load %arg12[%get3A_2834, %get3A_2835] {strides = array<i32>} : memref<16x128xf32, #tpu.memory_space<vmem>>, vector<1x16xf32>,
      %get3A_2837 = vector.shape_cast %get3A_2836 : vector<1x16xf32> to vector<16xf32>
      %mul3A_2838 = arith.mulf %get3A_2832, %get3A_2837 : vector<16xf32>
      %get3A_2839 = arith.constant 5 : i32
      %get3A_2840 = arith.index_cast %get3A_2839 : i32 to index
      %get3A_2841 = arith.constant 16 : index
      %get3A_2842 = tpu.vector_load %arg10[%get3A_2840, %get3A_2841] {strides = array<i32>} : memref<16x128xf32, #tpu.memory_space<vmem>>, vector<1x16xf32>,
      %get3A_2843 = vector.shape_cast %get3A_2842 : vector<1x16xf32> to vector<16xf32>
      %get3A_2844 = arith.constant 5 : i32
      %get3A_2845 = arith.index_cast %get3A_2844 : i32 to index
      %get3A_2846 = arith.constant 16 : index
      %get3A_2847 = tpu.vector_load %arg12[%get3A_2845, %get3A_2846] {strides = array<i32>} : memref<16x128xf32, #tpu.memory_space<vmem>>, vector<1x16xf32>,
      %get3A_2848 = vector.shape_cast %get3A_2847 : vector<1x16xf32> to vector<16xf32>
      %mul3A_2849 = arith.mulf %get3A_2843, %get3A_2848 : vector<16xf32>
      %add3A_2850 = arith.addf %mul3A_2838, %mul3A_2849 : vector<16xf32>
      %get3A_2851 = arith.constant 5 : i32
      %get3A_2852 = arith.index_cast %get3A_2851 : i32 to index
      %get3A_2853 = arith.constant 32 : index
      %get3A_2854 = tpu.vector_load %arg10[%get3A_2852, %get3A_2853] {strides = array<i32>} : memref<16x128xf32, #tpu.memory_space<vmem>>, vector<1x16xf32>,
      %get3A_2855 = vector.shape_cast %get3A_2854 : vector<1x16xf32> to vector<16xf32>
      %get3A_2856 = arith.constant 5 : i32
      %get3A_2857 = arith.index_cast %get3A_2856 : i32 to index
      %get3A_2858 = arith.constant 32 : index
      %get3A_2859 = tpu.vector_load %arg12[%get3A_2857, %get3A_2858] {strides = array<i32>} : memref<16x128xf32, #tpu.memory_space<vmem>>, vector<1x16xf32>,
      %get3A_2860 = vector.shape_cast %get3A_2859 : vector<1x16xf32> to vector<16xf32>
      %mul3A_2861 = arith.mulf %get3A_2855, %get3A_2860 : vector<16xf32>
      %add3A_2862 = arith.addf %add3A_2850, %mul3A_2861 : vector<16xf32>
      %get3A_2863 = arith.constant 5 : i32
      %get3A_2864 = arith.index_cast %get3A_2863 : i32 to index
      %get3A_2865 = arith.constant 48 : index
      %get3A_2866 = tpu.vector_load %arg10[%get3A_2864, %get3A_2865] {strides = array<i32>} : memref<16x128xf32, #tpu.memory_space<vmem>>, vector<1x16xf32>,
      %get3A_2867 = vector.shape_cast %get3A_2866 : vector<1x16xf32> to vector<16xf32>
      %get3A_2868 = arith.constant 5 : i32
      %get3A_2869 = arith.index_cast %get3A_2868 : i32 to index
      %get3A_2870 = arith.constant 48 : index
      %get3A_2871 = tpu.vector_load %arg12[%get3A_2869, %get3A_2870] {strides = array<i32>} : memref<16x128xf32, #tpu.memory_space<vmem>>, vector<1x16xf32>,
      %get3A_2872 = vector.shape_cast %get3A_2871 : vector<1x16xf32> to vector<16xf32>
      %mul3A_2873 = arith.mulf %get3A_2867, %get3A_2872 : vector<16xf32>
      %add3A_2874 = arith.addf %add3A_2862, %mul3A_2873 : vector<16xf32>
      %get3A_2875 = arith.constant 5 : i32
      %get3A_2876 = arith.index_cast %get3A_2875 : i32 to index
      %get3A_2877 = arith.constant 64 : index
      %get3A_2878 = tpu.vector_load %arg10[%get3A_2876, %get3A_2877] {strides = array<i32>} : memref<16x128xf32, #tpu.memory_space<vmem>>, vector<1x16xf32>,
      %get3A_2879 = vector.shape_cast %get3A_2878 : vector<1x16xf32> to vector<16xf32>
      %get3A_2880 = arith.constant 5 : i32
      %get3A_2881 = arith.index_cast %get3A_2880 : i32 to index
      %get3A_2882 = arith.constant 64 : index
      %get3A_2883 = tpu.vector_load %arg12[%get3A_2881, %get3A_2882] {strides = array<i32>} : memref<16x128xf32, #tpu.memory_space<vmem>>, vector<1x16xf32>,
      %get3A_2884 = vector.shape_cast %get3A_2883 : vector<1x16xf32> to vector<16xf32>
      %mul3A_2885 = arith.mulf %get3A_2879, %get3A_2884 : vector<16xf32>
      %add3A_2886 = arith.addf %add3A_2874, %mul3A_2885 : vector<16xf32>
      %get3A_2887 = arith.constant 5 : i32
      %get3A_2888 = arith.index_cast %get3A_2887 : i32 to index
      %get3A_2889 = arith.constant 80 : index
      %get3A_2890 = tpu.vector_load %arg10[%get3A_2888, %get3A_2889] {strides = array<i32>} : memref<16x128xf32, #tpu.memory_space<vmem>>, vector<1x16xf32>,
      %get3A_2891 = vector.shape_cast %get3A_2890 : vector<1x16xf32> to vector<16xf32>
      %get3A_2892 = arith.constant 5 : i32
      %get3A_2893 = arith.index_cast %get3A_2892 : i32 to index
      %get3A_2894 = arith.constant 80 : index
      %get3A_2895 = tpu.vector_load %arg12[%get3A_2893, %get3A_2894] {strides = array<i32>} : memref<16x128xf32, #tpu.memory_space<vmem>>, vector<1x16xf32>,
      %get3A_2896 = vector.shape_cast %get3A_2895 : vector<1x16xf32> to vector<16xf32>
      %mul3A_2897 = arith.mulf %get3A_2891, %get3A_2896 : vector<16xf32>
      %add3A_2898 = arith.addf %add3A_2886, %mul3A_2897 : vector<16xf32>
      %get3A_2899 = arith.constant 5 : i32
      %get3A_2900 = arith.index_cast %get3A_2899 : i32 to index
      %get3A_2901 = arith.constant 96 : index
      %get3A_2902 = tpu.vector_load %arg10[%get3A_2900, %get3A_2901] {strides = array<i32>} : memref<16x128xf32, #tpu.memory_space<vmem>>, vector<1x16xf32>,
      %get3A_2903 = vector.shape_cast %get3A_2902 : vector<1x16xf32> to vector<16xf32>
      %get3A_2904 = arith.constant 5 : i32
      %get3A_2905 = arith.index_cast %get3A_2904 : i32 to index
      %get3A_2906 = arith.constant 96 : index
      %get3A_2907 = tpu.vector_load %arg12[%get3A_2905, %get3A_2906] {strides = array<i32>} : memref<16x128xf32, #tpu.memory_space<vmem>>, vector<1x16xf32>,
      %get3A_2908 = vector.shape_cast %get3A_2907 : vector<1x16xf32> to vector<16xf32>
      %mul3A_2909 = arith.mulf %get3A_2903, %get3A_2908 : vector<16xf32>
      %add3A_2910 = arith.addf %add3A_2898, %mul3A_2909 : vector<16xf32>
      %get3A_2911 = arith.constant 5 : i32
      %get3A_2912 = arith.index_cast %get3A_2911 : i32 to index
      %get3A_2913 = arith.constant 112 : index
      %get3A_2914 = tpu.vector_load %arg10[%get3A_2912, %get3A_2913] {strides = array<i32>} : memref<16x128xf32, #tpu.memory_space<vmem>>, vector<1x16xf32>,
      %get3A_2915 = vector.shape_cast %get3A_2914 : vector<1x16xf32> to vector<16xf32>
      %get3A_2916 = arith.constant 5 : i32
      %get3A_2917 = arith.index_cast %get3A_2916 : i32 to index
      %get3A_2918 = arith.constant 112 : index
      %get3A_2919 = tpu.vector_load %arg12[%get3A_2917, %get3A_2918] {strides = array<i32>} : memref<16x128xf32, #tpu.memory_space<vmem>>, vector<1x16xf32>,
      %get3A_2920 = vector.shape_cast %get3A_2919 : vector<1x16xf32> to vector<16xf32>
      %mul3A_2921 = arith.mulf %get3A_2915, %get3A_2920 : vector<16xf32>
      %add3A_2922 = arith.addf %add3A_2910, %mul3A_2921 : vector<16xf32>
      %swap3A_2923 = arith.constant 160 : index
      %swap3A_2924 = tpu.vector_load %arg14[%swap3A_2923] {strides = array<i32>} : memref<256xf32, #tpu.memory_space<vmem>>, vector<16xf32>,
      %swap3A_2925 = vector.shape_cast %swap3A_2924 : vector<16xf32> to vector<16xf32>
      %swap3A_2926 = vector.shape_cast %add3A_2922 : vector<16xf32> to vector<16xf32>
      tpu.vector_store %arg14[%swap3A_2923], %swap3A_2926 {strides = array<i32>} : memref<256xf32, #tpu.memory_space<vmem>>, vector<16xf32>,
      %get3A_2927 = arith.constant 13 : i32
      %get3A_2928 = arith.index_cast %get3A_2927 : i32 to index
      %get3A_2929 = arith.constant 0 : index
      %get3A_2930 = tpu.vector_load %arg10[%get3A_2928, %get3A_2929] {strides = array<i32>} : memref<16x128xf32, #tpu.memory_space<vmem>>, vector<1x16xf32>,
      %get3A_2931 = vector.shape_cast %get3A_2930 : vector<1x16xf32> to vector<16xf32>
      %get3A_2932 = arith.constant 13 : i32
      %get3A_2933 = arith.index_cast %get3A_2932 : i32 to index
      %get3A_2934 = arith.constant 0 : index
      %get3A_2935 = tpu.vector_load %arg12[%get3A_2933, %get3A_2934] {strides = array<i32>} : memref<16x128xf32, #tpu.memory_space<vmem>>, vector<1x16xf32>,
      %get3A_2936 = vector.shape_cast %get3A_2935 : vector<1x16xf32> to vector<16xf32>
      %mul3A_2937 = arith.mulf %get3A_2931, %get3A_2936 : vector<16xf32>
      %get3A_2938 = arith.constant 13 : i32
      %get3A_2939 = arith.index_cast %get3A_2938 : i32 to index
      %get3A_2940 = arith.constant 16 : index
      %get3A_2941 = tpu.vector_load %arg10[%get3A_2939, %get3A_2940] {strides = array<i32>} : memref<16x128xf32, #tpu.memory_space<vmem>>, vector<1x16xf32>,
      %get3A_2942 = vector.shape_cast %get3A_2941 : vector<1x16xf32> to vector<16xf32>
      %get3A_2943 = arith.constant 13 : i32
      %get3A_2944 = arith.index_cast %get3A_2943 : i32 to index
      %get3A_2945 = arith.constant 16 : index
      %get3A_2946 = tpu.vector_load %arg12[%get3A_2944, %get3A_2945] {strides = array<i32>} : memref<16x128xf32, #tpu.memory_space<vmem>>, vector<1x16xf32>,
      %get3A_2947 = vector.shape_cast %get3A_2946 : vector<1x16xf32> to vector<16xf32>
      %mul3A_2948 = arith.mulf %get3A_2942, %get3A_2947 : vector<16xf32>
      %add3A_2949 = arith.addf %mul3A_2937, %mul3A_2948 : vector<16xf32>
      %get3A_2950 = arith.constant 13 : i32
      %get3A_2951 = arith.index_cast %get3A_2950 : i32 to index
      %get3A_2952 = arith.constant 32 : index
      %get3A_2953 = tpu.vector_load %arg10[%get3A_2951, %get3A_2952] {strides = array<i32>} : memref<16x128xf32, #tpu.memory_space<vmem>>, vector<1x16xf32>,
      %get3A_2954 = vector.shape_cast %get3A_2953 : vector<1x16xf32> to vector<16xf32>
      %get3A_2955 = arith.constant 13 : i32
      %get3A_2956 = arith.index_cast %get3A_2955 : i32 to index
      %get3A_2957 = arith.constant 32 : index
      %get3A_2958 = tpu.vector_load %arg12[%get3A_2956, %get3A_2957] {strides = array<i32>} : memref<16x128xf32, #tpu.memory_space<vmem>>, vector<1x16xf32>,
      %get3A_2959 = vector.shape_cast %get3A_2958 : vector<1x16xf32> to vector<16xf32>
      %mul3A_2960 = arith.mulf %get3A_2954, %get3A_2959 : vector<16xf32>
      %add3A_2961 = arith.addf %add3A_2949, %mul3A_2960 : vector<16xf32>
      %get3A_2962 = arith.constant 13 : i32
      %get3A_2963 = arith.index_cast %get3A_2962 : i32 to index
      %get3A_2964 = arith.constant 48 : index
      %get3A_2965 = tpu.vector_load %arg10[%get3A_2963, %get3A_2964] {strides = array<i32>} : memref<16x128xf32, #tpu.memory_space<vmem>>, vector<1x16xf32>,
      %get3A_2966 = vector.shape_cast %get3A_2965 : vector<1x16xf32> to vector<16xf32>
      %get3A_2967 = arith.constant 13 : i32
      %get3A_2968 = arith.index_cast %get3A_2967 : i32 to index
      %get3A_2969 = arith.constant 48 : index
      %get3A_2970 = tpu.vector_load %arg12[%get3A_2968, %get3A_2969] {strides = array<i32>} : memref<16x128xf32, #tpu.memory_space<vmem>>, vector<1x16xf32>,
      %get3A_2971 = vector.shape_cast %get3A_2970 : vector<1x16xf32> to vector<16xf32>
      %mul3A_2972 = arith.mulf %get3A_2966, %get3A_2971 : vector<16xf32>
      %add3A_2973 = arith.addf %add3A_2961, %mul3A_2972 : vector<16xf32>
      %get3A_2974 = arith.constant 13 : i32
      %get3A_2975 = arith.index_cast %get3A_2974 : i32 to index
      %get3A_2976 = arith.constant 64 : index
      %get3A_2977 = tpu.vector_load %arg10[%get3A_2975, %get3A_2976] {strides = array<i32>} : memref<16x128xf32, #tpu.memory_space<vmem>>, vector<1x16xf32>,
      %get3A_2978 = vector.shape_cast %get3A_2977 : vector<1x16xf32> to vector<16xf32>
      %get3A_2979 = arith.constant 13 : i32
      %get3A_2980 = arith.index_cast %get3A_2979 : i32 to index
      %get3A_2981 = arith.constant 64 : index
      %get3A_2982 = tpu.vector_load %arg12[%get3A_2980, %get3A_2981] {strides = array<i32>} : memref<16x128xf32, #tpu.memory_space<vmem>>, vector<1x16xf32>,
      %get3A_2983 = vector.shape_cast %get3A_2982 : vector<1x16xf32> to vector<16xf32>
      %mul3A_2984 = arith.mulf %get3A_2978, %get3A_2983 : vector<16xf32>
      %add3A_2985 = arith.addf %add3A_2973, %mul3A_2984 : vector<16xf32>
      %get3A_2986 = arith.constant 13 : i32
      %get3A_2987 = arith.index_cast %get3A_2986 : i32 to index
      %get3A_2988 = arith.constant 80 : index
      %get3A_2989 = tpu.vector_load %arg10[%get3A_2987, %get3A_2988] {strides = array<i32>} : memref<16x128xf32, #tpu.memory_space<vmem>>, vector<1x16xf32>,
      %get3A_2990 = vector.shape_cast %get3A_2989 : vector<1x16xf32> to vector<16xf32>
      %get3A_2991 = arith.constant 13 : i32
      %get3A_2992 = arith.index_cast %get3A_2991 : i32 to index
      %get3A_2993 = arith.constant 80 : index
      %get3A_2994 = tpu.vector_load %arg12[%get3A_2992, %get3A_2993] {strides = array<i32>} : memref<16x128xf32, #tpu.memory_space<vmem>>, vector<1x16xf32>,
      %get3A_2995 = vector.shape_cast %get3A_2994 : vector<1x16xf32> to vector<16xf32>
      %mul3A_2996 = arith.mulf %get3A_2990, %get3A_2995 : vector<16xf32>
      %add3A_2997 = arith.addf %add3A_2985, %mul3A_2996 : vector<16xf32>
      %get3A_2998 = arith.constant 13 : i32
      %get3A_2999 = arith.index_cast %get3A_2998 : i32 to index
      %get3A_3000 = arith.constant 96 : index
      %get3A_3001 = tpu.vector_load %arg10[%get3A_2999, %get3A_3000] {strides = array<i32>} : memref<16x128xf32, #tpu.memory_space<vmem>>, vector<1x16xf32>,
      %get3A_3002 = vector.shape_cast %get3A_3001 : vector<1x16xf32> to vector<16xf32>
      %get3A_3003 = arith.constant 13 : i32
      %get3A_3004 = arith.index_cast %get3A_3003 : i32 to index
      %get3A_3005 = arith.constant 96 : index
      %get3A_3006 = tpu.vector_load %arg12[%get3A_3004, %get3A_3005] {strides = array<i32>} : memref<16x128xf32, #tpu.memory_space<vmem>>, vector<1x16xf32>,
      %get3A_3007 = vector.shape_cast %get3A_3006 : vector<1x16xf32> to vector<16xf32>
      %mul3A_3008 = arith.mulf %get3A_3002, %get3A_3007 : vector<16xf32>
      %add3A_3009 = arith.addf %add3A_2997, %mul3A_3008 : vector<16xf32>
      %get3A_3010 = arith.constant 13 : i32
      %get3A_3011 = arith.index_cast %get3A_3010 : i32 to index
      %get3A_3012 = arith.constant 112 : index
      %get3A_3013 = tpu.vector_load %arg10[%get3A_3011, %get3A_3012] {strides = array<i32>} : memref<16x128xf32, #tpu.memory_space<vmem>>, vector<1x16xf32>,
      %get3A_3014 = vector.shape_cast %get3A_3013 : vector<1x16xf32> to vector<16xf32>
      %get3A_3015 = arith.constant 13 : i32
      %get3A_3016 = arith.index_cast %get3A_3015 : i32 to index
      %get3A_3017 = arith.constant 112 : index
      %get3A_3018 = tpu.vector_load %arg12[%get3A_3016, %get3A_3017] {strides = array<i32>} : memref<16x128xf32, #tpu.memory_space<vmem>>, vector<1x16xf32>,
      %get3A_3019 = vector.shape_cast %get3A_3018 : vector<1x16xf32> to vector<16xf32>
      %mul3A_3020 = arith.mulf %get3A_3014, %get3A_3019 : vector<16xf32>
      %add3A_3021 = arith.addf %add3A_3009, %mul3A_3020 : vector<16xf32>
      %swap3A_3022 = arith.constant 176 : index
      %swap3A_3023 = tpu.vector_load %arg14[%swap3A_3022] {strides = array<i32>} : memref<256xf32, #tpu.memory_space<vmem>>, vector<16xf32>,
      %swap3A_3024 = vector.shape_cast %swap3A_3023 : vector<16xf32> to vector<16xf32>
      %swap3A_3025 = vector.shape_cast %add3A_3021 : vector<16xf32> to vector<16xf32>
      tpu.vector_store %arg14[%swap3A_3022], %swap3A_3025 {strides = array<i32>} : memref<256xf32, #tpu.memory_space<vmem>>, vector<16xf32>,
      %get3A_3026 = arith.constant 3 : i32
      %get3A_3027 = arith.index_cast %get3A_3026 : i32 to index
      %get3A_3028 = arith.constant 0 : index
      %get3A_3029 = tpu.vector_load %arg10[%get3A_3027, %get3A_3028] {strides = array<i32>} : memref<16x128xf32, #tpu.memory_space<vmem>>, vector<1x16xf32>,
      %get3A_3030 = vector.shape_cast %get3A_3029 : vector<1x16xf32> to vector<16xf32>
      %get3A_3031 = arith.constant 3 : i32
      %get3A_3032 = arith.index_cast %get3A_3031 : i32 to index
      %get3A_3033 = arith.constant 0 : index
      %get3A_3034 = tpu.vector_load %arg12[%get3A_3032, %get3A_3033] {strides = array<i32>} : memref<16x128xf32, #tpu.memory_space<vmem>>, vector<1x16xf32>,
      %get3A_3035 = vector.shape_cast %get3A_3034 : vector<1x16xf32> to vector<16xf32>
      %mul3A_3036 = arith.mulf %get3A_3030, %get3A_3035 : vector<16xf32>
      %get3A_3037 = arith.constant 3 : i32
      %get3A_3038 = arith.index_cast %get3A_3037 : i32 to index
      %get3A_3039 = arith.constant 16 : index
      %get3A_3040 = tpu.vector_load %arg10[%get3A_3038, %get3A_3039] {strides = array<i32>} : memref<16x128xf32, #tpu.memory_space<vmem>>, vector<1x16xf32>,
      %get3A_3041 = vector.shape_cast %get3A_3040 : vector<1x16xf32> to vector<16xf32>
      %get3A_3042 = arith.constant 3 : i32
      %get3A_3043 = arith.index_cast %get3A_3042 : i32 to index
      %get3A_3044 = arith.constant 16 : index
      %get3A_3045 = tpu.vector_load %arg12[%get3A_3043, %get3A_3044] {strides = array<i32>} : memref<16x128xf32, #tpu.memory_space<vmem>>, vector<1x16xf32>,
      %get3A_3046 = vector.shape_cast %get3A_3045 : vector<1x16xf32> to vector<16xf32>
      %mul3A_3047 = arith.mulf %get3A_3041, %get3A_3046 : vector<16xf32>
      %add3A_3048 = arith.addf %mul3A_3036, %mul3A_3047 : vector<16xf32>
      %get3A_3049 = arith.constant 3 : i32
      %get3A_3050 = arith.index_cast %get3A_3049 : i32 to index
      %get3A_3051 = arith.constant 32 : index
      %get3A_3052 = tpu.vector_load %arg10[%get3A_3050, %get3A_3051] {strides = array<i32>} : memref<16x128xf32, #tpu.memory_space<vmem>>, vector<1x16xf32>,
      %get3A_3053 = vector.shape_cast %get3A_3052 : vector<1x16xf32> to vector<16xf32>
      %get3A_3054 = arith.constant 3 : i32
      %get3A_3055 = arith.index_cast %get3A_3054 : i32 to index
      %get3A_3056 = arith.constant 32 : index
      %get3A_3057 = tpu.vector_load %arg12[%get3A_3055, %get3A_3056] {strides = array<i32>} : memref<16x128xf32, #tpu.memory_space<vmem>>, vector<1x16xf32>,
      %get3A_3058 = vector.shape_cast %get3A_3057 : vector<1x16xf32> to vector<16xf32>
      %mul3A_3059 = arith.mulf %get3A_3053, %get3A_3058 : vector<16xf32>
      %add3A_3060 = arith.addf %add3A_3048, %mul3A_3059 : vector<16xf32>
      %get3A_3061 = arith.constant 3 : i32
      %get3A_3062 = arith.index_cast %get3A_3061 : i32 to index
      %get3A_3063 = arith.constant 48 : index
      %get3A_3064 = tpu.vector_load %arg10[%get3A_3062, %get3A_3063] {strides = array<i32>} : memref<16x128xf32, #tpu.memory_space<vmem>>, vector<1x16xf32>,
      %get3A_3065 = vector.shape_cast %get3A_3064 : vector<1x16xf32> to vector<16xf32>
      %get3A_3066 = arith.constant 3 : i32
      %get3A_3067 = arith.index_cast %get3A_3066 : i32 to index
      %get3A_3068 = arith.constant 48 : index
      %get3A_3069 = tpu.vector_load %arg12[%get3A_3067, %get3A_3068] {strides = array<i32>} : memref<16x128xf32, #tpu.memory_space<vmem>>, vector<1x16xf32>,
      %get3A_3070 = vector.shape_cast %get3A_3069 : vector<1x16xf32> to vector<16xf32>
      %mul3A_3071 = arith.mulf %get3A_3065, %get3A_3070 : vector<16xf32>
      %add3A_3072 = arith.addf %add3A_3060, %mul3A_3071 : vector<16xf32>
      %get3A_3073 = arith.constant 3 : i32
      %get3A_3074 = arith.index_cast %get3A_3073 : i32 to index
      %get3A_3075 = arith.constant 64 : index
      %get3A_3076 = tpu.vector_load %arg10[%get3A_3074, %get3A_3075] {strides = array<i32>} : memref<16x128xf32, #tpu.memory_space<vmem>>, vector<1x16xf32>,
      %get3A_3077 = vector.shape_cast %get3A_3076 : vector<1x16xf32> to vector<16xf32>
      %get3A_3078 = arith.constant 3 : i32
      %get3A_3079 = arith.index_cast %get3A_3078 : i32 to index
      %get3A_3080 = arith.constant 64 : index
      %get3A_3081 = tpu.vector_load %arg12[%get3A_3079, %get3A_3080] {strides = array<i32>} : memref<16x128xf32, #tpu.memory_space<vmem>>, vector<1x16xf32>,
      %get3A_3082 = vector.shape_cast %get3A_3081 : vector<1x16xf32> to vector<16xf32>
      %mul3A_3083 = arith.mulf %get3A_3077, %get3A_3082 : vector<16xf32>
      %add3A_3084 = arith.addf %add3A_3072, %mul3A_3083 : vector<16xf32>
      %get3A_3085 = arith.constant 3 : i32
      %get3A_3086 = arith.index_cast %get3A_3085 : i32 to index
      %get3A_3087 = arith.constant 80 : index
      %get3A_3088 = tpu.vector_load %arg10[%get3A_3086, %get3A_3087] {strides = array<i32>} : memref<16x128xf32, #tpu.memory_space<vmem>>, vector<1x16xf32>,
      %get3A_3089 = vector.shape_cast %get3A_3088 : vector<1x16xf32> to vector<16xf32>
      %get3A_3090 = arith.constant 3 : i32
      %get3A_3091 = arith.index_cast %get3A_3090 : i32 to index
      %get3A_3092 = arith.constant 80 : index
      %get3A_3093 = tpu.vector_load %arg12[%get3A_3091, %get3A_3092] {strides = array<i32>} : memref<16x128xf32, #tpu.memory_space<vmem>>, vector<1x16xf32>,
      %get3A_3094 = vector.shape_cast %get3A_3093 : vector<1x16xf32> to vector<16xf32>
      %mul3A_3095 = arith.mulf %get3A_3089, %get3A_3094 : vector<16xf32>
      %add3A_3096 = arith.addf %add3A_3084, %mul3A_3095 : vector<16xf32>
      %get3A_3097 = arith.constant 3 : i32
      %get3A_3098 = arith.index_cast %get3A_3097 : i32 to index
      %get3A_3099 = arith.constant 96 : index
      %get3A_3100 = tpu.vector_load %arg10[%get3A_3098, %get3A_3099] {strides = array<i32>} : memref<16x128xf32, #tpu.memory_space<vmem>>, vector<1x16xf32>,
      %get3A_3101 = vector.shape_cast %get3A_3100 : vector<1x16xf32> to vector<16xf32>
      %get3A_3102 = arith.constant 3 : i32
      %get3A_3103 = arith.index_cast %get3A_3102 : i32 to index
      %get3A_3104 = arith.constant 96 : index
      %get3A_3105 = tpu.vector_load %arg12[%get3A_3103, %get3A_3104] {strides = array<i32>} : memref<16x128xf32, #tpu.memory_space<vmem>>, vector<1x16xf32>,
      %get3A_3106 = vector.shape_cast %get3A_3105 : vector<1x16xf32> to vector<16xf32>
      %mul3A_3107 = arith.mulf %get3A_3101, %get3A_3106 : vector<16xf32>
      %add3A_3108 = arith.addf %add3A_3096, %mul3A_3107 : vector<16xf32>
      %get3A_3109 = arith.constant 3 : i32
      %get3A_3110 = arith.index_cast %get3A_3109 : i32 to index
      %get3A_3111 = arith.constant 112 : index
      %get3A_3112 = tpu.vector_load %arg10[%get3A_3110, %get3A_3111] {strides = array<i32>} : memref<16x128xf32, #tpu.memory_space<vmem>>, vector<1x16xf32>,
      %get3A_3113 = vector.shape_cast %get3A_3112 : vector<1x16xf32> to vector<16xf32>
      %get3A_3114 = arith.constant 3 : i32
      %get3A_3115 = arith.index_cast %get3A_3114 : i32 to index
      %get3A_3116 = arith.constant 112 : index
      %get3A_3117 = tpu.vector_load %arg12[%get3A_3115, %get3A_3116] {strides = array<i32>} : memref<16x128xf32, #tpu.memory_space<vmem>>, vector<1x16xf32>,
      %get3A_3118 = vector.shape_cast %get3A_3117 : vector<1x16xf32> to vector<16xf32>
      %mul3A_3119 = arith.mulf %get3A_3113, %get3A_3118 : vector<16xf32>
      %add3A_3120 = arith.addf %add3A_3108, %mul3A_3119 : vector<16xf32>
      %swap3A_3121 = arith.constant 192 : index
      %swap3A_3122 = tpu.vector_load %arg14[%swap3A_3121] {strides = array<i32>} : memref<256xf32, #tpu.memory_space<vmem>>, vector<16xf32>,
      %swap3A_3123 = vector.shape_cast %swap3A_3122 : vector<16xf32> to vector<16xf32>
      %swap3A_3124 = vector.shape_cast %add3A_3120 : vector<16xf32> to vector<16xf32>
      tpu.vector_store %arg14[%swap3A_3121], %swap3A_3124 {strides = array<i32>} : memref<256xf32, #tpu.memory_space<vmem>>, vector<16xf32>,
      %get3A_3125 = arith.constant 11 : i32
      %get3A_3126 = arith.index_cast %get3A_3125 : i32 to index
      %get3A_3127 = arith.constant 0 : index
      %get3A_3128 = tpu.vector_load %arg10[%get3A_3126, %get3A_3127] {strides = array<i32>} : memref<16x128xf32, #tpu.memory_space<vmem>>, vector<1x16xf32>,
      %get3A_3129 = vector.shape_cast %get3A_3128 : vector<1x16xf32> to vector<16xf32>
      %get3A_3130 = arith.constant 11 : i32
      %get3A_3131 = arith.index_cast %get3A_3130 : i32 to index
      %get3A_3132 = arith.constant 0 : index
      %get3A_3133 = tpu.vector_load %arg12[%get3A_3131, %get3A_3132] {strides = array<i32>} : memref<16x128xf32, #tpu.memory_space<vmem>>, vector<1x16xf32>,
      %get3A_3134 = vector.shape_cast %get3A_3133 : vector<1x16xf32> to vector<16xf32>
      %mul3A_3135 = arith.mulf %get3A_3129, %get3A_3134 : vector<16xf32>
      %get3A_3136 = arith.constant 11 : i32
      %get3A_3137 = arith.index_cast %get3A_3136 : i32 to index
      %get3A_3138 = arith.constant 16 : index
      %get3A_3139 = tpu.vector_load %arg10[%get3A_3137, %get3A_3138] {strides = array<i32>} : memref<16x128xf32, #tpu.memory_space<vmem>>, vector<1x16xf32>,
      %get3A_3140 = vector.shape_cast %get3A_3139 : vector<1x16xf32> to vector<16xf32>
      %get3A_3141 = arith.constant 11 : i32
      %get3A_3142 = arith.index_cast %get3A_3141 : i32 to index
      %get3A_3143 = arith.constant 16 : index
      %get3A_3144 = tpu.vector_load %arg12[%get3A_3142, %get3A_3143] {strides = array<i32>} : memref<16x128xf32, #tpu.memory_space<vmem>>, vector<1x16xf32>,
      %get3A_3145 = vector.shape_cast %get3A_3144 : vector<1x16xf32> to vector<16xf32>
      %mul3A_3146 = arith.mulf %get3A_3140, %get3A_3145 : vector<16xf32>
      %add3A_3147 = arith.addf %mul3A_3135, %mul3A_3146 : vector<16xf32>
      %get3A_3148 = arith.constant 11 : i32
      %get3A_3149 = arith.index_cast %get3A_3148 : i32 to index
      %get3A_3150 = arith.constant 32 : index
      %get3A_3151 = tpu.vector_load %arg10[%get3A_3149, %get3A_3150] {strides = array<i32>} : memref<16x128xf32, #tpu.memory_space<vmem>>, vector<1x16xf32>,
      %get3A_3152 = vector.shape_cast %get3A_3151 : vector<1x16xf32> to vector<16xf32>
      %get3A_3153 = arith.constant 11 : i32
      %get3A_3154 = arith.index_cast %get3A_3153 : i32 to index
      %get3A_3155 = arith.constant 32 : index
      %get3A_3156 = tpu.vector_load %arg12[%get3A_3154, %get3A_3155] {strides = array<i32>} : memref<16x128xf32, #tpu.memory_space<vmem>>, vector<1x16xf32>,
      %get3A_3157 = vector.shape_cast %get3A_3156 : vector<1x16xf32> to vector<16xf32>
      %mul3A_3158 = arith.mulf %get3A_3152, %get3A_3157 : vector<16xf32>
      %add3A_3159 = arith.addf %add3A_3147, %mul3A_3158 : vector<16xf32>
      %get3A_3160 = arith.constant 11 : i32
      %get3A_3161 = arith.index_cast %get3A_3160 : i32 to index
      %get3A_3162 = arith.constant 48 : index
      %get3A_3163 = tpu.vector_load %arg10[%get3A_3161, %get3A_3162] {strides = array<i32>} : memref<16x128xf32, #tpu.memory_space<vmem>>, vector<1x16xf32>,
      %get3A_3164 = vector.shape_cast %get3A_3163 : vector<1x16xf32> to vector<16xf32>
      %get3A_3165 = arith.constant 11 : i32
      %get3A_3166 = arith.index_cast %get3A_3165 : i32 to index
      %get3A_3167 = arith.constant 48 : index
      %get3A_3168 = tpu.vector_load %arg12[%get3A_3166, %get3A_3167] {strides = array<i32>} : memref<16x128xf32, #tpu.memory_space<vmem>>, vector<1x16xf32>,
      %get3A_3169 = vector.shape_cast %get3A_3168 : vector<1x16xf32> to vector<16xf32>
      %mul3A_3170 = arith.mulf %get3A_3164, %get3A_3169 : vector<16xf32>
      %add3A_3171 = arith.addf %add3A_3159, %mul3A_3170 : vector<16xf32>
      %get3A_3172 = arith.constant 11 : i32
      %get3A_3173 = arith.index_cast %get3A_3172 : i32 to index
      %get3A_3174 = arith.constant 64 : index
      %get3A_3175 = tpu.vector_load %arg10[%get3A_3173, %get3A_3174] {strides = array<i32>} : memref<16x128xf32, #tpu.memory_space<vmem>>, vector<1x16xf32>,
      %get3A_3176 = vector.shape_cast %get3A_3175 : vector<1x16xf32> to vector<16xf32>
      %get3A_3177 = arith.constant 11 : i32
      %get3A_3178 = arith.index_cast %get3A_3177 : i32 to index
      %get3A_3179 = arith.constant 64 : index
      %get3A_3180 = tpu.vector_load %arg12[%get3A_3178, %get3A_3179] {strides = array<i32>} : memref<16x128xf32, #tpu.memory_space<vmem>>, vector<1x16xf32>,
      %get3A_3181 = vector.shape_cast %get3A_3180 : vector<1x16xf32> to vector<16xf32>
      %mul3A_3182 = arith.mulf %get3A_3176, %get3A_3181 : vector<16xf32>
      %add3A_3183 = arith.addf %add3A_3171, %mul3A_3182 : vector<16xf32>
      %get3A_3184 = arith.constant 11 : i32
      %get3A_3185 = arith.index_cast %get3A_3184 : i32 to index
      %get3A_3186 = arith.constant 80 : index
      %get3A_3187 = tpu.vector_load %arg10[%get3A_3185, %get3A_3186] {strides = array<i32>} : memref<16x128xf32, #tpu.memory_space<vmem>>, vector<1x16xf32>,
      %get3A_3188 = vector.shape_cast %get3A_3187 : vector<1x16xf32> to vector<16xf32>
      %get3A_3189 = arith.constant 11 : i32
      %get3A_3190 = arith.index_cast %get3A_3189 : i32 to index
      %get3A_3191 = arith.constant 80 : index
      %get3A_3192 = tpu.vector_load %arg12[%get3A_3190, %get3A_3191] {strides = array<i32>} : memref<16x128xf32, #tpu.memory_space<vmem>>, vector<1x16xf32>,
      %get3A_3193 = vector.shape_cast %get3A_3192 : vector<1x16xf32> to vector<16xf32>
      %mul3A_3194 = arith.mulf %get3A_3188, %get3A_3193 : vector<16xf32>
      %add3A_3195 = arith.addf %add3A_3183, %mul3A_3194 : vector<16xf32>
      %get3A_3196 = arith.constant 11 : i32
      %get3A_3197 = arith.index_cast %get3A_3196 : i32 to index
      %get3A_3198 = arith.constant 96 : index
      %get3A_3199 = tpu.vector_load %arg10[%get3A_3197, %get3A_3198] {strides = array<i32>} : memref<16x128xf32, #tpu.memory_space<vmem>>, vector<1x16xf32>,
      %get3A_3200 = vector.shape_cast %get3A_3199 : vector<1x16xf32> to vector<16xf32>
      %get3A_3201 = arith.constant 11 : i32
      %get3A_3202 = arith.index_cast %get3A_3201 : i32 to index
      %get3A_3203 = arith.constant 96 : index
      %get3A_3204 = tpu.vector_load %arg12[%get3A_3202, %get3A_3203] {strides = array<i32>} : memref<16x128xf32, #tpu.memory_space<vmem>>, vector<1x16xf32>,
      %get3A_3205 = vector.shape_cast %get3A_3204 : vector<1x16xf32> to vector<16xf32>
      %mul3A_3206 = arith.mulf %get3A_3200, %get3A_3205 : vector<16xf32>
      %add3A_3207 = arith.addf %add3A_3195, %mul3A_3206 : vector<16xf32>
      %get3A_3208 = arith.constant 11 : i32
      %get3A_3209 = arith.index_cast %get3A_3208 : i32 to index
      %get3A_3210 = arith.constant 112 : index
      %get3A_3211 = tpu.vector_load %arg10[%get3A_3209, %get3A_3210] {strides = array<i32>} : memref<16x128xf32, #tpu.memory_space<vmem>>, vector<1x16xf32>,
      %get3A_3212 = vector.shape_cast %get3A_3211 : vector<1x16xf32> to vector<16xf32>
      %get3A_3213 = arith.constant 11 : i32
      %get3A_3214 = arith.index_cast %get3A_3213 : i32 to index
      %get3A_3215 = arith.constant 112 : index
      %get3A_3216 = tpu.vector_load %arg12[%get3A_3214, %get3A_3215] {strides = array<i32>} : memref<16x128xf32, #tpu.memory_space<vmem>>, vector<1x16xf32>,
      %get3A_3217 = vector.shape_cast %get3A_3216 : vector<1x16xf32> to vector<16xf32>
      %mul3A_3218 = arith.mulf %get3A_3212, %get3A_3217 : vector<16xf32>
      %add3A_3219 = arith.addf %add3A_3207, %mul3A_3218 : vector<16xf32>
      %swap3A_3220 = arith.constant 208 : index
      %swap3A_3221 = tpu.vector_load %arg14[%swap3A_3220] {strides = array<i32>} : memref<256xf32, #tpu.memory_space<vmem>>, vector<16xf32>,
      %swap3A_3222 = vector.shape_cast %swap3A_3221 : vector<16xf32> to vector<16xf32>
      %swap3A_3223 = vector.shape_cast %add3A_3219 : vector<16xf32> to vector<16xf32>
      tpu.vector_store %arg14[%swap3A_3220], %swap3A_3223 {strides = array<i32>} : memref<256xf32, #tpu.memory_space<vmem>>, vector<16xf32>,
      %get3A_3224 = arith.constant 7 : i32
      %get3A_3225 = arith.index_cast %get3A_3224 : i32 to index
      %get3A_3226 = arith.constant 0 : index
      %get3A_3227 = tpu.vector_load %arg10[%get3A_3225, %get3A_3226] {strides = array<i32>} : memref<16x128xf32, #tpu.memory_space<vmem>>, vector<1x16xf32>,
      %get3A_3228 = vector.shape_cast %get3A_3227 : vector<1x16xf32> to vector<16xf32>
      %get3A_3229 = arith.constant 7 : i32
      %get3A_3230 = arith.index_cast %get3A_3229 : i32 to index
      %get3A_3231 = arith.constant 0 : index
      %get3A_3232 = tpu.vector_load %arg12[%get3A_3230, %get3A_3231] {strides = array<i32>} : memref<16x128xf32, #tpu.memory_space<vmem>>, vector<1x16xf32>,
      %get3A_3233 = vector.shape_cast %get3A_3232 : vector<1x16xf32> to vector<16xf32>
      %mul3A_3234 = arith.mulf %get3A_3228, %get3A_3233 : vector<16xf32>
      %get3A_3235 = arith.constant 7 : i32
      %get3A_3236 = arith.index_cast %get3A_3235 : i32 to index
      %get3A_3237 = arith.constant 16 : index
      %get3A_3238 = tpu.vector_load %arg10[%get3A_3236, %get3A_3237] {strides = array<i32>} : memref<16x128xf32, #tpu.memory_space<vmem>>, vector<1x16xf32>,
      %get3A_3239 = vector.shape_cast %get3A_3238 : vector<1x16xf32> to vector<16xf32>
      %get3A_3240 = arith.constant 7 : i32
      %get3A_3241 = arith.index_cast %get3A_3240 : i32 to index
      %get3A_3242 = arith.constant 16 : index
      %get3A_3243 = tpu.vector_load %arg12[%get3A_3241, %get3A_3242] {strides = array<i32>} : memref<16x128xf32, #tpu.memory_space<vmem>>, vector<1x16xf32>,
      %get3A_3244 = vector.shape_cast %get3A_3243 : vector<1x16xf32> to vector<16xf32>
      %mul3A_3245 = arith.mulf %get3A_3239, %get3A_3244 : vector<16xf32>
      %add3A_3246 = arith.addf %mul3A_3234, %mul3A_3245 : vector<16xf32>
      %get3A_3247 = arith.constant 7 : i32
      %get3A_3248 = arith.index_cast %get3A_3247 : i32 to index
      %get3A_3249 = arith.constant 32 : index
      %get3A_3250 = tpu.vector_load %arg10[%get3A_3248, %get3A_3249] {strides = array<i32>} : memref<16x128xf32, #tpu.memory_space<vmem>>, vector<1x16xf32>,
      %get3A_3251 = vector.shape_cast %get3A_3250 : vector<1x16xf32> to vector<16xf32>
      %get3A_3252 = arith.constant 7 : i32
      %get3A_3253 = arith.index_cast %get3A_3252 : i32 to index
      %get3A_3254 = arith.constant 32 : index
      %get3A_3255 = tpu.vector_load %arg12[%get3A_3253, %get3A_3254] {strides = array<i32>} : memref<16x128xf32, #tpu.memory_space<vmem>>, vector<1x16xf32>,
      %get3A_3256 = vector.shape_cast %get3A_3255 : vector<1x16xf32> to vector<16xf32>
      %mul3A_3257 = arith.mulf %get3A_3251, %get3A_3256 : vector<16xf32>
      %add3A_3258 = arith.addf %add3A_3246, %mul3A_3257 : vector<16xf32>
      %get3A_3259 = arith.constant 7 : i32
      %get3A_3260 = arith.index_cast %get3A_3259 : i32 to index
      %get3A_3261 = arith.constant 48 : index
      %get3A_3262 = tpu.vector_load %arg10[%get3A_3260, %get3A_3261] {strides = array<i32>} : memref<16x128xf32, #tpu.memory_space<vmem>>, vector<1x16xf32>,
      %get3A_3263 = vector.shape_cast %get3A_3262 : vector<1x16xf32> to vector<16xf32>
      %get3A_3264 = arith.constant 7 : i32
      %get3A_3265 = arith.index_cast %get3A_3264 : i32 to index
      %get3A_3266 = arith.constant 48 : index
      %get3A_3267 = tpu.vector_load %arg12[%get3A_3265, %get3A_3266] {strides = array<i32>} : memref<16x128xf32, #tpu.memory_space<vmem>>, vector<1x16xf32>,
      %get3A_3268 = vector.shape_cast %get3A_3267 : vector<1x16xf32> to vector<16xf32>
      %mul3A_3269 = arith.mulf %get3A_3263, %get3A_3268 : vector<16xf32>
      %add3A_3270 = arith.addf %add3A_3258, %mul3A_3269 : vector<16xf32>
      %get3A_3271 = arith.constant 7 : i32
      %get3A_3272 = arith.index_cast %get3A_3271 : i32 to index
      %get3A_3273 = arith.constant 64 : index
      %get3A_3274 = tpu.vector_load %arg10[%get3A_3272, %get3A_3273] {strides = array<i32>} : memref<16x128xf32, #tpu.memory_space<vmem>>, vector<1x16xf32>,
      %get3A_3275 = vector.shape_cast %get3A_3274 : vector<1x16xf32> to vector<16xf32>
      %get3A_3276 = arith.constant 7 : i32
      %get3A_3277 = arith.index_cast %get3A_3276 : i32 to index
      %get3A_3278 = arith.constant 64 : index
      %get3A_3279 = tpu.vector_load %arg12[%get3A_3277, %get3A_3278] {strides = array<i32>} : memref<16x128xf32, #tpu.memory_space<vmem>>, vector<1x16xf32>,
      %get3A_3280 = vector.shape_cast %get3A_3279 : vector<1x16xf32> to vector<16xf32>
      %mul3A_3281 = arith.mulf %get3A_3275, %get3A_3280 : vector<16xf32>
      %add3A_3282 = arith.addf %add3A_3270, %mul3A_3281 : vector<16xf32>
      %get3A_3283 = arith.constant 7 : i32
      %get3A_3284 = arith.index_cast %get3A_3283 : i32 to index
      %get3A_3285 = arith.constant 80 : index
      %get3A_3286 = tpu.vector_load %arg10[%get3A_3284, %get3A_3285] {strides = array<i32>} : memref<16x128xf32, #tpu.memory_space<vmem>>, vector<1x16xf32>,
      %get3A_3287 = vector.shape_cast %get3A_3286 : vector<1x16xf32> to vector<16xf32>
      %get3A_3288 = arith.constant 7 : i32
      %get3A_3289 = arith.index_cast %get3A_3288 : i32 to index
      %get3A_3290 = arith.constant 80 : index
      %get3A_3291 = tpu.vector_load %arg12[%get3A_3289, %get3A_3290] {strides = array<i32>} : memref<16x128xf32, #tpu.memory_space<vmem>>, vector<1x16xf32>,
      %get3A_3292 = vector.shape_cast %get3A_3291 : vector<1x16xf32> to vector<16xf32>
      %mul3A_3293 = arith.mulf %get3A_3287, %get3A_3292 : vector<16xf32>
      %add3A_3294 = arith.addf %add3A_3282, %mul3A_3293 : vector<16xf32>
      %get3A_3295 = arith.constant 7 : i32
      %get3A_3296 = arith.index_cast %get3A_3295 : i32 to index
      %get3A_3297 = arith.constant 96 : index
      %get3A_3298 = tpu.vector_load %arg10[%get3A_3296, %get3A_3297] {strides = array<i32>} : memref<16x128xf32, #tpu.memory_space<vmem>>, vector<1x16xf32>,
      %get3A_3299 = vector.shape_cast %get3A_3298 : vector<1x16xf32> to vector<16xf32>
      %get3A_3300 = arith.constant 7 : i32
      %get3A_3301 = arith.index_cast %get3A_3300 : i32 to index
      %get3A_3302 = arith.constant 96 : index
      %get3A_3303 = tpu.vector_load %arg12[%get3A_3301, %get3A_3302] {strides = array<i32>} : memref<16x128xf32, #tpu.memory_space<vmem>>, vector<1x16xf32>,
      %get3A_3304 = vector.shape_cast %get3A_3303 : vector<1x16xf32> to vector<16xf32>
      %mul3A_3305 = arith.mulf %get3A_3299, %get3A_3304 : vector<16xf32>
      %add3A_3306 = arith.addf %add3A_3294, %mul3A_3305 : vector<16xf32>
      %get3A_3307 = arith.constant 7 : i32
      %get3A_3308 = arith.index_cast %get3A_3307 : i32 to index
      %get3A_3309 = arith.constant 112 : index
      %get3A_3310 = tpu.vector_load %arg10[%get3A_3308, %get3A_3309] {strides = array<i32>} : memref<16x128xf32, #tpu.memory_space<vmem>>, vector<1x16xf32>,
      %get3A_3311 = vector.shape_cast %get3A_3310 : vector<1x16xf32> to vector<16xf32>
      %get3A_3312 = arith.constant 7 : i32
      %get3A_3313 = arith.index_cast %get3A_3312 : i32 to index
      %get3A_3314 = arith.constant 112 : index
      %get3A_3315 = tpu.vector_load %arg12[%get3A_3313, %get3A_3314] {strides = array<i32>} : memref<16x128xf32, #tpu.memory_space<vmem>>, vector<1x16xf32>,
      %get3A_3316 = vector.shape_cast %get3A_3315 : vector<1x16xf32> to vector<16xf32>
      %mul3A_3317 = arith.mulf %get3A_3311, %get3A_3316 : vector<16xf32>
      %add3A_3318 = arith.addf %add3A_3306, %mul3A_3317 : vector<16xf32>
      %swap3A_3319 = arith.constant 224 : index
      %swap3A_3320 = tpu.vector_load %arg14[%swap3A_3319] {strides = array<i32>} : memref<256xf32, #tpu.memory_space<vmem>>, vector<16xf32>,
      %swap3A_3321 = vector.shape_cast %swap3A_3320 : vector<16xf32> to vector<16xf32>
      %swap3A_3322 = vector.shape_cast %add3A_3318 : vector<16xf32> to vector<16xf32>
      tpu.vector_store %arg14[%swap3A_3319], %swap3A_3322 {strides = array<i32>} : memref<256xf32, #tpu.memory_space<vmem>>, vector<16xf32>,
      %get3A_3323 = arith.constant 15 : i32
      %get3A_3324 = arith.index_cast %get3A_3323 : i32 to index
      %get3A_3325 = arith.constant 0 : index
      %get3A_3326 = tpu.vector_load %arg10[%get3A_3324, %get3A_3325] {strides = array<i32>} : memref<16x128xf32, #tpu.memory_space<vmem>>, vector<1x16xf32>,
      %get3A_3327 = vector.shape_cast %get3A_3326 : vector<1x16xf32> to vector<16xf32>
      %get3A_3328 = arith.constant 15 : i32
      %get3A_3329 = arith.index_cast %get3A_3328 : i32 to index
      %get3A_3330 = arith.constant 0 : index
      %get3A_3331 = tpu.vector_load %arg12[%get3A_3329, %get3A_3330] {strides = array<i32>} : memref<16x128xf32, #tpu.memory_space<vmem>>, vector<1x16xf32>,
      %get3A_3332 = vector.shape_cast %get3A_3331 : vector<1x16xf32> to vector<16xf32>
      %mul3A_3333 = arith.mulf %get3A_3327, %get3A_3332 : vector<16xf32>
      %get3A_3334 = arith.constant 15 : i32
      %get3A_3335 = arith.index_cast %get3A_3334 : i32 to index
      %get3A_3336 = arith.constant 16 : index
      %get3A_3337 = tpu.vector_load %arg10[%get3A_3335, %get3A_3336] {strides = array<i32>} : memref<16x128xf32, #tpu.memory_space<vmem>>, vector<1x16xf32>,
      %get3A_3338 = vector.shape_cast %get3A_3337 : vector<1x16xf32> to vector<16xf32>
      %get3A_3339 = arith.constant 15 : i32
      %get3A_3340 = arith.index_cast %get3A_3339 : i32 to index
      %get3A_3341 = arith.constant 16 : index
      %get3A_3342 = tpu.vector_load %arg12[%get3A_3340, %get3A_3341] {strides = array<i32>} : memref<16x128xf32, #tpu.memory_space<vmem>>, vector<1x16xf32>,
      %get3A_3343 = vector.shape_cast %get3A_3342 : vector<1x16xf32> to vector<16xf32>
      %mul3A_3344 = arith.mulf %get3A_3338, %get3A_3343 : vector<16xf32>
      %add3A_3345 = arith.addf %mul3A_3333, %mul3A_3344 : vector<16xf32>
      %get3A_3346 = arith.constant 15 : i32
      %get3A_3347 = arith.index_cast %get3A_3346 : i32 to index
      %get3A_3348 = arith.constant 32 : index
      %get3A_3349 = tpu.vector_load %arg10[%get3A_3347, %get3A_3348] {strides = array<i32>} : memref<16x128xf32, #tpu.memory_space<vmem>>, vector<1x16xf32>,
      %get3A_3350 = vector.shape_cast %get3A_3349 : vector<1x16xf32> to vector<16xf32>
      %get3A_3351 = arith.constant 15 : i32
      %get3A_3352 = arith.index_cast %get3A_3351 : i32 to index
      %get3A_3353 = arith.constant 32 : index
      %get3A_3354 = tpu.vector_load %arg12[%get3A_3352, %get3A_3353] {strides = array<i32>} : memref<16x128xf32, #tpu.memory_space<vmem>>, vector<1x16xf32>,
      %get3A_3355 = vector.shape_cast %get3A_3354 : vector<1x16xf32> to vector<16xf32>
      %mul3A_3356 = arith.mulf %get3A_3350, %get3A_3355 : vector<16xf32>
      %add3A_3357 = arith.addf %add3A_3345, %mul3A_3356 : vector<16xf32>
      %get3A_3358 = arith.constant 15 : i32
      %get3A_3359 = arith.index_cast %get3A_3358 : i32 to index
      %get3A_3360 = arith.constant 48 : index
      %get3A_3361 = tpu.vector_load %arg10[%get3A_3359, %get3A_3360] {strides = array<i32>} : memref<16x128xf32, #tpu.memory_space<vmem>>, vector<1x16xf32>,
      %get3A_3362 = vector.shape_cast %get3A_3361 : vector<1x16xf32> to vector<16xf32>
      %get3A_3363 = arith.constant 15 : i32
      %get3A_3364 = arith.index_cast %get3A_3363 : i32 to index
      %get3A_3365 = arith.constant 48 : index
      %get3A_3366 = tpu.vector_load %arg12[%get3A_3364, %get3A_3365] {strides = array<i32>} : memref<16x128xf32, #tpu.memory_space<vmem>>, vector<1x16xf32>,
      %get3A_3367 = vector.shape_cast %get3A_3366 : vector<1x16xf32> to vector<16xf32>
      %mul3A_3368 = arith.mulf %get3A_3362, %get3A_3367 : vector<16xf32>
      %add3A_3369 = arith.addf %add3A_3357, %mul3A_3368 : vector<16xf32>
      %get3A_3370 = arith.constant 15 : i32
      %get3A_3371 = arith.index_cast %get3A_3370 : i32 to index
      %get3A_3372 = arith.constant 64 : index
      %get3A_3373 = tpu.vector_load %arg10[%get3A_3371, %get3A_3372] {strides = array<i32>} : memref<16x128xf32, #tpu.memory_space<vmem>>, vector<1x16xf32>,
      %get3A_3374 = vector.shape_cast %get3A_3373 : vector<1x16xf32> to vector<16xf32>
      %get3A_3375 = arith.constant 15 : i32
      %get3A_3376 = arith.index_cast %get3A_3375 : i32 to index
      %get3A_3377 = arith.constant 64 : index
      %get3A_3378 = tpu.vector_load %arg12[%get3A_3376, %get3A_3377] {strides = array<i32>} : memref<16x128xf32, #tpu.memory_space<vmem>>, vector<1x16xf32>,
      %get3A_3379 = vector.shape_cast %get3A_3378 : vector<1x16xf32> to vector<16xf32>
      %mul3A_3380 = arith.mulf %get3A_3374, %get3A_3379 : vector<16xf32>
      %add3A_3381 = arith.addf %add3A_3369, %mul3A_3380 : vector<16xf32>
      %get3A_3382 = arith.constant 15 : i32
      %get3A_3383 = arith.index_cast %get3A_3382 : i32 to index
      %get3A_3384 = arith.constant 80 : index
      %get3A_3385 = tpu.vector_load %arg10[%get3A_3383, %get3A_3384] {strides = array<i32>} : memref<16x128xf32, #tpu.memory_space<vmem>>, vector<1x16xf32>,
      %get3A_3386 = vector.shape_cast %get3A_3385 : vector<1x16xf32> to vector<16xf32>
      %get3A_3387 = arith.constant 15 : i32
      %get3A_3388 = arith.index_cast %get3A_3387 : i32 to index
      %get3A_3389 = arith.constant 80 : index
      %get3A_3390 = tpu.vector_load %arg12[%get3A_3388, %get3A_3389] {strides = array<i32>} : memref<16x128xf32, #tpu.memory_space<vmem>>, vector<1x16xf32>,
      %get3A_3391 = vector.shape_cast %get3A_3390 : vector<1x16xf32> to vector<16xf32>
      %mul3A_3392 = arith.mulf %get3A_3386, %get3A_3391 : vector<16xf32>
      %add3A_3393 = arith.addf %add3A_3381, %mul3A_3392 : vector<16xf32>
      %get3A_3394 = arith.constant 15 : i32
      %get3A_3395 = arith.index_cast %get3A_3394 : i32 to index
      %get3A_3396 = arith.constant 96 : index
      %get3A_3397 = tpu.vector_load %arg10[%get3A_3395, %get3A_3396] {strides = array<i32>} : memref<16x128xf32, #tpu.memory_space<vmem>>, vector<1x16xf32>,
      %get3A_3398 = vector.shape_cast %get3A_3397 : vector<1x16xf32> to vector<16xf32>
      %get3A_3399 = arith.constant 15 : i32
      %get3A_3400 = arith.index_cast %get3A_3399 : i32 to index
      %get3A_3401 = arith.constant 96 : index
      %get3A_3402 = tpu.vector_load %arg12[%get3A_3400, %get3A_3401] {strides = array<i32>} : memref<16x128xf32, #tpu.memory_space<vmem>>, vector<1x16xf32>,
      %get3A_3403 = vector.shape_cast %get3A_3402 : vector<1x16xf32> to vector<16xf32>
      %mul3A_3404 = arith.mulf %get3A_3398, %get3A_3403 : vector<16xf32>
      %add3A_3405 = arith.addf %add3A_3393, %mul3A_3404 : vector<16xf32>
      %get3A_3406 = arith.constant 15 : i32
      %get3A_3407 = arith.index_cast %get3A_3406 : i32 to index
      %get3A_3408 = arith.constant 112 : index
      %get3A_3409 = tpu.vector_load %arg10[%get3A_3407, %get3A_3408] {strides = array<i32>} : memref<16x128xf32, #tpu.memory_space<vmem>>, vector<1x16xf32>,
      %get3A_3410 = vector.shape_cast %get3A_3409 : vector<1x16xf32> to vector<16xf32>
      %get3A_3411 = arith.constant 15 : i32
      %get3A_3412 = arith.index_cast %get3A_3411 : i32 to index
      %get3A_3413 = arith.constant 112 : index
      %get3A_3414 = tpu.vector_load %arg12[%get3A_3412, %get3A_3413] {strides = array<i32>} : memref<16x128xf32, #tpu.memory_space<vmem>>, vector<1x16xf32>,
      %get3A_3415 = vector.shape_cast %get3A_3414 : vector<1x16xf32> to vector<16xf32>
      %mul3A_3416 = arith.mulf %get3A_3410, %get3A_3415 : vector<16xf32>
      %add3A_3417 = arith.addf %add3A_3405, %mul3A_3416 : vector<16xf32>
      %swap3A_3418 = arith.constant 240 : index
      %swap3A_3419 = tpu.vector_load %arg14[%swap3A_3418] {strides = array<i32>} : memref<256xf32, #tpu.memory_space<vmem>>, vector<16xf32>,
      %swap3A_3420 = vector.shape_cast %swap3A_3419 : vector<16xf32> to vector<16xf32>
      %swap3A_3421 = vector.shape_cast %add3A_3417 : vector<16xf32> to vector<16xf32>
      tpu.vector_store %arg14[%swap3A_3418], %swap3A_3421 {strides = array<i32>} : memref<256xf32, #tpu.memory_space<vmem>>, vector<16xf32>,
      %get3A_3422 = arith.constant 0 : index
      %get3A_3423 = tpu.vector_load %arg14[%get3A_3422] {strides = array<i32>} : memref<256xf32, #tpu.memory_space<vmem>>, vector<16xf32>,
      %get3A_3424 = vector.shape_cast %get3A_3423 : vector<16xf32> to vector<16xf32>
      %get3A_3425 = arith.constant 16 : index
      %get3A_3426 = tpu.vector_load %arg14[%get3A_3425] {strides = array<i32>} : memref<256xf32, #tpu.memory_space<vmem>>, vector<16xf32>,
      %get3A_3427 = vector.shape_cast %get3A_3426 : vector<16xf32> to vector<16xf32>
      %gather3A_3428 = vector.shape_cast %broadcast_in_dim3A : vector<16x1xi32> to vector<16xi32>
      %gather3A_3429 = tpu.dynamic_gather %get3A_3424[%gather3A_3428] in [0] : vector<16xf32>, vector<16xi32> -> vector<16xf32>
      %add3A_3430 = arith.addf %get3A_3424, %gather3A_3429 : vector<16xf32>
      %gather3A_3431 = vector.shape_cast %broadcast_in_dim3A : vector<16x1xi32> to vector<16xi32>
      %gather3A_3432 = tpu.dynamic_gather %get3A_3427[%gather3A_3431] in [0] : vector<16xf32>, vector<16xi32> -> vector<16xf32>
      %add3A_3433 = arith.addf %get3A_3427, %gather3A_3432 : vector<16xf32>
      %select_n3A_3434 = arith.select %eq3A_20, %add3A_3430, %add3A_3433 : vector<16xi1>, vector<16xf32>
      %get3A_3435 = arith.constant 32 : index
      %get3A_3436 = tpu.vector_load %arg14[%get3A_3435] {strides = array<i32>} : memref<256xf32, #tpu.memory_space<vmem>>, vector<16xf32>,
      %get3A_3437 = vector.shape_cast %get3A_3436 : vector<16xf32> to vector<16xf32>
      %get3A_3438 = arith.constant 48 : index
      %get3A_3439 = tpu.vector_load %arg14[%get3A_3438] {strides = array<i32>} : memref<256xf32, #tpu.memory_space<vmem>>, vector<16xf32>,
      %get3A_3440 = vector.shape_cast %get3A_3439 : vector<16xf32> to vector<16xf32>
      %gather3A_3441 = vector.shape_cast %broadcast_in_dim3A : vector<16x1xi32> to vector<16xi32>
      %gather3A_3442 = tpu.dynamic_gather %get3A_3437[%gather3A_3441] in [0] : vector<16xf32>, vector<16xi32> -> vector<16xf32>
      %add3A_3443 = arith.addf %get3A_3437, %gather3A_3442 : vector<16xf32>
      %gather3A_3444 = vector.shape_cast %broadcast_in_dim3A : vector<16x1xi32> to vector<16xi32>
      %gather3A_3445 = tpu.dynamic_gather %get3A_3440[%gather3A_3444] in [0] : vector<16xf32>, vector<16xi32> -> vector<16xf32>
      %add3A_3446 = arith.addf %get3A_3440, %gather3A_3445 : vector<16xf32>
      %select_n3A_3447 = arith.select %eq3A_20, %add3A_3443, %add3A_3446 : vector<16xi1>, vector<16xf32>
      %gather3A_3448 = vector.shape_cast %broadcast_in_dim3A_8 : vector<16x1xi32> to vector<16xi32>
      %gather3A_3449 = tpu.dynamic_gather %select_n3A_3434[%gather3A_3448] in [0] : vector<16xf32>, vector<16xi32> -> vector<16xf32>
      %add3A_3450 = arith.addf %select_n3A_3434, %gather3A_3449 : vector<16xf32>
      %gather3A_3451 = vector.shape_cast %broadcast_in_dim3A_8 : vector<16x1xi32> to vector<16xi32>
      %gather3A_3452 = tpu.dynamic_gather %select_n3A_3447[%gather3A_3451] in [0] : vector<16xf32>, vector<16xi32> -> vector<16xf32>
      %add3A_3453 = arith.addf %select_n3A_3447, %gather3A_3452 : vector<16xf32>
      %select_n3A_3454 = arith.select %eq3A_26, %add3A_3450, %add3A_3453 : vector<16xi1>, vector<16xf32>
      %get3A_3455 = arith.constant 64 : index
      %get3A_3456 = tpu.vector_load %arg14[%get3A_3455] {strides = array<i32>} : memref<256xf32, #tpu.memory_space<vmem>>, vector<16xf32>,
      %get3A_3457 = vector.shape_cast %get3A_3456 : vector<16xf32> to vector<16xf32>
      %get3A_3458 = arith.constant 80 : index
      %get3A_3459 = tpu.vector_load %arg14[%get3A_3458] {strides = array<i32>} : memref<256xf32, #tpu.memory_space<vmem>>, vector<16xf32>,
      %get3A_3460 = vector.shape_cast %get3A_3459 : vector<16xf32> to vector<16xf32>
      %gather3A_3461 = vector.shape_cast %broadcast_in_dim3A : vector<16x1xi32> to vector<16xi32>
      %gather3A_3462 = tpu.dynamic_gather %get3A_3457[%gather3A_3461] in [0] : vector<16xf32>, vector<16xi32> -> vector<16xf32>
      %add3A_3463 = arith.addf %get3A_3457, %gather3A_3462 : vector<16xf32>
      %gather3A_3464 = vector.shape_cast %broadcast_in_dim3A : vector<16x1xi32> to vector<16xi32>
      %gather3A_3465 = tpu.dynamic_gather %get3A_3460[%gather3A_3464] in [0] : vector<16xf32>, vector<16xi32> -> vector<16xf32>
      %add3A_3466 = arith.addf %get3A_3460, %gather3A_3465 : vector<16xf32>
      %select_n3A_3467 = arith.select %eq3A_20, %add3A_3463, %add3A_3466 : vector<16xi1>, vector<16xf32>
      %get3A_3468 = arith.constant 96 : index
      %get3A_3469 = tpu.vector_load %arg14[%get3A_3468] {strides = array<i32>} : memref<256xf32, #tpu.memory_space<vmem>>, vector<16xf32>,
      %get3A_3470 = vector.shape_cast %get3A_3469 : vector<16xf32> to vector<16xf32>
      %get3A_3471 = arith.constant 112 : index
      %get3A_3472 = tpu.vector_load %arg14[%get3A_3471] {strides = array<i32>} : memref<256xf32, #tpu.memory_space<vmem>>, vector<16xf32>,
      %get3A_3473 = vector.shape_cast %get3A_3472 : vector<16xf32> to vector<16xf32>
      %gather3A_3474 = vector.shape_cast %broadcast_in_dim3A : vector<16x1xi32> to vector<16xi32>
      %gather3A_3475 = tpu.dynamic_gather %get3A_3470[%gather3A_3474] in [0] : vector<16xf32>, vector<16xi32> -> vector<16xf32>
      %add3A_3476 = arith.addf %get3A_3470, %gather3A_3475 : vector<16xf32>
      %gather3A_3477 = vector.shape_cast %broadcast_in_dim3A : vector<16x1xi32> to vector<16xi32>
      %gather3A_3478 = tpu.dynamic_gather %get3A_3473[%gather3A_3477] in [0] : vector<16xf32>, vector<16xi32> -> vector<16xf32>
      %add3A_3479 = arith.addf %get3A_3473, %gather3A_3478 : vector<16xf32>
      %select_n3A_3480 = arith.select %eq3A_20, %add3A_3476, %add3A_3479 : vector<16xi1>, vector<16xf32>
      %gather3A_3481 = vector.shape_cast %broadcast_in_dim3A_8 : vector<16x1xi32> to vector<16xi32>
      %gather3A_3482 = tpu.dynamic_gather %select_n3A_3467[%gather3A_3481] in [0] : vector<16xf32>, vector<16xi32> -> vector<16xf32>
      %add3A_3483 = arith.addf %select_n3A_3467, %gather3A_3482 : vector<16xf32>
      %gather3A_3484 = vector.shape_cast %broadcast_in_dim3A_8 : vector<16x1xi32> to vector<16xi32>
      %gather3A_3485 = tpu.dynamic_gather %select_n3A_3480[%gather3A_3484] in [0] : vector<16xf32>, vector<16xi32> -> vector<16xf32>
      %add3A_3486 = arith.addf %select_n3A_3480, %gather3A_3485 : vector<16xf32>
      %select_n3A_3487 = arith.select %eq3A_26, %add3A_3483, %add3A_3486 : vector<16xi1>, vector<16xf32>
      %gather3A_3488 = vector.shape_cast %broadcast_in_dim3A_12 : vector<16x1xi32> to vector<16xi32>
      %gather3A_3489 = tpu.dynamic_gather %select_n3A_3454[%gather3A_3488] in [0] : vector<16xf32>, vector<16xi32> -> vector<16xf32>
      %add3A_3490 = arith.addf %select_n3A_3454, %gather3A_3489 : vector<16xf32>
      %gather3A_3491 = vector.shape_cast %broadcast_in_dim3A_12 : vector<16x1xi32> to vector<16xi32>
      %gather3A_3492 = tpu.dynamic_gather %select_n3A_3487[%gather3A_3491] in [0] : vector<16xf32>, vector<16xi32> -> vector<16xf32>
      %add3A_3493 = arith.addf %select_n3A_3487, %gather3A_3492 : vector<16xf32>
      %select_n3A_3494 = arith.select %eq3A_32, %add3A_3490, %add3A_3493 : vector<16xi1>, vector<16xf32>
      %get3A_3495 = arith.constant 128 : index
      %get3A_3496 = tpu.vector_load %arg14[%get3A_3495] {strides = array<i32>} : memref<256xf32, #tpu.memory_space<vmem>>, vector<16xf32>,
      %get3A_3497 = vector.shape_cast %get3A_3496 : vector<16xf32> to vector<16xf32>
      %get3A_3498 = arith.constant 144 : index
      %get3A_3499 = tpu.vector_load %arg14[%get3A_3498] {strides = array<i32>} : memref<256xf32, #tpu.memory_space<vmem>>, vector<16xf32>,
      %get3A_3500 = vector.shape_cast %get3A_3499 : vector<16xf32> to vector<16xf32>
      %gather3A_3501 = vector.shape_cast %broadcast_in_dim3A : vector<16x1xi32> to vector<16xi32>
      %gather3A_3502 = tpu.dynamic_gather %get3A_3497[%gather3A_3501] in [0] : vector<16xf32>, vector<16xi32> -> vector<16xf32>
      %add3A_3503 = arith.addf %get3A_3497, %gather3A_3502 : vector<16xf32>
      %gather3A_3504 = vector.shape_cast %broadcast_in_dim3A : vector<16x1xi32> to vector<16xi32>
      %gather3A_3505 = tpu.dynamic_gather %get3A_3500[%gather3A_3504] in [0] : vector<16xf32>, vector<16xi32> -> vector<16xf32>
      %add3A_3506 = arith.addf %get3A_3500, %gather3A_3505 : vector<16xf32>
      %select_n3A_3507 = arith.select %eq3A_20, %add3A_3503, %add3A_3506 : vector<16xi1>, vector<16xf32>
      %get3A_3508 = arith.constant 160 : index
      %get3A_3509 = tpu.vector_load %arg14[%get3A_3508] {strides = array<i32>} : memref<256xf32, #tpu.memory_space<vmem>>, vector<16xf32>,
      %get3A_3510 = vector.shape_cast %get3A_3509 : vector<16xf32> to vector<16xf32>
      %get3A_3511 = arith.constant 176 : index
      %get3A_3512 = tpu.vector_load %arg14[%get3A_3511] {strides = array<i32>} : memref<256xf32, #tpu.memory_space<vmem>>, vector<16xf32>,
      %get3A_3513 = vector.shape_cast %get3A_3512 : vector<16xf32> to vector<16xf32>
      %gather3A_3514 = vector.shape_cast %broadcast_in_dim3A : vector<16x1xi32> to vector<16xi32>
      %gather3A_3515 = tpu.dynamic_gather %get3A_3510[%gather3A_3514] in [0] : vector<16xf32>, vector<16xi32> -> vector<16xf32>
      %add3A_3516 = arith.addf %get3A_3510, %gather3A_3515 : vector<16xf32>
      %gather3A_3517 = vector.shape_cast %broadcast_in_dim3A : vector<16x1xi32> to vector<16xi32>
      %gather3A_3518 = tpu.dynamic_gather %get3A_3513[%gather3A_3517] in [0] : vector<16xf32>, vector<16xi32> -> vector<16xf32>
      %add3A_3519 = arith.addf %get3A_3513, %gather3A_3518 : vector<16xf32>
      %select_n3A_3520 = arith.select %eq3A_20, %add3A_3516, %add3A_3519 : vector<16xi1>, vector<16xf32>
      %gather3A_3521 = vector.shape_cast %broadcast_in_dim3A_8 : vector<16x1xi32> to vector<16xi32>
      %gather3A_3522 = tpu.dynamic_gather %select_n3A_3507[%gather3A_3521] in [0] : vector<16xf32>, vector<16xi32> -> vector<16xf32>
      %add3A_3523 = arith.addf %select_n3A_3507, %gather3A_3522 : vector<16xf32>
      %gather3A_3524 = vector.shape_cast %broadcast_in_dim3A_8 : vector<16x1xi32> to vector<16xi32>
      %gather3A_3525 = tpu.dynamic_gather %select_n3A_3520[%gather3A_3524] in [0] : vector<16xf32>, vector<16xi32> -> vector<16xf32>
      %add3A_3526 = arith.addf %select_n3A_3520, %gather3A_3525 : vector<16xf32>
      %select_n3A_3527 = arith.select %eq3A_26, %add3A_3523, %add3A_3526 : vector<16xi1>, vector<16xf32>
      %get3A_3528 = arith.constant 192 : index
      %get3A_3529 = tpu.vector_load %arg14[%get3A_3528] {strides = array<i32>} : memref<256xf32, #tpu.memory_space<vmem>>, vector<16xf32>,
      %get3A_3530 = vector.shape_cast %get3A_3529 : vector<16xf32> to vector<16xf32>
      %get3A_3531 = arith.constant 208 : index
      %get3A_3532 = tpu.vector_load %arg14[%get3A_3531] {strides = array<i32>} : memref<256xf32, #tpu.memory_space<vmem>>, vector<16xf32>,
      %get3A_3533 = vector.shape_cast %get3A_3532 : vector<16xf32> to vector<16xf32>
      %gather3A_3534 = vector.shape_cast %broadcast_in_dim3A : vector<16x1xi32> to vector<16xi32>
      %gather3A_3535 = tpu.dynamic_gather %get3A_3530[%gather3A_3534] in [0] : vector<16xf32>, vector<16xi32> -> vector<16xf32>
      %add3A_3536 = arith.addf %get3A_3530, %gather3A_3535 : vector<16xf32>
      %gather3A_3537 = vector.shape_cast %broadcast_in_dim3A : vector<16x1xi32> to vector<16xi32>
      %gather3A_3538 = tpu.dynamic_gather %get3A_3533[%gather3A_3537] in [0] : vector<16xf32>, vector<16xi32> -> vector<16xf32>
      %add3A_3539 = arith.addf %get3A_3533, %gather3A_3538 : vector<16xf32>
      %select_n3A_3540 = arith.select %eq3A_20, %add3A_3536, %add3A_3539 : vector<16xi1>, vector<16xf32>
      %get3A_3541 = arith.constant 224 : index
      %get3A_3542 = tpu.vector_load %arg14[%get3A_3541] {strides = array<i32>} : memref<256xf32, #tpu.memory_space<vmem>>, vector<16xf32>,
      %get3A_3543 = vector.shape_cast %get3A_3542 : vector<16xf32> to vector<16xf32>
      %get3A_3544 = arith.constant 240 : index
      %get3A_3545 = tpu.vector_load %arg14[%get3A_3544] {strides = array<i32>} : memref<256xf32, #tpu.memory_space<vmem>>, vector<16xf32>,
      %get3A_3546 = vector.shape_cast %get3A_3545 : vector<16xf32> to vector<16xf32>
      %gather3A_3547 = vector.shape_cast %broadcast_in_dim3A : vector<16x1xi32> to vector<16xi32>
      %gather3A_3548 = tpu.dynamic_gather %get3A_3543[%gather3A_3547] in [0] : vector<16xf32>, vector<16xi32> -> vector<16xf32>
      %add3A_3549 = arith.addf %get3A_3543, %gather3A_3548 : vector<16xf32>
      %gather3A_3550 = vector.shape_cast %broadcast_in_dim3A : vector<16x1xi32> to vector<16xi32>
      %gather3A_3551 = tpu.dynamic_gather %get3A_3546[%gather3A_3550] in [0] : vector<16xf32>, vector<16xi32> -> vector<16xf32>
      %add3A_3552 = arith.addf %get3A_3546, %gather3A_3551 : vector<16xf32>
      %select_n3A_3553 = arith.select %eq3A_20, %add3A_3549, %add3A_3552 : vector<16xi1>, vector<16xf32>
      %gather3A_3554 = vector.shape_cast %broadcast_in_dim3A_8 : vector<16x1xi32> to vector<16xi32>
      %gather3A_3555 = tpu.dynamic_gather %select_n3A_3540[%gather3A_3554] in [0] : vector<16xf32>, vector<16xi32> -> vector<16xf32>
      %add3A_3556 = arith.addf %select_n3A_3540, %gather3A_3555 : vector<16xf32>
      %gather3A_3557 = vector.shape_cast %broadcast_in_dim3A_8 : vector<16x1xi32> to vector<16xi32>
      %gather3A_3558 = tpu.dynamic_gather %select_n3A_3553[%gather3A_3557] in [0] : vector<16xf32>, vector<16xi32> -> vector<16xf32>
      %add3A_3559 = arith.addf %select_n3A_3553, %gather3A_3558 : vector<16xf32>
      %select_n3A_3560 = arith.select %eq3A_26, %add3A_3556, %add3A_3559 : vector<16xi1>, vector<16xf32>
      %gather3A_3561 = vector.shape_cast %broadcast_in_dim3A_12 : vector<16x1xi32> to vector<16xi32>
      %gather3A_3562 = tpu.dynamic_gather %select_n3A_3527[%gather3A_3561] in [0] : vector<16xf32>, vector<16xi32> -> vector<16xf32>
      %add3A_3563 = arith.addf %select_n3A_3527, %gather3A_3562 : vector<16xf32>
      %gather3A_3564 = vector.shape_cast %broadcast_in_dim3A_12 : vector<16x1xi32> to vector<16xi32>
      %gather3A_3565 = tpu.dynamic_gather %select_n3A_3560[%gather3A_3564] in [0] : vector<16xf32>, vector<16xi32> -> vector<16xf32>
      %add3A_3566 = arith.addf %select_n3A_3560, %gather3A_3565 : vector<16xf32>
      %select_n3A_3567 = arith.select %eq3A_32, %add3A_3563, %add3A_3566 : vector<16xi1>, vector<16xf32>
      %gather3A_3568 = vector.shape_cast %broadcast_in_dim3A_16 : vector<16x1xi32> to vector<16xi32>
      %gather3A_3569 = tpu.dynamic_gather %select_n3A_3494[%gather3A_3568] in [0] : vector<16xf32>, vector<16xi32> -> vector<16xf32>
      %add3A_3570 = arith.addf %select_n3A_3494, %gather3A_3569 : vector<16xf32>
      %gather3A_3571 = vector.shape_cast %broadcast_in_dim3A_16 : vector<16x1xi32> to vector<16xi32>
      %gather3A_3572 = tpu.dynamic_gather %select_n3A_3567[%gather3A_3571] in [0] : vector<16xf32>, vector<16xi32> -> vector<16xf32>
      %add3A_3573 = arith.addf %select_n3A_3567, %gather3A_3572 : vector<16xf32>
      %select_n3A_3574 = arith.select %eq3A_38, %add3A_3570, %add3A_3573 : vector<16xi1>, vector<16xf32>
      %mul3A_3575 = arith.constant 16 : i32
      %mul3A_3576 = arith.muli %add3A_1827, %mul3A_3575 : i32
      %add3A_3577 = arith.constant 0 : i32
      %add3A_3578 = arith.addi %mul3A_3576, %add3A_3577 : i32
      %swap3A_3579 = arith.index_cast %add3A_3578 : i32 to index
      %swap3A_3580 = tpu.vector_load %arg13[%swap3A_3579] {strides = array<i32>} : memref<512xf32, #tpu.memory_space<vmem>>, vector<16xf32>,
      %swap3A_3581 = vector.shape_cast %swap3A_3580 : vector<16xf32> to vector<16xf32>
      %swap3A_3582 = vector.shape_cast %select_n3A_3574 : vector<16xf32> to vector<16xf32>
      tpu.vector_store %arg13[%swap3A_3579], %swap3A_3582 {strides = array<i32>} : memref<512xf32, #tpu.memory_space<vmem>>, vector<16xf32>,
      %add3A_3583 = arith.constant 2 : i32
      %add3A_3584 = arith.addi %add3A_1827, %add3A_3583 : i32
      %lt3A_3585 = arith.constant 32 : i32
      %lt3A_3586 = arith.cmpi slt, %add3A_3584, %lt3A_3585 : i32
      %convert_element_type3A_3587 = arith.extui %lt3A_3586 : i1 to i32
      %cond3A_3588 = arith.constant 0 : i32
      %cond3A_3589 = arith.cmpi ne, %convert_element_type3A_3587, %cond3A_3588 : i32
      scf.if %cond3A_3589 {
        %add3A_3591 = arith.constant 2 : i32
        %add3A_3592 = arith.addi %add3A_1827, %add3A_3591 : i32
        %mul3A_3593 = arith.constant 16 : i32
        %mul3A_3594 = arith.muli %add3A_3592, %mul3A_3593 : i32
        %dma_start3A_3595 = tpu.memref_slice %arg7[%mul3A_3594] : memref<512xi32, #tpu.memory_space<vmem>> -> memref<16xi32, #tpu.memory_space<vmem>>
        %dma_start3A_3596 = arith.constant 0 : i32
        %dma_start3A_3597 = arith.constant 0 : i32
        %dma_start3A_3598 = tpu.memref_slice %arg4[%dma_start3A_3596, %dma_start3A_3597] : memref<1000000x128xf32, #tpu.memory_space<hbm>> -> memref<1000000x128xf32, #tpu.memory_space<hbm>>
        tpu.enqueue_indirect_dma source(%dma_start3A_3598 : memref<1000000x128xf32, #tpu.memory_space<hbm>>) target(%arg10 : memref<16x128xf32, #tpu.memory_space<vmem>>) offsets(%dma_start3A_3595 : memref<16xi32, #tpu.memory_space<vmem>>) semaphore(%arg16 : memref<!tpu.dma_semaphore, #tpu.memory_space<semaphore_mem>>)
        %mul3A_3599 = arith.constant 16 : i32
        %mul3A_3600 = arith.muli %add3A_3592, %mul3A_3599 : i32
        %dma_start3A_3601 = tpu.memref_slice %arg8[%mul3A_3600] : memref<512xi32, #tpu.memory_space<vmem>> -> memref<16xi32, #tpu.memory_space<vmem>>
        %dma_start3A_3602 = arith.constant 0 : i32
        %dma_start3A_3603 = arith.constant 0 : i32
        %dma_start3A_3604 = tpu.memref_slice %arg5[%dma_start3A_3602, %dma_start3A_3603] : memref<100000x128xf32, #tpu.memory_space<hbm>> -> memref<100000x128xf32, #tpu.memory_space<hbm>>
        tpu.enqueue_indirect_dma source(%dma_start3A_3604 : memref<100000x128xf32, #tpu.memory_space<hbm>>) target(%arg12 : memref<16x128xf32, #tpu.memory_space<vmem>>) offsets(%dma_start3A_3601 : memref<16xi32, #tpu.memory_space<vmem>>) semaphore(%arg18 : memref<!tpu.dma_semaphore, #tpu.memory_space<semaphore_mem>>)
      } else {
      }
      %scan3A_3590 = arith.constant 0 : i32
      scf.yield %scan3A_3590 : i32
    }
    %scan3A_63 = arith.constant 16 : i32
    "tpu.region"() ({
      %run_scoped3A = tpu.sem_alloc : memref<!tpu.dma_semaphore, #tpu.memory_space<semaphore_mem>>
      %dma_start3A_64 = tpu.memref_slice %arg6[%mul3A_2] : memref<16384xf32, #tpu.memory_space<hbm>> -> memref<512xf32, #tpu.memory_space<hbm>>
      %dma_start3A_65 = tpu.memref_slice %arg6[%mul3A_2] : memref<16384xf32, #tpu.memory_space<hbm>> -> memref<512xf32, #tpu.memory_space<hbm>>
      tpu.enqueue_dma source(%arg13 : memref<512xf32, #tpu.memory_space<vmem>>) target(%dma_start3A_65 : memref<512xf32, #tpu.memory_space<hbm>>) target_semaphore(%run_scoped3A : memref<!tpu.dma_semaphore, #tpu.memory_space<semaphore_mem>>)
      %dma_wait3A = tpu.memref_slice %arg6[%mul3A_2] : memref<16384xf32, #tpu.memory_space<hbm>> -> memref<512xf32, #tpu.memory_space<hbm>>
      %dma_wait3A_66 = tpu.memref_slice %arg6[%mul3A_2] : memref<16384xf32, #tpu.memory_space<hbm>> -> memref<512xf32, #tpu.memory_space<hbm>>
      tpu.wait_dma2 semaphore(%run_scoped3A : memref<!tpu.dma_semaphore, #tpu.memory_space<semaphore_mem>>) src(%arg13 : memref<512xf32, #tpu.memory_space<vmem>>) dst(%dma_wait3A_66 : memref<512xf32, #tpu.memory_space<hbm>>)
      tpu.yield
    }) : () -> ()
    return
  }
}

</mosaic_0001>

<sc_bundles>
// kernel: kernel.3.cloned.1.call-start
scs
__scs_entry_jumppad:
0x0: {  	(pc) =	sbr.rel $0x88, $3  }
0x1: {  	(tag) =	ssettag $0x0;
	lr =	simm.s32 $0x1  }
0x2: {  	[smem:$0x3F9D] =	sst lr;
	_ =	strace $0xD0000000  }
0x3: {  	_ = 	snop  }
0x4: {  	_ = 	snop  }
0x5: {  	_ = 	snop  }
0x6: {  	_ = 	snop  }
0x7: {  	_ = 	snop  }
__scs_overlays_trampoline_lowered:
0x8: {  	[smem:$0x3FAC] =	sst s0  }
0x9: {  	[smem:$0x3FAD] =	sst s1  }
0xa: {  	[smem:$0x3FAE] =	sst s2  }
0xb: {  	[smem:$0x3FAF] =	sst s3  }
0xc: {  	[smem:$0x3FB0] =	sst s4  }
0xd: {  	[smem:$0x3FB1] =	sst s5  }
0xe: {  	[smem:$0x3FB2] =	sst s6  }
0xf: {  	[smem:$0x3FB3] =	sst s7  }
0x10: {  	[smem:$0x3FB4] =	sst s8  }
0x11: {  	[smem:$0x3FB5] =	sst s9;
	s0 =	simm.s32 @!p0 $0x0  }
0x12: {  	s1 =	sld [smem:$0x3F9B];
	s0 =	simm.s32 @p0 $0x1  }
0x13: {  	[smem:$0x3FB6] =	sst s0;
	s0 =	simm.s32 @!p1 $0x0  }
0x14: {  	s2 =	sld [smem:$0x3F9A];
	s0 =	simm.s32 @p1 $0x1  }
0x15: {  	[smem:$0x3FB7] =	sst s0;
	s0 =	simm.s32 @!p2 $0x0  }
0x16: {  	s3 =	sld [smem:$0x3FDB];
	s0 =	simm.s32 @p2 $0x1  }
0x17: {  	s4 =	simm.s32 $0x1BF5;
	[smem:$0x3FB9] =	sst s0  }
0x18: {  	s0 =	sld [smem:$0x3F9C];
	_ =	swait.ge [sflag:s4], $0x0  }
0x19: {  	s7 =	sld [smem:$0x3F9D]  }
0x1a: {  	s8 =	sadd.s32 $0xFFFFE003, lr  }
0x1b: {  	s9 =	sadd.s32 $0xFFFFFEF7, lr;
	s5 =	simm.s32 $0xFFFFFFFF;
	p2 =	slt.u32 s8, $0xFFFFF086  }
0x1c: {  	p1 =	slt.u32 s9, $0xF7A;
	s5 =	simm.s32 @!p2 $0x0  }
0x1d: {  	s5 =	simm.s32 @p1 $0x1;
	p0 =	seq.s32 s7, s2  }
0x1e: {  	s7 =	smul.u32 @!p0 $0xF7A, s2;
	p2 =	seq.s32 @!p0 s5, $0x0  }
0x1f: {  	s9 =	smul.u32 $0xF7A, s1;
	s8 =	simm.s32 @!p0 $0x1BF5;
	p2 =	por !p2, p0  }
0x20: {  	[sflag:s8] =	ssyncset.s32 @!p0 $0xFFFFF086;
	s6 =	sadd.s32 @!p0 s3, s7;
	s7 =	simm.s32 @!p0 $0x108  }
0x21: {  	s3 =	sadd.s32 s3, s9;
	s6 =	sadd.s32 @!p0 $0x88, s6;
	s7 =	simm.s32 @p2 $0x1082  }
0x22: {  	[simem:s7], [sflag:s8] =	dma.local @!p0 [hbm:s6], $0xF7A  }
0x23: {  	s9 =	sor.u32 $0xD0000000, s2;
	s6 =	simm.s32 $0x108;
	_ =	swait.ge @!p0 [sflag:s8], $0x0  }
0x24: {  	s3 =	sadd.s32 $0x88, s3;
	s6 =	simm.s32 @!p1 $0x1082;
	[sflag:s4] =	ssyncset.s32 $0xFFFFF086  }
0x25: {  	[simem:s6], [sflag:s4] =	dma.local [hbm:s3], $0xF7A  }
0x26: {  	[smem:$0x3F9D] =	sst s1;
	(tag) =	ssettag s2;
	_ =	strace s9  }
0x27: {  	s1 =	sld [smem:$0x3FAD]  }
0x28: {  	s2 =	sld [smem:$0x3FAE]  }
0x29: {  	s4 =	sld [smem:$0x3FB0]  }
0x2a: {  	p0 =	seq.s32 s5, $0x0;
	s5 =	sld [smem:$0x3FB1]  }
0x2b: {  	s6 =	sld [smem:$0x3FB2]  }
0x2c: {  	s7 =	sld [smem:$0x3FB3]  }
0x2d: {  	s3 =	simm.s32 $0x108;
	s8 =	sld [smem:$0x3FB4]  }
0x2e: {  	s3 =	simm.s32 @!p0 $0x1082;
	s9 =	sld [smem:$0x3FB5]  }
0x2f: {  	lr =	sadd.s32 s0, s3;
	s0 =	sld [smem:$0x3FAC]  }
0x30: {  	s3 =	sld [smem:$0x3FAF]  }
0x31: {  	[smem:$0x3FB8] =	sst s10  }
0x32: {  	s10 =	sld [smem:$0x3FB6];
	_ =	sdelay $0x3  }
0x33: {  	p0 =	seq.s32 s10, $0x1;
	s10 =	sld [smem:$0x3FB8];
	_ =	sdelay $0x3  }
0x34: {  	[smem:$0x3FB8] =	sst s10  }
0x35: {  	s10 =	sld [smem:$0x3FB7];
	_ =	sdelay $0x3  }
0x36: {  	p1 =	seq.s32 s10, $0x1;
	s10 =	sld [smem:$0x3FB8];
	_ =	sdelay $0x3  }
0x37: {  	[smem:$0x3FB8] =	sst s10  }
0x38: {  	s10 =	sld [smem:$0x3FB9]  }
0x39: {  	_ = 	snop;
	(pc) =	sbr.ind lr, $3  }
0x3a: {  	_ = 	snop  }
0x3b: {  	_ = 	snop  }
0x3c: {  	p2 =	seq.s32 s10, $0x1;
	s10 =	sld [smem:$0x3FB8]  }
0x3d: {  	_ =	shalt  }
0x3e: {  	_ =	shalt  }
0x3f: {  	_ =	shalt  }
0x40: {  	_ =	shalt  }
0x41: {  	_ =	shalt  }
0x42: {  	_ =	shalt  }
0x43: {  	_ =	shalt  }
0x44: {  	_ =	shalt  }
0x45: {  	_ =	shalt  }
0x46: {  	_ =	shalt  }
0x47: {  	_ =	shalt  }
0x48: {  	_ =	shalt  }
0x49: {  	_ =	shalt  }
0x4a: {  	_ =	shalt  }
0x4b: {  	_ =	shalt  }
0x4c: {  	_ =	shalt  }
0x4d: {  	_ =	shalt  }
0x4e: {  	_ =	shalt  }
0x4f: {  	_ =	shalt  }
0x50: {  	_ =	shalt  }
0x51: {  	_ =	shalt  }
0x52: {  	_ =	shalt  }
0x53: {  	_ =	shalt  }
0x54: {  	_ =	shalt  }
0x55: {  	_ =	shalt  }
0x56: {  	_ =	shalt  }
0x57: {  	_ =	shalt  }
0x58: {  	_ =	shalt  }
0x59: {  	_ =	shalt  }
0x5a: {  	_ =	shalt  }
0x5b: {  	_ =	shalt  }
0x5c: {  	_ =	shalt  }
0x5d: {  	_ =	shalt  }
0x5e: {  	_ =	shalt  }
0x5f: {  	_ =	shalt  }
0x60: {  	_ =	shalt  }
0x61: {  	_ =	shalt  }
0x62: {  	_ =	shalt  }
0x63: {  	_ =	shalt  }
0x64: {  	_ =	shalt  }
0x65: {  	_ =	shalt  }
0x66: {  	_ =	shalt  }
0x67: {  	_ =	shalt  }
0x68: {  	_ =	shalt  }
0x69: {  	_ =	shalt  }
0x6a: {  	_ =	shalt  }
0x6b: {  	_ =	shalt  }
0x6c: {  	_ =	shalt  }
0x6d: {  	_ =	shalt  }
0x6e: {  	_ =	shalt  }
0x6f: {  	_ =	shalt  }
0x70: {  	_ =	shalt  }
0x71: {  	_ =	shalt  }
0x72: {  	_ =	shalt  }
0x73: {  	_ =	shalt  }
0x74: {  	_ =	shalt  }
0x75: {  	_ =	shalt  }
0x76: {  	_ =	shalt  }
0x77: {  	_ =	shalt  }
0x78: {  	_ =	shalt  }
0x79: {  	_ =	shalt  }
0x7a: {  	_ =	shalt  }
0x7b: {  	_ =	shalt  }
0x7c: {  	_ =	shalt  }
0x7d: {  	_ =	shalt  }
0x7e: {  	_ =	shalt  }
0x7f: {  	_ =	shalt  }
0x80: {  	_ =	shalt  }
0x81: {  	_ =	shalt  }
0x82: {  	_ =	shalt  }
0x83: {  	_ =	shalt  }
0x84: {  	_ =	shalt  }
0x85: {  	_ =	shalt  }
0x86: {  	_ =	shalt  }
0x87: {  	_ =	shalt  }
.Lfunc_end0:
.L_simem_size_0:
called_computation_lowered:
.L_overlay_start_0:
0x88: {  	s2 =	sld [smem:$0x3FD9]  }
0x89: {  	s3 =	sld [smem:$0x3FFE];
	_ =	sdelay $0x1  }
0x8a: {  	s1 =	srdreg.scid  }
0x8b: {  	s0 =	sand.u32 $0x1, s1  }
0x8c: {  	s18 =	sshll.u32 s0, $0xA;
	s2 =	sadd.s32 s3, s2  }
0x8d: {  	s2 =	sadd.s32 s2, s18  }
0x8e: {  	[smem:$0x3FC4] =	sst s2  }
0x8f: {  	_ = 	snop  }
0x90: {  	s2 =	sld [smem:$0x3FC9]  }
0x91: {  	s19 =	sld [smem:$0x3FC8]  }
0x92: {  	s4 =	sld [smem:$0x3FC7]  }
0x93: {  	s5 =	sld [smem:$0x3FC6]  }
0x94: {  	s6 =	sld [smem:$0x3FD0];
	(tm) =	ssettm $0x1  }
0x95: {  	s7 =	sld [smem:$0x3FFB];
	_ =	sdelay $0x3  }
0x96: {  	_ =	strace s7  }
0x97: {  	s7 =	sld [smem:$0x3FFC];
	_ =	sdelay $0x3  }
0x98: {  	_ =	strace s7  }
0x99: {  	s7 =	sld [smem:$0x3FFD];
	_ =	sdelay $0x3  }
0x9a: {  	_ =	strace s7  }
0x9b: {  	_ =	strace $0x8FFFFFFF  }
0x9c: {  	s20 =	sld [smem:$0x3FDB];
	_ =	sdelay $0x1  }
0x9d: {  	s8 =	simm.s32 $_scs_section_size  }
0x9e: {  	s9 =	simm.s32 $_size__tile_overlayer_lowered;
	s10 =	simm.s32 $_tile_overlayer_lowered  }
0x9f: {  	s23 =	simm.s32 $0x1BFF;
	s22 =	sshll.u32 s10, $0x1;
	s7 =	sadd.s32 s8, s20  }
0xa0: {  	s11 =	simm.s32 $0x0;
	s21 =	sshll.u32 s9, $0x1;
	s9 =	sadd.s32 s22, s7  }
0xa1: {  	[timem:s11], [sflag:s23] =	dma.local [hbm:s9], s21  }
0xa2: {  	_ =	swait.ge [sflag:s23], s21  }
0xa3: {  	s8 =	ssub.s32 $0x0, s21;
	[sflag:s23] =	ssyncset.done $0x0  }
0xa4: {  	[sflag:s23] =	ssyncadd.s32 s8;
	_ =	sdelay $0x1  }
0xa5: {  	s24 =	simm.s32 $0x1B8B  }
0xa6: {  	_ =	swait.ge [sflag:s24], $0x1  }
0xa7: {  	[sflag:s24] =	ssyncset.done $0x0  }
0xa8: {  	s25 =	simm.s32 $0x1B8E;
	[sflag:s24] =	ssyncadd.s32 $0xFFFFFFFF  }
0xa9: {  	s26 =	simm.s32 $execute0_lowered;
	[smem:$0x3FD2] =	sst s25  }
0xaa: {  	s8 =	sshll.u32 s26, $0x1;
	_ =	strace $0x80000046;
	[dreg:$0x1] =	wrdreg $0xFFFFFFFF  }
0xab: {  	s28 =	simm.s32 $_size_execute0_lowered;
	s7 =	sadd.s32 s7, s8;
	[dreg:$0x0] =	wrdreg $0x0  }
0xac: {  	s8 =	sshll.u32 s28, $0x1;
	[dreg:$0x2] =	wrdreg s7  }
0xad: {  	[dreg:$0x3] =	wrdreg s8  }
0xae: {  	[dreg:$0x4] =	wrdreg $0xC0  }
0xaf: {  	_ =	task [dreg:s11], $0x5FFFF  }
0xb0: {  	[dreg:$0x1] =	wrdreg $0xFFFFFFFF  }
0xb1: {  	[dreg:$0x0] =	wrdreg $0x60  }
0xb2: {  	[dreg:$0x2] =	wrdreg s2  }
0xb3: {  	[dreg:$0x3] =	wrdreg s19  }
0xb4: {  	[dreg:$0x4] =	wrdreg s4  }
0xb5: {  	[dreg:$0x5] =	wrdreg s5  }
0xb6: {  	[dreg:$0x6] =	wrdreg s6  }
0xb7: {  	[dreg:$0x7] =	wrdreg $0x9  }
0xb8: {  	_ =	task.clear_ibuf [dreg:s11], $0x8FFFF;
	_ =	strace $0x90000046  }
0xb9: {  	s29 =	simm.s32 $0x9;
	_ =	strace $0x80000048  }
0xba: {  	_ =	swait.ge [sflag:s29], $0x1  }
0xbb: {  	[sflag:s29] =	ssyncadd.s32 $0xFFFFFFFF  }
0xbc: {  	_ =	strace $0x90000048  }
0xbd: {  	_ =	sfence  }
0xbe: {  	s30 =	sld [smem:$0x0];
	_ =	sdelay $0x2  }
0xbf: {  	s31 =	sshll.u32 s1, $0xD;
	s1 =	sshrl.u32 s1, $0x2  }
0xc0: {  	s3 =	sand.u32 $0x4000, s31;
	s1 =	sadd.s32 s1, s30  }
0xc1: {  	s0 =	sor.u32 s3, s0;
	s1 =	sshll.u32 s1, $0x11  }
0xc2: {  	s0 =	sor.u32 s1, s0  }
0xc3: {  	s0 =	sadd.s32 $0x8F2B, s0  }
0xc4: {  	[sflag:s0] =	ssyncadd.remote.s32 $0x1  }
0xc5: {  	_ =	sfence.sel $0xFFFF  }
0xc6: {  	[dreg:$0x0] =	wrdreg $0xFFFFFFFF;
	(pc) =	sbr.abs _section_cstart, $3  }
0xc7: {  	[dreg:$0x1] =	wrdreg $0xFFFFFFFF  }
0xc8: {  	_ =	task.clear_ibuf [dreg:s11], $0x2FFFF;
	_ =	strace $0x9FFFFFFF  }
0xc9: {  	(tm) =	ssettm $0x7FFFFFFF  }
tec
execute0_lowered:
.L_overlay_start_1:
0x0: {  	(tag) =	ssettag $0x1  }
0x1: {  	v0 =	vimm.s32 $0x76543210  }
0x2: {  	v1 =	vimm.s32 $0xFEDCBA98;
	v2 =	vimm.s32 $0xBA98FEDC;
	v3 =	vimm.s32 $0x32107654  }
0x3: {  	v4 =	vimm.s32 $0xDCFE98BA;
	v5 =	vimm.s32 $0x54761032;
	vm0 =	vcmask $0x2F20  }
0x4: {  	vm1 =	vcmask $0xF00;
	vm2 =	vcmask $0x1710;
	vm3 =	vcmask $0x700  }
0x5: {  	s5 =	rddreg [dreg:$0x0];
	v58 =	vimm.s32 $0xEFCDAB89;
	v60 =	vimm.s32 $0x67452301;
	vm4 =	vcmask $0x300  }
0x6: {  	s6 =	rddreg [dreg:$0x1];
	v0 =	vunpack.c.l.s4.s8 v0;
	v1 =	vunpack.c.l.s4.s8 v1;
	v2 =	vunpack.c.l.s4.s8 v2  }
0x7: {  	s0 =	rddreg [dreg:$0x2];
	v3 =	vunpack.c.l.s4.s8 v3;
	v4 =	vunpack.c.l.s4.s8 v4;
	v56 =	vunpack.c.l.s4.s8 v5  }
0x8: {  	s1 =	rddreg [dreg:$0x3];
	vm0 =	vmor vm1, vm0;
	vm1 =	vmor vm3, vm2;
	vm2 =	vcmask $0x2720  }
0x9: {  	s7 =	rddreg [dreg:$0x4];
	vm3 =	vcmask $0xB08;
	vm1 =	vmor vm1, vm2;
	vm2 =	vcmask $0x3730  }
0xa: {  	s4 =	srdreg.scid;
	s2 =	rddreg [dreg:$0x5];
	vm3 =	vmor vm4, vm3;
	vm4 =	vcmask $0x1310;
	v0 =	vunpack.c.0.s8.s32 v0  }
0xb: {  	s3 =	simm.s32 $0x0;
	s12 =	simm.s32 $0x400;
	s13 =	simm.s32 $0x1400;
	v1 =	vunpack.c.0.s8.s32 v1;
	v2 =	vunpack.c.0.s8.s32 v2;
	v3 =	vunpack.c.0.s8.s32 v3  }
0xc: {  	s14 =	simm.s32 $0xC00;
	s15 =	simm.s32 $0x210;
	s16 =	simm.s32 $0x1C00;
	v57 =	vunpack.c.0.s8.s32 v4;
	v4 =	vunpack.c.l.s4.s8 v60;
	vm3 =	vmor vm3, vm4  }
0xd: {  	s17 =	simm.s32 $0x1;
	s18 =	simm.s32 $0x3;
	s19 =	simm.s32 $0x2;
	vm4 =	vcmask $0x1B18;
	v55 =	vcombine.low v3, v2;
	v3 =	vunpack.c.l.s4.s8 v58  }
0xe: {  	s20 =	simm.s32 $0x4;
	s21 =	simm.s32 $0x2400;
	s22 =	simm.s32 $0x0;
	vm1 =	vmor vm1, vm2;
	vm2 =	vmor vm3, vm4;
	v2 =	vunpack.c.0.s8.s32 v56  }
0xf: {  	s8 =	sand.u32 $0x1, s4;
	[smem:$0x7FF] =	sst s3;
	s4 =	stileid.u32;
	vm3 =	vcmask $0x2320;
	v4 =	vunpack.c.0.s8.s32 v4;
	v3 =	vunpack.c.0.s8.s32 v3  }
.Ltmp0:
0x10: {  	s9 =	ssub.s32 $0x2, s8;
	s11 =	sshll.u32 s4, $0x7;
	vm4 =	vcmask $0x2B28;
	v1 =	vand.u32 $0xF, v1;
	v2 =	vcombine.low v2, v57;
	(pc) =	sbr.rel .LBB2_1-.Ltmp0, $4  }
0x11: {  	s8 =	sshll.u32 s8, $0x6;
	_ =	strace $0x80000047;
	s10 =	sshrl.u32 s9, $0x1;
	vm3 =	vmor vm2, vm3;
	v61 =	vand.u32 $0xF, v55;
	v3 =	vcombine.low v4, v3  }
0x12: {  	s8 =	sor.u32 s8, s11;
	s11 =	simm.s32 $0x10;
	s9 =	ssub.s32 s9, s10;
	vm3 =	vmor vm3, vm4;
	vm4 =	vcmask $0x3330;
	[tilespmem:$0x1FFD0] =	vst v61;
	v62 =	vand.u32 $0xF, v2  }
0x13: {  	s5 =	sadd.s32 s5, s8;
	s6 =	sadd.s32 s6, s8;
	s7 =	sadd.s32 s7, s8;
	vm3 =	vmor vm3, vm4;
	vm4 =	vcmask $0x3B38;
	[tilespmem:$0x1FFE0] =	vst v62;
	v63 =	vand.u32 $0xF, v3  }
0x14: {  	s10 =	simm.s32 $0x200;
	s8 =	smax.u32 s9, $0x1;
	s9 =	simm.s32 $0x5;
	vm2 =	vmmov $0xff;
	v59 =	vcombine.low v1, v0;
	vm3 =	vmor vm3, vm4;
	[tilespmem:$0x1FFF0] =	vst v63  }
.LBB2_4:
0x15: {  	s22 =	sadd.s32 $0x1, s22  }
0x16: {  	p0 =	sne.s32 s22, s8  }
.Ltmp1:
0x17: {  	_ = 	snop;
	(pc) =	sbr.rel @!p0 .LBB2_5-.Ltmp1, $4  }
0x18: {  	[hbm4b:s7+s3] =	stream.linear.scatter [tilespmem:s21], [sflag:$0x5], $0x200, $0x38;
	[tilespmem:$0x2700] =	vst v63  }
0x19: {  	_ =	swait.ge [sflag:s9], $0x200  }
0x1a: {  	[sflag:s9] =	ssyncset.done $0x0  }
0x1b: {  	[sflag:s9] =	ssyncadd.s32 $0xFFFFFE00  }
.LBB2_1:
0x1c: {  	[tilespmem:s3], [sflag:$0x5] =	stream.linear.gather [hbm4b:s5+s3], $0x200, $0x38;
	[tilespmem:$0x2700] =	vst v63  }
0x1d: {  	_ =	swait.ge [sflag:s9], $0x200  }
0x1e: {  	[sflag:s9] =	ssyncset.done $0x0  }
0x1f: {  	[sflag:s9] =	ssyncadd.s32 $0xFFFFFE00  }
0x20: {  	[tilespmem:s10], [sflag:$0x5] =	stream.linear.gather [hbm4b:s6+s3], $0x200, $0x38;
	[tilespmem:$0x2700] =	vst v63  }
0x21: {  	_ =	swait.ge [sflag:s9], $0x200  }
0x22: {  	[sflag:s9] =	ssyncset.done $0x0  }
0x23: {  	[sflag:s9] =	ssyncadd.s32 $0xFFFFFE00  }
0x24: {  	[tilespmem:s12], [sflag:$0x1] =	stream.indirect.gather [hbm4b:s0+s11], $0x80, s3, s11, $0xb8;
	[tilespmem:$0x2700] =	vst v63  }
0x25: {  	_ = 	snop  }
0x26: {  	[tilespmem:s13], [sflag:$0x3] =	stream.indirect.gather [hbm4b:s1+s11], $0x80, s10, s11, $0xb8;
	[tilespmem:$0x2700] =	vst v63  }
0x27: {  	_ = 	snop  }
0x28: {  	[tilespmem:s14], [sflag:$0x2] =	stream.indirect.gather [hbm4b:s0+s11], $0x80, s11, s11, $0xb8;
	[tilespmem:$0x2700] =	vst v63  }
0x29: {  	s23 =	simm.s32 $0x0  }
0x2a: {  	[tilespmem:s16], [sflag:$0x4] =	stream.indirect.gather [hbm4b:s1+s11], $0x80, s15, s11, $0xb8;
	[tilespmem:$0x2700] =	vst v63  }
.LBB2_2:
0x2b: {  	_ =	swait.ge [sflag:s17], $0x800  }
0x2c: {  	[sflag:s17] =	ssyncset.done $0x0  }
0x2d: {  	[sflag:s17] =	ssyncadd.s32 $0xFFFFF800  }
0x2e: {  	_ =	swait.ge [sflag:s18], $0x800  }
0x2f: {  	[sflag:s18] =	ssyncset.done $0x0  }
0x30: {  	[sflag:s18] =	ssyncadd.s32 $0xFFFFF800  }
0x31: {  	v1 =	vld [tilespmem:$0x400]  }
0x32: {  	v2 =	vld [tilespmem:$0x1400]  }
0x33: {  	v3 =	vld [tilespmem:$0x410]  }
0x34: {  	v4 =	vld [tilespmem:$0x1410]  }
0x35: {  	v5 =	vld [tilespmem:$0x420]  }
0x36: {  	v6 =	vld [tilespmem:$0x1420]  }
0x37: {  	v7 =	vld [tilespmem:$0x430]  }
0x38: {  	v8 =	vld [tilespmem:$0x1430]  }
0x39: {  	v9 =	vld [tilespmem:$0x440]  }
0x3a: {  	v10 =	vld [tilespmem:$0x1440]  }
0x3b: {  	v11 =	vld [tilespmem:$0x450]  }
0x3c: {  	v12 =	vld [tilespmem:$0x1450]  }
0x3d: {  	v13 =	vld [tilespmem:$0x460]  }
0x3e: {  	v14 =	vld [tilespmem:$0x1460]  }
0x3f: {  	v15 =	vld [tilespmem:$0x470]  }
0x40: {  	v16 =	vld [tilespmem:$0x1470]  }
0x41: {  	v17 =	vld [tilespmem:$0x800]  }
0x42: {  	v18 =	vld [tilespmem:$0x1800]  }
0x43: {  	v19 =	vld [tilespmem:$0x810]  }
0x44: {  	v20 =	vld [tilespmem:$0x1810]  }
0x45: {  	v21 =	vld [tilespmem:$0x820]  }
0x46: {  	v22 =	vld [tilespmem:$0x1820]  }
0x47: {  	v23 =	vld [tilespmem:$0x830]  }
0x48: {  	v24 =	vld [tilespmem:$0x1830]  }
0x49: {  	v25 =	vld [tilespmem:$0x840]  }
0x4a: {  	v26 =	vld [tilespmem:$0x1840]  }
0x4b: {  	v27 =	vld [tilespmem:$0x850]  }
0x4c: {  	v28 =	vld [tilespmem:$0x1850]  }
0x4d: {  	v29 =	vld [tilespmem:$0x860]  }
0x4e: {  	v30 =	vld [tilespmem:$0x1860]  }
0x4f: {  	v31 =	vld [tilespmem:$0x870]  }
0x50: {  	v32 =	vld [tilespmem:$0x1870]  }
0x51: {  	v33 =	vld [tilespmem:$0x600]  }
0x52: {  	v34 =	vld [tilespmem:$0x1600]  }
0x53: {  	v54 =	vld [tilespmem:$0x610]  }
0x54: {  	v55 =	vld [tilespmem:$0x1610]  }
0x55: {  	v57 =	vld [tilespmem:$0x620]  }
0x56: {  	v58 =	vld [tilespmem:$0x1620]  }
0x57: {  	v61 =	vld [tilespmem:$0x630]  }
0x58: {  	v35 =	vld [tilespmem:$0x1630]  }
0x59: {  	v37 =	vld [tilespmem:$0x640]  }
0x5a: {  	v39 =	vld [tilespmem:$0x1640]  }
0x5b: {  	v41 =	vld [tilespmem:$0x650]  }
0x5c: {  	v44 =	vld [tilespmem:$0x1650]  }
0x5d: {  	v47 =	vld [tilespmem:$0x660]  }
0x5e: {  	v49 =	vld [tilespmem:$0x1660]  }
0x5f: {  	v51 =	vld [tilespmem:$0x670]  }
0x60: {  	v53 =	vmul.f32 v4, v3;
	v3 =	vmul.f32 v55, v54;
	v54 =	vld [tilespmem:$0x1670]  }
0x61: {  	v63 =	vmul.f32 v20, v19;
	v19 =	vld [tilespmem:$0xA00]  }
0x62: {  	v62 =	vmul.f32 v18, v17;
	v17 =	vld [tilespmem:$0xA10]  }
0x63: {  	v9 =	vmul.f32 v10, v9;
	v10 =	vld [tilespmem:$0x1A10]  }
0x64: {  	v38 =	vmul.f32 v22, v21;
	v22 =	vld [tilespmem:$0xA20]  }
0x65: {  	v36 =	vmul.f32 v34, v33;
	v34 =	vld [tilespmem:$0xA30]  }
0x66: {  	v55 =	vmul.f32 v44, v41;
	v41 =	vld [tilespmem:$0x1A30]  }
0x67: {  	v50 =	vmul.f32 v39, v37;
	v39 =	vld [tilespmem:$0xA40]  }
0x68: {  	v33 =	vld [tilespmem:$0x1A40]  }
0x69: {  	v60 =	vmul.f32 v8, v7;
	v7 =	vld [tilespmem:$0xA70]  }
0x6a: {  	v45 =	vmul.f32 v12, v11;
	v11 =	vld [tilespmem:$0x520]  }
0x6b: {  	v48 =	vmul.f32 v26, v25;
	v25 =	vld [tilespmem:$0x530]  }
0x6c: {  	v43 =	vmul.f32 v24, v23;
	v24 =	vld [tilespmem:$0x1530]  }
0x6d: {  	v46 =	vmul.f32 v35, v61;
	v61 =	vmul.f32 v32, v31;
	v31 =	vld [tilespmem:$0x540]  }
0x6e: {  	v40 =	vmul.f32 v58, v57;
	v57 =	vmul.f32 v30, v29;
	v29 =	vld [tilespmem:$0x1540]  }
0x6f: {  	v12 =	vld [tilespmem:$0x1560]  }
0x70: {  	v52 =	vmul.f32 v14, v13;
	v13 =	vld [tilespmem:$0x570]  }
0x71: {  	v14 =	vld [tilespmem:$0x1570]  }
0x72: {  	v20 =	vld [tilespmem:$0x900]  }
0x73: {  	v30 =	vld [tilespmem:$0x920]  }
0x74: {  	v58 =	vmul.f32 v16, v15;
	v15 =	vld [tilespmem:$0x940]  }
0x75: {  	v16 =	vld [tilespmem:$0x1940]  }
0x76: {  	v18 =	vld [tilespmem:$0x950]  }
0x77: {  	v21 =	vld [tilespmem:$0x1950]  }
0x78: {  	v23 =	vld [tilespmem:$0x960]  }
0x79: {  	v26 =	vld [tilespmem:$0x1960]  }
0x7a: {  	v32 =	vld [tilespmem:$0x1970]  }
0x7b: {  	v35 =	vld [tilespmem:$0x740]  }
0x7c: {  	v1 =	vmul.f32 v2, v1;
	v37 =	vld [tilespmem:$0x1750]  }
0x7d: {  	v44 =	vld [tilespmem:$0x770]  }
0x7e: {  	v1 =	vadd.f32 v53, v1;
	v53 =	vmul.f32 v28, v27;
	v27 =	vld [tilespmem:$0x1920]  }
0x7f: {  	v28 =	vld [tilespmem:$0x970]  }
0x80: {  	v8 =	vadd.f32 v63, v62;
	v2 =	vadd.f32 v3, v36;
	v3 =	vld [tilespmem:$0x1710]  }
0x81: {  	v36 =	vld [tilespmem:$0x750]  }
0x82: {  	v42 =	vadd.f32 v38, v8;
	v8 =	vld [tilespmem:$0x1A70]  }
0x83: {  	v38 =	vld [tilespmem:$0x730]  }
0x84: {  	v2 =	vadd.f32 v40, v2;
	v40 =	vld [tilespmem:$0x760]  }
0x85: {  	[tilespmem:$0x1F3A0] =	vst v13;
	v13 =	vld [tilespmem:$0x1900]  }
0x86: {  	[tilespmem:$0x1F3B0] =	vst v14;
	v14 =	vld [tilespmem:$0x910]  }
0x87: {  	[tilespmem:$0x1F350] =	vst v12;
	v12 =	vld [tilespmem:$0x1910]  }
0x88: {  	[tilespmem:$0x1F320] =	vst v7;
	v7 =	vld [tilespmem:$0x700]  }
0x89: {  	[tilespmem:$0x1F3D0] =	vst v23;
	v23 =	vld [tilespmem:$0x720]  }
0x8a: {  	[tilespmem:$0x1F390] =	vst v21;
	v21 =	vld [tilespmem:$0x1720]  }
0x8b: {  	[tilespmem:$0x1F420] =	vst v32;
	v32 =	vld [tilespmem:$0x1730]  }
0x8c: {  	[tilespmem:$0x1F380] =	vst v18;
	v18 =	vld [tilespmem:$0xB00]  }
0x8d: {  	[tilespmem:$0x1F360] =	vst v15;
	v15 =	vld [tilespmem:$0x1B00]  }
0x8e: {  	[tilespmem:$0x1F370] =	vst v16;
	v16 =	vld [tilespmem:$0xB10]  }
0x8f: {  	[tilespmem:$0x1F3E0] =	vst v26;
	v26 =	vld [tilespmem:$0x1B20]  }
0x90: {  	v4 =	vmul.f32 v54, v51;
	v51 =	vld [tilespmem:$0x1B40]  }
0x91: {  	v54 =	vld [tilespmem:$0xB50]  }
0x92: {  	v56 =	vmul.f32 v6, v5;
	[tilespmem:$0x1F3C0] =	vst v35;
	v35 =	vld [tilespmem:$0x1B70]  }
0x93: {  	[tilespmem:$0x1F400] =	vst v37;
	v37 =	vld [tilespmem:$0x14A0]  }
0x94: {  	v1 =	vadd.f32 v56, v1;
	[tilespmem:$0x1F4D0] =	vst v44;
	v44 =	vld [tilespmem:$0x14B0]  }
0x95: {  	v6 =	vadd.f32 v43, v42;
	v43 =	vld [tilespmem:$0x1A50]  }
0x96: {  	v1 =	vadd.f32 v60, v1;
	v60 =	vmul.f32 v49, v47;
	v49 =	vld [tilespmem:$0x550]  }
0x97: {  	v2 =	vadd.f32 v46, v2;
	v46 =	vld [tilespmem:$0x1550]  }
0x98: {  	v47 =	vld [tilespmem:$0x1930]  }
0x99: {  	v42 =	vld [tilespmem:$0x1760]  }
0x9a: {  	[tilespmem:$0x1F410] =	vst v28;
	v28 =	vld [tilespmem:$0xB20]  }
0x9b: {  	[tilespmem:$0x1F3F0] =	vst v36;
	v36 =	vld [tilespmem:$0x4A0]  }
0x9c: {  	v6 =	vadd.f32 v48, v6;
	v48 =	vld [tilespmem:$0x1A20]  }
0x9d: {  	v1 =	vadd.f32 v9, v1;
	v9 =	vld [tilespmem:$0x560]  }
0x9e: {  	v2 =	vadd.f32 v50, v2;
	v50 =	vld [tilespmem:$0xB40]  }
0x9f: {  	[tilespmem:$0x1F330] =	vst v8;
	v8 =	vld [tilespmem:$0x1520]  }
0xa0: {  	[tilespmem:$0x1F430] =	vst v40;
	v40 =	vld [tilespmem:$0x4B0]  }
0xa1: {  	v56 =	vadd.f32 v53, v6;
	v53 =	vld [tilespmem:$0x1A00]  }
0xa2: {  	v2 =	vadd.f32 v55, v2;
	v55 =	vld [tilespmem:$0xA50]  }
0xa3: {  	v6 =	vld [tilespmem:$0x1A60]  }
0xa4: {  	v1 =	vadd.f32 v45, v1;
	v45 =	vld [tilespmem:$0x1770]  }
0xa5: {  	[tilespmem:$0x1F460] =	vst v51;
	v51 =	vld [tilespmem:$0x490]  }
0xa6: {  	[tilespmem:$0x1F470] =	vst v54;
	v54 =	vld [tilespmem:$0x14C0]  }
0xa7: {  	[tilespmem:$0x1F530] =	vst v35;
	v35 =	vld [tilespmem:$0x4E0]  }
0xa8: {  	[tilespmem:$0x1F4C0] =	vst v37;
	v37 =	vld [tilespmem:$0x4F0]  }
0xa9: {  	[tilespmem:$0x1F500] =	vst v44;
	v44 =	vld [tilespmem:$0x8A0]  }
0xaa: {  	v14 =	vmul.f32 v12, v14;
	v12 =	vld [tilespmem:$0x5C0]  }
0xab: {  	v13 =	vmul.f32 v13, v20;
	v20 =	vld [tilespmem:$0x15C0]  }
0xac: {  	[tilespmem:$0x1F440] =	vst v42;
	v42 =	vld [tilespmem:$0x1B30]  }
0xad: {  	v63 =	vadd.f32 v60, v2;
	v2 =	vld [tilespmem:$0x510]  }
0xae: {  	v5 =	vadd.f32 v57, v56;
	v57 =	vld [tilespmem:$0x930]  }
0xaf: {  	v1 =	vadd.f32 v52, v1;
	v52 =	vld [tilespmem:$0xB30]  }
0xb0: {  	v56 =	vld [tilespmem:$0x1B50]  }
0xb1: {  	v60 =	vld [tilespmem:$0x1B60]  }
0xb2: {  	[tilespmem:$0x1F4B0] =	vst v36;
	v36 =	vld [tilespmem:$0x14E0]  }
0xb3: {  	[tilespmem:$0x1F340] =	vst v9;
	v9 =	vld [tilespmem:$0x1B10]  }
0xb4: {  	[tilespmem:$0x1F450] =	vst v50;
	v50 =	vld [tilespmem:$0x4C0]  }
0xb5: {  	v48 =	vmul.f32 v48, v22;
	v22 =	vld [tilespmem:$0xAF0]  }
0xb6: {  	v0 =	vadd.f32 v61, v5;
	v5 =	vld [tilespmem:$0xA60]  }
0xb7: {  	v62 =	vadd.f32 v58, v1;
	v1 =	vadd.f32 v4, v63;
	v63 =	vld [tilespmem:$0x1510]  }
0xb8: {  	v4 =	vld [tilespmem:$0x710]  }
0xb9: {  	v61 =	vld [tilespmem:$0x1740]  }
0xba: {  	v58 =	vld [tilespmem:$0xB60];
	[tilespmem:$0x1F4F0] =	vst v40  }
0xbb: {  	v40 =	vld [tilespmem:$0x14F0];
	[tilespmem:$0x1F310] =	vst v6  }
0xbc: {  	v6 =	vld [tilespmem:$0x1700];
	[tilespmem:$0x1F4E0] =	vst v45  }
0xbd: {  	v45 =	vld [tilespmem:$0x1490];
	[tilespmem:$0x1F550] =	vst v54  }
0xbe: {  	[tilespmem:$0x1F5E0] =	vst v37;
	v37 =	vld [tilespmem:$0x890]  }
0xbf: {  	[tilespmem:$0x1F5A0] =	vst v35;
	v35 =	vld [tilespmem:$0x1890]  }
0xc0: {  	[tilespmem:$0x1F510] =	vst v44;
	v44 =	vld [tilespmem:$0x8B0]  }
0xc1: {  	v54 =	vld [tilespmem:$0x8C0];
	[tilespmem:$0x1F810] =	vst v62  }
0xc2: {  	v19 =	vmul.f32 v53, v19;
	v53 =	vld [tilespmem:$0xAE0];
	[tilespmem:$0x1F820] =	vst v0  }
0xc3: {  	v12 =	vmul.f32 v20, v12;
	v20 =	vld [tilespmem:$0x1B80];
	[tilespmem:$0x1F830] =	vst v1  }
0xc4: {  	[tilespmem:$0x2620] =	vst v1;
	v1 =	vld [tilespmem:$0x1500]  }
0xc5: {  	[tilespmem:$0x2600] =	vst v62;
	v62 =	vld [tilespmem:$0xB70]  }
0xc6: {  	[tilespmem:$0x2610] =	vst v0;
	v0 =	vld [tilespmem:$0x18A0]  }
0xc7: {  	[tilespmem:$0x1F480] =	vst v56;
	v56 =	vld [tilespmem:$0x1480]  }
0xc8: {  	v10 =	vmul.f32 v10, v17;
	[tilespmem:$0x1F4A0] =	vst v60;
	v60 =	vld [tilespmem:$0x4D0]  }
0xc9: {  	[tilespmem:$0x1F5B0] =	vst v36;
	v36 =	vld [tilespmem:$0x1880]  }
0xca: {  	v10 =	vadd.f32 v10, v19;
	v19 =	vmul.f32 v33, v39;
	v33 =	vld [tilespmem:$0x1F310]  }
0xcb: {  	v39 =	vmul.f32 v29, v31;
	v29 =	vld [tilespmem:$0x1F340]  }
0xcc: {  	[tilespmem:$0x1F540] =	vst v50;
	v50 =	vld [tilespmem:$0x18B0]  }
0xcd: {  	[tilespmem:$0x1F7F0] =	vst v22;
	v22 =	vmul.f32 v43, v55;
	v43 =	vmul.f32 v46, v49;
	v46 =	vld [tilespmem:$0x1F320]  }
0xce: {  	v49 =	vld [tilespmem:$0x1F330]  }
0xcf: {  	v55 =	vmul.f32 v27, v30;
	v30 =	vld [tilespmem:$0x1F350]  }
0xd0: {  	v27 =	vld [tilespmem:$0x1F3B0]  }
0xd1: {  	[tilespmem:$0x1F300] =	vst v5;
	v5 =	vld [tilespmem:$0x500]  }
0xd2: {  	[tilespmem:$0x1F490] =	vst v58;
	v58 =	vld [tilespmem:$0x480]  }
0xd3: {  	[tilespmem:$0x1F5F0] =	vst v40;
	v40 =	vld [tilespmem:$0x880]  }
0xd4: {  	v10 =	vadd.f32 v48, v10;
	v48 =	vmul.f32 v41, v34;
	v34 =	vld [tilespmem:$0x590]  }
0xd5: {  	v41 =	vld [tilespmem:$0x5A0]  }
0xd6: {  	v4 =	vmul.f32 v3, v4;
	v3 =	vld [tilespmem:$0x15D0]  }
0xd7: {  	[tilespmem:$0x1F5C0] =	vst v54;
	v54 =	vld [tilespmem:$0x8E0]  }
0xd8: {  	[tilespmem:$0x1F560] =	vst v44;
	v44 =	vld [tilespmem:$0x1A90]  }
0xd9: {  	[tilespmem:$0x1F7D0] =	vst v53;
	v53 =	vld [tilespmem:$0x1AE0]  }
0xda: {  	v24 =	vmul.f32 v24, v25;
	v13 =	vadd.f32 v14, v13;
	v25 =	vld [tilespmem:$0x1F300]  }
0xdb: {  	v2 =	vmul.f32 v63, v2;
	v63 =	vmul.f32 v6, v7;
	v6 =	vld [tilespmem:$0x5D0]  }
0xdc: {  	v14 =	vadd.f32 v55, v13;
	v13 =	vld [tilespmem:$0x5E0]  }
0xdd: {  	v55 =	vld [tilespmem:$0x1F390]  }
0xde: {  	[tilespmem:$0x1F520] =	vst v62;
	v62 =	vld [tilespmem:$0x14D0]  }
0xdf: {  	v17 =	vadd.f32 v48, v10;
	v48 =	vld [tilespmem:$0x1580]  }
0xe0: {  	[tilespmem:$0x1F580] =	vst v60;
	v60 =	vld [tilespmem:$0x18C0]  }
0xe1: {  	v4 =	vadd.f32 v4, v63;
	v63 =	vmul.f32 v32, v38;
	v32 =	vld [tilespmem:$0x1F3D0]  }
0xe2: {  	v38 =	vld [tilespmem:$0x1F3F0]  }
0xe3: {  	[tilespmem:$0x1F570] =	vst v50;
	v50 =	vld [tilespmem:$0x18D0]  }
0xe4: {  	v8 =	vmul.f32 v8, v11;
	v11 =	vmul.f32 v49, v46;
	v46 =	vld [tilespmem:$0x1F360]  }
0xe5: {  	v49 =	vld [tilespmem:$0x1F380]  }
0xe6: {  	v31 =	vmul.f32 v30, v29;
	v30 =	vld [tilespmem:$0x1F3C0]  }
0xe7: {  	v1 =	vmul.f32 v1, v5;
	v5 =	vadd.f32 v19, v17;
	v19 =	vld [tilespmem:$0x5B0]  }
0xe8: {  	v17 =	vld [tilespmem:$0x15E0]  }
0xe9: {  	[tilespmem:$0x1F680] =	vst v54;
	v54 =	vld [tilespmem:$0x680]  }
0xea: {  	[tilespmem:$0x1F7E0] =	vst v53;
	v53 =	vld [tilespmem:$0x1AF0]  }
0xeb: {  	v10 =	vmul.f32 v33, v25;
	v33 =	vmul.f32 v47, v57;
	v47 =	vld [tilespmem:$0x1F370]  }
0xec: {  	v25 =	vld [tilespmem:$0x1F3A0]  }
0xed: {  	[tilespmem:$0x1F590] =	vst v62;
	v62 =	vld [tilespmem:$0x8D0]  }
0xee: {  	v2 =	vadd.f32 v2, v1;
	v1 =	vld [tilespmem:$0x1590]  }
0xef: {  	v5 =	vadd.f32 v22, v5;
	v22 =	vld [tilespmem:$0x15B0]  }
0xf0: {  	[tilespmem:$0x1F5D0] =	vst v60;
	v60 =	vld [tilespmem:$0x18E0]  }
0xf1: {  	[tilespmem:$0x1F610] =	vst v50;
	v50 =	vld [tilespmem:$0x18F0]  }
0xf2: {  	v8 =	vadd.f32 v8, v2;
	v2 =	vld [tilespmem:$0x15A0]  }
0xf3: {  	v5 =	vadd.f32 v10, v5;
	[tilespmem:$0x1F620] =	vst v54;
	v54 =	vld [tilespmem:$0x6A0]  }
0xf4: {  	[tilespmem:$0x1F800] =	vst v53;
	v53 =	vld [tilespmem:$0x580]  }
0xf5: {  	v7 =	vadd.f32 v11, v5;
	v5 =	vld [tilespmem:$0x15F0]  }
0xf6: {  	v11 =	vmul.f32 v47, v46;
	v46 =	vld [tilespmem:$0x1F410]  }
0xf7: {  	v47 =	vld [tilespmem:$0x1F420]  }
0xf8: {  	v8 =	vadd.f32 v24, v8;
	v24 =	vmul.f32 v15, v18;
	v15 =	vmul.f32 v27, v25;
	v25 =	vld [tilespmem:$0x9A0]  }
0xf9: {  	v27 =	vld [tilespmem:$0x19A0]  }
0xfa: {  	v18 =	vmul.f32 v61, v30;
	v30 =	vld [tilespmem:$0x9C0]  }
0xfb: {  	v61 =	vmul.f32 v56, v58;
	v56 =	vld [tilespmem:$0x1F530]  }
0xfc: {  	v58 =	vld [tilespmem:$0x1F550]  }
0xfd: {  	[tilespmem:$0x1F600] =	vst v62;
	v62 =	vld [tilespmem:$0x8F0]  }
0xfe: {  	v1 =	vmul.f32 v1, v34;
	v34 =	vld [tilespmem:$0x17C0]  }
0xff: {  	[tilespmem:$0x1F690] =	vst v60;
	v60 =	vld [tilespmem:$0x1680]  }
0x100: {  	v9 =	vmul.f32 v9, v16;
	v8 =	vadd.f32 v39, v8;
	v39 =	vmul.f32 v21, v23;
	v21 =	vld [tilespmem:$0x980]  }
0x101: {  	v23 =	vld [tilespmem:$0x1980]  }
0x102: {  	v9 =	vadd.f32 v9, v24;
	v24 =	vld [tilespmem:$0x990]  }
0x103: {  	[tilespmem:$0x1F710] =	vst v50;
	v50 =	vld [tilespmem:$0x1690]  }
0x104: {  	v2 =	vmul.f32 v2, v41;
	v41 =	vld [tilespmem:$0x17D0]  }
0x105: {  	v57 =	vadd.f32 v39, v4;
	v4 =	vld [tilespmem:$0x5F0]  }
0x106: {  	v8 =	vadd.f32 v43, v8;
	v43 =	vadd.f32 v33, v14;
	v33 =	vld [tilespmem:$0x1F3E0]  }
0x107: {  	v39 =	vld [tilespmem:$0x1F400]  }
0x108: {  	v14 =	vmul.f32 v55, v49;
	v49 =	vld [tilespmem:$0x1F430]  }
0x109: {  	v55 =	vld [tilespmem:$0x1F450]  }
0x10a: {  	[tilespmem:$0x1F660] =	vst v54;
	v54 =	vld [tilespmem:$0x6C0]  }
0x10b: {  	[tilespmem:$0x1F700] =	vst v62;
	v62 =	vld [tilespmem:$0x690]  }
0x10c: {  	v10 =	vadd.f32 v11, v43;
	v43 =	vmul.f32 v42, v52;
	v52 =	vld [tilespmem:$0x1F440]  }
0x10d: {  	v29 =	vadd.f32 v63, v57;
	v57 =	vld [tilespmem:$0x1F460]  }
0x10e: {  	v8 =	vadd.f32 v31, v8;
	v31 =	vmul.f32 v26, v28;
	v28 =	vld [tilespmem:$0x9B0]  }
0x10f: {  	v42 =	vld [tilespmem:$0x1F4C0]  }
0x110: {  	v63 =	vmul.f32 v45, v51;
	v51 =	vld [tilespmem:$0x1F500]  }
0x111: {  	v45 =	vmul.f32 v35, v37;
	v35 =	vld [tilespmem:$0x9D0]  }
0x112: {  	[tilespmem:$0x1F630] =	vst v60;
	v60 =	vld [tilespmem:$0x16A0]  }
0x113: {  	v21 =	vmul.f32 v23, v21;
	v23 =	vld [tilespmem:$0xB80]  }
0x114: {  	[tilespmem:$0x1F650] =	vst v50;
	v50 =	vld [tilespmem:$0x16B0]  }
0x115: {  	v8 =	vadd.f32 v15, v8;
	v15 =	vld [tilespmem:$0x1990]  }
0x116: {  	v9 =	vadd.f32 v31, v9;
	v31 =	vld [tilespmem:$0x1F470]  }
0x117: {  	v10 =	vadd.f32 v14, v10;
	v14 =	vmul.f32 v33, v32;
	v32 =	vld [tilespmem:$0x1F480]  }
0x118: {  	v33 =	vld [tilespmem:$0x1F490]  }
0x119: {  	v16 =	vadd.f32 v18, v29;
	v18 =	vmul.f32 v39, v38;
	v38 =	vld [tilespmem:$0x1F4A0]  }
0x11a: {  	v39 =	vld [tilespmem:$0x1F4B0]  }
0x11b: {  	[tilespmem:$0x1F720] =	vst v54;
	v54 =	vld [tilespmem:$0x6E0]  }
0x11c: {  	v11 =	vadd.f32 v43, v9;
	v43 =	vmul.f32 v36, v40;
	v40 =	vld [tilespmem:$0x1F580]  }
0x11d: {  	[tilespmem:$0x1F640] =	vst v62;
	v62 =	vld [tilespmem:$0x6B0]  }
0x11e: {  	v10 =	vadd.f32 v14, v10;
	v14 =	vmul.f32 v47, v46;
	v46 =	vld [tilespmem:$0x1F4D0]  }
0x11f: {  	v47 =	vld [tilespmem:$0x1F4E0]  }
0x120: {  	v16 =	vadd.f32 v18, v16;
	v18 =	vmul.f32 v52, v49;
	v49 =	vld [tilespmem:$0x1F4F0]  }
0x121: {  	v52 =	vld [tilespmem:$0x1F510]  }
0x122: {  	v26 =	vmul.f32 v57, v55;
	v55 =	vld [tilespmem:$0x1F520]  }
0x123: {  	v57 =	vld [tilespmem:$0x1F540]  }
0x124: {  	[tilespmem:$0x1F670] =	vst v60;
	v60 =	vld [tilespmem:$0x16C0]  }
0x125: {  	[tilespmem:$0x1F6D0] =	vst v50;
	v50 =	vld [tilespmem:$0x16D0]  }
0x126: {  	v11 =	vadd.f32 v26, v11;
	v26 =	vld [tilespmem:$0x19B0]  }
0x127: {  	v16 =	vadd.f32 v18, v16;
	v18 =	vmul.f32 v32, v31;
	v32 =	vld [tilespmem:$0x19C0]  }
0x128: {  	v31 =	vld [tilespmem:$0x19D0]  }
0x129: {  	v29 =	vmul.f32 v38, v33;
	v38 =	vld [tilespmem:$0x9E0]  }
0x12a: {  	v9 =	vadd.f32 v14, v10;
	v14 =	vmul.f32 v42, v39;
	v39 =	vld [tilespmem:$0x1F570]  }
0x12b: {  	v42 =	vld [tilespmem:$0x1F590]  }
0x12c: {  	[tilespmem:$0x1F790] =	vst v54;
	v54 =	vld [tilespmem:$0xA90]  }
0x12d: {  	[tilespmem:$0x1F6C0] =	vst v62;
	v62 =	vld [tilespmem:$0x6D0]  }
0x12e: {  	v11 =	vadd.f32 v18, v11;
	v18 =	vadd.f32 v45, v43;
	v43 =	vld [tilespmem:$0x1F5A0]  }
0x12f: {  	v45 =	vld [tilespmem:$0x1F5B0]  }
0x130: {  	v10 =	vadd.f32 v63, v61;
	v33 =	vmul.f32 v47, v46;
	v46 =	vld [tilespmem:$0x1F5C0]  }
0x131: {  	v47 =	vld [tilespmem:$0x1F5D0]  }
0x132: {  	v10 =	vadd.f32 v14, v10;
	v14 =	vmul.f32 v51, v49;
	v49 =	vld [tilespmem:$0x1F5E0]  }
0x133: {  	v51 =	vld [tilespmem:$0x1F5F0]  }
0x134: {  	v36 =	vmul.f32 v56, v55;
	v55 =	vld [tilespmem:$0x1F610]  }
0x135: {  	v56 =	vld [tilespmem:$0x1F620]  }
0x136: {  	v61 =	vmul.f32 v58, v57;
	v57 =	vld [tilespmem:$0x1F630]  }
0x137: {  	v58 =	vld [tilespmem:$0x1F640]  }
0x138: {  	[tilespmem:$0x1F730] =	vst v60;
	v60 =	vld [tilespmem:$0x16E0]  }
0x139: {  	[tilespmem:$0x1F750] =	vst v50;
	v50 =	vld [tilespmem:$0x16F0];
	v11 =	vadd.f32 v29, v11  }
0x13a: {  	v29 =	vmul.f32 v0, v52;
	v14 =	vadd.f32 v14, v10;
	v10 =	vadd.f32 v33, v16;
	v33 =	vld [tilespmem:$0x1F560]  }
0x13b: {  	v52 =	vld [tilespmem:$0x1F600]  }
0x13c: {  	v63 =	vadd.f32 v29, v18;
	v29 =	vld [tilespmem:$0x19E0]  }
0x13d: {  	v11 =	vadd.f32 v36, v11;
	v36 =	vld [tilespmem:$0x9F0]  }
0x13e: {  	v14 =	vadd.f32 v61, v14;
	v61 =	vld [tilespmem:$0x1F650]  }
0x13f: {  	[tilespmem:$0x1F740] =	vst v62;
	v62 =	vld [tilespmem:$0x6F0]  }
0x140: {  	v37 =	vmul.f32 v45, v43;
	v45 =	vld [tilespmem:$0x1780]  }
0x141: {  	[tilespmem:$0x1F7A0] =	vst v60;
	v60 =	vld [tilespmem:$0xAA0]  }
0x142: {  	[tilespmem:$0x1F7C0] =	vst v50;
	v50 =	vld [tilespmem:$0x1A80]  }
0x143: {  	v18 =	vmul.f32 v39, v33;
	v39 =	vld [tilespmem:$0x19F0]  }
0x144: {  	v33 =	vmul.f32 v42, v40;
	v42 =	vld [tilespmem:$0x780]  }
0x145: {  	v40 =	vmul.f32 v55, v52;
	v52 =	vld [tilespmem:$0x1F670]  }
0x146: {  	v55 =	vld [tilespmem:$0x1F680]  }
0x147: {  	v16 =	vadd.f32 v18, v63;
	v18 =	vmul.f32 v47, v46;
	v46 =	vld [tilespmem:$0x790]  }
0x148: {  	v14 =	vadd.f32 v33, v14;
	v33 =	vmul.f32 v51, v49;
	v51 =	vld [tilespmem:$0x1F660]  }
0x149: {  	v47 =	vld [tilespmem:$0x1790]  }
0x14a: {  	[tilespmem:$0x1F7B0] =	vst v62;
	v62 =	vld [tilespmem:$0xA80]  }
0x14b: {  	[tilespmem:$0x1F6A0] =	vst v60;
	v60 =	vld [tilespmem:$0x1AA0]  }
0x14c: {  	v16 =	vadd.f32 v18, v16;
	v18 =	vmul.f32 v57, v56;
	v56 =	vld [tilespmem:$0x1F690]  }
0x14d: {  	v43 =	vmul.f32 v61, v58;
	v58 =	vld [tilespmem:$0x1F6A0]  }
0x14e: {  	v16 =	vadd.f32 v40, v16;
	v40 =	vld [tilespmem:$0x1F6C0]  }
0x14f: {  	v44 =	vmul.f32 v44, v54;
	v63 =	vadd.f32 v43, v18;
	v43 =	vld [tilespmem:$0x1F6D0]  }
0x150: {  	v54 =	vmul.f32 v52, v51;
	v62 =	vmul.f32 v50, v62;
	v50 =	vld [tilespmem:$0x7A0]  }
0x151: {  	[tilespmem:$0x1F6B0] =	vst v60;
	v60 =	vld [tilespmem:$0xAB0]  }
0x152: {  	v63 =	vadd.f32 v54, v63;
	v54 =	vld [tilespmem:$0x1F700]  }
0x153: {  	v57 =	vmul.f32 v56, v55;
	v55 =	vld [tilespmem:$0x1F710]  }
0x154: {  	v56 =	vld [tilespmem:$0x1F720]  }
0x155: {  	v61 =	vld [tilespmem:$0x1F6B0]  }
0x156: {  	[tilespmem:$0x1F6E0] =	vst v60;
	v60 =	vld [tilespmem:$0x1AB0]  }
0x157: {  	v14 =	vadd.f32 v37, v14;
	v37 =	vadd.f32 v44, v62;
	v44 =	vld [tilespmem:$0x7B0]  }
0x158: {  	v16 =	vadd.f32 v57, v16;
	v57 =	vld [tilespmem:$0x1F730]  }
0x159: {  	v51 =	vld [tilespmem:$0x1F6E0]  }
0x15a: {  	v62 =	vmul.f32 v61, v58;
	v58 =	vld [tilespmem:$0x1F740]  }
0x15b: {  	[tilespmem:$0x1F6F0] =	vst v60;
	v60 =	vld [tilespmem:$0xAC0]  }
0x15c: {  	v61 =	vld [tilespmem:$0x1F750]  }
0x15d: {  	v52 =	vld [tilespmem:$0x1F6F0]  }
0x15e: {  	v18 =	vadd.f32 v33, v14;
	v33 =	vmul.f32 v43, v40;
	v40 =	vld [tilespmem:$0x17A0]  }
0x15f: {  	v49 =	vmul.f32 v55, v54;
	v54 =	vld [tilespmem:$0x7C0]  }
0x160: {  	[tilespmem:$0x1F760] =	vst v60;
	v60 =	vld [tilespmem:$0x1AC0]  }
0x161: {  	v14 =	vadd.f32 v33, v63;
	v33 =	vmul.f32 v57, v56;
	v57 =	vld [tilespmem:$0x1F790]  }
0x162: {  	v43 =	vmul.f32 v52, v51;
	v52 =	vmul.f32 v61, v58;
	v58 =	vld [tilespmem:$0x1F7A0]  }
0x163: {  	v51 =	vld [tilespmem:$0x17B0]  }
0x164: {  	v37 =	vadd.f32 v62, v37;
	v62 =	vld [tilespmem:$0x1F760]  }
0x165: {  	v48 =	vmul.f32 v48, v53;
	v33 =	vadd.f32 v33, v14;
	[tilespmem:$0x1F770] =	vst v60;
	v60 =	vld [tilespmem:$0xAD0]  }
0x166: {  	v61 =	vld [tilespmem:$0x1F7C0]  }
0x167: {  	v1 =	vadd.f32 v1, v48;
	v33 =	vadd.f32 v52, v33;
	v63 =	vld [tilespmem:$0x1F770];
	v48 =	vmul.f32 v58, v57  }
0x168: {  	v58 =	vld [tilespmem:$0x1F7F0]  }
0x169: {  	v57 =	vadd.f32 v48, v33;
	v33 =	vld [tilespmem:$0x1B90]  }
0x16a: {  	[tilespmem:$0x1F780] =	vst v60;
	v60 =	vld [tilespmem:$0x1AD0]  }
0x16b: {  	v55 =	vld [tilespmem:$0x1F780]  }
0x16c: {  	v37 =	vadd.f32 v43, v37;
	v43 =	vmul.f32 v63, v62;
	v62 =	vld [tilespmem:$0x1F7D0]  }
0x16d: {  	v63 =	vld [tilespmem:$0x1F7E0]  }
0x16e: {  	v48 =	vmul.f32 v26, v28;
	v28 =	vld [tilespmem:$0x1BC0]  }
0x16f: {  	v53 =	vadd.f32 v43, v37;
	v43 =	vld [tilespmem:$0x7D0]  }
0x170: {  	v6 =	vmul.f32 v3, v6;
	v37 =	vld [tilespmem:$0x7E0]  }
0x171: {  	v15 =	vmul.f32 v15, v24;
	v56 =	vmul.f32 v60, v55;
	v60 =	vld [tilespmem:$0x1F7B0]  }
0x172: {  	v13 =	vmul.f32 v17, v13;
	v1 =	vadd.f32 v2, v1;
	v52 =	vmul.f32 v63, v62;
	v63 =	vld [tilespmem:$0xB90]  }
0x173: {  	v4 =	vmul.f32 v5, v4;
	v15 =	vadd.f32 v15, v21;
	v62 =	vmul.f32 v27, v25;
	v55 =	vld [tilespmem:$0x1BA0]  }
0x174: {  	v14 =	vadd.f32 v49, v16;
	v25 =	vmul.f32 v51, v44;
	v44 =	vld [tilespmem:$0x1BE0];
	v16 =	vadd.f32 v56, v53  }
0x175: {  	v24 =	vperm.xlane v9, v59;
	v51 =	vld [tilespmem:$0x1F810];
	v56 =	vmul.f32 v22, v19;
	v15 =	vadd.f32 v62, v15  }
0x176: {  	v19 =	vld [tilespmem:$0x17E0];
	v53 =	vmul.f32 v47, v46;
	v62 =	vmul.f32 v20, v23;
	v16 =	vadd.f32 v52, v16  }
0x177: {  	v47 =	vld [tilespmem:$0x17F0];
	v1 =	vadd.f32 v56, v1;
	v52 =	vmul.f32 v45, v42;
	v56 =	vmul.f32 v32, v30  }
0x178: {  	v15 =	vadd.f32 v48, v15;
	v32 =	vmul.f32 v29, v38;
	v49 =	vmul.f32 v61, v60;
	v60 =	vld [tilespmem:$0x1F800]  }
0x179: {  	v42 =	vmul.f32 v39, v36;
	v1 =	vadd.f32 v12, v1;
	v12 =	vmul.f32 v33, v63;
	v63 =	vld [tilespmem:$0xBC0]  }
0x17a: {  	v27 =	vadd.f32 v24, v9;
	v36 =	vperm.xlane v14, v59;
	v33 =	vmul.f32 v34, v54;
	v34 =	vld [tilespmem:$0x1BD0]  }
0x17b: {  	v15 =	vadd.f32 v56, v15;
	v2 =	vadd.f32 v49, v57;
	v49 =	vld [tilespmem:$0xBA0];
	v46 =	vmul.f32 v19, v37  }
0x17c: {  	v57 =	vld [tilespmem:$0xBB0];
	v1 =	vadd.f32 v6, v1;
	v6 =	vadd.f32 v53, v52;
	v52 =	vperm.xlane v51, v59  }
0x17d: {  	v21 =	vadd.f32 v36, v14;
	v53 =	vld [tilespmem:$0x1F820];
	v37 =	vperm.xlane v2, v59;
	v61 =	vmul.f32 v60, v58  }
0x17e: {  	v12 =	vadd.f32 v12, v62;
	v58 =	vmul.f32 v31, v35;
	v60 =	vmul.f32 v40, v50;
	v31 =	vld [tilespmem:$0xBD0]  }
0x17f: {  	v1 =	vadd.f32 v13, v1;
	v40 =	vmul.f32 v41, v43;
	v41 =	vld [tilespmem:$0xBE0];
	v43 =	vmul.f32 v28, v63  }
0x180: {  	v63 =	vperm.xlane v8, v59;
	v19 =	vadd.f32 v37, v2;
	v3 =	vadd.f32 v61, v16;
	v61 =	vld [tilespmem:$0x1BB0]  }
0x181: {  	v35 =	vld [tilespmem:$0x7F0];
	v6 =	vadd.f32 v60, v6;
	v15 =	vadd.f32 v58, v15;
	v30 =	vmul.f32 v55, v49  }
0x182: {  	v0 =	vld [tilespmem:$0x1FFD0];
	v1 =	vadd.f32 v4, v1;
	v58 =	vadd.f32 v52, v51;
	v54 =	vperm.xlane v53, v59  }
0x183: {  	v55 =	vld [tilespmem:$0x1F830];
	v6 =	vadd.f32 v25, v6;
	v15 =	vadd.f32 v32, v15;
	v32 =	vperm.xlane v10, v59  }
0x184: {  	v50 =	vld [tilespmem:$0x1BF0];
	v12 =	vadd.f32 v30, v12;
	v39 =	vperm.xlane v1, v59;
	v48 =	vmul.f32 v34, v31  }
0x185: {  	v49 =	vld [tilespmem:$0xBF0];
	v17 =	vmul.f32 v44, v41;
	v60 =	vadd.f32 v54, v53;
	v38 =	vmul.f32 v61, v57  }
0x186: {  	v5 =	vmul.f32 v47, v35;
	v35 =	vperm.xlane v18, v59;
	v6 =	vadd.f32 v33, v6  }
0x187: {  	v15 =	vadd.f32 v42, v15;
	v33 =	vperm.xlane v11, v59;
	v12 =	vadd.f32 v38, v12  }
0x188: {  	v56 =	vperm.xlane v55, v59;
	v57 =	vperm.xlane v7, v59;
	v20 =	vadd.f32 v35, v18  }
0x189: {  	v25 =	vsel vm2, v58, v60;
	v45 =	vadd.f32 v40, v6;
	v12 =	vadd.f32 v43, v12  }
0x18a: {  	v6 =	vmul.f32 v50, v49;
	v26 =	vperm.xlane v25, v0;
	v61 =	vadd.f32 v56, v55  }
0x18b: {  	v40 =	vperm.xlane v15, v59;
	v62 =	vadd.f32 v57, v7;
	v12 =	vadd.f32 v48, v12  }
0x18c: {  	v38 =	vperm.xlane v3, v59;
	v4 =	vadd.f32 v46, v45;
	v30 =	vadd.f32 v26, v25  }
0x18d: {  	v20 =	vsel vm2, v20, v21;
	v44 =	vadd.f32 v40, v15;
	v12 =	vadd.f32 v17, v12  }
0x18e: {  	v13 =	vsel vm2, v61, v62;
	v22 =	vadd.f32 v38, v3;
	v43 =	vadd.f32 v39, v1  }
0x18f: {  	v4 =	vadd.f32 v5, v4;
	v29 =	vperm.xlane v13, v0;
	v28 =	vadd.f32 v6, v12  }
0x190: {  	v19 =	vsel vm2, v19, v22;
	v48 =	vperm.xlane v20, v0;
	v17 =	vadd.f32 v63, v8  }
0x191: {  	v41 =	vperm.xlane v4, v59;
	v6 =	vadd.f32 v29, v13;
	v42 =	vperm.xlane v28, v59  }
0x192: {  	v31 =	vsel vm2, v17, v27;
	v17 =	vadd.f32 v32, v10;
	v13 =	vadd.f32 v33, v11  }
0x193: {  	v45 =	vadd.f32 v41, v4;
	v34 =	vperm.xlane v31, v0;
	v46 =	vadd.f32 v42, v28  }
0x194: {  	v49 =	vperm.xlane v19, v0;
	v13 =	vsel vm2, v17, v13;
	v17 =	vsel vm2, v43, v44  }
0x195: {  	v16 =	vadd.f32 v34, v31;
	v47 =	vperm.xlane v13, v0;
	v34 =	vld [tilespmem:$0x1FFE0];
	v21 =	vsel vm2, v45, v46  }
0x196: {  	v20 =	vadd.f32 v48, v20;
	v23 =	vperm.xlane v17, v0;
	v24 =	vperm.xlane v21, v0  }
0x197: {  	v19 =	vadd.f32 v49, v19;
	v13 =	vadd.f32 v47, v13  }
0x198: {  	[tilespmem:$0x2630] =	vst v7;
	v50 =	vadd.f32 v23, v17;
	v51 =	vadd.f32 v24, v21  }
0x199: {  	[tilespmem:$0x2640] =	vst v8;
	v55 =	vsel vm0, v20, v19;
	v6 =	vsel vm0, v30, v6;
	v52 =	vsel vm0, v16, v13  }
0x19a: {  	[tilespmem:$0x2650] =	vst v9;
	v53 =	vperm.xlane v6, v34;
	v54 =	vperm.xlane v52, v34;
	v7 =	vsel vm0, v50, v51  }
0x19b: {  	[tilespmem:$0x2660] =	vst v10;
	v61 =	vld [tilespmem:$0x1FFF0];
	v56 =	vperm.xlane v55, v34;
	v12 =	vperm.xlane v7, v34  }
0x19c: {  	[tilespmem:$0x2670] =	vst v11;
	v6 =	vadd.f32 v53, v6;
	v8 =	vadd.f32 v54, v52  }
0x19d: {  	[tilespmem:$0x2680] =	vst v18;
	v57 =	vadd.f32 v56, v55;
	v7 =	vadd.f32 v12, v7  }
0x19e: {  	[tilespmem:$0x2690] =	vst v14  }
0x19f: {  	[tilespmem:$0x26A0] =	vst v2;
	v58 =	vsel vm1, v6, v8;
	v60 =	vsel vm1, v57, v7  }
0x1a0: {  	[tilespmem:$0x26B0] =	vst v3;
	v62 =	vperm.xlane v58, v61;
	v7 =	vperm.xlane v60, v61  }
0x1a1: {  	[tilespmem:$0x26C0] =	vst v1  }
0x1a2: {  	[tilespmem:$0x26D0] =	vst v15;
	v63 =	vadd.f32 v62, v58;
	v8 =	vadd.f32 v7, v60  }
0x1a3: {  	p0 =	seq.s32 s23, $0x780;
	[tilespmem:$0x26E0] =	vst v4  }
0x1a4: {  	s24 =	sshra.s32 s23, $0x2;
	s25 =	sshra.s32 @!p0 s23, $0x2;
	[tilespmem:$0x26F0] =	vst v28;
	v1 =	vsel vm3, v63, v8  }
0x1a5: {  	s28 =	simm.s32 @!p0 $0x10;
	s29 =	simm.s32 @!p0 $0x400;
	s26 =	sadd.s32 @!p0 $0x20, s25;
	[tilespmem:s24+$0x2400] =	vst v1  }
0x1a6: {  	[tilespmem:s29], [sflag:$0x1] =	stream.indirect.gather @!p0 [hbm4b:s0+s28], $0x80, s26, s28, $0xb8;
	[tilespmem:$0x2700] =	vst v63  }
0x1a7: {  	s25 =	sadd.s32 @!p0 $0x220, s25;
	s26 =	simm.s32 @!p0 $0x1400  }
0x1a8: {  	[tilespmem:s26], [sflag:$0x3] =	stream.indirect.gather @!p0 [hbm4b:s1+s28], $0x80, s25, s28, $0xb8;
	[tilespmem:$0x2700] =	vst v63  }
0x1a9: {  	_ =	swait.ge [sflag:s19], $0x800  }
0x1aa: {  	[sflag:s19] =	ssyncset.done $0x0  }
0x1ab: {  	[sflag:s19] =	ssyncadd.s32 $0xFFFFF800  }
0x1ac: {  	_ =	swait.ge [sflag:s20], $0x800  }
0x1ad: {  	[sflag:s20] =	ssyncset.done $0x0  }
0x1ae: {  	[sflag:s20] =	ssyncadd.s32 $0xFFFFF800  }
0x1af: {  	v22 =	vld [tilespmem:$0xC00]  }
0x1b0: {  	v20 =	vld [tilespmem:$0x1C00]  }
0x1b1: {  	v15 =	vld [tilespmem:$0xC10]  }
0x1b2: {  	v14 =	vld [tilespmem:$0x1C10]  }
0x1b3: {  	v25 =	vld [tilespmem:$0xC20]  }
0x1b4: {  	v23 =	vld [tilespmem:$0x1C20]  }
0x1b5: {  	v37 =	vld [tilespmem:$0xC30]  }
0x1b6: {  	v9 =	vld [tilespmem:$0xC60]  }
0x1b7: {  	v10 =	vld [tilespmem:$0x1C60]  }
0x1b8: {  	v62 =	vld [tilespmem:$0x1C30]  }
0x1b9: {  	v40 =	vld [tilespmem:$0xC40]  }
0x1ba: {  	v33 =	vld [tilespmem:$0x1C40]  }
0x1bb: {  	v49 =	vld [tilespmem:$0xC50];
	[tilespmem:$0x1F840] =	vst v9  }
0x1bc: {  	v46 =	vld [tilespmem:$0x1C50];
	[tilespmem:$0x1F850] =	vst v10  }
0x1bd: {  	v1 =	vld [tilespmem:$0xC70]  }
0x1be: {  	v60 =	vld [tilespmem:$0x1D50];
	_ =	sdelay $0x4  }
0x1bf: {  	[tilespmem:$0x1F9D0] =	vst v60;
	v60 =	vld [tilespmem:$0x2130];
	_ =	sdelay $0x4  }
0x1c0: {  	[tilespmem:$0x1FA50] =	vst v60;
	v60 =	vld [tilespmem:$0x2170];
	_ =	sdelay $0x4  }
0x1c1: {  	[tilespmem:$0x1FBB0] =	vst v60;
	v60 =	vld [tilespmem:$0xF40];
	_ =	sdelay $0x4  }
0x1c2: {  	[tilespmem:$0x1FB00] =	vst v60;
	v60 =	vld [tilespmem:$0x1F50];
	_ =	sdelay $0x4  }
0x1c3: {  	[tilespmem:$0x1FB70] =	vst v60;
	v60 =	vld [tilespmem:$0xF70];
	_ =	sdelay $0x4  }
0x1c4: {  	[tilespmem:$0x1FCE0] =	vst v60;
	v60 =	vld [tilespmem:$0x1320];
	_ =	sdelay $0x4  }
0x1c5: {  	[tilespmem:$0x1FB20] =	vst v60;
	v60 =	vld [tilespmem:$0x2320];
	_ =	sdelay $0x4  }
0x1c6: {  	[tilespmem:$0x1FB30] =	vst v60;
	v60 =	vld [tilespmem:$0x1330];
	_ =	sdelay $0x4  }
0x1c7: {  	[tilespmem:$0x1FB80] =	vst v60;
	v60 =	vld [tilespmem:$0x2330];
	_ =	sdelay $0x4  }
0x1c8: {  	[tilespmem:$0x1FB90] =	vst v60;
	v60 =	vld [tilespmem:$0x1340];
	_ =	sdelay $0x4  }
0x1c9: {  	[tilespmem:$0x1FBE0] =	vst v60;
	v60 =	vld [tilespmem:$0x2340];
	_ =	sdelay $0x4  }
0x1ca: {  	[tilespmem:$0x1FBF0] =	vst v60;
	v60 =	vld [tilespmem:$0x1350];
	_ =	sdelay $0x4  }
0x1cb: {  	[tilespmem:$0x1FC40] =	vst v60;
	v60 =	vld [tilespmem:$0x2350];
	_ =	sdelay $0x4  }
0x1cc: {  	[tilespmem:$0x1FC50] =	vst v60;
	v60 =	vld [tilespmem:$0x1360];
	_ =	sdelay $0x4  }
0x1cd: {  	[tilespmem:$0x1FC60] =	vst v60;
	v60 =	vld [tilespmem:$0x2360];
	_ =	sdelay $0x4  }
0x1ce: {  	[tilespmem:$0x1FC70] =	vst v60;
	v60 =	vld [tilespmem:$0x1370];
	_ =	sdelay $0x4  }
0x1cf: {  	[tilespmem:$0x1FD40] =	vst v60;
	v60 =	vld [tilespmem:$0x2370];
	_ =	sdelay $0x4  }
0x1d0: {  	[tilespmem:$0x1FD50] =	vst v60;
	v60 =	vld [tilespmem:$0xC80];
	_ =	sdelay $0x4  }
0x1d1: {  	[tilespmem:$0x1FC00] =	vst v60;
	v60 =	vld [tilespmem:$0x1C80];
	_ =	sdelay $0x4  }
0x1d2: {  	[tilespmem:$0x1FC10] =	vst v60;
	v60 =	vld [tilespmem:$0xC90];
	_ =	sdelay $0x4  }
0x1d3: {  	[tilespmem:$0x1FC20] =	vst v60;
	v60 =	vld [tilespmem:$0x1C90];
	_ =	sdelay $0x4  }
0x1d4: {  	[tilespmem:$0x1FC30] =	vst v60;
	v60 =	vld [tilespmem:$0xCA0];
	_ =	sdelay $0x4  }
0x1d5: {  	[tilespmem:$0x1FC80] =	vst v60;
	v60 =	vld [tilespmem:$0x1CA0];
	_ =	sdelay $0x4  }
0x1d6: {  	[tilespmem:$0x1FC90] =	vst v60;
	v60 =	vld [tilespmem:$0xCB0];
	_ =	sdelay $0x4  }
0x1d7: {  	[tilespmem:$0x1FD00] =	vst v60;
	v60 =	vld [tilespmem:$0x1CB0];
	_ =	sdelay $0x4  }
0x1d8: {  	[tilespmem:$0x1FD10] =	vst v60;
	v60 =	vld [tilespmem:$0xCC0];
	_ =	sdelay $0x4  }
0x1d9: {  	[tilespmem:$0x1FD60] =	vst v60;
	v60 =	vld [tilespmem:$0x1CC0];
	_ =	sdelay $0x4  }
0x1da: {  	[tilespmem:$0x1FD70] =	vst v60;
	v60 =	vld [tilespmem:$0xCD0];
	_ =	sdelay $0x4  }
0x1db: {  	[tilespmem:$0x1FDA0] =	vst v60;
	v60 =	vld [tilespmem:$0x1CD0];
	_ =	sdelay $0x4  }
0x1dc: {  	[tilespmem:$0x1FDB0] =	vst v60;
	v60 =	vld [tilespmem:$0xCE0];
	_ =	sdelay $0x4  }
0x1dd: {  	[tilespmem:$0x1FDC0] =	vst v60;
	v60 =	vld [tilespmem:$0x1CE0];
	_ =	sdelay $0x4  }
0x1de: {  	[tilespmem:$0x1FDD0] =	vst v60;
	v60 =	vld [tilespmem:$0xCF0];
	_ =	sdelay $0x4  }
0x1df: {  	[tilespmem:$0x1FE00] =	vst v60;
	v60 =	vld [tilespmem:$0x1CF0];
	_ =	sdelay $0x4  }
0x1e0: {  	[tilespmem:$0x1FE10] =	vst v60;
	v60 =	vld [tilespmem:$0x1080];
	_ =	sdelay $0x4  }
0x1e1: {  	[tilespmem:$0x1FCA0] =	vst v60;
	v60 =	vld [tilespmem:$0x2080];
	_ =	sdelay $0x1  }
0x1e2: {  	v11 =	vld [tilespmem:$0x1C70]  }
0x1e3: {  	v8 =	vld [tilespmem:$0x1000]  }
0x1e4: {  	v5 =	vld [tilespmem:$0x2000]  }
0x1e5: {  	[tilespmem:$0x1FCB0] =	vst v60;
	v60 =	vld [tilespmem:$0x1090]  }
0x1e6: {  	v3 =	vld [tilespmem:$0x1010]  }
0x1e7: {  	v2 =	vld [tilespmem:$0x2010]  }
0x1e8: {  	v10 =	vld [tilespmem:$0x2020]  }
0x1e9: {  	v51 =	vld [tilespmem:$0x1030]  }
0x1ea: {  	[tilespmem:$0x1FCC0] =	vst v60;
	v60 =	vld [tilespmem:$0x2090]  }
0x1eb: {  	v27 =	vld [tilespmem:$0x2030]  }
0x1ec: {  	v35 =	vld [tilespmem:$0x1040]  }
0x1ed: {  	v30 =	vld [tilespmem:$0x2040]  }
0x1ee: {  	v55 =	vld [tilespmem:$0x1050]  }
0x1ef: {  	[tilespmem:$0x1FCD0] =	vst v60;
	v60 =	vld [tilespmem:$0x10A0]  }
0x1f0: {  	v47 =	vld [tilespmem:$0x2050]  }
0x1f1: {  	v12 =	vld [tilespmem:$0x1060]  }
0x1f2: {  	v13 =	vld [tilespmem:$0x2060]  }
0x1f3: {  	v16 =	vld [tilespmem:$0x1070]  }
0x1f4: {  	[tilespmem:$0x1FD20] =	vst v60;
	v60 =	vld [tilespmem:$0x20A0]  }
0x1f5: {  	v17 =	vld [tilespmem:$0x2070]  }
0x1f6: {  	v24 =	vld [tilespmem:$0xE00]  }
0x1f7: {  	v31 =	vld [tilespmem:$0xE20]  }
0x1f8: {  	v28 =	vld [tilespmem:$0x1E20]  }
0x1f9: {  	[tilespmem:$0x1FD30] =	vst v60;
	v60 =	vld [tilespmem:$0x10B0]  }
0x1fa: {  	v58 =	vld [tilespmem:$0xE30]  }
0x1fb: {  	v48 =	vld [tilespmem:$0x1E30]  }
0x1fc: {  	v18 =	vld [tilespmem:$0xE40]  }
0x1fd: {  	v19 =	vld [tilespmem:$0x1E40]  }
0x1fe: {  	[tilespmem:$0x1FD80] =	vst v60;
	v60 =	vld [tilespmem:$0x20B0]  }
0x1ff: {  	v21 =	vld [tilespmem:$0xE50]  }
0x200: {  	v26 =	vld [tilespmem:$0x1E50]  }
0x201: {  	v29 =	vld [tilespmem:$0xE60]  }
0x202: {  	v32 =	vld [tilespmem:$0x1E60]  }
0x203: {  	[tilespmem:$0x1FD90] =	vst v60;
	v60 =	vld [tilespmem:$0x10C0]  }
0x204: {  	v36 =	vld [tilespmem:$0xE70]  }
0x205: {  	v38 =	vld [tilespmem:$0x1E70]  }
0x206: {  	v9 =	vld [tilespmem:$0x1200]  }
0x207: {  	v6 =	vld [tilespmem:$0x2200]  }
0x208: {  	[tilespmem:$0x1FDE0] =	vst v60;
	v60 =	vld [tilespmem:$0x20C0]  }
0x209: {  	v7 =	vld [tilespmem:$0x1210]  }
0x20a: {  	v4 =	vld [tilespmem:$0x2210]  }
0x20b: {  	v50 =	vld [tilespmem:$0x2220]  }
0x20c: {  	v39 =	vld [tilespmem:$0x1240]  }
0x20d: {  	[tilespmem:$0x1FDF0] =	vst v60;
	v60 =	vld [tilespmem:$0x10D0]  }
0x20e: {  	v61 =	vld [tilespmem:$0x2240]  }
0x20f: {  	v41 =	vld [tilespmem:$0x1250]  }
0x210: {  	v42 =	vld [tilespmem:$0x2250]  }
0x211: {  	v43 =	vld [tilespmem:$0x1260]  }
0x212: {  	[tilespmem:$0x1FE20] =	vst v60;
	v60 =	vld [tilespmem:$0x20D0]  }
0x213: {  	v44 =	vld [tilespmem:$0x2260]  }
0x214: {  	v45 =	vld [tilespmem:$0x1270]  }
0x215: {  	v52 =	vld [tilespmem:$0x2270]  }
0x216: {  	v54 =	vld [tilespmem:$0xD30]  }
0x217: {  	[tilespmem:$0x1FE30] =	vst v60;
	v60 =	vld [tilespmem:$0x10E0]  }
0x218: {  	v53 =	vld [tilespmem:$0xD40]  }
0x219: {  	v56 =	vld [tilespmem:$0x1D40]  }
0x21a: {  	v57 =	vld [tilespmem:$0xD50]  }
0x21b: {  	v63 =	vld [tilespmem:$0xD60]  }
0x21c: {  	v20 =	vmul.f32 v20, v22;
	v14 =	vmul.f32 v14, v15;
	[tilespmem:$0x1FEB0] =	vst v60;
	v60 =	vld [tilespmem:$0x20E0]  }
0x21d: {  	v22 =	vld [tilespmem:$0x1EE0]  }
0x21e: {  	v15 =	vmul.f32 v23, v25;
	v25 =	vld [tilespmem:$0xEF0];
	v14 =	vadd.f32 v14, v20  }
0x21f: {  	v20 =	vld [tilespmem:$0x22B0]  }
0x220: {  	v14 =	vadd.f32 v15, v14;
	v15 =	vld [tilespmem:$0x22E0]  }
0x221: {  	[tilespmem:$0x1FEC0] =	vst v60;
	v60 =	vld [tilespmem:$0x10F0]  }
0x222: {  	[tilespmem:$0x1F870] =	vst v11;
	v11 =	vld [tilespmem:$0x1020]  }
0x223: {  	[tilespmem:$0x1F8E0] =	vst v16;
	v16 =	vld [tilespmem:$0x1E00]  }
0x224: {  	[tilespmem:$0x1F8F0] =	vst v17;
	v17 =	vld [tilespmem:$0xE10]  }
0x225: {  	[tilespmem:$0x1F880] =	vst v12;
	v12 =	vld [tilespmem:$0x1E10]  }
0x226: {  	[tilespmem:$0x1FEF0] =	vst v60;
	v60 =	vld [tilespmem:$0x20F0]  }
0x227: {  	[tilespmem:$0x1F8D0] =	vst v26;
	v26 =	vld [tilespmem:$0x1220]  }
0x228: {  	[tilespmem:$0x1F960] =	vst v38;
	v38 =	vld [tilespmem:$0x1230]  }
0x229: {  	[tilespmem:$0x1F950] =	vst v36;
	v36 =	vld [tilespmem:$0x2230]  }
0x22a: {  	[tilespmem:$0x1F8C0] =	vst v21;
	v21 =	vld [tilespmem:$0xD00]  }
0x22b: {  	[tilespmem:$0x1FF00] =	vst v60;
	v60 =	vld [tilespmem:$0xE80]  }
0x22c: {  	[tilespmem:$0x1F8A0] =	vst v18;
	v18 =	vld [tilespmem:$0x1D00]  }
0x22d: {  	[tilespmem:$0x1F8B0] =	vst v19;
	v19 =	vld [tilespmem:$0xD10]  }
0x22e: {  	[tilespmem:$0x1F890] =	vst v13;
	v13 =	vld [tilespmem:$0x1D10]  }
0x22f: {  	[tilespmem:$0x1F920] =	vst v32;
	v32 =	vld [tilespmem:$0xD20]  }
0x230: {  	[tilespmem:$0x1FE40] =	vst v60;
	v60 =	vld [tilespmem:$0x1E80]  }
0x231: {  	[tilespmem:$0x1F910] =	vst v29;
	v29 =	vld [tilespmem:$0x1D20]  }
0x232: {  	[tilespmem:$0x1F970] =	vst v43;
	v43 =	vld [tilespmem:$0x1D30]  }
0x233: {  	[tilespmem:$0x1F900] =	vst v39;
	v39 =	vld [tilespmem:$0x1D60]  }
0x234: {  	[tilespmem:$0x1F930] =	vst v41;
	v41 =	vld [tilespmem:$0xD70]  }
0x235: {  	[tilespmem:$0x1FE50] =	vst v60;
	v60 =	vld [tilespmem:$0xE90]  }
0x236: {  	[tilespmem:$0x1F940] =	vst v42;
	v42 =	vld [tilespmem:$0x1D70]  }
0x237: {  	[tilespmem:$0x1F980] =	vst v44;
	v44 =	vld [tilespmem:$0x1100]  }
0x238: {  	[tilespmem:$0x1F990] =	vst v53;
	v53 =	vld [tilespmem:$0x2100]  }
0x239: {  	[tilespmem:$0x1F9A0] =	vst v56;
	v56 =	vld [tilespmem:$0x1110]  }
0x23a: {  	[tilespmem:$0x1FE60] =	vst v60;
	v60 =	vld [tilespmem:$0x1E90]  }
0x23b: {  	[tilespmem:$0x1F9E0] =	vst v45;
	v45 =	vld [tilespmem:$0x1120]  }
0x23c: {  	[tilespmem:$0x1F9F0] =	vst v52;
	v52 =	vld [tilespmem:$0x2120]  }
0x23d: {  	[tilespmem:$0x1F9C0] =	vst v57;
	v57 =	vld [tilespmem:$0x1130]  }
0x23e: {  	[tilespmem:$0x1FA20] =	vst v63;
	v63 =	vld [tilespmem:$0x1140]  }
0x23f: {  	[tilespmem:$0x1FE70] =	vst v60;
	v60 =	vld [tilespmem:$0xEA0]  }
0x240: {  	[tilespmem:$0x1F860] =	vst v1;
	v1 =	vld [tilespmem:$0x1F10]  }
0x241: {  	[tilespmem:$0x1FF70] =	vst v25;
	v25 =	vmul.f32 v62, v37;
	v37 =	vld [tilespmem:$0x1280]  }
0x242: {  	[tilespmem:$0x1FF60] =	vst v22;
	v22 =	vld [tilespmem:$0x1290]  }
0x243: {  	v2 =	vmul.f32 v2, v3;
	v3 =	vld [tilespmem:$0x2290]  }
0x244: {  	[tilespmem:$0x1FE90] =	vst v60;
	v60 =	vld [tilespmem:$0x1EA0]  }
0x245: {  	v62 =	vmul.f32 v33, v40;
	v33 =	vld [tilespmem:$0x12A0]  }
0x246: {  	v40 =	vmul.f32 v27, v51;
	v51 =	vld [tilespmem:$0x12B0]  }
0x247: {  	v7 =	vmul.f32 v4, v7;
	v4 =	vld [tilespmem:$0x11E0]  }
0x248: {  	v27 =	vld [tilespmem:$0x1F860]  }
0x249: {  	[tilespmem:$0x1FEA0] =	vst v60;
	v60 =	vld [tilespmem:$0xEB0]  }
0x24a: {  	[tilespmem:$0x1F9B0] =	vst v44;
	v44 =	vld [tilespmem:$0x2110]  }
0x24b: {  	[tilespmem:$0x1FA30] =	vst v39;
	v39 =	vld [tilespmem:$0x2140]  }
0x24c: {  	[tilespmem:$0x1FAE0] =	vst v41;
	v41 =	vld [tilespmem:$0x1150]  }
0x24d: {  	[tilespmem:$0x1FAF0] =	vst v42;
	v42 =	vld [tilespmem:$0x2150]  }
0x24e: {  	[tilespmem:$0x1FED0] =	vst v60;
	v60 =	vld [tilespmem:$0x1EB0]  }
0x24f: {  	[tilespmem:$0x1FA00] =	vst v45;
	v45 =	vld [tilespmem:$0x1160]  }
0x250: {  	[tilespmem:$0x1FA10] =	vst v52;
	v52 =	vld [tilespmem:$0x2160]  }
0x251: {  	[tilespmem:$0x1FA40] =	vst v57;
	v57 =	vld [tilespmem:$0x1170]  }
0x252: {  	[tilespmem:$0x1FA70] =	vst v63;
	v63 =	vld [tilespmem:$0xF20]  }
0x253: {  	[tilespmem:$0x1FEE0] =	vst v60;
	v60 =	vld [tilespmem:$0xEC0]  }
0x254: {  	[tilespmem:$0x1FE80] =	vst v37;
	v37 =	vld [tilespmem:$0x2280]  }
0x255: {  	v12 =	vmul.f32 v12, v17;
	v17 =	vld [tilespmem:$0x1F8B0]  }
0x256: {  	v58 =	vmul.f32 v48, v58;
	v48 =	vmul.f32 v18, v21;
	v18 =	vld [tilespmem:$0x1D80]  }
0x257: {  	v21 =	vld [tilespmem:$0xD90]  }
0x258: {  	v5 =	vmul.f32 v5, v8;
	[tilespmem:$0x1FF10] =	vst v60;
	v60 =	vld [tilespmem:$0x1EC0]  }
0x259: {  	v3 =	vmul.f32 v3, v22;
	v22 =	vld [tilespmem:$0xF90]  }
0x25a: {  	v2 =	vadd.f32 v2, v5;
	v23 =	vmul.f32 v10, v11;
	[tilespmem:$0x1FBA0] =	vst v57;
	v57 =	vld [tilespmem:$0x1F30]  }
0x25b: {  	[tilespmem:$0x1FB50] =	vst v52;
	v52 =	vld [tilespmem:$0xF30]  }
0x25c: {  	v5 =	vadd.f32 v23, v2;
	v23 =	vmul.f32 v47, v55;
	v47 =	vld [tilespmem:$0x1F890]  }
0x25d: {  	[tilespmem:$0x1FF20] =	vst v60;
	v60 =	vld [tilespmem:$0xED0]  }
0x25e: {  	v5 =	vadd.f32 v40, v5;
	v40 =	vmul.f32 v28, v31;
	v28 =	vld [tilespmem:$0x1F8C0]  }
0x25f: {  	[tilespmem:$0x1FAC0] =	vst v57;
	v57 =	vld [tilespmem:$0xF50]  }
0x260: {  	[tilespmem:$0x1FAB0] =	vst v52;
	v52 =	vld [tilespmem:$0x1F40]  }
0x261: {  	v31 =	vld [tilespmem:$0x1F8D0]  }
0x262: {  	[tilespmem:$0x1FF30] =	vst v60;
	v60 =	vld [tilespmem:$0x1ED0]  }
0x263: {  	[tilespmem:$0x1FAA0] =	vst v42;
	v42 =	vld [tilespmem:$0xF00]  }
0x264: {  	[tilespmem:$0x1FB60] =	vst v57;
	v57 =	vld [tilespmem:$0x1F60]  }
0x265: {  	[tilespmem:$0x1FB10] =	vst v52;
	v52 =	vld [tilespmem:$0xF60]  }
0x266: {  	[tilespmem:$0x1FA80] =	vst v39;
	v39 =	vld [tilespmem:$0x1F00]  }
0x267: {  	[tilespmem:$0x1FF40] =	vst v60;
	v60 =	vld [tilespmem:$0xEE0]  }
0x268: {  	[tilespmem:$0x1FA90] =	vst v41;
	v41 =	vld [tilespmem:$0xF10]  }
0x269: {  	[tilespmem:$0x1FBD0] =	vst v57;
	v57 =	vld [tilespmem:$0x1300]  }
0x26a: {  	[tilespmem:$0x1FBC0] =	vst v52;
	v52 =	vld [tilespmem:$0x1F70]  }
0x26b: {  	[tilespmem:$0x1FA60] =	vst v63;
	v63 =	vld [tilespmem:$0x1F20]  }
0x26c: {  	[tilespmem:$0x1FF50] =	vst v60;
	v60 =	vld [tilespmem:$0x1EF0]  }
0x26d: {  	[tilespmem:$0x1FB40] =	vst v45;
	v45 =	vld [tilespmem:$0x2310]  }
0x26e: {  	[tilespmem:$0x1FAD0] =	vst v57;
	v57 =	vld [tilespmem:$0x2300]  }
0x26f: {  	[tilespmem:$0x1FCF0] =	vst v52;
	v52 =	vld [tilespmem:$0x1310]  }
0x270: {  	v2 =	vld [tilespmem:$0x1FE60]  }
0x271: {  	[tilespmem:$0x1FF80] =	vst v60;
	v60 =	vadd.f32 v25, v14;
	v14 =	vld [tilespmem:$0x22A0]  }
0x272: {  	v25 =	vmul.f32 v46, v49;
	v46 =	vld [tilespmem:$0x1F840]  }
0x273: {  	v49 =	vld [tilespmem:$0x1F850]  }
0x274: {  	v8 =	vadd.f32 v62, v60;
	v60 =	vmul.f32 v30, v35;
	v30 =	vld [tilespmem:$0x12C0]  }
0x275: {  	v35 =	vld [tilespmem:$0x1F870]  }
0x276: {  	v62 =	vmul.f32 v16, v24;
	v24 =	vld [tilespmem:$0x12D0]  }
0x277: {  	v16 =	vld [tilespmem:$0x1F8A0]  }
0x278: {  	v8 =	vadd.f32 v25, v8;
	v25 =	vld [tilespmem:$0x22C0]  }
0x279: {  	v5 =	vadd.f32 v60, v5;
	v60 =	vld [tilespmem:$0x12E0]  }
0x27a: {  	v6 =	vmul.f32 v6, v9;
	v12 =	vadd.f32 v12, v62;
	v62 =	vmul.f32 v50, v26;
	v50 =	vld [tilespmem:$0x1F8E0]  }
0x27b: {  	v10 =	vmul.f32 v49, v46;
	v46 =	vld [tilespmem:$0x1F880]  }
0x27c: {  	v6 =	vadd.f32 v7, v6;
	v14 =	vmul.f32 v14, v33;
	v33 =	vld [tilespmem:$0xFA0]  }
0x27d: {  	v5 =	vadd.f32 v23, v5;
	v23 =	vld [tilespmem:$0x22D0]  }
0x27e: {  	v6 =	vadd.f32 v62, v6;
	v62 =	vmul.f32 v29, v32;
	v29 =	vld [tilespmem:$0x1F940]  }
0x27f: {  	v32 =	vmul.f32 v43, v54;
	v43 =	vld [tilespmem:$0x1F950]  }
0x280: {  	v54 =	vld [tilespmem:$0x1F990]  }
0x281: {  	v11 =	vmul.f32 v35, v27;
	v27 =	vld [tilespmem:$0x12F0]  }
0x282: {  	v55 =	vadd.f32 v40, v12;
	v26 =	vmul.f32 v17, v16;
	v17 =	vld [tilespmem:$0x1F920]  }
0x283: {  	v35 =	vmul.f32 v31, v28;
	v28 =	vld [tilespmem:$0x1F930]  }
0x284: {  	v8 =	vadd.f32 v10, v8;
	v12 =	vadd.f32 v58, v55;
	v55 =	vld [tilespmem:$0x1F8F0]  }
0x285: {  	[tilespmem:$0x1FF90] =	vst v60;
	v60 =	vld [tilespmem:$0x1F900]  }
0x286: {  	v40 =	vadd.f32 v11, v8;
	v11 =	vld [tilespmem:$0x1DC0]  }
0x287: {  	v49 =	vmul.f32 v47, v46;
	v47 =	vld [tilespmem:$0x22F0]  }
0x288: {  	v8 =	vadd.f32 v26, v12;
	v12 =	vld [tilespmem:$0x1F910]  }
0x289: {  	v26 =	vld [tilespmem:$0xDA0]  }
0x28a: {  	v46 =	vmul.f32 v36, v38;
	v36 =	vld [tilespmem:$0x1DA0]  }
0x28b: {  	v38 =	vld [tilespmem:$0x1DB0]  }
0x28c: {  	v5 =	vadd.f32 v49, v5;
	v49 =	vmul.f32 v13, v19;
	v13 =	vld [tilespmem:$0xD80]  }
0x28d: {  	v8 =	vadd.f32 v35, v8;
	v35 =	vld [tilespmem:$0x1D90]  }
0x28e: {  	v6 =	vadd.f32 v46, v6;
	v46 =	vld [tilespmem:$0x1F960]  }
0x28f: {  	[tilespmem:$0x1FFA0] =	vst v27;
	v27 =	vld [tilespmem:$0xDB0]  }
0x290: {  	v31 =	vmul.f32 v29, v28;
	v29 =	vld [tilespmem:$0xDC0]  }
0x291: {  	v28 =	vld [tilespmem:$0x1FA60]  }
0x292: {  	v58 =	vmul.f32 v55, v50;
	v55 =	vld [tilespmem:$0x1F9A0]  }
0x293: {  	v9 =	vadd.f32 v49, v48;
	v48 =	vld [tilespmem:$0x1F970]  }
0x294: {  	v49 =	vld [tilespmem:$0x1F980]  }
0x295: {  	v61 =	vmul.f32 v61, v60;
	v60 =	vld [tilespmem:$0x1F9B0]  }
0x296: {  	v19 =	vmul.f32 v17, v12;
	v12 =	vld [tilespmem:$0x1DF0]  }
0x297: {  	v9 =	vadd.f32 v62, v9;
	v62 =	vmul.f32 v44, v56;
	v44 =	vld [tilespmem:$0x1F9E0]  }
0x298: {  	v6 =	vadd.f32 v61, v6;
	v56 =	vld [tilespmem:$0x1FA30]  }
0x299: {  	[tilespmem:$0x1FFB0] =	vst v47;
	v47 =	vmul.f32 v46, v43;
	v46 =	vld [tilespmem:$0x1F9F0]  }
0x29a: {  	v7 =	vadd.f32 v31, v6;
	v31 =	vld [tilespmem:$0x1F9C0]  }
0x29b: {  	v9 =	vadd.f32 v32, v9;
	v32 =	vld [tilespmem:$0x1F9D0]  }
0x29c: {  	v5 =	vadd.f32 v58, v5;
	v58 =	vmul.f32 v55, v54;
	v55 =	vld [tilespmem:$0x1FA20]  }
0x29d: {  	v50 =	vmul.f32 v49, v48;
	v48 =	vld [tilespmem:$0x1FA00]  }
0x29e: {  	v49 =	vld [tilespmem:$0x1FA10]  }
0x29f: {  	v61 =	vmul.f32 v53, v60;
	v60 =	vld [tilespmem:$0x1FA40]  }
0x2a0: {  	v8 =	vadd.f32 v19, v8;
	v53 =	vmul.f32 v39, v42;
	v42 =	vld [tilespmem:$0x1FA70]  }
0x2a1: {  	v54 =	vmul.f32 v1, v41;
	v39 =	vmul.f32 v63, v28;
	v63 =	vld [tilespmem:$0x1FB20]  }
0x2a2: {  	v6 =	vadd.f32 v47, v8;
	v8 =	vadd.f32 v62, v61;
	v61 =	vld [tilespmem:$0x1FA50]  }
0x2a3: {  	v10 =	vadd.f32 v54, v53;
	v54 =	vld [tilespmem:$0x1FAD0]  }
0x2a4: {  	v7 =	vadd.f32 v50, v7;
	v47 =	vmul.f32 v46, v44;
	v46 =	vld [tilespmem:$0x1FA90]  }
0x2a5: {  	v9 =	vadd.f32 v58, v9;
	v58 =	vmul.f32 v56, v55;
	v56 =	vld [tilespmem:$0x1FAE0]  }
0x2a6: {  	v43 =	vmul.f32 v32, v31;
	v7 =	vadd.f32 v47, v7;
	v47 =	vld [tilespmem:$0x1FAA0]  }
0x2a7: {  	v50 =	vmul.f32 v49, v48;
	v49 =	vld [tilespmem:$0x1FAB0]  }
0x2a8: {  	v9 =	vadd.f32 v43, v9;
	v43 =	vld [tilespmem:$0x1FA80]  }
0x2a9: {  	v8 =	vadd.f32 v50, v8;
	v50 =	vld [tilespmem:$0x1FAC0]  }
0x2aa: {  	v1 =	vmul.f32 v57, v54;
	v57 =	vld [tilespmem:$0x1FAF0]  }
0x2ab: {  	v62 =	vmul.f32 v61, v60;
	v60 =	vld [tilespmem:$0x1FB00]  }
0x2ac: {  	v61 =	vld [tilespmem:$0x1FB10]  }
0x2ad: {  	v54 =	vld [tilespmem:$0x1FB90]  }
0x2ae: {  	v48 =	vmul.f32 v47, v46;
	v46 =	vld [tilespmem:$0x1FB40]  }
0x2af: {  	v47 =	vld [tilespmem:$0x1FB50]  }
0x2b0: {  	v53 =	vmul.f32 v50, v49;
	v49 =	vld [tilespmem:$0x1FB60]  }
0x2b1: {  	v50 =	vld [tilespmem:$0x1FB70]  }
0x2b2: {  	v9 =	vadd.f32 v58, v9;
	v58 =	vmul.f32 v57, v56;
	v56 =	vld [tilespmem:$0x1FBA0]  }
0x2b3: {  	v8 =	vadd.f32 v62, v8;
	v44 =	vmul.f32 v43, v42;
	v57 =	vld [tilespmem:$0x1FBB0]  }
0x2b4: {  	v16 =	vadd.f32 v39, v10;
	v62 =	vmul.f32 v61, v60;
	v60 =	vld [tilespmem:$0x1FBC0]  }
0x2b5: {  	v61 =	vld [tilespmem:$0x1FBD0];
	v8 =	vadd.f32 v44, v8  }
0x2b6: {  	v16 =	vadd.f32 v53, v16;
	v53 =	vld [tilespmem:$0x1FB80]  }
0x2b7: {  	v17 =	vadd.f32 v48, v8;
	v8 =	vld [tilespmem:$0x1FB30]  }
0x2b8: {  	v55 =	vmul.f32 v45, v52;
	v52 =	vmul.f32 v50, v49;
	v49 =	vld [tilespmem:$0x1FC00]  }
0x2b9: {  	v50 =	vld [tilespmem:$0x1FC10]  }
0x2ba: {  	v16 =	vadd.f32 v62, v16;
	v62 =	vmul.f32 v61, v60;
	v60 =	vld [tilespmem:$0x1FC60]  }
0x2bb: {  	v61 =	vld [tilespmem:$0x1FC70]  }
0x2bc: {  	v1 =	vadd.f32 v55, v1;
	v55 =	vmul.f32 v54, v53;
	v53 =	vld [tilespmem:$0x1FC20]  }
0x2bd: {  	v54 =	vld [tilespmem:$0x1FC30]  }
0x2be: {  	v28 =	vmul.f32 v8, v63;
	v63 =	vld [tilespmem:$0x1FBE0]  }
0x2bf: {  	v8 =	vadd.f32 v58, v9;
	v9 =	vld [tilespmem:$0x1FBF0]  }
0x2c0: {  	v16 =	vadd.f32 v52, v16;
	v58 =	vmul.f32 v57, v56;
	v56 =	vld [tilespmem:$0x1FC40]  }
0x2c1: {  	v57 =	vld [tilespmem:$0x1FC50]  }
0x2c2: {  	v48 =	vmul.f32 v47, v46;
	v16 =	vadd.f32 v62, v16;
	v62 =	vld [tilespmem:$0x1FC80]  }
0x2c3: {  	v1 =	vadd.f32 v28, v1;
	v52 =	vmul.f32 v50, v49;
	v50 =	vmul.f32 v61, v60;
	v60 =	vld [tilespmem:$0x1FCE0]  }
0x2c4: {  	v17 =	vadd.f32 v48, v17;
	v61 =	vld [tilespmem:$0x1FCF0]  }
0x2c5: {  	v1 =	vadd.f32 v55, v1;
	v28 =	vmul.f32 v9, v63;
	v63 =	vld [tilespmem:$0x1FC90]  }
0x2c6: {  	v55 =	vmul.f32 v54, v53;
	v9 =	vadd.f32 v58, v17;
	v58 =	vmul.f32 v57, v56;
	v56 =	vld [tilespmem:$0x1FCB0]  }
0x2c7: {  	v57 =	vld [tilespmem:$0x1FCC0];
	v1 =	vadd.f32 v28, v1  }
0x2c8: {  	v17 =	vadd.f32 v55, v52;
	v55 =	vld [tilespmem:$0x1FCA0]  }
0x2c9: {  	v1 =	vadd.f32 v58, v1;
	v58 =	vld [tilespmem:$0x1FCD0]  }
0x2ca: {  	v28 =	vmul.f32 v63, v62;
	v62 =	vld [tilespmem:$0x1FD00]  }
0x2cb: {  	v63 =	vld [tilespmem:$0x1FD10]  }
0x2cc: {  	v19 =	vld [tilespmem:$0x1DD0]  }
0x2cd: {  	v13 =	vmul.f32 v18, v13;
	v18 =	vmul.f32 v36, v26;
	v26 =	vld [tilespmem:$0x1FD0]  }
0x2ce: {  	v45 =	vmul.f32 v56, v55;
	v55 =	vmul.f32 v61, v60;
	v60 =	vld [tilespmem:$0x1FD30]  }
0x2cf: {  	v53 =	vmul.f32 v58, v57;
	v58 =	vld [tilespmem:$0x1FD20]  }
0x2d0: {  	v17 =	vadd.f32 v28, v17;
	v28 =	vmul.f32 v63, v62;
	v62 =	vld [tilespmem:$0x1FD40]  }
0x2d1: {  	v63 =	vld [tilespmem:$0x1FD50]  }
0x2d2: {  	v36 =	vld [tilespmem:$0x1FF60]  }
0x2d3: {  	v42 =	vadd.f32 v28, v17;
	v28 =	vld [tilespmem:$0x1FD60]  }
0x2d4: {  	v61 =	vmul.f32 v60, v58;
	v58 =	vld [tilespmem:$0x1FD70]  }
0x2d5: {  	v41 =	vld [tilespmem:$0xDE0];
	v45 =	vadd.f32 v53, v45  }
0x2d6: {  	v1 =	vadd.f32 v50, v1;
	v57 =	vmul.f32 v63, v62;
	v62 =	vld [tilespmem:$0x1FD90]  }
0x2d7: {  	v45 =	vadd.f32 v61, v45;
	v61 =	vld [tilespmem:$0x1FD80]  }
0x2d8: {  	v17 =	vadd.f32 v57, v1;
	v57 =	vld [tilespmem:$0x1FDA0]  }
0x2d9: {  	v60 =	vmul.f32 v58, v28;
	v58 =	vld [tilespmem:$0x1FDB0]  }
0x2da: {  	v31 =	vld [tilespmem:$0xDD0]  }
0x2db: {  	v1 =	vadd.f32 v60, v42;
	v60 =	vld [tilespmem:$0x1FDC0]  }
0x2dc: {  	v63 =	vmul.f32 v62, v61;
	v61 =	vld [tilespmem:$0x1FDD0]  }
0x2dd: {  	v62 =	vld [tilespmem:$0x1FDE0]  }
0x2de: {  	v45 =	vadd.f32 v63, v45;
	v63 =	vld [tilespmem:$0x1FDF0];
	v42 =	vmul.f32 v58, v57  }
0x2df: {  	v32 =	vld [tilespmem:$0x1DE0]  }
0x2e0: {  	v1 =	vadd.f32 v42, v1;
	v42 =	vld [tilespmem:$0x1FE00]  }
0x2e1: {  	v58 =	vmul.f32 v61, v60;
	v60 =	vld [tilespmem:$0x1FE10]  }
0x2e2: {  	v10 =	vld [tilespmem:$0xDF0]  }
0x2e3: {  	[tilespmem:$0x1FFC0] =	vst v41;
	v41 =	vld [tilespmem:$0x2190];
	v50 =	vmul.f32 v63, v62  }
0x2e4: {  	v39 =	vld [tilespmem:$0x11A0]  }
0x2e5: {  	v45 =	vadd.f32 v50, v45;
	v50 =	vld [tilespmem:$0x1FE50]  }
0x2e6: {  	v42 =	vmul.f32 v60, v42;
	v60 =	vld [tilespmem:$0x1FE40]  }
0x2e7: {  	v43 =	vld [tilespmem:$0x1180]  }
0x2e8: {  	v44 =	vld [tilespmem:$0x2180]  }
0x2e9: {  	v62 =	vld [tilespmem:$0x1FE20]  }
0x2ea: {  	v63 =	vld [tilespmem:$0x1FE30]  }
0x2eb: {  	v50 =	vmul.f32 v50, v60;
	v60 =	vld [tilespmem:$0x1FE70]  }
0x2ec: {  	v46 =	vld [tilespmem:$0x1190]  }
0x2ed: {  	v47 =	vld [tilespmem:$0x21B0]  }
0x2ee: {  	v48 =	vld [tilespmem:$0x21A0]  }
0x2ef: {  	v49 =	vld [tilespmem:$0x11B0];
	v63 =	vmul.f32 v63, v62  }
0x2f0: {  	v1 =	vadd.f32 v58, v1;
	v58 =	vld [tilespmem:$0x1FE80];
	v60 =	vmul.f32 v60, v2  }
0x2f1: {  	v45 =	vadd.f32 v63, v45;
	v63 =	vld [tilespmem:$0x1FEA0]  }
0x2f2: {  	v50 =	vadd.f32 v60, v50;
	v60 =	vld [tilespmem:$0x1FE90]  }
0x2f3: {  	v54 =	vld [tilespmem:$0x21C0]  }
0x2f4: {  	v52 =	vld [tilespmem:$0x11C0]  }
0x2f5: {  	v56 =	vld [tilespmem:$0x11D0]  }
0x2f6: {  	v28 =	vld [tilespmem:$0x1FEB0]  }
0x2f7: {  	v37 =	vmul.f32 v37, v58;
	v58 =	vmul.f32 v63, v60;
	v63 =	vld [tilespmem:$0x1FEC0]  }
0x2f8: {  	v16 =	vadd.f32 v55, v16;
	v55 =	vld [tilespmem:$0x21E0]  }
0x2f9: {  	v53 =	vld [tilespmem:$0x21D0]  }
0x2fa: {  	v57 =	vld [tilespmem:$0x11F0]  }
0x2fb: {  	v61 =	vld [tilespmem:$0x21F0]  }
0x2fc: {  	v62 =	vld [tilespmem:$0xF80];
	v63 =	vmul.f32 v63, v28  }
0x2fd: {  	v37 =	vadd.f32 v3, v37;
	v28 =	vld [tilespmem:$0x1FF00]  }
0x2fe: {  	v45 =	vadd.f32 v63, v45;
	v63 =	vld [tilespmem:$0x1FEF0]  }
0x2ff: {  	v14 =	vadd.f32 v14, v37;
	v37 =	vld [tilespmem:$0xFB0]  }
0x300: {  	v60 =	vld [tilespmem:$0x1F90]  }
0x301: {  	v3 =	vadd.f32 v42, v1;
	v1 =	vadd.f32 v58, v50;
	v50 =	vld [tilespmem:$0x1FED0]  }
0x302: {  	v58 =	vld [tilespmem:$0x1FEE0]  }
0x303: {  	v20 =	vmul.f32 v20, v51;
	v51 =	vmul.f32 v28, v63;
	v63 =	vld [tilespmem:$0x1FF10]  }
0x304: {  	v28 =	vld [tilespmem:$0x1FF20]  }
0x305: {  	v14 =	vadd.f32 v20, v14;
	v20 =	vmul.f32 v25, v30;
	v25 =	vld [tilespmem:$0xFC0]  }
0x306: {  	v2 =	vld [tilespmem:$0x1F80]  }
0x307: {  	v14 =	vadd.f32 v20, v14;
	v20 =	vld [tilespmem:$0xFE0];
	v42 =	vmul.f32 v58, v50  }
0x308: {  	v22 =	vmul.f32 v60, v22;
	v60 =	vld [tilespmem:$0x23C0]  }
0x309: {  	v58 =	vld [tilespmem:$0x1FB0];
	v1 =	vadd.f32 v42, v1;
	v42 =	vmul.f32 v28, v63  }
0x30a: {  	v63 =	vld [tilespmem:$0x1FF30]  }
0x30b: {  	v28 =	vld [tilespmem:$0x1FF40];
	v30 =	vadd.f32 v42, v1;
	v42 =	vmul.f32 v35, v21  }
0x30c: {  	v1 =	vadd.f32 v51, v45;
	v51 =	vmul.f32 v23, v24;
	v45 =	vld [tilespmem:$0x1FF80]  }
0x30d: {  	v13 =	vadd.f32 v42, v13;
	v42 =	vld [tilespmem:$0x1FF70]  }
0x30e: {  	v14 =	vadd.f32 v51, v14;
	v51 =	vld [tilespmem:$0x1FF90]  }
0x30f: {  	v50 =	vld [tilespmem:$0x1FA0]  }
0x310: {  	v21 =	vld [tilespmem:$0x1FC0];
	v63 =	vmul.f32 v28, v63  }
0x311: {  	v10 =	vmul.f32 v12, v10;
	v2 =	vmul.f32 v2, v62;
	v23 =	vld [tilespmem:$0xFD0]  }
0x312: {  	v58 =	vmul.f32 v58, v37;
	v24 =	vadd.f32 v63, v30;
	v63 =	vld [tilespmem:$0x1FF50];
	v35 =	vmul.f32 v45, v42  }
0x313: {  	v13 =	vadd.f32 v18, v13;
	v18 =	vld [tilespmem:$0x2380];
	v15 =	vmul.f32 v15, v51;
	v42 =	vmul.f32 v44, v43  }
0x314: {  	v43 =	vmul.f32 v41, v46;
	v44 =	vmul.f32 v11, v29;
	v45 =	vld [tilespmem:$0x1FFA0]  }
0x315: {  	v2 =	vadd.f32 v22, v2;
	v46 =	vld [tilespmem:$0x1FFB0];
	v51 =	vmul.f32 v48, v39;
	v41 =	vmul.f32 v19, v31  }
0x316: {  	v48 =	vmul.f32 v54, v52;
	v52 =	vmul.f32 v50, v33;
	v28 =	vadd.f32 v43, v42;
	v42 =	vld [tilespmem:$0x2390]  }
0x317: {  	v30 =	vmul.f32 v36, v63;
	v63 =	vmul.f32 v38, v27;
	v27 =	vld [tilespmem:$0x1FE0]  }
0x318: {  	v50 =	vperm.xlane v5, v59;
	v14 =	vadd.f32 v15, v14;
	v2 =	vadd.f32 v52, v2;
	v36 =	vld [tilespmem:$0x1380]  }
0x319: {  	v52 =	vperm.xlane v7, v59;
	v38 =	vmul.f32 v26, v23;
	v13 =	vadd.f32 v63, v13;
	v63 =	vld [tilespmem:$0x1390]  }
0x31a: {  	v43 =	vadd.f32 v51, v28;
	v24 =	vadd.f32 v30, v24;
	v29 =	vmul.f32 v46, v45;
	v45 =	vld [tilespmem:$0x13A0]  }
0x31b: {  	v51 =	vmul.f32 v53, v56;
	v28 =	vperm.xlane v3, v59;
	v46 =	vld [tilespmem:$0x23A0];
	v15 =	vadd.f32 v44, v13  }
0x31c: {  	v53 =	vld [tilespmem:$0x23B0];
	v11 =	vadd.f32 v35, v24;
	v13 =	vadd.f32 v29, v14;
	v44 =	vmul.f32 v47, v49  }
0x31d: {  	v56 =	vld [tilespmem:$0x13C0];
	v29 =	vperm.xlane v1, v59;
	v18 =	vmul.f32 v18, v36;
	v15 =	vadd.f32 v41, v15  }
0x31e: {  	v47 =	vld [tilespmem:$0x1FFC0];
	v14 =	vadd.f32 v44, v43;
	v41 =	vmul.f32 v61, v57;
	v44 =	vmul.f32 v27, v20  }
0x31f: {  	v49 =	vld [tilespmem:$0x13B0];
	v30 =	vperm.xlane v11, v59;
	v31 =	vperm.xlane v13, v59  }
0x320: {  	v2 =	vadd.f32 v58, v2;
	v54 =	vmul.f32 v42, v63;
	v24 =	vmul.f32 v46, v45  }
0x321: {  	v62 =	vld [tilespmem:$0x13D0];
	v23 =	vadd.f32 v28, v3;
	v63 =	vmul.f32 v55, v4;
	v4 =	vmul.f32 v21, v25  }
0x322: {  	v37 =	vld [tilespmem:$0xFF0];
	v42 =	vmul.f32 v60, v56;
	v56 =	vperm.xlane v9, v59;
	v14 =	vadd.f32 v48, v14  }
0x323: {  	v39 =	vld [tilespmem:$0x13E0];
	v25 =	vadd.f32 v31, v13;
	v19 =	vmul.f32 v32, v47;
	v18 =	vadd.f32 v54, v18  }
0x324: {  	v43 =	vld [tilespmem:$0x23E0];
	v36 =	vmul.f32 v53, v49;
	v2 =	vadd.f32 v4, v2;
	v53 =	vadd.f32 v50, v5  }
0x325: {  	v45 =	vld [tilespmem:$0x1FF0];
	v55 =	vperm.xlane v8, v59;
	v54 =	vadd.f32 v52, v7;
	v58 =	vadd.f32 v56, v9  }
0x326: {  	v32 =	vld [tilespmem:$0x23D0];
	v49 =	vperm.xlane v40, v59;
	v14 =	vadd.f32 v51, v14;
	v15 =	vadd.f32 v19, v15  }
0x327: {  	v48 =	vld [tilespmem:$0x23F0];
	v4 =	vperm.xlane v17, v59;
	v35 =	vadd.f32 v24, v18;
	v2 =	vadd.f32 v38, v2  }
0x328: {  	v47 =	vld [tilespmem:$0x13F0];
	v51 =	vperm.xlane v6, v59;
	v21 =	vadd.f32 v49, v40;
	v24 =	vadd.f32 v29, v1  }
0x329: {  	v22 =	vmul.f32 v43, v39;
	v14 =	vadd.f32 v63, v14;
	v12 =	vadd.f32 v36, v35  }
0x32a: {  	v19 =	vmul.f32 v45, v37;
	v18 =	vadd.f32 v51, v6;
	v63 =	vperm.xlane v16, v59  }
0x32b: {  	v10 =	vadd.f32 v10, v15;
	v46 =	vmul.f32 v32, v62;
	v12 =	vadd.f32 v42, v12  }
0x32c: {  	v2 =	vadd.f32 v44, v2;
	v57 =	vsel vm2, v21, v53;
	v14 =	vadd.f32 v41, v14  }
0x32d: {  	v15 =	vmul.f32 v48, v47;
	v18 =	vsel vm2, v18, v54;
	v12 =	vadd.f32 v46, v12  }
0x32e: {  	v21 =	vperm.xlane v57, v0;
	v2 =	vadd.f32 v19, v2;
	v60 =	vperm.xlane v18, v0  }
0x32f: {  	v32 =	vperm.xlane v10, v59;
	v12 =	vadd.f32 v22, v12;
	v22 =	vadd.f32 v55, v8  }
0x330: {  	v61 =	vadd.f32 v21, v57;
	v21 =	vadd.f32 v63, v16;
	v33 =	vperm.xlane v14, v59  }
0x331: {  	v35 =	vperm.xlane v2, v59;
	v12 =	vadd.f32 v15, v12;
	v62 =	vsel vm2, v22, v58  }
0x332: {  	v37 =	vadd.f32 v32, v10;
	v38 =	vadd.f32 v33, v14;
	v22 =	vperm.xlane v62, v0  }
0x333: {  	v15 =	vadd.f32 v60, v18;
	v18 =	vadd.f32 v4, v17;
	v36 =	vperm.xlane v12, v59  }
0x334: {  	v23 =	vsel vm2, v23, v24;
	v39 =	vadd.f32 v35, v2;
	v20 =	vadd.f32 v22, v62  }
0x335: {  	v18 =	vsel vm2, v21, v18;
	v22 =	vadd.f32 v30, v11;
	v41 =	vadd.f32 v36, v12  }
0x336: {  	v43 =	vperm.xlane v23, v0;
	v21 =	vsel vm2, v37, v38;
	v42 =	vperm.xlane v18, v0  }
0x337: {  	[tilespmem:$0x2600] =	vst v40;
	v46 =	vperm.xlane v21, v0;
	v22 =	vsel vm2, v22, v25;
	v24 =	vsel vm2, v39, v41  }
0x338: {  	[tilespmem:$0x2610] =	vst v5;
	v4 =	vadd.f32 v43, v23;
	v44 =	vperm.xlane v22, v0;
	v47 =	vperm.xlane v24, v0  }
0x339: {  	[tilespmem:$0x2620] =	vst v6;
	v45 =	vadd.f32 v42, v18;
	v50 =	vadd.f32 v46, v21  }
0x33a: {  	[tilespmem:$0x2630] =	vst v7;
	v49 =	vsel vm0, v61, v15;
	v48 =	vadd.f32 v44, v22;
	v51 =	vadd.f32 v47, v24  }
0x33b: {  	[tilespmem:$0x2640] =	vst v8;
	v52 =	vperm.xlane v49, v34;
	v5 =	vsel vm0, v20, v45  }
0x33c: {  	[tilespmem:$0x2650] =	vst v9;
	v53 =	vperm.xlane v5, v34;
	v4 =	vsel vm0, v4, v48;
	v54 =	vsel vm0, v50, v51  }
0x33d: {  	[tilespmem:$0x2660] =	vst v16;
	v61 =	vld [tilespmem:$0x1FFF0];
	v55 =	vperm.xlane v4, v34;
	v56 =	vperm.xlane v54, v34  }
0x33e: {  	[tilespmem:$0x2670] =	vst v17;
	v7 =	vadd.f32 v52, v49;
	v5 =	vadd.f32 v53, v5  }
0x33f: {  	[tilespmem:$0x2680] =	vst v3;
	v57 =	vadd.f32 v55, v4;
	v58 =	vadd.f32 v56, v54  }
0x340: {  	[tilespmem:$0x2690] =	vst v1  }
0x341: {  	[tilespmem:$0x26A0] =	vst v11;
	v60 =	vsel vm1, v7, v5;
	v3 =	vsel vm1, v57, v58  }
0x342: {  	[tilespmem:$0x26B0] =	vst v13;
	v62 =	vperm.xlane v60, v61;
	v63 =	vperm.xlane v3, v61  }
.Ltmp2:
0x343: {  	[tilespmem:$0x26C0] =	vst v10;
	(pc) =	sbr.rel @p0 .LBB2_4-.Ltmp2, $4  }
0x344: {  	[tilespmem:$0x26D0] =	vst v14;
	v1 =	vadd.f32 v62, v60;
	v3 =	vadd.f32 v63, v3  }
0x345: {  	[tilespmem:$0x26E0] =	vst v2  }
0x346: {  	[tilespmem:$0x26F0] =	vst v12;
	v1 =	vsel vm3, v1, v3  }
0x347: {  	[tilespmem:s24+$0x2410] =	vst v1  }
.Ltmp3:
0x348: {  	(pc) =	sbr.rel .LBB2_2-.Ltmp3, $4  }
0x349: {  	s25 =	sadd.s32 $0x30, s24  }
0x34a: {  	[tilespmem:s14], [sflag:$0x2] =	stream.indirect.gather [hbm4b:s0+s11], $0x80, s25, s11, $0xb8;
	[tilespmem:$0x2700] =	vst v63  }
0x34b: {  	s31 =	sadd.s32 $0x230, s24;
	s23 =	sadd.s32 $0x80, s23  }
0x34c: {  	[tilespmem:s16], [sflag:$0x4] =	stream.indirect.gather [hbm4b:s1+s11], $0x80, s31, s11, $0xb8;
	[tilespmem:$0x2700] =	vst v63  }
.LBB2_5:
0x34d: {  	_ =	sfence.sel $0x180000  }
0x34e: {  	[bflag:$0x0] =	sbarrier.arrive $0xFFFF  }
0x34f: {  	p0 =	sne.s32 s4, $0x0;
	_ =	strace $0x90000047  }
0x350: {  	s0 =	sadd.s32 @!p0 $0x100000, s2;
	[bflag:$0x2] =	sbarrier.arrive $0xFFFF  }
0x351: {  	[sflag:s0] =	ssyncadd.tile.s32 @!p0 $0x1;
	_ =	shalt  }
.Lfunc_end2:
_tile_overlayer_lowered:
.L_overlay_start_2:
0x352: {  	(tag) =	ssettag $0x2  }
0x353: {  	s0 =	rddreg [dreg:$0x0];
	s2 =	stileid.u32  }
0x354: {  	s1 =	rddreg [dreg:$0x1];
	p0 =	sne.s32 s2, $0x0  }
0x355: {  	s3 =	rddreg [dreg:$0x2];
	[bflag:$0x3] =	sbarrier.arrive $0xFFFF;
	s2 =	simm.s32 @!p0 $0x1C05  }
0x356: {  	[timem:s3], [sflag:s2] =	dma.local @!p0 [hbm:s0], s1  }
0x357: {  	s0 =	simm.s32 @!p0 $0x5  }
0x358: {  	_ =	swait.ge @!p0 [sflag:s0], s1  }
0x359: {  	s1 =	ssub.s32 @!p0 $0x0, s1;
	[sflag:s0] =	ssyncset.done @!p0 $0x0  }
0x35a: {  	[sflag:s0] =	ssyncadd.s32 @!p0 s1  }
0x35b: {  	[bflag:$0x3] =	sbarrier.arrive $0xFFFF  }
0x35c: {  	_ =	shalt  }

</sc_bundles>
